<compile_context>
chip_gen: v7x
topology: tpu7x:2x2x1
jax: 0.10.2.dev20260603
libtpu: 0.0.44.dev20260713+nightly
codegen_flags: <defaults>
</compile_context>

<pallas_src>
import jax
import jax.numpy as jnp
from jax import lax
from jax.experimental import pallas as pl
from jax.experimental.pallas import tpu as pltpu
from jax.experimental.pallas import tpu_sc as plsc

N = 10000
NHE = 10000
NI = 320000
DIN = 128
DH = 256
DOUT = 128
EPS = 1e-5
KEEP = 0.7

NPAD = 10240
DUMMY = 10000
NC = 2
NS = 16
NW = NC * NS
CHUNK = 128
GD = 80
TOTCH = NW * GD
NIPAD = TOTCH * CHUNK
G0 = 80
G1 = TOTCH // NS - G0
GMAX = max(G0, G1)
IDXROWS = TOTCH + GMAX
RPT = NPAD // NS
KSLAB = RPT // CHUNK

_f32 = jnp.float32


def _zero_rows_buf(buf):
    zeros16 = jnp.zeros((16,), _f32)

    def body(r, carry):
        for l in range(DIN // 16):
            buf[r, pl.ds(l * 16, 16)] = zeros16
        return carry

    lax.fori_loop(0, CHUNK, body, 0)


def _zero_vec(ref):
    zeros16 = jnp.zeros((16,), _f32)

    def body(i, carry):
        ref[pl.ds(i * 16, 16)] = zeros16
        return carry

    lax.fori_loop(0, NPAD // 16, body, 0)


def _deg_body(nidx_hbm, hidx_hbm, eattr_hbm,
              dp_hbm, bp_hbm, cp_hbm,
              nidx_v, hidx_v, eattr_v, dloc, bloc, cloc):
    c = lax.axis_index("c")
    s = lax.axis_index("s")
    w = s * NC + c
    pltpu.sync_copy(nidx_hbm.at[pl.ds(w * GD, GD)], nidx_v)
    pltpu.sync_copy(hidx_hbm.at[pl.ds(w * GD, GD)], hidx_v)
    pltpu.sync_copy(eattr_hbm, eattr_v)
    _zero_vec(dloc)
    _zero_vec(bloc)
    _zero_vec(cloc)
    ones16 = jnp.ones((16,), _f32)

    def chunk(g, carry):
        for j in range(CHUNK // 16):
            ni = nidx_v[g, pl.ds(j * 16, 16)]
            hi = hidx_v[g, pl.ds(j * 16, 16)]
            wv = plsc.load_gather(eattr_v, [hi])
            plsc.addupdate_scatter(dloc, [ni], wv)
            plsc.addupdate_scatter(bloc, [hi], ones16)
            plsc.addupdate_scatter(cloc, [ni], ones16)
        return carry

    lax.fori_loop(0, GD, chunk, 0)
    pltpu.sync_copy(dloc, dp_hbm.at[w])
    pltpu.sync_copy(bloc, bp_hbm.at[w])
    pltpu.sync_copy(cloc, cp_hbm.at[w])


HALF = GMAX // 2


def _sc_prop_body(src_hbm, gidx_hbm, sidx_hbm, acc_hbm,
                  gidx_v, sidx_v, rows2, acc_sh, gsem):
    c = lax.axis_index("c")
    s = lax.axis_index("s")
    base = (s * NC + c) * GMAX
    _zero_rows_buf(rows2.at[0])
    dz = [pltpu.async_copy(rows2.at[0],
                           acc_sh.at[pl.ds(s * RPT + k * CHUNK, CHUNK)],
                           gsem)
          for k in range(KSLAB)]
    for d in dz:
        d.wait()
    plsc.subcore_barrier()

    for h in range(2):
        pltpu.sync_copy(gidx_hbm.at[pl.ds(base + h * HALF, HALF)], gidx_v)
        pltpu.sync_copy(sidx_hbm.at[pl.ds(base + h * HALF, HALF)], sidx_v)
        pltpu.async_copy(src_hbm.at[gidx_v.at[0]], rows2.at[0], gsem)

        def chunk(g, carry):
            par = lax.rem(g, 2)
            nxt = 1 - par
            gn = jnp.minimum(g + 1, HALF - 1)
            pltpu.async_copy(src_hbm.at[gidx_v.at[gn]], rows2.at[nxt], gsem)
            pltpu.make_async_copy(src_hbm.at[gidx_v.at[g]], rows2.at[par],
                                  gsem).wait()
            pltpu.sync_copy(rows2.at[par], acc_sh.at[sidx_v.at[g]], add=True)
            return carry

        lax.fori_loop(0, HALF, chunk, 0)
        pltpu.make_async_copy(src_hbm.at[gidx_v.at[HALF - 1]],
                              rows2.at[0], gsem).wait()
    plsc.subcore_barrier()
    dw = [pltpu.async_copy(acc_sh.at[pl.ds(s * RPT + k * CHUNK, CHUNK)],
                           acc_hbm.at[c, pl.ds(s * RPT + k * CHUNK, CHUNK)],
                           gsem)
          for k in range(KSLAB)]
    for d in dw:
        d.wait()


def _sc_mesh():
    return plsc.VectorSubcoreMesh(core_axis_name="c", subcore_axis_name="s")


def _sc_degrees(nidx, hidx, eattr):
    return pl.kernel(
        _deg_body,
        compiler_params=pltpu.CompilerParams(needs_layout_passes=False),
        out_type=(jax.ShapeDtypeStruct((NW, NPAD), _f32),
                  jax.ShapeDtypeStruct((NW, NPAD), _f32),
                  jax.ShapeDtypeStruct((NW, NPAD), _f32)),
        mesh=_sc_mesh(),
        scratch_types=[
            pltpu.VMEM((GD, CHUNK), jnp.int32),
            pltpu.VMEM((GD, CHUNK), jnp.int32),
            pltpu.VMEM((NPAD,), _f32),
            pltpu.VMEM((NPAD,), _f32),
            pltpu.VMEM((NPAD,), _f32),
            pltpu.VMEM((NPAD,), _f32),
        ],
    )(nidx, hidx, eattr)


def _sc_prop(src, gidx, sidx):
    return pl.kernel(
        _sc_prop_body,
        compiler_params=pltpu.CompilerParams(needs_layout_passes=False),
        out_type=jax.ShapeDtypeStruct((NC, NPAD, DIN), _f32),
        mesh=_sc_mesh(),
        scratch_types=[
            pltpu.VMEM((HALF, CHUNK), jnp.int32),
            pltpu.VMEM((HALF, CHUNK), jnp.int32),
            pltpu.VMEM((2, CHUNK, DIN), _f32),
            pltpu.VMEM_SHARED((NPAD, DIN), _f32),
            pltpu.SemaphoreType.DMA,
        ],
    )(src, gidx, sidx)



BR = 2560


def _tca_body(accp, dp, bp, cp, oute, binv, dinv, sval):
    i = pl.program_id(0)
    ones = jnp.ones((NW, 1), _f32)
    dn = (((0,), (0,)), ((), ()))
    dsum = lax.dot_general(dp[...], ones, dn, preferred_element_type=_f32)
    bsum = lax.dot_general(bp[...], ones, dn, preferred_element_type=_f32)
    csum = lax.dot_general(cp[...], ones, dn, preferred_element_type=_f32)
    rowid = i * BR + lax.broadcasted_iota(jnp.int32, (BR, 1), 0)
    valid = rowid < N
    bi = jnp.where(valid & (bsum > 0), 1.0 / bsum, 0.0)
    di = jnp.where(valid & (dsum > 0), 1.0 / dsum, 0.0)
    oute[...] = bi * (accp[0] + accp[1])
    binv[...] = bi
    dinv[...] = di
    sval[...] = csum * di


def _tc_combine_a(accp, dp, bp, cp):
    return pl.pallas_call(
        _tca_body,
        grid=(NPAD // BR,),
        in_specs=[
            pl.BlockSpec((2, BR, DIN), lambda i: (0, i, 0)),
            pl.BlockSpec((NW, BR), lambda i: (0, i)),
            pl.BlockSpec((NW, BR), lambda i: (0, i)),
            pl.BlockSpec((NW, BR), lambda i: (0, i)),
        ],
        out_specs=[
            pl.BlockSpec((BR, DIN), lambda i: (i, 0)),
            pl.BlockSpec((BR, 1), lambda i: (i, 0)),
            pl.BlockSpec((BR, 1), lambda i: (i, 0)),
            pl.BlockSpec((BR, 1), lambda i: (i, 0)),
        ],
        out_shape=[
            jax.ShapeDtypeStruct((NPAD, DIN), _f32),
            jax.ShapeDtypeStruct((NPAD, 1), _f32),
            jax.ShapeDtypeStruct((NPAD, 1), _f32),
            jax.ShapeDtypeStruct((NPAD, 1), _f32),
        ],
    )(accp, dp, bp, cp)


def _tcc_body(accp, binv, oute):
    oute[...] = binv[...] * (accp[0] + accp[1])


def _tc_combine_c(accp, binv):
    return pl.pallas_call(
        _tcc_body,
        grid=(NPAD // BR,),
        in_specs=[
            pl.BlockSpec((2, BR, DIN), lambda i: (0, i, 0)),
            pl.BlockSpec((BR, 1), lambda i: (i, 0)),
        ],
        out_specs=pl.BlockSpec((BR, DIN), lambda i: (i, 0)),
        out_shape=jax.ShapeDtypeStruct((NPAD, DIN), _f32),
    )(accp, binv)


def _tcb_body(accp, dinv, sval, mask, w1, b1, w2, b2, zout):
    xp = dinv[...] * (accp[0] + accp[1])
    dn = (((1,), (1,)), ((), ()))
    pre = lax.dot_general(xp, w1[...], dn, preferred_element_type=_f32)
    pre = pre + sval[...] * b1[...]
    h = jnp.maximum(pre, 0.0) * mask[...]
    z = lax.dot_general(h, w2[...], dn, preferred_element_type=_f32) + b2[...]
    zout[...] = z


def _tc_mlp(accp, dinv, sval, mask, w1, b1, w2, b2):
    return pl.pallas_call(
        _tcb_body,
        grid=(NPAD // BR,),
        in_specs=[
            pl.BlockSpec((2, BR, DIN), lambda i: (0, i, 0)),
            pl.BlockSpec((BR, 1), lambda i: (i, 0)),
            pl.BlockSpec((BR, 1), lambda i: (i, 0)),
            pl.BlockSpec((BR, DH), lambda i: (i, 0)),
            pl.BlockSpec((DH, DIN), lambda i: (0, 0)),
            pl.BlockSpec((1, DH), lambda i: (0, 0)),
            pl.BlockSpec((DOUT, DH), lambda i: (0, 0)),
            pl.BlockSpec((1, DOUT), lambda i: (0, 0)),
        ],
        out_specs=pl.BlockSpec((BR, DOUT), lambda i: (i, 0)),
        out_shape=jax.ShapeDtypeStruct((NPAD, DOUT), _f32),
    )(accp, dinv, sval, mask, w1, b1, w2, b2)


def _tcd_body(accp, dinv, gamma, beta, yout):
    v = dinv[...] * (accp[0] + accp[1])
    mu = jnp.mean(v, axis=1, keepdims=True)
    d = v - mu
    var = jnp.mean(d * d, axis=1, keepdims=True)
    yout[...] = d * lax.rsqrt(var + EPS) * gamma[...] + beta[...]


def _tc_layernorm(accp, dinv, gamma, beta):
    return pl.pallas_call(
        _tcd_body,
        grid=(NPAD // BR,),
        in_specs=[
            pl.BlockSpec((2, BR, DOUT), lambda i: (0, i, 0)),
            pl.BlockSpec((BR, 1), lambda i: (i, 0)),
            pl.BlockSpec((1, DOUT), lambda i: (0, 0)),
            pl.BlockSpec((1, DOUT), lambda i: (0, 0)),
        ],
        out_specs=pl.BlockSpec((BR, DOUT), lambda i: (i, 0)),
        out_shape=jax.ShapeDtypeStruct((NPAD, DOUT), _f32),
    )(accp, dinv, gamma, beta)


def kernel(x, edge_index, edge_attr, W1, b1, W2, b2, gamma, beta):
    xpad = jnp.zeros((NPAD, DIN), _f32).at[:N].set(x)
    eattr = jnp.zeros((NPAD,), _f32).at[:NHE].set(edge_attr)
    npadinc = IDXROWS * CHUNK - NI
    pad = DUMMY + (jnp.arange(npadinc, dtype=jnp.int32) % (NPAD - N))
    nidx = jnp.concatenate([edge_index[0], pad]).reshape(IDXROWS, CHUNK)
    hidx = jnp.concatenate([edge_index[1], pad]).reshape(IDXROWS, CHUNK)
    keep = jax.random.bernoulli(jax.random.key(42), KEEP, (N, DH))
    mask = jnp.zeros((NPAD, DH), _f32).at[:N].set(
        jnp.where(keep, 1.0 / KEEP, 0.0))

    dpart, bpart, cpart = _sc_degrees(nidx, hidx, eattr)
    acc_e = _sc_prop(xpad, nidx, hidx)
    out_e, binv, dinv, sval = _tc_combine_a(acc_e, dpart, bpart, cpart)
    acc_n = _sc_prop(out_e, hidx, nidx)
    z = _tc_mlp(acc_n, dinv, sval, mask, W1, b1.reshape(1, DH),
                W2, b2.reshape(1, DOUT))

    acc_e2 = _sc_prop(z, nidx, hidx)
    out_e2 = _tc_combine_c(acc_e2, binv)
    acc_n2 = _sc_prop(out_e2, hidx, nidx)
    y = _tc_layernorm(acc_n2, dinv, gamma.reshape(1, DOUT),
                      beta.reshape(1, DOUT))
    return y[:N]

# --- scband reference (transcript-rebuilt; emitter-appended) ---
"""Pipeline reference for scband-hypergraph-neural-network-4767413698884 (READ-ONLY COPY).

The authoritative reference and input builder live on the scoring server;
editing this copy changes nothing except your own understanding.
"""

import jax, jax.numpy as jnp
import numpy as np

N_NODES = 10000
N_HE = 10000
N_INC = 320000
D_IN = 128
D_H1 = 256
D_OUT = 128
EPS = 1e-5
DROP_P = 0.3


def setup_inputs(seed: int = 0) -> dict:
    key = jax.random.key(seed)
    ks = jax.random.split(key, 10)
    x = jax.random.normal(ks[0], (N_NODES, D_IN), dtype=jnp.float32)
    edge_index = jax.random.randint(ks[1], (2, N_INC), 0, N_NODES, dtype=jnp.int32)
    edge_attr = jax.random.uniform(ks[2], (N_HE,), dtype=jnp.float32)
    W1 = jax.random.normal(ks[3], (D_H1, D_IN), dtype=jnp.float32) * 0.05
    b1 = jax.random.normal(ks[4], (D_H1,), dtype=jnp.float32) * 0.01
    W2 = jax.random.normal(ks[5], (D_OUT, D_H1), dtype=jnp.float32) * 0.05
    b2 = jax.random.normal(ks[6], (D_OUT,), dtype=jnp.float32) * 0.01
    gamma = jnp.ones((D_OUT,), dtype=jnp.float32)
    beta = jnp.zeros((D_OUT,), dtype=jnp.float32)
    return {"x": x, "edge_index": edge_index, "edge_attr": edge_attr,
            "W1": W1, "b1": b1, "W2": W2, "b2": b2,
            "gamma": gamma, "beta": beta}


def hypergraph_conv(x, edge_index, hyperedge_weight, W, b):
    # Faithful to PyG HypergraphConv (no attention, heads=1):
    # X' = D^{-1} H B^{-1} H^T (X Theta + bias)
    x = x @ W.T + b
    node_idx = edge_index[0]
    he_idx = edge_index[1]
    # D: weighted node degree
    D = jax.ops.segment_sum(hyperedge_weight[he_idx], node_idx, num_segments=N_NODES)
    Dinv = jnp.where(D > 0, 1.0 / D, 0.0)
    # B: hyperedge degree
    B = jax.ops.segment_sum(jnp.ones((N_INC,), dtype=x.dtype), he_idx, num_segments=N_HE)
    Binv = jnp.where(B > 0, 1.0 / B, 0.0)
    # propagate 1: nodes -> hyperedges, message = B_i * x_j, aggregate at hyperedge
    m1 = Binv[he_idx][:, None] * x[node_idx]
    out_e = jax.ops.segment_sum(m1, he_idx, num_segments=N_HE)
    # propagate 2 (flipped): hyperedges -> nodes, message = D_i * out_e_j
    m2 = Dinv[node_idx][:, None] * out_e[he_idx]
    out = jax.ops.segment_sum(m2, node_idx, num_segments=N_NODES)
    return out


def layer_norm(x, gamma, beta):
    mu = jnp.mean(x, axis=-1, keepdims=True)
    var = jnp.mean((x - mu) ** 2, axis=-1, keepdims=True)
    return (x - mu) / jnp.sqrt(var + EPS) * gamma + beta


def reference(x, edge_index, edge_attr, W1, b1, W2, b2, gamma, beta):
    h = hypergraph_conv(x, edge_index, edge_attr, W1, b1)
    h = jax.nn.relu(h)
    # dropout p=0.3, training=True (fixed key for reproducibility)
    keep = jax.random.bernoulli(jax.random.key(42), 1.0 - DROP_P, h.shape)
    h = jnp.where(keep, h / (1.0 - DROP_P), 0.0)
    h2 = hypergraph_conv(h, edge_index, edge_attr, W2, b2)
    return layer_norm(h2, gamma, beta)

if __name__ == "__main__":
    import jax
    _d = setup_inputs()
    print(jax.jit(kernel)(*tuple(_d.values())))

</pallas_src>

<mosaic_0001>
#map = affine_map<(d0, d1) -> (0, 0)>
#map1 = affine_map<(d0, d1) -> (0, 0, 0)>
module attributes {stable_mosaic.version = 14 : i64} {
  func.func @_sc_prop_body(%arg0: i32, %arg1: i32, %arg2: memref<10240x128xf32, #tpu.memory_space<hbm>>, %arg3: memref<2640x128xi32, #tpu.memory_space<hbm>>, %arg4: memref<2640x128xi32, #tpu.memory_space<hbm>>, %arg5: memref<2x10240x128xf32, #tpu.memory_space<hbm>>, %arg6: memref<40x128xi32, #tpu.memory_space<vmem>>, %arg7: memref<40x128xi32, #tpu.memory_space<vmem>>, %arg8: memref<2x128x128xf32, #tpu.memory_space<vmem>>, %arg9: memref<10240x128xf32, #tpu.memory_space<vmem_shared>>, %arg10: memref<!tpu.dma_semaphore, #tpu.memory_space<semaphore_mem>>) attributes {dimension_semantics = [#tpu.dimension_semantics<core_parallel>, #tpu.dimension_semantics<subcore_parallel>], iteration_bounds = array<i64: 2, 16>, scalar_prefetch = 0 : i64, scratch_operands = 5 : i64, tpu.core_type = #tpu.core_type<sc_vector_subcore>, window_params = [{transform_indices = #map}, {transform_indices = #map}, {transform_indices = #map}, {transform_indices = #map1}]} {
    %mul3A = arith.constant 2 : i32
    %mul3A_0 = arith.muli %arg1, %mul3A : i32
    %add3A = arith.addi %mul3A_0, %arg0 : i32
    %mul3A_1 = arith.constant 80 : i32
    %mul3A_2 = arith.muli %add3A, %mul3A_1 : i32
    %broadcast_in_dim3A = arith.constant 0.000000e+00 : f32
    %broadcast_in_dim3A_3 = vector.broadcast %broadcast_in_dim3A : f32 to vector<16xf32>
    %scan3A = arith.constant 0 : i32
    %scan3A_4 = arith.constant 0 : i32
    %scan3A_5 = arith.constant 0 : i32
    %scan3A_6 = arith.constant 128 : i32
    %scan3A_7 = arith.addi %scan3A_5, %scan3A_6 : i32
    %scan3A_8 = arith.constant 1 : i32
    scf.for %scan3A_317 = %scan3A_5 to %scan3A_7 step %scan3A_8  : i32 {
      %swap3A = arith.constant 0 : i32
      %swap3A_318 = arith.constant 0 : i32
      %swap3A_319 = tpu.memref_slice %arg8[%scan3A_4, %swap3A, %swap3A_318] : memref<2x128x128xf32, #tpu.memory_space<vmem>> -> memref<1x128x128xf32, #tpu.memory_space<vmem>>
      %swap3A_320 = tpu.memref_squeeze %swap3A_319 : memref<1x128x128xf32, #tpu.memory_space<vmem>> -> memref<128x128xf32, #tpu.memory_space<vmem>>
      %swap3A_321 = arith.index_cast %scan3A_317 : i32 to index
      %swap3A_322 = arith.constant 0 : index
      %swap3A_323 = tpu.vector_load %swap3A_320[%swap3A_321, %swap3A_322] {strides = array<i32>} : memref<128x128xf32, #tpu.memory_space<vmem>>, vector<16xf32>,
      tpu.vector_store %swap3A_320[%swap3A_321, %swap3A_322], %broadcast_in_dim3A_3 {strides = array<i32>} : memref<128x128xf32, #tpu.memory_space<vmem>>, vector<16xf32>,
      %swap3A_324 = arith.constant 0 : i32
      %swap3A_325 = arith.constant 0 : i32
      %swap3A_326 = tpu.memref_slice %arg8[%scan3A_4, %swap3A_324, %swap3A_325] : memref<2x128x128xf32, #tpu.memory_space<vmem>> -> memref<1x128x128xf32, #tpu.memory_space<vmem>>
      %swap3A_327 = tpu.memref_squeeze %swap3A_326 : memref<1x128x128xf32, #tpu.memory_space<vmem>> -> memref<128x128xf32, #tpu.memory_space<vmem>>
      %swap3A_328 = arith.index_cast %scan3A_317 : i32 to index
      %swap3A_329 = arith.constant 16 : index
      %swap3A_330 = tpu.vector_load %swap3A_327[%swap3A_328, %swap3A_329] {strides = array<i32>} : memref<128x128xf32, #tpu.memory_space<vmem>>, vector<16xf32>,
      tpu.vector_store %swap3A_327[%swap3A_328, %swap3A_329], %broadcast_in_dim3A_3 {strides = array<i32>} : memref<128x128xf32, #tpu.memory_space<vmem>>, vector<16xf32>,
      %swap3A_331 = arith.constant 0 : i32
      %swap3A_332 = arith.constant 0 : i32
      %swap3A_333 = tpu.memref_slice %arg8[%scan3A_4, %swap3A_331, %swap3A_332] : memref<2x128x128xf32, #tpu.memory_space<vmem>> -> memref<1x128x128xf32, #tpu.memory_space<vmem>>
      %swap3A_334 = tpu.memref_squeeze %swap3A_333 : memref<1x128x128xf32, #tpu.memory_space<vmem>> -> memref<128x128xf32, #tpu.memory_space<vmem>>
      %swap3A_335 = arith.index_cast %scan3A_317 : i32 to index
      %swap3A_336 = arith.constant 32 : index
      %swap3A_337 = tpu.vector_load %swap3A_334[%swap3A_335, %swap3A_336] {strides = array<i32>} : memref<128x128xf32, #tpu.memory_space<vmem>>, vector<16xf32>,
      tpu.vector_store %swap3A_334[%swap3A_335, %swap3A_336], %broadcast_in_dim3A_3 {strides = array<i32>} : memref<128x128xf32, #tpu.memory_space<vmem>>, vector<16xf32>,
      %swap3A_338 = arith.constant 0 : i32
      %swap3A_339 = arith.constant 0 : i32
      %swap3A_340 = tpu.memref_slice %arg8[%scan3A_4, %swap3A_338, %swap3A_339] : memref<2x128x128xf32, #tpu.memory_space<vmem>> -> memref<1x128x128xf32, #tpu.memory_space<vmem>>
      %swap3A_341 = tpu.memref_squeeze %swap3A_340 : memref<1x128x128xf32, #tpu.memory_space<vmem>> -> memref<128x128xf32, #tpu.memory_space<vmem>>
      %swap3A_342 = arith.index_cast %scan3A_317 : i32 to index
      %swap3A_343 = arith.constant 48 : index
      %swap3A_344 = tpu.vector_load %swap3A_341[%swap3A_342, %swap3A_343] {strides = array<i32>} : memref<128x128xf32, #tpu.memory_space<vmem>>, vector<16xf32>,
      tpu.vector_store %swap3A_341[%swap3A_342, %swap3A_343], %broadcast_in_dim3A_3 {strides = array<i32>} : memref<128x128xf32, #tpu.memory_space<vmem>>, vector<16xf32>,
      %swap3A_345 = arith.constant 0 : i32
      %swap3A_346 = arith.constant 0 : i32
      %swap3A_347 = tpu.memref_slice %arg8[%scan3A_4, %swap3A_345, %swap3A_346] : memref<2x128x128xf32, #tpu.memory_space<vmem>> -> memref<1x128x128xf32, #tpu.memory_space<vmem>>
      %swap3A_348 = tpu.memref_squeeze %swap3A_347 : memref<1x128x128xf32, #tpu.memory_space<vmem>> -> memref<128x128xf32, #tpu.memory_space<vmem>>
      %swap3A_349 = arith.index_cast %scan3A_317 : i32 to index
      %swap3A_350 = arith.constant 64 : index
      %swap3A_351 = tpu.vector_load %swap3A_348[%swap3A_349, %swap3A_350] {strides = array<i32>} : memref<128x128xf32, #tpu.memory_space<vmem>>, vector<16xf32>,
      tpu.vector_store %swap3A_348[%swap3A_349, %swap3A_350], %broadcast_in_dim3A_3 {strides = array<i32>} : memref<128x128xf32, #tpu.memory_space<vmem>>, vector<16xf32>,
      %swap3A_352 = arith.constant 0 : i32
      %swap3A_353 = arith.constant 0 : i32
      %swap3A_354 = tpu.memref_slice %arg8[%scan3A_4, %swap3A_352, %swap3A_353] : memref<2x128x128xf32, #tpu.memory_space<vmem>> -> memref<1x128x128xf32, #tpu.memory_space<vmem>>
      %swap3A_355 = tpu.memref_squeeze %swap3A_354 : memref<1x128x128xf32, #tpu.memory_space<vmem>> -> memref<128x128xf32, #tpu.memory_space<vmem>>
      %swap3A_356 = arith.index_cast %scan3A_317 : i32 to index
      %swap3A_357 = arith.constant 80 : index
      %swap3A_358 = tpu.vector_load %swap3A_355[%swap3A_356, %swap3A_357] {strides = array<i32>} : memref<128x128xf32, #tpu.memory_space<vmem>>, vector<16xf32>,
      tpu.vector_store %swap3A_355[%swap3A_356, %swap3A_357], %broadcast_in_dim3A_3 {strides = array<i32>} : memref<128x128xf32, #tpu.memory_space<vmem>>, vector<16xf32>,
      %swap3A_359 = arith.constant 0 : i32
      %swap3A_360 = arith.constant 0 : i32
      %swap3A_361 = tpu.memref_slice %arg8[%scan3A_4, %swap3A_359, %swap3A_360] : memref<2x128x128xf32, #tpu.memory_space<vmem>> -> memref<1x128x128xf32, #tpu.memory_space<vmem>>
      %swap3A_362 = tpu.memref_squeeze %swap3A_361 : memref<1x128x128xf32, #tpu.memory_space<vmem>> -> memref<128x128xf32, #tpu.memory_space<vmem>>
      %swap3A_363 = arith.index_cast %scan3A_317 : i32 to index
      %swap3A_364 = arith.constant 96 : index
      %swap3A_365 = tpu.vector_load %swap3A_362[%swap3A_363, %swap3A_364] {strides = array<i32>} : memref<128x128xf32, #tpu.memory_space<vmem>>, vector<16xf32>,
      tpu.vector_store %swap3A_362[%swap3A_363, %swap3A_364], %broadcast_in_dim3A_3 {strides = array<i32>} : memref<128x128xf32, #tpu.memory_space<vmem>>, vector<16xf32>,
      %swap3A_366 = arith.constant 0 : i32
      %swap3A_367 = arith.constant 0 : i32
      %swap3A_368 = tpu.memref_slice %arg8[%scan3A_4, %swap3A_366, %swap3A_367] : memref<2x128x128xf32, #tpu.memory_space<vmem>> -> memref<1x128x128xf32, #tpu.memory_space<vmem>>
      %swap3A_369 = tpu.memref_squeeze %swap3A_368 : memref<1x128x128xf32, #tpu.memory_space<vmem>> -> memref<128x128xf32, #tpu.memory_space<vmem>>
      %swap3A_370 = arith.index_cast %scan3A_317 : i32 to index
      %swap3A_371 = arith.constant 112 : index
      %swap3A_372 = tpu.vector_load %swap3A_369[%swap3A_370, %swap3A_371] {strides = array<i32>} : memref<128x128xf32, #tpu.memory_space<vmem>>, vector<16xf32>,
      tpu.vector_store %swap3A_369[%swap3A_370, %swap3A_371], %broadcast_in_dim3A_3 {strides = array<i32>} : memref<128x128xf32, #tpu.memory_space<vmem>>, vector<16xf32>,
    }
    %scan3A_9 = arith.constant 128 : i32
    %mul3A_10 = arith.constant 640 : i32
    %mul3A_11 = arith.muli %arg1, %mul3A_10 : i32
    %add3A_12 = arith.constant 0 : i32
    %add3A_13 = arith.addi %mul3A_11, %add3A_12 : i32
    %dma_start3A = arith.constant 0 : i32
    %dma_start3A_14 = arith.constant 0 : i32
    %dma_start3A_15 = arith.constant 0 : i32
    %dma_start3A_16 = tpu.memref_slice %arg8[%dma_start3A, %dma_start3A_14, %dma_start3A_15] : memref<2x128x128xf32, #tpu.memory_space<vmem>> -> memref<1x128x128xf32, #tpu.memory_space<vmem>>
    %dma_start3A_17 = tpu.memref_squeeze %dma_start3A_16 : memref<1x128x128xf32, #tpu.memory_space<vmem>> -> memref<128x128xf32, #tpu.memory_space<vmem>>
    %dma_start3A_18 = arith.constant 0 : i32
    %dma_start3A_19 = tpu.memref_slice %arg9[%add3A_13, %dma_start3A_18] : memref<10240x128xf32, #tpu.memory_space<vmem_shared>> -> memref<128x128xf32, #tpu.memory_space<vmem_shared>>
    %dma_start3A_20 = arith.constant 0 : i32
    %dma_start3A_21 = tpu.memref_slice %arg9[%add3A_13, %dma_start3A_20] : memref<10240x128xf32, #tpu.memory_space<vmem_shared>> -> memref<128x128xf32, #tpu.memory_space<vmem_shared>>
    %dma_start3A_22 = arith.constant 0 : i32
    %dma_start3A_23 = arith.constant 0 : i32
    %dma_start3A_24 = tpu.memref_slice %arg8[%dma_start3A, %dma_start3A_22, %dma_start3A_23] : memref<2x128x128xf32, #tpu.memory_space<vmem>> -> memref<1x128x128xf32, #tpu.memory_space<vmem>>
    %dma_start3A_25 = tpu.memref_squeeze %dma_start3A_24 : memref<1x128x128xf32, #tpu.memory_space<vmem>> -> memref<128x128xf32, #tpu.memory_space<vmem>>
    tpu.enqueue_dma source(%dma_start3A_25 : memref<128x128xf32, #tpu.memory_space<vmem>>) target(%dma_start3A_21 : memref<128x128xf32, #tpu.memory_space<vmem_shared>>) target_semaphore(%arg10 : memref<!tpu.dma_semaphore, #tpu.memory_space<semaphore_mem>>)
    %mul3A_26 = arith.constant 640 : i32
    %mul3A_27 = arith.muli %arg1, %mul3A_26 : i32
    %add3A_28 = arith.constant 128 : i32
    %add3A_29 = arith.addi %mul3A_27, %add3A_28 : i32
    %dma_start3A_30 = arith.constant 0 : i32
    %dma_start3A_31 = arith.constant 0 : i32
    %dma_start3A_32 = arith.constant 0 : i32
    %dma_start3A_33 = tpu.memref_slice %arg8[%dma_start3A_30, %dma_start3A_31, %dma_start3A_32] : memref<2x128x128xf32, #tpu.memory_space<vmem>> -> memref<1x128x128xf32, #tpu.memory_space<vmem>>
    %dma_start3A_34 = tpu.memref_squeeze %dma_start3A_33 : memref<1x128x128xf32, #tpu.memory_space<vmem>> -> memref<128x128xf32, #tpu.memory_space<vmem>>
    %dma_start3A_35 = arith.constant 0 : i32
    %dma_start3A_36 = tpu.memref_slice %arg9[%add3A_29, %dma_start3A_35] : memref<10240x128xf32, #tpu.memory_space<vmem_shared>> -> memref<128x128xf32, #tpu.memory_space<vmem_shared>>
    %dma_start3A_37 = arith.constant 0 : i32
    %dma_start3A_38 = tpu.memref_slice %arg9[%add3A_29, %dma_start3A_37] : memref<10240x128xf32, #tpu.memory_space<vmem_shared>> -> memref<128x128xf32, #tpu.memory_space<vmem_shared>>
    %dma_start3A_39 = arith.constant 0 : i32
    %dma_start3A_40 = arith.constant 0 : i32
    %dma_start3A_41 = tpu.memref_slice %arg8[%dma_start3A_30, %dma_start3A_39, %dma_start3A_40] : memref<2x128x128xf32, #tpu.memory_space<vmem>> -> memref<1x128x128xf32, #tpu.memory_space<vmem>>
    %dma_start3A_42 = tpu.memref_squeeze %dma_start3A_41 : memref<1x128x128xf32, #tpu.memory_space<vmem>> -> memref<128x128xf32, #tpu.memory_space<vmem>>
    tpu.enqueue_dma source(%dma_start3A_42 : memref<128x128xf32, #tpu.memory_space<vmem>>) target(%dma_start3A_38 : memref<128x128xf32, #tpu.memory_space<vmem_shared>>) target_semaphore(%arg10 : memref<!tpu.dma_semaphore, #tpu.memory_space<semaphore_mem>>)
    %mul3A_43 = arith.constant 640 : i32
    %mul3A_44 = arith.muli %arg1, %mul3A_43 : i32
    %add3A_45 = arith.constant 256 : i32
    %add3A_46 = arith.addi %mul3A_44, %add3A_45 : i32
    %dma_start3A_47 = arith.constant 0 : i32
    %dma_start3A_48 = arith.constant 0 : i32
    %dma_start3A_49 = arith.constant 0 : i32
    %dma_start3A_50 = tpu.memref_slice %arg8[%dma_start3A_47, %dma_start3A_48, %dma_start3A_49] : memref<2x128x128xf32, #tpu.memory_space<vmem>> -> memref<1x128x128xf32, #tpu.memory_space<vmem>>
    %dma_start3A_51 = tpu.memref_squeeze %dma_start3A_50 : memref<1x128x128xf32, #tpu.memory_space<vmem>> -> memref<128x128xf32, #tpu.memory_space<vmem>>
    %dma_start3A_52 = arith.constant 0 : i32
    %dma_start3A_53 = tpu.memref_slice %arg9[%add3A_46, %dma_start3A_52] : memref<10240x128xf32, #tpu.memory_space<vmem_shared>> -> memref<128x128xf32, #tpu.memory_space<vmem_shared>>
    %dma_start3A_54 = arith.constant 0 : i32
    %dma_start3A_55 = tpu.memref_slice %arg9[%add3A_46, %dma_start3A_54] : memref<10240x128xf32, #tpu.memory_space<vmem_shared>> -> memref<128x128xf32, #tpu.memory_space<vmem_shared>>
    %dma_start3A_56 = arith.constant 0 : i32
    %dma_start3A_57 = arith.constant 0 : i32
    %dma_start3A_58 = tpu.memref_slice %arg8[%dma_start3A_47, %dma_start3A_56, %dma_start3A_57] : memref<2x128x128xf32, #tpu.memory_space<vmem>> -> memref<1x128x128xf32, #tpu.memory_space<vmem>>
    %dma_start3A_59 = tpu.memref_squeeze %dma_start3A_58 : memref<1x128x128xf32, #tpu.memory_space<vmem>> -> memref<128x128xf32, #tpu.memory_space<vmem>>
    tpu.enqueue_dma source(%dma_start3A_59 : memref<128x128xf32, #tpu.memory_space<vmem>>) target(%dma_start3A_55 : memref<128x128xf32, #tpu.memory_space<vmem_shared>>) target_semaphore(%arg10 : memref<!tpu.dma_semaphore, #tpu.memory_space<semaphore_mem>>)
    %mul3A_60 = arith.constant 640 : i32
    %mul3A_61 = arith.muli %arg1, %mul3A_60 : i32
    %add3A_62 = arith.constant 384 : i32
    %add3A_63 = arith.addi %mul3A_61, %add3A_62 : i32
    %dma_start3A_64 = arith.constant 0 : i32
    %dma_start3A_65 = arith.constant 0 : i32
    %dma_start3A_66 = arith.constant 0 : i32
    %dma_start3A_67 = tpu.memref_slice %arg8[%dma_start3A_64, %dma_start3A_65, %dma_start3A_66] : memref<2x128x128xf32, #tpu.memory_space<vmem>> -> memref<1x128x128xf32, #tpu.memory_space<vmem>>
    %dma_start3A_68 = tpu.memref_squeeze %dma_start3A_67 : memref<1x128x128xf32, #tpu.memory_space<vmem>> -> memref<128x128xf32, #tpu.memory_space<vmem>>
    %dma_start3A_69 = arith.constant 0 : i32
    %dma_start3A_70 = tpu.memref_slice %arg9[%add3A_63, %dma_start3A_69] : memref<10240x128xf32, #tpu.memory_space<vmem_shared>> -> memref<128x128xf32, #tpu.memory_space<vmem_shared>>
    %dma_start3A_71 = arith.constant 0 : i32
    %dma_start3A_72 = tpu.memref_slice %arg9[%add3A_63, %dma_start3A_71] : memref<10240x128xf32, #tpu.memory_space<vmem_shared>> -> memref<128x128xf32, #tpu.memory_space<vmem_shared>>
    %dma_start3A_73 = arith.constant 0 : i32
    %dma_start3A_74 = arith.constant 0 : i32
    %dma_start3A_75 = tpu.memref_slice %arg8[%dma_start3A_64, %dma_start3A_73, %dma_start3A_74] : memref<2x128x128xf32, #tpu.memory_space<vmem>> -> memref<1x128x128xf32, #tpu.memory_space<vmem>>
    %dma_start3A_76 = tpu.memref_squeeze %dma_start3A_75 : memref<1x128x128xf32, #tpu.memory_space<vmem>> -> memref<128x128xf32, #tpu.memory_space<vmem>>
    tpu.enqueue_dma source(%dma_start3A_76 : memref<128x128xf32, #tpu.memory_space<vmem>>) target(%dma_start3A_72 : memref<128x128xf32, #tpu.memory_space<vmem_shared>>) target_semaphore(%arg10 : memref<!tpu.dma_semaphore, #tpu.memory_space<semaphore_mem>>)
    %mul3A_77 = arith.constant 640 : i32
    %mul3A_78 = arith.muli %arg1, %mul3A_77 : i32
    %add3A_79 = arith.constant 512 : i32
    %add3A_80 = arith.addi %mul3A_78, %add3A_79 : i32
    %dma_start3A_81 = arith.constant 0 : i32
    %dma_start3A_82 = arith.constant 0 : i32
    %dma_start3A_83 = arith.constant 0 : i32
    %dma_start3A_84 = tpu.memref_slice %arg8[%dma_start3A_81, %dma_start3A_82, %dma_start3A_83] : memref<2x128x128xf32, #tpu.memory_space<vmem>> -> memref<1x128x128xf32, #tpu.memory_space<vmem>>
    %dma_start3A_85 = tpu.memref_squeeze %dma_start3A_84 : memref<1x128x128xf32, #tpu.memory_space<vmem>> -> memref<128x128xf32, #tpu.memory_space<vmem>>
    %dma_start3A_86 = arith.constant 0 : i32
    %dma_start3A_87 = tpu.memref_slice %arg9[%add3A_80, %dma_start3A_86] : memref<10240x128xf32, #tpu.memory_space<vmem_shared>> -> memref<128x128xf32, #tpu.memory_space<vmem_shared>>
    %dma_start3A_88 = arith.constant 0 : i32
    %dma_start3A_89 = tpu.memref_slice %arg9[%add3A_80, %dma_start3A_88] : memref<10240x128xf32, #tpu.memory_space<vmem_shared>> -> memref<128x128xf32, #tpu.memory_space<vmem_shared>>
    %dma_start3A_90 = arith.constant 0 : i32
    %dma_start3A_91 = arith.constant 0 : i32
    %dma_start3A_92 = tpu.memref_slice %arg8[%dma_start3A_81, %dma_start3A_90, %dma_start3A_91] : memref<2x128x128xf32, #tpu.memory_space<vmem>> -> memref<1x128x128xf32, #tpu.memory_space<vmem>>
    %dma_start3A_93 = tpu.memref_squeeze %dma_start3A_92 : memref<1x128x128xf32, #tpu.memory_space<vmem>> -> memref<128x128xf32, #tpu.memory_space<vmem>>
    tpu.enqueue_dma source(%dma_start3A_93 : memref<128x128xf32, #tpu.memory_space<vmem>>) target(%dma_start3A_89 : memref<128x128xf32, #tpu.memory_space<vmem_shared>>) target_semaphore(%arg10 : memref<!tpu.dma_semaphore, #tpu.memory_space<semaphore_mem>>)
    %dma_wait3A = arith.constant 0 : i32
    %dma_wait3A_94 = arith.constant 0 : i32
    %dma_wait3A_95 = arith.constant 0 : i32
    %dma_wait3A_96 = tpu.memref_slice %arg8[%dma_wait3A, %dma_wait3A_94, %dma_wait3A_95] : memref<2x128x128xf32, #tpu.memory_space<vmem>> -> memref<1x128x128xf32, #tpu.memory_space<vmem>>
    %dma_wait3A_97 = tpu.memref_squeeze %dma_wait3A_96 : memref<1x128x128xf32, #tpu.memory_space<vmem>> -> memref<128x128xf32, #tpu.memory_space<vmem>>
    %dma_wait3A_98 = arith.constant 0 : i32
    %dma_wait3A_99 = tpu.memref_slice %arg9[%add3A_13, %dma_wait3A_98] : memref<10240x128xf32, #tpu.memory_space<vmem_shared>> -> memref<128x128xf32, #tpu.memory_space<vmem_shared>>
    %dma_wait3A_100 = arith.constant 0 : i32
    %dma_wait3A_101 = tpu.memref_slice %arg9[%add3A_13, %dma_wait3A_100] : memref<10240x128xf32, #tpu.memory_space<vmem_shared>> -> memref<128x128xf32, #tpu.memory_space<vmem_shared>>
    %dma_wait3A_102 = arith.constant 0 : i32
    %dma_wait3A_103 = arith.constant 0 : i32
    %dma_wait3A_104 = tpu.memref_slice %arg8[%dma_wait3A, %dma_wait3A_102, %dma_wait3A_103] : memref<2x128x128xf32, #tpu.memory_space<vmem>> -> memref<1x128x128xf32, #tpu.memory_space<vmem>>
    %dma_wait3A_105 = tpu.memref_squeeze %dma_wait3A_104 : memref<1x128x128xf32, #tpu.memory_space<vmem>> -> memref<128x128xf32, #tpu.memory_space<vmem>>
    tpu.wait_dma2 semaphore(%arg10 : memref<!tpu.dma_semaphore, #tpu.memory_space<semaphore_mem>>) src(%dma_wait3A_105 : memref<128x128xf32, #tpu.memory_space<vmem>>) dst(%dma_wait3A_101 : memref<128x128xf32, #tpu.memory_space<vmem_shared>>)
    %dma_wait3A_106 = arith.constant 0 : i32
    %dma_wait3A_107 = arith.constant 0 : i32
    %dma_wait3A_108 = arith.constant 0 : i32
    %dma_wait3A_109 = tpu.memref_slice %arg8[%dma_wait3A_106, %dma_wait3A_107, %dma_wait3A_108] : memref<2x128x128xf32, #tpu.memory_space<vmem>> -> memref<1x128x128xf32, #tpu.memory_space<vmem>>
    %dma_wait3A_110 = tpu.memref_squeeze %dma_wait3A_109 : memref<1x128x128xf32, #tpu.memory_space<vmem>> -> memref<128x128xf32, #tpu.memory_space<vmem>>
    %dma_wait3A_111 = arith.constant 0 : i32
    %dma_wait3A_112 = tpu.memref_slice %arg9[%add3A_29, %dma_wait3A_111] : memref<10240x128xf32, #tpu.memory_space<vmem_shared>> -> memref<128x128xf32, #tpu.memory_space<vmem_shared>>
    %dma_wait3A_113 = arith.constant 0 : i32
    %dma_wait3A_114 = tpu.memref_slice %arg9[%add3A_29, %dma_wait3A_113] : memref<10240x128xf32, #tpu.memory_space<vmem_shared>> -> memref<128x128xf32, #tpu.memory_space<vmem_shared>>
    %dma_wait3A_115 = arith.constant 0 : i32
    %dma_wait3A_116 = arith.constant 0 : i32
    %dma_wait3A_117 = tpu.memref_slice %arg8[%dma_wait3A_106, %dma_wait3A_115, %dma_wait3A_116] : memref<2x128x128xf32, #tpu.memory_space<vmem>> -> memref<1x128x128xf32, #tpu.memory_space<vmem>>
    %dma_wait3A_118 = tpu.memref_squeeze %dma_wait3A_117 : memref<1x128x128xf32, #tpu.memory_space<vmem>> -> memref<128x128xf32, #tpu.memory_space<vmem>>
    tpu.wait_dma2 semaphore(%arg10 : memref<!tpu.dma_semaphore, #tpu.memory_space<semaphore_mem>>) src(%dma_wait3A_118 : memref<128x128xf32, #tpu.memory_space<vmem>>) dst(%dma_wait3A_114 : memref<128x128xf32, #tpu.memory_space<vmem_shared>>)
    %dma_wait3A_119 = arith.constant 0 : i32
    %dma_wait3A_120 = arith.constant 0 : i32
    %dma_wait3A_121 = arith.constant 0 : i32
    %dma_wait3A_122 = tpu.memref_slice %arg8[%dma_wait3A_119, %dma_wait3A_120, %dma_wait3A_121] : memref<2x128x128xf32, #tpu.memory_space<vmem>> -> memref<1x128x128xf32, #tpu.memory_space<vmem>>
    %dma_wait3A_123 = tpu.memref_squeeze %dma_wait3A_122 : memref<1x128x128xf32, #tpu.memory_space<vmem>> -> memref<128x128xf32, #tpu.memory_space<vmem>>
    %dma_wait3A_124 = arith.constant 0 : i32
    %dma_wait3A_125 = tpu.memref_slice %arg9[%add3A_46, %dma_wait3A_124] : memref<10240x128xf32, #tpu.memory_space<vmem_shared>> -> memref<128x128xf32, #tpu.memory_space<vmem_shared>>
    %dma_wait3A_126 = arith.constant 0 : i32
    %dma_wait3A_127 = tpu.memref_slice %arg9[%add3A_46, %dma_wait3A_126] : memref<10240x128xf32, #tpu.memory_space<vmem_shared>> -> memref<128x128xf32, #tpu.memory_space<vmem_shared>>
    %dma_wait3A_128 = arith.constant 0 : i32
    %dma_wait3A_129 = arith.constant 0 : i32
    %dma_wait3A_130 = tpu.memref_slice %arg8[%dma_wait3A_119, %dma_wait3A_128, %dma_wait3A_129] : memref<2x128x128xf32, #tpu.memory_space<vmem>> -> memref<1x128x128xf32, #tpu.memory_space<vmem>>
    %dma_wait3A_131 = tpu.memref_squeeze %dma_wait3A_130 : memref<1x128x128xf32, #tpu.memory_space<vmem>> -> memref<128x128xf32, #tpu.memory_space<vmem>>
    tpu.wait_dma2 semaphore(%arg10 : memref<!tpu.dma_semaphore, #tpu.memory_space<semaphore_mem>>) src(%dma_wait3A_131 : memref<128x128xf32, #tpu.memory_space<vmem>>) dst(%dma_wait3A_127 : memref<128x128xf32, #tpu.memory_space<vmem_shared>>)
    %dma_wait3A_132 = arith.constant 0 : i32
    %dma_wait3A_133 = arith.constant 0 : i32
    %dma_wait3A_134 = arith.constant 0 : i32
    %dma_wait3A_135 = tpu.memref_slice %arg8[%dma_wait3A_132, %dma_wait3A_133, %dma_wait3A_134] : memref<2x128x128xf32, #tpu.memory_space<vmem>> -> memref<1x128x128xf32, #tpu.memory_space<vmem>>
    %dma_wait3A_136 = tpu.memref_squeeze %dma_wait3A_135 : memref<1x128x128xf32, #tpu.memory_space<vmem>> -> memref<128x128xf32, #tpu.memory_space<vmem>>
    %dma_wait3A_137 = arith.constant 0 : i32
    %dma_wait3A_138 = tpu.memref_slice %arg9[%add3A_63, %dma_wait3A_137] : memref<10240x128xf32, #tpu.memory_space<vmem_shared>> -> memref<128x128xf32, #tpu.memory_space<vmem_shared>>
    %dma_wait3A_139 = arith.constant 0 : i32
    %dma_wait3A_140 = tpu.memref_slice %arg9[%add3A_63, %dma_wait3A_139] : memref<10240x128xf32, #tpu.memory_space<vmem_shared>> -> memref<128x128xf32, #tpu.memory_space<vmem_shared>>
    %dma_wait3A_141 = arith.constant 0 : i32
    %dma_wait3A_142 = arith.constant 0 : i32
    %dma_wait3A_143 = tpu.memref_slice %arg8[%dma_wait3A_132, %dma_wait3A_141, %dma_wait3A_142] : memref<2x128x128xf32, #tpu.memory_space<vmem>> -> memref<1x128x128xf32, #tpu.memory_space<vmem>>
    %dma_wait3A_144 = tpu.memref_squeeze %dma_wait3A_143 : memref<1x128x128xf32, #tpu.memory_space<vmem>> -> memref<128x128xf32, #tpu.memory_space<vmem>>
    tpu.wait_dma2 semaphore(%arg10 : memref<!tpu.dma_semaphore, #tpu.memory_space<semaphore_mem>>) src(%dma_wait3A_144 : memref<128x128xf32, #tpu.memory_space<vmem>>) dst(%dma_wait3A_140 : memref<128x128xf32, #tpu.memory_space<vmem_shared>>)
    %dma_wait3A_145 = arith.constant 0 : i32
    %dma_wait3A_146 = arith.constant 0 : i32
    %dma_wait3A_147 = arith.constant 0 : i32
    %dma_wait3A_148 = tpu.memref_slice %arg8[%dma_wait3A_145, %dma_wait3A_146, %dma_wait3A_147] : memref<2x128x128xf32, #tpu.memory_space<vmem>> -> memref<1x128x128xf32, #tpu.memory_space<vmem>>
    %dma_wait3A_149 = tpu.memref_squeeze %dma_wait3A_148 : memref<1x128x128xf32, #tpu.memory_space<vmem>> -> memref<128x128xf32, #tpu.memory_space<vmem>>
    %dma_wait3A_150 = arith.constant 0 : i32
    %dma_wait3A_151 = tpu.memref_slice %arg9[%add3A_80, %dma_wait3A_150] : memref<10240x128xf32, #tpu.memory_space<vmem_shared>> -> memref<128x128xf32, #tpu.memory_space<vmem_shared>>
    %dma_wait3A_152 = arith.constant 0 : i32
    %dma_wait3A_153 = tpu.memref_slice %arg9[%add3A_80, %dma_wait3A_152] : memref<10240x128xf32, #tpu.memory_space<vmem_shared>> -> memref<128x128xf32, #tpu.memory_space<vmem_shared>>
    %dma_wait3A_154 = arith.constant 0 : i32
    %dma_wait3A_155 = arith.constant 0 : i32
    %dma_wait3A_156 = tpu.memref_slice %arg8[%dma_wait3A_145, %dma_wait3A_154, %dma_wait3A_155] : memref<2x128x128xf32, #tpu.memory_space<vmem>> -> memref<1x128x128xf32, #tpu.memory_space<vmem>>
    %dma_wait3A_157 = tpu.memref_squeeze %dma_wait3A_156 : memref<1x128x128xf32, #tpu.memory_space<vmem>> -> memref<128x128xf32, #tpu.memory_space<vmem>>
    tpu.wait_dma2 semaphore(%arg10 : memref<!tpu.dma_semaphore, #tpu.memory_space<semaphore_mem>>) src(%dma_wait3A_157 : memref<128x128xf32, #tpu.memory_space<vmem>>) dst(%dma_wait3A_153 : memref<128x128xf32, #tpu.memory_space<vmem_shared>>)
    %barrier3A = arith.constant 0 : index
    tpu.barrier barrier_id(%barrier3A)
    %add3A_158 = arith.constant 0 : i32
    %add3A_159 = arith.addi %mul3A_2, %add3A_158 : i32
    "tpu.region"() ({
      %run_scoped3A = tpu.sem_alloc : memref<!tpu.dma_semaphore, #tpu.memory_space<semaphore_mem>>
      %dma_start3A_317 = arith.constant 0 : i32
      %dma_start3A_318 = tpu.memref_slice %arg3[%add3A_159, %dma_start3A_317] : memref<2640x128xi32, #tpu.memory_space<hbm>> -> memref<40x128xi32, #tpu.memory_space<hbm>>
      %dma_start3A_319 = arith.constant 0 : i32
      %dma_start3A_320 = tpu.memref_slice %arg3[%add3A_159, %dma_start3A_319] : memref<2640x128xi32, #tpu.memory_space<hbm>> -> memref<40x128xi32, #tpu.memory_space<hbm>>
      tpu.enqueue_dma source(%dma_start3A_320 : memref<40x128xi32, #tpu.memory_space<hbm>>) target(%arg6 : memref<40x128xi32, #tpu.memory_space<vmem>>) target_semaphore(%run_scoped3A : memref<!tpu.dma_semaphore, #tpu.memory_space<semaphore_mem>>)
      %dma_wait3A_321 = arith.constant 0 : i32
      %dma_wait3A_322 = tpu.memref_slice %arg3[%add3A_159, %dma_wait3A_321] : memref<2640x128xi32, #tpu.memory_space<hbm>> -> memref<40x128xi32, #tpu.memory_space<hbm>>
      %dma_wait3A_323 = arith.constant 0 : i32
      %dma_wait3A_324 = tpu.memref_slice %arg3[%add3A_159, %dma_wait3A_323] : memref<2640x128xi32, #tpu.memory_space<hbm>> -> memref<40x128xi32, #tpu.memory_space<hbm>>
      tpu.wait_dma2 semaphore(%run_scoped3A : memref<!tpu.dma_semaphore, #tpu.memory_space<semaphore_mem>>) src(%dma_wait3A_324 : memref<40x128xi32, #tpu.memory_space<hbm>>) dst(%arg6 : memref<40x128xi32, #tpu.memory_space<vmem>>)
      tpu.yield
    }) : () -> ()
    %add3A_160 = arith.constant 0 : i32
    %add3A_161 = arith.addi %mul3A_2, %add3A_160 : i32
    "tpu.region"() ({
      %run_scoped3A = tpu.sem_alloc : memref<!tpu.dma_semaphore, #tpu.memory_space<semaphore_mem>>
      %dma_start3A_317 = arith.constant 0 : i32
      %dma_start3A_318 = tpu.memref_slice %arg4[%add3A_161, %dma_start3A_317] : memref<2640x128xi32, #tpu.memory_space<hbm>> -> memref<40x128xi32, #tpu.memory_space<hbm>>
      %dma_start3A_319 = arith.constant 0 : i32
      %dma_start3A_320 = tpu.memref_slice %arg4[%add3A_161, %dma_start3A_319] : memref<2640x128xi32, #tpu.memory_space<hbm>> -> memref<40x128xi32, #tpu.memory_space<hbm>>
      tpu.enqueue_dma source(%dma_start3A_320 : memref<40x128xi32, #tpu.memory_space<hbm>>) target(%arg7 : memref<40x128xi32, #tpu.memory_space<vmem>>) target_semaphore(%run_scoped3A : memref<!tpu.dma_semaphore, #tpu.memory_space<semaphore_mem>>)
      %dma_wait3A_321 = arith.constant 0 : i32
      %dma_wait3A_322 = tpu.memref_slice %arg4[%add3A_161, %dma_wait3A_321] : memref<2640x128xi32, #tpu.memory_space<hbm>> -> memref<40x128xi32, #tpu.memory_space<hbm>>
      %dma_wait3A_323 = arith.constant 0 : i32
      %dma_wait3A_324 = tpu.memref_slice %arg4[%add3A_161, %dma_wait3A_323] : memref<2640x128xi32, #tpu.memory_space<hbm>> -> memref<40x128xi32, #tpu.memory_space<hbm>>
      tpu.wait_dma2 semaphore(%run_scoped3A : memref<!tpu.dma_semaphore, #tpu.memory_space<semaphore_mem>>) src(%dma_wait3A_324 : memref<40x128xi32, #tpu.memory_space<hbm>>) dst(%arg7 : memref<40x128xi32, #tpu.memory_space<vmem>>)
      tpu.yield
    }) : () -> ()
    %dma_start3A_162 = arith.constant 0 : i32
    %dma_start3A_163 = arith.constant 0 : i32
    %dma_start3A_164 = arith.constant 0 : i32
    %dma_start3A_165 = arith.constant 0 : i32
    %dma_start3A_166 = tpu.memref_slice %arg8[%dma_start3A_163, %dma_start3A_164, %dma_start3A_165] : memref<2x128x128xf32, #tpu.memory_space<vmem>> -> memref<1x128x128xf32, #tpu.memory_space<vmem>>
    %dma_start3A_167 = tpu.memref_squeeze %dma_start3A_166 : memref<1x128x128xf32, #tpu.memory_space<vmem>> -> memref<128x128xf32, #tpu.memory_space<vmem>>
    %dma_start3A_168 = arith.constant 0 : i32
    %dma_start3A_169 = tpu.memref_slice %arg6[%dma_start3A_162, %dma_start3A_168] : memref<40x128xi32, #tpu.memory_space<vmem>> -> memref<1x128xi32, #tpu.memory_space<vmem>>
    %dma_start3A_170 = tpu.memref_squeeze %dma_start3A_169 : memref<1x128xi32, #tpu.memory_space<vmem>> -> memref<128xi32, #tpu.memory_space<vmem>>
    %dma_start3A_171 = arith.constant 0 : i32
    %dma_start3A_172 = arith.constant 0 : i32
    %dma_start3A_173 = tpu.memref_slice %arg2[%dma_start3A_171, %dma_start3A_172] : memref<10240x128xf32, #tpu.memory_space<hbm>> -> memref<10240x128xf32, #tpu.memory_space<hbm>>
    tpu.enqueue_indirect_dma source(%dma_start3A_173 : memref<10240x128xf32, #tpu.memory_space<hbm>>) target(%dma_start3A_167 : memref<128x128xf32, #tpu.memory_space<vmem>>) offsets(%dma_start3A_170 : memref<128xi32, #tpu.memory_space<vmem>>) semaphore(%arg10 : memref<!tpu.dma_semaphore, #tpu.memory_space<semaphore_mem>>)
    %scan3A_174 = arith.constant 0 : i32
    %scan3A_175 = arith.constant 0 : i32
    %scan3A_176 = arith.constant 40 : i32
    %scan3A_177 = arith.addi %scan3A_175, %scan3A_176 : i32
    %scan3A_178 = arith.constant 1 : i32
    scf.for %scan3A_317 = %scan3A_175 to %scan3A_177 step %scan3A_178  : i32 {
      %rem3A = arith.constant 2 : i32
      %rem3A_318 = arith.remsi %scan3A_317, %rem3A : i32
      %sub3A = arith.constant 1 : i32
      %sub3A_319 = arith.subi %sub3A, %rem3A_318 : i32
      %add3A_320 = arith.constant 1 : i32
      %add3A_321 = arith.addi %scan3A_317, %add3A_320 : i32
      %min3A = arith.constant 39 : i32
      %min3A_322 = arith.minsi %add3A_321, %min3A : i32
      %dma_start3A_323 = arith.constant 0 : i32
      %dma_start3A_324 = arith.constant 0 : i32
      %dma_start3A_325 = tpu.memref_slice %arg8[%sub3A_319, %dma_start3A_323, %dma_start3A_324] : memref<2x128x128xf32, #tpu.memory_space<vmem>> -> memref<1x128x128xf32, #tpu.memory_space<vmem>>
      %dma_start3A_326 = tpu.memref_squeeze %dma_start3A_325 : memref<1x128x128xf32, #tpu.memory_space<vmem>> -> memref<128x128xf32, #tpu.memory_space<vmem>>
      %dma_start3A_327 = arith.constant 0 : i32
      %dma_start3A_328 = tpu.memref_slice %arg6[%min3A_322, %dma_start3A_327] : memref<40x128xi32, #tpu.memory_space<vmem>> -> memref<1x128xi32, #tpu.memory_space<vmem>>
      %dma_start3A_329 = tpu.memref_squeeze %dma_start3A_328 : memref<1x128xi32, #tpu.memory_space<vmem>> -> memref<128xi32, #tpu.memory_space<vmem>>
      %dma_start3A_330 = arith.constant 0 : i32
      %dma_start3A_331 = arith.constant 0 : i32
      %dma_start3A_332 = tpu.memref_slice %arg2[%dma_start3A_330, %dma_start3A_331] : memref<10240x128xf32, #tpu.memory_space<hbm>> -> memref<10240x128xf32, #tpu.memory_space<hbm>>
      tpu.enqueue_indirect_dma source(%dma_start3A_332 : memref<10240x128xf32, #tpu.memory_space<hbm>>) target(%dma_start3A_326 : memref<128x128xf32, #tpu.memory_space<vmem>>) offsets(%dma_start3A_329 : memref<128xi32, #tpu.memory_space<vmem>>) semaphore(%arg10 : memref<!tpu.dma_semaphore, #tpu.memory_space<semaphore_mem>>)
      %dma_wait3A_333 = arith.constant 0 : i32
      %dma_wait3A_334 = arith.constant 0 : i32
      %dma_wait3A_335 = tpu.memref_slice %arg8[%rem3A_318, %dma_wait3A_333, %dma_wait3A_334] : memref<2x128x128xf32, #tpu.memory_space<vmem>> -> memref<1x128x128xf32, #tpu.memory_space<vmem>>
      %dma_wait3A_336 = tpu.memref_squeeze %dma_wait3A_335 : memref<1x128x128xf32, #tpu.memory_space<vmem>> -> memref<128x128xf32, #tpu.memory_space<vmem>>
      %dma_wait3A_337 = arith.constant 0 : i32
      %dma_wait3A_338 = tpu.memref_slice %arg6[%scan3A_317, %dma_wait3A_337] : memref<40x128xi32, #tpu.memory_space<vmem>> -> memref<1x128xi32, #tpu.memory_space<vmem>>
      %dma_wait3A_339 = tpu.memref_squeeze %dma_wait3A_338 : memref<1x128xi32, #tpu.memory_space<vmem>> -> memref<128xi32, #tpu.memory_space<vmem>>
      %dma_wait3A_340 = arith.constant 0 : i32
      %dma_wait3A_341 = arith.constant 0 : i32
      %dma_wait3A_342 = tpu.memref_slice %arg2[%dma_wait3A_340, %dma_wait3A_341] : memref<10240x128xf32, #tpu.memory_space<hbm>> -> memref<10240x128xf32, #tpu.memory_space<hbm>>
      tpu.wait_indirect_dma semaphore(%arg10 : memref<!tpu.dma_semaphore, #tpu.memory_space<semaphore_mem>>) src(%dma_wait3A_342 : memref<10240x128xf32, #tpu.memory_space<hbm>>) dst(%dma_wait3A_336 : memref<128x128xf32, #tpu.memory_space<vmem>>)
      "tpu.region"() ({
        %run_scoped3A = tpu.sem_alloc : memref<!tpu.dma_semaphore, #tpu.memory_space<semaphore_mem>>
        %dma_start3A_343 = arith.constant 0 : i32
        %dma_start3A_344 = arith.constant 0 : i32
        %dma_start3A_345 = tpu.memref_slice %arg8[%rem3A_318, %dma_start3A_343, %dma_start3A_344] : memref<2x128x128xf32, #tpu.memory_space<vmem>> -> memref<1x128x128xf32, #tpu.memory_space<vmem>>
        %dma_start3A_346 = tpu.memref_squeeze %dma_start3A_345 : memref<1x128x128xf32, #tpu.memory_space<vmem>> -> memref<128x128xf32, #tpu.memory_space<vmem>>
        %dma_start3A_347 = arith.constant 0 : i32
        %dma_start3A_348 = tpu.memref_slice %arg7[%scan3A_317, %dma_start3A_347] : memref<40x128xi32, #tpu.memory_space<vmem>> -> memref<1x128xi32, #tpu.memory_space<vmem>>
        %dma_start3A_349 = tpu.memref_squeeze %dma_start3A_348 : memref<1x128xi32, #tpu.memory_space<vmem>> -> memref<128xi32, #tpu.memory_space<vmem>>
        %dma_start3A_350 = arith.constant 0 : i32
        %dma_start3A_351 = arith.constant 0 : i32
        %dma_start3A_352 = tpu.memref_slice %arg9[%dma_start3A_350, %dma_start3A_351] : memref<10240x128xf32, #tpu.memory_space<vmem_shared>> -> memref<10240x128xf32, #tpu.memory_space<vmem_shared>>
        tpu.enqueue_indirect_dma source(%dma_start3A_346 : memref<128x128xf32, #tpu.memory_space<vmem>>) target(%dma_start3A_352 : memref<10240x128xf32, #tpu.memory_space<vmem_shared>>) offsets(%dma_start3A_349 : memref<128xi32, #tpu.memory_space<vmem>>) semaphore(%run_scoped3A : memref<!tpu.dma_semaphore, #tpu.memory_space<semaphore_mem>>) {add = true}
        %dma_wait3A_353 = arith.constant 0 : i32
        %dma_wait3A_354 = arith.constant 0 : i32
        %dma_wait3A_355 = tpu.memref_slice %arg8[%rem3A_318, %dma_wait3A_353, %dma_wait3A_354] : memref<2x128x128xf32, #tpu.memory_space<vmem>> -> memref<1x128x128xf32, #tpu.memory_space<vmem>>
        %dma_wait3A_356 = tpu.memref_squeeze %dma_wait3A_355 : memref<1x128x128xf32, #tpu.memory_space<vmem>> -> memref<128x128xf32, #tpu.memory_space<vmem>>
        %dma_wait3A_357 = arith.constant 0 : i32
        %dma_wait3A_358 = tpu.memref_slice %arg7[%scan3A_317, %dma_wait3A_357] : memref<40x128xi32, #tpu.memory_space<vmem>> -> memref<1x128xi32, #tpu.memory_space<vmem>>
        %dma_wait3A_359 = tpu.memref_squeeze %dma_wait3A_358 : memref<1x128xi32, #tpu.memory_space<vmem>> -> memref<128xi32, #tpu.memory_space<vmem>>
        %dma_wait3A_360 = arith.constant 0 : i32
        %dma_wait3A_361 = arith.constant 0 : i32
        %dma_wait3A_362 = tpu.memref_slice %arg9[%dma_wait3A_360, %dma_wait3A_361] : memref<10240x128xf32, #tpu.memory_space<vmem_shared>> -> memref<10240x128xf32, #tpu.memory_space<vmem_shared>>
        tpu.wait_indirect_dma semaphore(%run_scoped3A : memref<!tpu.dma_semaphore, #tpu.memory_space<semaphore_mem>>) src(%dma_wait3A_356 : memref<128x128xf32, #tpu.memory_space<vmem>>) dst(%dma_wait3A_362 : memref<10240x128xf32, #tpu.memory_space<vmem_shared>>)
        tpu.yield
      }) : () -> ()
    }
    %scan3A_179 = arith.constant 40 : i32
    %dma_wait3A_180 = arith.constant 39 : i32
    %dma_wait3A_181 = arith.constant 0 : i32
    %dma_wait3A_182 = arith.constant 0 : i32
    %dma_wait3A_183 = arith.constant 0 : i32
    %dma_wait3A_184 = tpu.memref_slice %arg8[%dma_wait3A_181, %dma_wait3A_182, %dma_wait3A_183] : memref<2x128x128xf32, #tpu.memory_space<vmem>> -> memref<1x128x128xf32, #tpu.memory_space<vmem>>
    %dma_wait3A_185 = tpu.memref_squeeze %dma_wait3A_184 : memref<1x128x128xf32, #tpu.memory_space<vmem>> -> memref<128x128xf32, #tpu.memory_space<vmem>>
    %dma_wait3A_186 = arith.constant 0 : i32
    %dma_wait3A_187 = tpu.memref_slice %arg6[%dma_wait3A_180, %dma_wait3A_186] : memref<40x128xi32, #tpu.memory_space<vmem>> -> memref<1x128xi32, #tpu.memory_space<vmem>>
    %dma_wait3A_188 = tpu.memref_squeeze %dma_wait3A_187 : memref<1x128xi32, #tpu.memory_space<vmem>> -> memref<128xi32, #tpu.memory_space<vmem>>
    %dma_wait3A_189 = arith.constant 0 : i32
    %dma_wait3A_190 = arith.constant 0 : i32
    %dma_wait3A_191 = tpu.memref_slice %arg2[%dma_wait3A_189, %dma_wait3A_190] : memref<10240x128xf32, #tpu.memory_space<hbm>> -> memref<10240x128xf32, #tpu.memory_space<hbm>>
    tpu.wait_indirect_dma semaphore(%arg10 : memref<!tpu.dma_semaphore, #tpu.memory_space<semaphore_mem>>) src(%dma_wait3A_191 : memref<10240x128xf32, #tpu.memory_space<hbm>>) dst(%dma_wait3A_185 : memref<128x128xf32, #tpu.memory_space<vmem>>)
    %add3A_192 = arith.constant 40 : i32
    %add3A_193 = arith.addi %mul3A_2, %add3A_192 : i32
    "tpu.region"() ({
      %run_scoped3A = tpu.sem_alloc : memref<!tpu.dma_semaphore, #tpu.memory_space<semaphore_mem>>
      %dma_start3A_317 = arith.constant 0 : i32
      %dma_start3A_318 = tpu.memref_slice %arg3[%add3A_193, %dma_start3A_317] : memref<2640x128xi32, #tpu.memory_space<hbm>> -> memref<40x128xi32, #tpu.memory_space<hbm>>
      %dma_start3A_319 = arith.constant 0 : i32
      %dma_start3A_320 = tpu.memref_slice %arg3[%add3A_193, %dma_start3A_319] : memref<2640x128xi32, #tpu.memory_space<hbm>> -> memref<40x128xi32, #tpu.memory_space<hbm>>
      tpu.enqueue_dma source(%dma_start3A_320 : memref<40x128xi32, #tpu.memory_space<hbm>>) target(%arg6 : memref<40x128xi32, #tpu.memory_space<vmem>>) target_semaphore(%run_scoped3A : memref<!tpu.dma_semaphore, #tpu.memory_space<semaphore_mem>>)
      %dma_wait3A_321 = arith.constant 0 : i32
      %dma_wait3A_322 = tpu.memref_slice %arg3[%add3A_193, %dma_wait3A_321] : memref<2640x128xi32, #tpu.memory_space<hbm>> -> memref<40x128xi32, #tpu.memory_space<hbm>>
      %dma_wait3A_323 = arith.constant 0 : i32
      %dma_wait3A_324 = tpu.memref_slice %arg3[%add3A_193, %dma_wait3A_323] : memref<2640x128xi32, #tpu.memory_space<hbm>> -> memref<40x128xi32, #tpu.memory_space<hbm>>
      tpu.wait_dma2 semaphore(%run_scoped3A : memref<!tpu.dma_semaphore, #tpu.memory_space<semaphore_mem>>) src(%dma_wait3A_324 : memref<40x128xi32, #tpu.memory_space<hbm>>) dst(%arg6 : memref<40x128xi32, #tpu.memory_space<vmem>>)
      tpu.yield
    }) : () -> ()
    %add3A_194 = arith.constant 40 : i32
    %add3A_195 = arith.addi %mul3A_2, %add3A_194 : i32
    "tpu.region"() ({
      %run_scoped3A = tpu.sem_alloc : memref<!tpu.dma_semaphore, #tpu.memory_space<semaphore_mem>>
      %dma_start3A_317 = arith.constant 0 : i32
      %dma_start3A_318 = tpu.memref_slice %arg4[%add3A_195, %dma_start3A_317] : memref<2640x128xi32, #tpu.memory_space<hbm>> -> memref<40x128xi32, #tpu.memory_space<hbm>>
      %dma_start3A_319 = arith.constant 0 : i32
      %dma_start3A_320 = tpu.memref_slice %arg4[%add3A_195, %dma_start3A_319] : memref<2640x128xi32, #tpu.memory_space<hbm>> -> memref<40x128xi32, #tpu.memory_space<hbm>>
      tpu.enqueue_dma source(%dma_start3A_320 : memref<40x128xi32, #tpu.memory_space<hbm>>) target(%arg7 : memref<40x128xi32, #tpu.memory_space<vmem>>) target_semaphore(%run_scoped3A : memref<!tpu.dma_semaphore, #tpu.memory_space<semaphore_mem>>)
      %dma_wait3A_321 = arith.constant 0 : i32
      %dma_wait3A_322 = tpu.memref_slice %arg4[%add3A_195, %dma_wait3A_321] : memref<2640x128xi32, #tpu.memory_space<hbm>> -> memref<40x128xi32, #tpu.memory_space<hbm>>
      %dma_wait3A_323 = arith.constant 0 : i32
      %dma_wait3A_324 = tpu.memref_slice %arg4[%add3A_195, %dma_wait3A_323] : memref<2640x128xi32, #tpu.memory_space<hbm>> -> memref<40x128xi32, #tpu.memory_space<hbm>>
      tpu.wait_dma2 semaphore(%run_scoped3A : memref<!tpu.dma_semaphore, #tpu.memory_space<semaphore_mem>>) src(%dma_wait3A_324 : memref<40x128xi32, #tpu.memory_space<hbm>>) dst(%arg7 : memref<40x128xi32, #tpu.memory_space<vmem>>)
      tpu.yield
    }) : () -> ()
    %dma_start3A_196 = arith.constant 0 : i32
    %dma_start3A_197 = arith.constant 0 : i32
    %dma_start3A_198 = arith.constant 0 : i32
    %dma_start3A_199 = arith.constant 0 : i32
    %dma_start3A_200 = tpu.memref_slice %arg8[%dma_start3A_197, %dma_start3A_198, %dma_start3A_199] : memref<2x128x128xf32, #tpu.memory_space<vmem>> -> memref<1x128x128xf32, #tpu.memory_space<vmem>>
    %dma_start3A_201 = tpu.memref_squeeze %dma_start3A_200 : memref<1x128x128xf32, #tpu.memory_space<vmem>> -> memref<128x128xf32, #tpu.memory_space<vmem>>
    %dma_start3A_202 = arith.constant 0 : i32
    %dma_start3A_203 = tpu.memref_slice %arg6[%dma_start3A_196, %dma_start3A_202] : memref<40x128xi32, #tpu.memory_space<vmem>> -> memref<1x128xi32, #tpu.memory_space<vmem>>
    %dma_start3A_204 = tpu.memref_squeeze %dma_start3A_203 : memref<1x128xi32, #tpu.memory_space<vmem>> -> memref<128xi32, #tpu.memory_space<vmem>>
    %dma_start3A_205 = arith.constant 0 : i32
    %dma_start3A_206 = arith.constant 0 : i32
    %dma_start3A_207 = tpu.memref_slice %arg2[%dma_start3A_205, %dma_start3A_206] : memref<10240x128xf32, #tpu.memory_space<hbm>> -> memref<10240x128xf32, #tpu.memory_space<hbm>>
    tpu.enqueue_indirect_dma source(%dma_start3A_207 : memref<10240x128xf32, #tpu.memory_space<hbm>>) target(%dma_start3A_201 : memref<128x128xf32, #tpu.memory_space<vmem>>) offsets(%dma_start3A_204 : memref<128xi32, #tpu.memory_space<vmem>>) semaphore(%arg10 : memref<!tpu.dma_semaphore, #tpu.memory_space<semaphore_mem>>)
    %scan3A_208 = arith.constant 0 : i32
    %scan3A_209 = arith.constant 0 : i32
    %scan3A_210 = arith.constant 40 : i32
    %scan3A_211 = arith.addi %scan3A_209, %scan3A_210 : i32
    %scan3A_212 = arith.constant 1 : i32
    scf.for %scan3A_317 = %scan3A_209 to %scan3A_211 step %scan3A_212  : i32 {
      %rem3A = arith.constant 2 : i32
      %rem3A_318 = arith.remsi %scan3A_317, %rem3A : i32
      %sub3A = arith.constant 1 : i32
      %sub3A_319 = arith.subi %sub3A, %rem3A_318 : i32
      %add3A_320 = arith.constant 1 : i32
      %add3A_321 = arith.addi %scan3A_317, %add3A_320 : i32
      %min3A = arith.constant 39 : i32
      %min3A_322 = arith.minsi %add3A_321, %min3A : i32
      %dma_start3A_323 = arith.constant 0 : i32
      %dma_start3A_324 = arith.constant 0 : i32
      %dma_start3A_325 = tpu.memref_slice %arg8[%sub3A_319, %dma_start3A_323, %dma_start3A_324] : memref<2x128x128xf32, #tpu.memory_space<vmem>> -> memref<1x128x128xf32, #tpu.memory_space<vmem>>
      %dma_start3A_326 = tpu.memref_squeeze %dma_start3A_325 : memref<1x128x128xf32, #tpu.memory_space<vmem>> -> memref<128x128xf32, #tpu.memory_space<vmem>>
      %dma_start3A_327 = arith.constant 0 : i32
      %dma_start3A_328 = tpu.memref_slice %arg6[%min3A_322, %dma_start3A_327] : memref<40x128xi32, #tpu.memory_space<vmem>> -> memref<1x128xi32, #tpu.memory_space<vmem>>
      %dma_start3A_329 = tpu.memref_squeeze %dma_start3A_328 : memref<1x128xi32, #tpu.memory_space<vmem>> -> memref<128xi32, #tpu.memory_space<vmem>>
      %dma_start3A_330 = arith.constant 0 : i32
      %dma_start3A_331 = arith.constant 0 : i32
      %dma_start3A_332 = tpu.memref_slice %arg2[%dma_start3A_330, %dma_start3A_331] : memref<10240x128xf32, #tpu.memory_space<hbm>> -> memref<10240x128xf32, #tpu.memory_space<hbm>>
      tpu.enqueue_indirect_dma source(%dma_start3A_332 : memref<10240x128xf32, #tpu.memory_space<hbm>>) target(%dma_start3A_326 : memref<128x128xf32, #tpu.memory_space<vmem>>) offsets(%dma_start3A_329 : memref<128xi32, #tpu.memory_space<vmem>>) semaphore(%arg10 : memref<!tpu.dma_semaphore, #tpu.memory_space<semaphore_mem>>)
      %dma_wait3A_333 = arith.constant 0 : i32
      %dma_wait3A_334 = arith.constant 0 : i32
      %dma_wait3A_335 = tpu.memref_slice %arg8[%rem3A_318, %dma_wait3A_333, %dma_wait3A_334] : memref<2x128x128xf32, #tpu.memory_space<vmem>> -> memref<1x128x128xf32, #tpu.memory_space<vmem>>
      %dma_wait3A_336 = tpu.memref_squeeze %dma_wait3A_335 : memref<1x128x128xf32, #tpu.memory_space<vmem>> -> memref<128x128xf32, #tpu.memory_space<vmem>>
      %dma_wait3A_337 = arith.constant 0 : i32
      %dma_wait3A_338 = tpu.memref_slice %arg6[%scan3A_317, %dma_wait3A_337] : memref<40x128xi32, #tpu.memory_space<vmem>> -> memref<1x128xi32, #tpu.memory_space<vmem>>
      %dma_wait3A_339 = tpu.memref_squeeze %dma_wait3A_338 : memref<1x128xi32, #tpu.memory_space<vmem>> -> memref<128xi32, #tpu.memory_space<vmem>>
      %dma_wait3A_340 = arith.constant 0 : i32
      %dma_wait3A_341 = arith.constant 0 : i32
      %dma_wait3A_342 = tpu.memref_slice %arg2[%dma_wait3A_340, %dma_wait3A_341] : memref<10240x128xf32, #tpu.memory_space<hbm>> -> memref<10240x128xf32, #tpu.memory_space<hbm>>
      tpu.wait_indirect_dma semaphore(%arg10 : memref<!tpu.dma_semaphore, #tpu.memory_space<semaphore_mem>>) src(%dma_wait3A_342 : memref<10240x128xf32, #tpu.memory_space<hbm>>) dst(%dma_wait3A_336 : memref<128x128xf32, #tpu.memory_space<vmem>>)
      "tpu.region"() ({
        %run_scoped3A = tpu.sem_alloc : memref<!tpu.dma_semaphore, #tpu.memory_space<semaphore_mem>>
        %dma_start3A_343 = arith.constant 0 : i32
        %dma_start3A_344 = arith.constant 0 : i32
        %dma_start3A_345 = tpu.memref_slice %arg8[%rem3A_318, %dma_start3A_343, %dma_start3A_344] : memref<2x128x128xf32, #tpu.memory_space<vmem>> -> memref<1x128x128xf32, #tpu.memory_space<vmem>>
        %dma_start3A_346 = tpu.memref_squeeze %dma_start3A_345 : memref<1x128x128xf32, #tpu.memory_space<vmem>> -> memref<128x128xf32, #tpu.memory_space<vmem>>
        %dma_start3A_347 = arith.constant 0 : i32
        %dma_start3A_348 = tpu.memref_slice %arg7[%scan3A_317, %dma_start3A_347] : memref<40x128xi32, #tpu.memory_space<vmem>> -> memref<1x128xi32, #tpu.memory_space<vmem>>
        %dma_start3A_349 = tpu.memref_squeeze %dma_start3A_348 : memref<1x128xi32, #tpu.memory_space<vmem>> -> memref<128xi32, #tpu.memory_space<vmem>>
        %dma_start3A_350 = arith.constant 0 : i32
        %dma_start3A_351 = arith.constant 0 : i32
        %dma_start3A_352 = tpu.memref_slice %arg9[%dma_start3A_350, %dma_start3A_351] : memref<10240x128xf32, #tpu.memory_space<vmem_shared>> -> memref<10240x128xf32, #tpu.memory_space<vmem_shared>>
        tpu.enqueue_indirect_dma source(%dma_start3A_346 : memref<128x128xf32, #tpu.memory_space<vmem>>) target(%dma_start3A_352 : memref<10240x128xf32, #tpu.memory_space<vmem_shared>>) offsets(%dma_start3A_349 : memref<128xi32, #tpu.memory_space<vmem>>) semaphore(%run_scoped3A : memref<!tpu.dma_semaphore, #tpu.memory_space<semaphore_mem>>) {add = true}
        %dma_wait3A_353 = arith.constant 0 : i32
        %dma_wait3A_354 = arith.constant 0 : i32
        %dma_wait3A_355 = tpu.memref_slice %arg8[%rem3A_318, %dma_wait3A_353, %dma_wait3A_354] : memref<2x128x128xf32, #tpu.memory_space<vmem>> -> memref<1x128x128xf32, #tpu.memory_space<vmem>>
        %dma_wait3A_356 = tpu.memref_squeeze %dma_wait3A_355 : memref<1x128x128xf32, #tpu.memory_space<vmem>> -> memref<128x128xf32, #tpu.memory_space<vmem>>
        %dma_wait3A_357 = arith.constant 0 : i32
        %dma_wait3A_358 = tpu.memref_slice %arg7[%scan3A_317, %dma_wait3A_357] : memref<40x128xi32, #tpu.memory_space<vmem>> -> memref<1x128xi32, #tpu.memory_space<vmem>>
        %dma_wait3A_359 = tpu.memref_squeeze %dma_wait3A_358 : memref<1x128xi32, #tpu.memory_space<vmem>> -> memref<128xi32, #tpu.memory_space<vmem>>
        %dma_wait3A_360 = arith.constant 0 : i32
        %dma_wait3A_361 = arith.constant 0 : i32
        %dma_wait3A_362 = tpu.memref_slice %arg9[%dma_wait3A_360, %dma_wait3A_361] : memref<10240x128xf32, #tpu.memory_space<vmem_shared>> -> memref<10240x128xf32, #tpu.memory_space<vmem_shared>>
        tpu.wait_indirect_dma semaphore(%run_scoped3A : memref<!tpu.dma_semaphore, #tpu.memory_space<semaphore_mem>>) src(%dma_wait3A_356 : memref<128x128xf32, #tpu.memory_space<vmem>>) dst(%dma_wait3A_362 : memref<10240x128xf32, #tpu.memory_space<vmem_shared>>)
        tpu.yield
      }) : () -> ()
    }
    %scan3A_213 = arith.constant 40 : i32
    %dma_wait3A_214 = arith.constant 39 : i32
    %dma_wait3A_215 = arith.constant 0 : i32
    %dma_wait3A_216 = arith.constant 0 : i32
    %dma_wait3A_217 = arith.constant 0 : i32
    %dma_wait3A_218 = tpu.memref_slice %arg8[%dma_wait3A_215, %dma_wait3A_216, %dma_wait3A_217] : memref<2x128x128xf32, #tpu.memory_space<vmem>> -> memref<1x128x128xf32, #tpu.memory_space<vmem>>
    %dma_wait3A_219 = tpu.memref_squeeze %dma_wait3A_218 : memref<1x128x128xf32, #tpu.memory_space<vmem>> -> memref<128x128xf32, #tpu.memory_space<vmem>>
    %dma_wait3A_220 = arith.constant 0 : i32
    %dma_wait3A_221 = tpu.memref_slice %arg6[%dma_wait3A_214, %dma_wait3A_220] : memref<40x128xi32, #tpu.memory_space<vmem>> -> memref<1x128xi32, #tpu.memory_space<vmem>>
    %dma_wait3A_222 = tpu.memref_squeeze %dma_wait3A_221 : memref<1x128xi32, #tpu.memory_space<vmem>> -> memref<128xi32, #tpu.memory_space<vmem>>
    %dma_wait3A_223 = arith.constant 0 : i32
    %dma_wait3A_224 = arith.constant 0 : i32
    %dma_wait3A_225 = tpu.memref_slice %arg2[%dma_wait3A_223, %dma_wait3A_224] : memref<10240x128xf32, #tpu.memory_space<hbm>> -> memref<10240x128xf32, #tpu.memory_space<hbm>>
    tpu.wait_indirect_dma semaphore(%arg10 : memref<!tpu.dma_semaphore, #tpu.memory_space<semaphore_mem>>) src(%dma_wait3A_225 : memref<10240x128xf32, #tpu.memory_space<hbm>>) dst(%dma_wait3A_219 : memref<128x128xf32, #tpu.memory_space<vmem>>)
    %barrier3A_226 = arith.constant 0 : index
    tpu.barrier barrier_id(%barrier3A_226)
    %mul3A_227 = arith.constant 640 : i32
    %mul3A_228 = arith.muli %arg1, %mul3A_227 : i32
    %add3A_229 = arith.constant 0 : i32
    %add3A_230 = arith.addi %mul3A_228, %add3A_229 : i32
    %mul3A_231 = arith.constant 640 : i32
    %mul3A_232 = arith.muli %arg1, %mul3A_231 : i32
    %add3A_233 = arith.constant 0 : i32
    %add3A_234 = arith.addi %mul3A_232, %add3A_233 : i32
    %dma_start3A_235 = arith.constant 0 : i32
    %dma_start3A_236 = tpu.memref_slice %arg5[%arg0, %add3A_234, %dma_start3A_235] : memref<2x10240x128xf32, #tpu.memory_space<hbm>> -> memref<1x128x128xf32, #tpu.memory_space<hbm>>
    %dma_start3A_237 = tpu.memref_squeeze %dma_start3A_236 : memref<1x128x128xf32, #tpu.memory_space<hbm>> -> memref<128x128xf32, #tpu.memory_space<hbm>>
    %dma_start3A_238 = arith.constant 0 : i32
    %dma_start3A_239 = tpu.memref_slice %arg9[%add3A_230, %dma_start3A_238] : memref<10240x128xf32, #tpu.memory_space<vmem_shared>> -> memref<128x128xf32, #tpu.memory_space<vmem_shared>>
    tpu.enqueue_dma source(%dma_start3A_239 : memref<128x128xf32, #tpu.memory_space<vmem_shared>>) target(%dma_start3A_237 : memref<128x128xf32, #tpu.memory_space<hbm>>) target_semaphore(%arg10 : memref<!tpu.dma_semaphore, #tpu.memory_space<semaphore_mem>>)
    %mul3A_240 = arith.constant 640 : i32
    %mul3A_241 = arith.muli %arg1, %mul3A_240 : i32
    %add3A_242 = arith.constant 128 : i32
    %add3A_243 = arith.addi %mul3A_241, %add3A_242 : i32
    %mul3A_244 = arith.constant 640 : i32
    %mul3A_245 = arith.muli %arg1, %mul3A_244 : i32
    %add3A_246 = arith.constant 128 : i32
    %add3A_247 = arith.addi %mul3A_245, %add3A_246 : i32
    %dma_start3A_248 = arith.constant 0 : i32
    %dma_start3A_249 = tpu.memref_slice %arg5[%arg0, %add3A_247, %dma_start3A_248] : memref<2x10240x128xf32, #tpu.memory_space<hbm>> -> memref<1x128x128xf32, #tpu.memory_space<hbm>>
    %dma_start3A_250 = tpu.memref_squeeze %dma_start3A_249 : memref<1x128x128xf32, #tpu.memory_space<hbm>> -> memref<128x128xf32, #tpu.memory_space<hbm>>
    %dma_start3A_251 = arith.constant 0 : i32
    %dma_start3A_252 = tpu.memref_slice %arg9[%add3A_243, %dma_start3A_251] : memref<10240x128xf32, #tpu.memory_space<vmem_shared>> -> memref<128x128xf32, #tpu.memory_space<vmem_shared>>
    tpu.enqueue_dma source(%dma_start3A_252 : memref<128x128xf32, #tpu.memory_space<vmem_shared>>) target(%dma_start3A_250 : memref<128x128xf32, #tpu.memory_space<hbm>>) target_semaphore(%arg10 : memref<!tpu.dma_semaphore, #tpu.memory_space<semaphore_mem>>)
    %mul3A_253 = arith.constant 640 : i32
    %mul3A_254 = arith.muli %arg1, %mul3A_253 : i32
    %add3A_255 = arith.constant 256 : i32
    %add3A_256 = arith.addi %mul3A_254, %add3A_255 : i32
    %mul3A_257 = arith.constant 640 : i32
    %mul3A_258 = arith.muli %arg1, %mul3A_257 : i32
    %add3A_259 = arith.constant 256 : i32
    %add3A_260 = arith.addi %mul3A_258, %add3A_259 : i32
    %dma_start3A_261 = arith.constant 0 : i32
    %dma_start3A_262 = tpu.memref_slice %arg5[%arg0, %add3A_260, %dma_start3A_261] : memref<2x10240x128xf32, #tpu.memory_space<hbm>> -> memref<1x128x128xf32, #tpu.memory_space<hbm>>
    %dma_start3A_263 = tpu.memref_squeeze %dma_start3A_262 : memref<1x128x128xf32, #tpu.memory_space<hbm>> -> memref<128x128xf32, #tpu.memory_space<hbm>>
    %dma_start3A_264 = arith.constant 0 : i32
    %dma_start3A_265 = tpu.memref_slice %arg9[%add3A_256, %dma_start3A_264] : memref<10240x128xf32, #tpu.memory_space<vmem_shared>> -> memref<128x128xf32, #tpu.memory_space<vmem_shared>>
    tpu.enqueue_dma source(%dma_start3A_265 : memref<128x128xf32, #tpu.memory_space<vmem_shared>>) target(%dma_start3A_263 : memref<128x128xf32, #tpu.memory_space<hbm>>) target_semaphore(%arg10 : memref<!tpu.dma_semaphore, #tpu.memory_space<semaphore_mem>>)
    %mul3A_266 = arith.constant 640 : i32
    %mul3A_267 = arith.muli %arg1, %mul3A_266 : i32
    %add3A_268 = arith.constant 384 : i32
    %add3A_269 = arith.addi %mul3A_267, %add3A_268 : i32
    %mul3A_270 = arith.constant 640 : i32
    %mul3A_271 = arith.muli %arg1, %mul3A_270 : i32
    %add3A_272 = arith.constant 384 : i32
    %add3A_273 = arith.addi %mul3A_271, %add3A_272 : i32
    %dma_start3A_274 = arith.constant 0 : i32
    %dma_start3A_275 = tpu.memref_slice %arg5[%arg0, %add3A_273, %dma_start3A_274] : memref<2x10240x128xf32, #tpu.memory_space<hbm>> -> memref<1x128x128xf32, #tpu.memory_space<hbm>>
    %dma_start3A_276 = tpu.memref_squeeze %dma_start3A_275 : memref<1x128x128xf32, #tpu.memory_space<hbm>> -> memref<128x128xf32, #tpu.memory_space<hbm>>
    %dma_start3A_277 = arith.constant 0 : i32
    %dma_start3A_278 = tpu.memref_slice %arg9[%add3A_269, %dma_start3A_277] : memref<10240x128xf32, #tpu.memory_space<vmem_shared>> -> memref<128x128xf32, #tpu.memory_space<vmem_shared>>
    tpu.enqueue_dma source(%dma_start3A_278 : memref<128x128xf32, #tpu.memory_space<vmem_shared>>) target(%dma_start3A_276 : memref<128x128xf32, #tpu.memory_space<hbm>>) target_semaphore(%arg10 : memref<!tpu.dma_semaphore, #tpu.memory_space<semaphore_mem>>)
    %mul3A_279 = arith.constant 640 : i32
    %mul3A_280 = arith.muli %arg1, %mul3A_279 : i32
    %add3A_281 = arith.constant 512 : i32
    %add3A_282 = arith.addi %mul3A_280, %add3A_281 : i32
    %mul3A_283 = arith.constant 640 : i32
    %mul3A_284 = arith.muli %arg1, %mul3A_283 : i32
    %add3A_285 = arith.constant 512 : i32
    %add3A_286 = arith.addi %mul3A_284, %add3A_285 : i32
    %dma_start3A_287 = arith.constant 0 : i32
    %dma_start3A_288 = tpu.memref_slice %arg5[%arg0, %add3A_286, %dma_start3A_287] : memref<2x10240x128xf32, #tpu.memory_space<hbm>> -> memref<1x128x128xf32, #tpu.memory_space<hbm>>
    %dma_start3A_289 = tpu.memref_squeeze %dma_start3A_288 : memref<1x128x128xf32, #tpu.memory_space<hbm>> -> memref<128x128xf32, #tpu.memory_space<hbm>>
    %dma_start3A_290 = arith.constant 0 : i32
    %dma_start3A_291 = tpu.memref_slice %arg9[%add3A_282, %dma_start3A_290] : memref<10240x128xf32, #tpu.memory_space<vmem_shared>> -> memref<128x128xf32, #tpu.memory_space<vmem_shared>>
    tpu.enqueue_dma source(%dma_start3A_291 : memref<128x128xf32, #tpu.memory_space<vmem_shared>>) target(%dma_start3A_289 : memref<128x128xf32, #tpu.memory_space<hbm>>) target_semaphore(%arg10 : memref<!tpu.dma_semaphore, #tpu.memory_space<semaphore_mem>>)
    %dma_wait3A_292 = arith.constant 0 : i32
    %dma_wait3A_293 = tpu.memref_slice %arg5[%arg0, %add3A_234, %dma_wait3A_292] : memref<2x10240x128xf32, #tpu.memory_space<hbm>> -> memref<1x128x128xf32, #tpu.memory_space<hbm>>
    %dma_wait3A_294 = tpu.memref_squeeze %dma_wait3A_293 : memref<1x128x128xf32, #tpu.memory_space<hbm>> -> memref<128x128xf32, #tpu.memory_space<hbm>>
    %dma_wait3A_295 = arith.constant 0 : i32
    %dma_wait3A_296 = tpu.memref_slice %arg9[%add3A_230, %dma_wait3A_295] : memref<10240x128xf32, #tpu.memory_space<vmem_shared>> -> memref<128x128xf32, #tpu.memory_space<vmem_shared>>
    tpu.wait_dma2 semaphore(%arg10 : memref<!tpu.dma_semaphore, #tpu.memory_space<semaphore_mem>>) src(%dma_wait3A_296 : memref<128x128xf32, #tpu.memory_space<vmem_shared>>) dst(%dma_wait3A_294 : memref<128x128xf32, #tpu.memory_space<hbm>>)
    %dma_wait3A_297 = arith.constant 0 : i32
    %dma_wait3A_298 = tpu.memref_slice %arg5[%arg0, %add3A_247, %dma_wait3A_297] : memref<2x10240x128xf32, #tpu.memory_space<hbm>> -> memref<1x128x128xf32, #tpu.memory_space<hbm>>
    %dma_wait3A_299 = tpu.memref_squeeze %dma_wait3A_298 : memref<1x128x128xf32, #tpu.memory_space<hbm>> -> memref<128x128xf32, #tpu.memory_space<hbm>>
    %dma_wait3A_300 = arith.constant 0 : i32
    %dma_wait3A_301 = tpu.memref_slice %arg9[%add3A_243, %dma_wait3A_300] : memref<10240x128xf32, #tpu.memory_space<vmem_shared>> -> memref<128x128xf32, #tpu.memory_space<vmem_shared>>
    tpu.wait_dma2 semaphore(%arg10 : memref<!tpu.dma_semaphore, #tpu.memory_space<semaphore_mem>>) src(%dma_wait3A_301 : memref<128x128xf32, #tpu.memory_space<vmem_shared>>) dst(%dma_wait3A_299 : memref<128x128xf32, #tpu.memory_space<hbm>>)
    %dma_wait3A_302 = arith.constant 0 : i32
    %dma_wait3A_303 = tpu.memref_slice %arg5[%arg0, %add3A_260, %dma_wait3A_302] : memref<2x10240x128xf32, #tpu.memory_space<hbm>> -> memref<1x128x128xf32, #tpu.memory_space<hbm>>
    %dma_wait3A_304 = tpu.memref_squeeze %dma_wait3A_303 : memref<1x128x128xf32, #tpu.memory_space<hbm>> -> memref<128x128xf32, #tpu.memory_space<hbm>>
    %dma_wait3A_305 = arith.constant 0 : i32
    %dma_wait3A_306 = tpu.memref_slice %arg9[%add3A_256, %dma_wait3A_305] : memref<10240x128xf32, #tpu.memory_space<vmem_shared>> -> memref<128x128xf32, #tpu.memory_space<vmem_shared>>
    tpu.wait_dma2 semaphore(%arg10 : memref<!tpu.dma_semaphore, #tpu.memory_space<semaphore_mem>>) src(%dma_wait3A_306 : memref<128x128xf32, #tpu.memory_space<vmem_shared>>) dst(%dma_wait3A_304 : memref<128x128xf32, #tpu.memory_space<hbm>>)
    %dma_wait3A_307 = arith.constant 0 : i32
    %dma_wait3A_308 = tpu.memref_slice %arg5[%arg0, %add3A_273, %dma_wait3A_307] : memref<2x10240x128xf32, #tpu.memory_space<hbm>> -> memref<1x128x128xf32, #tpu.memory_space<hbm>>
    %dma_wait3A_309 = tpu.memref_squeeze %dma_wait3A_308 : memref<1x128x128xf32, #tpu.memory_space<hbm>> -> memref<128x128xf32, #tpu.memory_space<hbm>>
    %dma_wait3A_310 = arith.constant 0 : i32
    %dma_wait3A_311 = tpu.memref_slice %arg9[%add3A_269, %dma_wait3A_310] : memref<10240x128xf32, #tpu.memory_space<vmem_shared>> -> memref<128x128xf32, #tpu.memory_space<vmem_shared>>
    tpu.wait_dma2 semaphore(%arg10 : memref<!tpu.dma_semaphore, #tpu.memory_space<semaphore_mem>>) src(%dma_wait3A_311 : memref<128x128xf32, #tpu.memory_space<vmem_shared>>) dst(%dma_wait3A_309 : memref<128x128xf32, #tpu.memory_space<hbm>>)
    %dma_wait3A_312 = arith.constant 0 : i32
    %dma_wait3A_313 = tpu.memref_slice %arg5[%arg0, %add3A_286, %dma_wait3A_312] : memref<2x10240x128xf32, #tpu.memory_space<hbm>> -> memref<1x128x128xf32, #tpu.memory_space<hbm>>
    %dma_wait3A_314 = tpu.memref_squeeze %dma_wait3A_313 : memref<1x128x128xf32, #tpu.memory_space<hbm>> -> memref<128x128xf32, #tpu.memory_space<hbm>>
    %dma_wait3A_315 = arith.constant 0 : i32
    %dma_wait3A_316 = tpu.memref_slice %arg9[%add3A_282, %dma_wait3A_315] : memref<10240x128xf32, #tpu.memory_space<vmem_shared>> -> memref<128x128xf32, #tpu.memory_space<vmem_shared>>
    tpu.wait_dma2 semaphore(%arg10 : memref<!tpu.dma_semaphore, #tpu.memory_space<semaphore_mem>>) src(%dma_wait3A_316 : memref<128x128xf32, #tpu.memory_space<vmem_shared>>) dst(%dma_wait3A_314 : memref<128x128xf32, #tpu.memory_space<hbm>>)
    return
  }
}

#map = affine_map<(d0, d1) -> (0, 0)>
#map1 = affine_map<(d0, d1) -> (0)>
module attributes {stable_mosaic.version = 14 : i64} {
  func.func @_deg_body(%arg0: i32, %arg1: i32, %arg2: memref<2640x128xi32, #tpu.memory_space<hbm>>, %arg3: memref<2640x128xi32, #tpu.memory_space<hbm>>, %arg4: memref<10240xf32, #tpu.memory_space<hbm>>, %arg5: memref<32x10240xf32, #tpu.memory_space<hbm>>, %arg6: memref<32x10240xf32, #tpu.memory_space<hbm>>, %arg7: memref<32x10240xf32, #tpu.memory_space<hbm>>, %arg8: memref<80x128xi32, #tpu.memory_space<vmem>>, %arg9: memref<80x128xi32, #tpu.memory_space<vmem>>, %arg10: memref<10240xf32, #tpu.memory_space<vmem>>, %arg11: memref<10240xf32, #tpu.memory_space<vmem>>, %arg12: memref<10240xf32, #tpu.memory_space<vmem>>, %arg13: memref<10240xf32, #tpu.memory_space<vmem>>) attributes {dimension_semantics = [#tpu.dimension_semantics<core_parallel>, #tpu.dimension_semantics<subcore_parallel>], iteration_bounds = array<i64: 2, 16>, scalar_prefetch = 0 : i64, scratch_operands = 6 : i64, tpu.core_type = #tpu.core_type<sc_vector_subcore>, window_params = [{transform_indices = #map}, {transform_indices = #map}, {transform_indices = #map1}, {transform_indices = #map}, {transform_indices = #map}, {transform_indices = #map}]} {
    %mul3A = arith.constant 2 : i32
    %mul3A_0 = arith.muli %arg1, %mul3A : i32
    %add3A = arith.addi %mul3A_0, %arg0 : i32
    %mul3A_1 = arith.constant 80 : i32
    %mul3A_2 = arith.muli %add3A, %mul3A_1 : i32
    "tpu.region"() ({
      %run_scoped3A = tpu.sem_alloc : memref<!tpu.dma_semaphore, #tpu.memory_space<semaphore_mem>>
      %dma_start3A = arith.constant 0 : i32
      %dma_start3A_35 = tpu.memref_slice %arg2[%mul3A_2, %dma_start3A] : memref<2640x128xi32, #tpu.memory_space<hbm>> -> memref<80x128xi32, #tpu.memory_space<hbm>>
      %dma_start3A_36 = arith.constant 0 : i32
      %dma_start3A_37 = tpu.memref_slice %arg2[%mul3A_2, %dma_start3A_36] : memref<2640x128xi32, #tpu.memory_space<hbm>> -> memref<80x128xi32, #tpu.memory_space<hbm>>
      tpu.enqueue_dma source(%dma_start3A_37 : memref<80x128xi32, #tpu.memory_space<hbm>>) target(%arg8 : memref<80x128xi32, #tpu.memory_space<vmem>>) target_semaphore(%run_scoped3A : memref<!tpu.dma_semaphore, #tpu.memory_space<semaphore_mem>>)
      %dma_wait3A = arith.constant 0 : i32
      %dma_wait3A_38 = tpu.memref_slice %arg2[%mul3A_2, %dma_wait3A] : memref<2640x128xi32, #tpu.memory_space<hbm>> -> memref<80x128xi32, #tpu.memory_space<hbm>>
      %dma_wait3A_39 = arith.constant 0 : i32
      %dma_wait3A_40 = tpu.memref_slice %arg2[%mul3A_2, %dma_wait3A_39] : memref<2640x128xi32, #tpu.memory_space<hbm>> -> memref<80x128xi32, #tpu.memory_space<hbm>>
      tpu.wait_dma2 semaphore(%run_scoped3A : memref<!tpu.dma_semaphore, #tpu.memory_space<semaphore_mem>>) src(%dma_wait3A_40 : memref<80x128xi32, #tpu.memory_space<hbm>>) dst(%arg8 : memref<80x128xi32, #tpu.memory_space<vmem>>)
      tpu.yield
    }) : () -> ()
    %mul3A_3 = arith.constant 80 : i32
    %mul3A_4 = arith.muli %add3A, %mul3A_3 : i32
    "tpu.region"() ({
      %run_scoped3A = tpu.sem_alloc : memref<!tpu.dma_semaphore, #tpu.memory_space<semaphore_mem>>
      %dma_start3A = arith.constant 0 : i32
      %dma_start3A_35 = tpu.memref_slice %arg3[%mul3A_4, %dma_start3A] : memref<2640x128xi32, #tpu.memory_space<hbm>> -> memref<80x128xi32, #tpu.memory_space<hbm>>
      %dma_start3A_36 = arith.constant 0 : i32
      %dma_start3A_37 = tpu.memref_slice %arg3[%mul3A_4, %dma_start3A_36] : memref<2640x128xi32, #tpu.memory_space<hbm>> -> memref<80x128xi32, #tpu.memory_space<hbm>>
      tpu.enqueue_dma source(%dma_start3A_37 : memref<80x128xi32, #tpu.memory_space<hbm>>) target(%arg9 : memref<80x128xi32, #tpu.memory_space<vmem>>) target_semaphore(%run_scoped3A : memref<!tpu.dma_semaphore, #tpu.memory_space<semaphore_mem>>)
      %dma_wait3A = arith.constant 0 : i32
      %dma_wait3A_38 = tpu.memref_slice %arg3[%mul3A_4, %dma_wait3A] : memref<2640x128xi32, #tpu.memory_space<hbm>> -> memref<80x128xi32, #tpu.memory_space<hbm>>
      %dma_wait3A_39 = arith.constant 0 : i32
      %dma_wait3A_40 = tpu.memref_slice %arg3[%mul3A_4, %dma_wait3A_39] : memref<2640x128xi32, #tpu.memory_space<hbm>> -> memref<80x128xi32, #tpu.memory_space<hbm>>
      tpu.wait_dma2 semaphore(%run_scoped3A : memref<!tpu.dma_semaphore, #tpu.memory_space<semaphore_mem>>) src(%dma_wait3A_40 : memref<80x128xi32, #tpu.memory_space<hbm>>) dst(%arg9 : memref<80x128xi32, #tpu.memory_space<vmem>>)
      tpu.yield
    }) : () -> ()
    "tpu.region"() ({
      %run_scoped3A = tpu.sem_alloc : memref<!tpu.dma_semaphore, #tpu.memory_space<semaphore_mem>>
      tpu.enqueue_dma source(%arg4 : memref<10240xf32, #tpu.memory_space<hbm>>) target(%arg10 : memref<10240xf32, #tpu.memory_space<vmem>>) target_semaphore(%run_scoped3A : memref<!tpu.dma_semaphore, #tpu.memory_space<semaphore_mem>>)
      tpu.wait_dma2 semaphore(%run_scoped3A : memref<!tpu.dma_semaphore, #tpu.memory_space<semaphore_mem>>) src(%arg4 : memref<10240xf32, #tpu.memory_space<hbm>>) dst(%arg10 : memref<10240xf32, #tpu.memory_space<vmem>>)
      tpu.yield
    }) : () -> ()
    %broadcast_in_dim3A = arith.constant 0.000000e+00 : f32
    %broadcast_in_dim3A_5 = vector.broadcast %broadcast_in_dim3A : f32 to vector<16xf32>
    %scan3A = arith.constant 0 : i32
    %scan3A_6 = arith.constant 0 : i32
    %scan3A_7 = arith.constant 640 : i32
    %scan3A_8 = arith.addi %scan3A_6, %scan3A_7 : i32
    %scan3A_9 = arith.constant 1 : i32
    scf.for %scan3A_35 = %scan3A_6 to %scan3A_8 step %scan3A_9  : i32 {
      %mul3A_36 = arith.constant 16 : i32
      %mul3A_37 = arith.muli %scan3A_35, %mul3A_36 : i32
      %swap3A = arith.index_cast %mul3A_37 : i32 to index
      %swap3A_38 = tpu.vector_load %arg11[%swap3A] {strides = array<i32>} : memref<10240xf32, #tpu.memory_space<vmem>>, vector<16xf32>,
      tpu.vector_store %arg11[%swap3A], %broadcast_in_dim3A_5 {strides = array<i32>} : memref<10240xf32, #tpu.memory_space<vmem>>, vector<16xf32>,
    }
    %scan3A_10 = arith.constant 640 : i32
    %broadcast_in_dim3A_11 = arith.constant 0.000000e+00 : f32
    %broadcast_in_dim3A_12 = vector.broadcast %broadcast_in_dim3A_11 : f32 to vector<16xf32>
    %scan3A_13 = arith.constant 0 : i32
    %scan3A_14 = arith.constant 0 : i32
    %scan3A_15 = arith.constant 640 : i32
    %scan3A_16 = arith.addi %scan3A_14, %scan3A_15 : i32
    %scan3A_17 = arith.constant 1 : i32
    scf.for %scan3A_35 = %scan3A_14 to %scan3A_16 step %scan3A_17  : i32 {
      %mul3A_36 = arith.constant 16 : i32
      %mul3A_37 = arith.muli %scan3A_35, %mul3A_36 : i32
      %swap3A = arith.index_cast %mul3A_37 : i32 to index
      %swap3A_38 = tpu.vector_load %arg12[%swap3A] {strides = array<i32>} : memref<10240xf32, #tpu.memory_space<vmem>>, vector<16xf32>,
      tpu.vector_store %arg12[%swap3A], %broadcast_in_dim3A_12 {strides = array<i32>} : memref<10240xf32, #tpu.memory_space<vmem>>, vector<16xf32>,
    }
    %scan3A_18 = arith.constant 640 : i32
    %broadcast_in_dim3A_19 = arith.constant 0.000000e+00 : f32
    %broadcast_in_dim3A_20 = vector.broadcast %broadcast_in_dim3A_19 : f32 to vector<16xf32>
    %scan3A_21 = arith.constant 0 : i32
    %scan3A_22 = arith.constant 0 : i32
    %scan3A_23 = arith.constant 640 : i32
    %scan3A_24 = arith.addi %scan3A_22, %scan3A_23 : i32
    %scan3A_25 = arith.constant 1 : i32
    scf.for %scan3A_35 = %scan3A_22 to %scan3A_24 step %scan3A_25  : i32 {
      %mul3A_36 = arith.constant 16 : i32
      %mul3A_37 = arith.muli %scan3A_35, %mul3A_36 : i32
      %swap3A = arith.index_cast %mul3A_37 : i32 to index
      %swap3A_38 = tpu.vector_load %arg13[%swap3A] {strides = array<i32>} : memref<10240xf32, #tpu.memory_space<vmem>>, vector<16xf32>,
      tpu.vector_store %arg13[%swap3A], %broadcast_in_dim3A_20 {strides = array<i32>} : memref<10240xf32, #tpu.memory_space<vmem>>, vector<16xf32>,
    }
    %scan3A_26 = arith.constant 640 : i32
    %broadcast_in_dim3A_27 = arith.constant 1.000000e+00 : f32
    %broadcast_in_dim3A_28 = vector.broadcast %broadcast_in_dim3A_27 : f32 to vector<16xf32>
    %scan3A_29 = arith.constant 0 : i32
    %scan3A_30 = arith.constant 0 : i32
    %scan3A_31 = arith.constant 80 : i32
    %scan3A_32 = arith.addi %scan3A_30, %scan3A_31 : i32
    %scan3A_33 = arith.constant 1 : i32
    scf.for %scan3A_35 = %scan3A_30 to %scan3A_32 step %scan3A_33  : i32 {
      %get3A = arith.index_cast %scan3A_35 : i32 to index
      %get3A_36 = arith.constant 0 : index
      %get3A_37 = tpu.vector_load %arg8[%get3A, %get3A_36] {strides = array<i32>} : memref<80x128xi32, #tpu.memory_space<vmem>>, vector<16xi32>,
      %get3A_38 = arith.index_cast %scan3A_35 : i32 to index
      %get3A_39 = arith.constant 0 : index
      %get3A_40 = tpu.vector_load %arg9[%get3A_38, %get3A_39] {strides = array<i32>} : memref<80x128xi32, #tpu.memory_space<vmem>>, vector<16xi32>,
      %gather3A = tpu.vector_load_idx %arg10[%get3A_40] : memref<10240xf32, #tpu.memory_space<vmem>>[vector<16xi32>], vector<16xf32>,
      tpu.vector_store_idx %arg11[%get3A_37], %gather3A {add = true} : memref<10240xf32, #tpu.memory_space<vmem>>[vector<16xi32>], vector<16xf32>,
      tpu.vector_store_idx %arg12[%get3A_40], %broadcast_in_dim3A_28 {add = true} : memref<10240xf32, #tpu.memory_space<vmem>>[vector<16xi32>], vector<16xf32>,
      tpu.vector_store_idx %arg13[%get3A_37], %broadcast_in_dim3A_28 {add = true} : memref<10240xf32, #tpu.memory_space<vmem>>[vector<16xi32>], vector<16xf32>,
      %get3A_41 = arith.index_cast %scan3A_35 : i32 to index
      %get3A_42 = arith.constant 16 : index
      %get3A_43 = tpu.vector_load %arg8[%get3A_41, %get3A_42] {strides = array<i32>} : memref<80x128xi32, #tpu.memory_space<vmem>>, vector<16xi32>,
      %get3A_44 = arith.index_cast %scan3A_35 : i32 to index
      %get3A_45 = arith.constant 16 : index
      %get3A_46 = tpu.vector_load %arg9[%get3A_44, %get3A_45] {strides = array<i32>} : memref<80x128xi32, #tpu.memory_space<vmem>>, vector<16xi32>,
      %gather3A_47 = tpu.vector_load_idx %arg10[%get3A_46] : memref<10240xf32, #tpu.memory_space<vmem>>[vector<16xi32>], vector<16xf32>,
      tpu.vector_store_idx %arg11[%get3A_43], %gather3A_47 {add = true} : memref<10240xf32, #tpu.memory_space<vmem>>[vector<16xi32>], vector<16xf32>,
      tpu.vector_store_idx %arg12[%get3A_46], %broadcast_in_dim3A_28 {add = true} : memref<10240xf32, #tpu.memory_space<vmem>>[vector<16xi32>], vector<16xf32>,
      tpu.vector_store_idx %arg13[%get3A_43], %broadcast_in_dim3A_28 {add = true} : memref<10240xf32, #tpu.memory_space<vmem>>[vector<16xi32>], vector<16xf32>,
      %get3A_48 = arith.index_cast %scan3A_35 : i32 to index
      %get3A_49 = arith.constant 32 : index
      %get3A_50 = tpu.vector_load %arg8[%get3A_48, %get3A_49] {strides = array<i32>} : memref<80x128xi32, #tpu.memory_space<vmem>>, vector<16xi32>,
      %get3A_51 = arith.index_cast %scan3A_35 : i32 to index
      %get3A_52 = arith.constant 32 : index
      %get3A_53 = tpu.vector_load %arg9[%get3A_51, %get3A_52] {strides = array<i32>} : memref<80x128xi32, #tpu.memory_space<vmem>>, vector<16xi32>,
      %gather3A_54 = tpu.vector_load_idx %arg10[%get3A_53] : memref<10240xf32, #tpu.memory_space<vmem>>[vector<16xi32>], vector<16xf32>,
      tpu.vector_store_idx %arg11[%get3A_50], %gather3A_54 {add = true} : memref<10240xf32, #tpu.memory_space<vmem>>[vector<16xi32>], vector<16xf32>,
      tpu.vector_store_idx %arg12[%get3A_53], %broadcast_in_dim3A_28 {add = true} : memref<10240xf32, #tpu.memory_space<vmem>>[vector<16xi32>], vector<16xf32>,
      tpu.vector_store_idx %arg13[%get3A_50], %broadcast_in_dim3A_28 {add = true} : memref<10240xf32, #tpu.memory_space<vmem>>[vector<16xi32>], vector<16xf32>,
      %get3A_55 = arith.index_cast %scan3A_35 : i32 to index
      %get3A_56 = arith.constant 48 : index
      %get3A_57 = tpu.vector_load %arg8[%get3A_55, %get3A_56] {strides = array<i32>} : memref<80x128xi32, #tpu.memory_space<vmem>>, vector<16xi32>,
      %get3A_58 = arith.index_cast %scan3A_35 : i32 to index
      %get3A_59 = arith.constant 48 : index
      %get3A_60 = tpu.vector_load %arg9[%get3A_58, %get3A_59] {strides = array<i32>} : memref<80x128xi32, #tpu.memory_space<vmem>>, vector<16xi32>,
      %gather3A_61 = tpu.vector_load_idx %arg10[%get3A_60] : memref<10240xf32, #tpu.memory_space<vmem>>[vector<16xi32>], vector<16xf32>,
      tpu.vector_store_idx %arg11[%get3A_57], %gather3A_61 {add = true} : memref<10240xf32, #tpu.memory_space<vmem>>[vector<16xi32>], vector<16xf32>,
      tpu.vector_store_idx %arg12[%get3A_60], %broadcast_in_dim3A_28 {add = true} : memref<10240xf32, #tpu.memory_space<vmem>>[vector<16xi32>], vector<16xf32>,
      tpu.vector_store_idx %arg13[%get3A_57], %broadcast_in_dim3A_28 {add = true} : memref<10240xf32, #tpu.memory_space<vmem>>[vector<16xi32>], vector<16xf32>,
      %get3A_62 = arith.index_cast %scan3A_35 : i32 to index
      %get3A_63 = arith.constant 64 : index
      %get3A_64 = tpu.vector_load %arg8[%get3A_62, %get3A_63] {strides = array<i32>} : memref<80x128xi32, #tpu.memory_space<vmem>>, vector<16xi32>,
      %get3A_65 = arith.index_cast %scan3A_35 : i32 to index
      %get3A_66 = arith.constant 64 : index
      %get3A_67 = tpu.vector_load %arg9[%get3A_65, %get3A_66] {strides = array<i32>} : memref<80x128xi32, #tpu.memory_space<vmem>>, vector<16xi32>,
      %gather3A_68 = tpu.vector_load_idx %arg10[%get3A_67] : memref<10240xf32, #tpu.memory_space<vmem>>[vector<16xi32>], vector<16xf32>,
      tpu.vector_store_idx %arg11[%get3A_64], %gather3A_68 {add = true} : memref<10240xf32, #tpu.memory_space<vmem>>[vector<16xi32>], vector<16xf32>,
      tpu.vector_store_idx %arg12[%get3A_67], %broadcast_in_dim3A_28 {add = true} : memref<10240xf32, #tpu.memory_space<vmem>>[vector<16xi32>], vector<16xf32>,
      tpu.vector_store_idx %arg13[%get3A_64], %broadcast_in_dim3A_28 {add = true} : memref<10240xf32, #tpu.memory_space<vmem>>[vector<16xi32>], vector<16xf32>,
      %get3A_69 = arith.index_cast %scan3A_35 : i32 to index
      %get3A_70 = arith.constant 80 : index
      %get3A_71 = tpu.vector_load %arg8[%get3A_69, %get3A_70] {strides = array<i32>} : memref<80x128xi32, #tpu.memory_space<vmem>>, vector<16xi32>,
      %get3A_72 = arith.index_cast %scan3A_35 : i32 to index
      %get3A_73 = arith.constant 80 : index
      %get3A_74 = tpu.vector_load %arg9[%get3A_72, %get3A_73] {strides = array<i32>} : memref<80x128xi32, #tpu.memory_space<vmem>>, vector<16xi32>,
      %gather3A_75 = tpu.vector_load_idx %arg10[%get3A_74] : memref<10240xf32, #tpu.memory_space<vmem>>[vector<16xi32>], vector<16xf32>,
      tpu.vector_store_idx %arg11[%get3A_71], %gather3A_75 {add = true} : memref<10240xf32, #tpu.memory_space<vmem>>[vector<16xi32>], vector<16xf32>,
      tpu.vector_store_idx %arg12[%get3A_74], %broadcast_in_dim3A_28 {add = true} : memref<10240xf32, #tpu.memory_space<vmem>>[vector<16xi32>], vector<16xf32>,
      tpu.vector_store_idx %arg13[%get3A_71], %broadcast_in_dim3A_28 {add = true} : memref<10240xf32, #tpu.memory_space<vmem>>[vector<16xi32>], vector<16xf32>,
      %get3A_76 = arith.index_cast %scan3A_35 : i32 to index
      %get3A_77 = arith.constant 96 : index
      %get3A_78 = tpu.vector_load %arg8[%get3A_76, %get3A_77] {strides = array<i32>} : memref<80x128xi32, #tpu.memory_space<vmem>>, vector<16xi32>,
      %get3A_79 = arith.index_cast %scan3A_35 : i32 to index
      %get3A_80 = arith.constant 96 : index
      %get3A_81 = tpu.vector_load %arg9[%get3A_79, %get3A_80] {strides = array<i32>} : memref<80x128xi32, #tpu.memory_space<vmem>>, vector<16xi32>,
      %gather3A_82 = tpu.vector_load_idx %arg10[%get3A_81] : memref<10240xf32, #tpu.memory_space<vmem>>[vector<16xi32>], vector<16xf32>,
      tpu.vector_store_idx %arg11[%get3A_78], %gather3A_82 {add = true} : memref<10240xf32, #tpu.memory_space<vmem>>[vector<16xi32>], vector<16xf32>,
      tpu.vector_store_idx %arg12[%get3A_81], %broadcast_in_dim3A_28 {add = true} : memref<10240xf32, #tpu.memory_space<vmem>>[vector<16xi32>], vector<16xf32>,
      tpu.vector_store_idx %arg13[%get3A_78], %broadcast_in_dim3A_28 {add = true} : memref<10240xf32, #tpu.memory_space<vmem>>[vector<16xi32>], vector<16xf32>,
      %get3A_83 = arith.index_cast %scan3A_35 : i32 to index
      %get3A_84 = arith.constant 112 : index
      %get3A_85 = tpu.vector_load %arg8[%get3A_83, %get3A_84] {strides = array<i32>} : memref<80x128xi32, #tpu.memory_space<vmem>>, vector<16xi32>,
      %get3A_86 = arith.index_cast %scan3A_35 : i32 to index
      %get3A_87 = arith.constant 112 : index
      %get3A_88 = tpu.vector_load %arg9[%get3A_86, %get3A_87] {strides = array<i32>} : memref<80x128xi32, #tpu.memory_space<vmem>>, vector<16xi32>,
      %gather3A_89 = tpu.vector_load_idx %arg10[%get3A_88] : memref<10240xf32, #tpu.memory_space<vmem>>[vector<16xi32>], vector<16xf32>,
      tpu.vector_store_idx %arg11[%get3A_85], %gather3A_89 {add = true} : memref<10240xf32, #tpu.memory_space<vmem>>[vector<16xi32>], vector<16xf32>,
      tpu.vector_store_idx %arg12[%get3A_88], %broadcast_in_dim3A_28 {add = true} : memref<10240xf32, #tpu.memory_space<vmem>>[vector<16xi32>], vector<16xf32>,
      tpu.vector_store_idx %arg13[%get3A_85], %broadcast_in_dim3A_28 {add = true} : memref<10240xf32, #tpu.memory_space<vmem>>[vector<16xi32>], vector<16xf32>,
    }
    %scan3A_34 = arith.constant 80 : i32
    "tpu.region"() ({
      %run_scoped3A = tpu.sem_alloc : memref<!tpu.dma_semaphore, #tpu.memory_space<semaphore_mem>>
      %dma_start3A = arith.constant 0 : i32
      %dma_start3A_35 = tpu.memref_slice %arg5[%add3A, %dma_start3A] : memref<32x10240xf32, #tpu.memory_space<hbm>> -> memref<1x10240xf32, #tpu.memory_space<hbm>>
      %dma_start3A_36 = tpu.memref_squeeze %dma_start3A_35 : memref<1x10240xf32, #tpu.memory_space<hbm>> -> memref<10240xf32, #tpu.memory_space<hbm>>
      %dma_start3A_37 = arith.constant 0 : i32
      %dma_start3A_38 = tpu.memref_slice %arg5[%add3A, %dma_start3A_37] : memref<32x10240xf32, #tpu.memory_space<hbm>> -> memref<1x10240xf32, #tpu.memory_space<hbm>>
      %dma_start3A_39 = tpu.memref_squeeze %dma_start3A_38 : memref<1x10240xf32, #tpu.memory_space<hbm>> -> memref<10240xf32, #tpu.memory_space<hbm>>
      tpu.enqueue_dma source(%arg11 : memref<10240xf32, #tpu.memory_space<vmem>>) target(%dma_start3A_39 : memref<10240xf32, #tpu.memory_space<hbm>>) target_semaphore(%run_scoped3A : memref<!tpu.dma_semaphore, #tpu.memory_space<semaphore_mem>>)
      %dma_wait3A = arith.constant 0 : i32
      %dma_wait3A_40 = tpu.memref_slice %arg5[%add3A, %dma_wait3A] : memref<32x10240xf32, #tpu.memory_space<hbm>> -> memref<1x10240xf32, #tpu.memory_space<hbm>>
      %dma_wait3A_41 = tpu.memref_squeeze %dma_wait3A_40 : memref<1x10240xf32, #tpu.memory_space<hbm>> -> memref<10240xf32, #tpu.memory_space<hbm>>
      %dma_wait3A_42 = arith.constant 0 : i32
      %dma_wait3A_43 = tpu.memref_slice %arg5[%add3A, %dma_wait3A_42] : memref<32x10240xf32, #tpu.memory_space<hbm>> -> memref<1x10240xf32, #tpu.memory_space<hbm>>
      %dma_wait3A_44 = tpu.memref_squeeze %dma_wait3A_43 : memref<1x10240xf32, #tpu.memory_space<hbm>> -> memref<10240xf32, #tpu.memory_space<hbm>>
      tpu.wait_dma2 semaphore(%run_scoped3A : memref<!tpu.dma_semaphore, #tpu.memory_space<semaphore_mem>>) src(%arg11 : memref<10240xf32, #tpu.memory_space<vmem>>) dst(%dma_wait3A_44 : memref<10240xf32, #tpu.memory_space<hbm>>)
      tpu.yield
    }) : () -> ()
    "tpu.region"() ({
      %run_scoped3A = tpu.sem_alloc : memref<!tpu.dma_semaphore, #tpu.memory_space<semaphore_mem>>
      %dma_start3A = arith.constant 0 : i32
      %dma_start3A_35 = tpu.memref_slice %arg6[%add3A, %dma_start3A] : memref<32x10240xf32, #tpu.memory_space<hbm>> -> memref<1x10240xf32, #tpu.memory_space<hbm>>
      %dma_start3A_36 = tpu.memref_squeeze %dma_start3A_35 : memref<1x10240xf32, #tpu.memory_space<hbm>> -> memref<10240xf32, #tpu.memory_space<hbm>>
      %dma_start3A_37 = arith.constant 0 : i32
      %dma_start3A_38 = tpu.memref_slice %arg6[%add3A, %dma_start3A_37] : memref<32x10240xf32, #tpu.memory_space<hbm>> -> memref<1x10240xf32, #tpu.memory_space<hbm>>
      %dma_start3A_39 = tpu.memref_squeeze %dma_start3A_38 : memref<1x10240xf32, #tpu.memory_space<hbm>> -> memref<10240xf32, #tpu.memory_space<hbm>>
      tpu.enqueue_dma source(%arg12 : memref<10240xf32, #tpu.memory_space<vmem>>) target(%dma_start3A_39 : memref<10240xf32, #tpu.memory_space<hbm>>) target_semaphore(%run_scoped3A : memref<!tpu.dma_semaphore, #tpu.memory_space<semaphore_mem>>)
      %dma_wait3A = arith.constant 0 : i32
      %dma_wait3A_40 = tpu.memref_slice %arg6[%add3A, %dma_wait3A] : memref<32x10240xf32, #tpu.memory_space<hbm>> -> memref<1x10240xf32, #tpu.memory_space<hbm>>
      %dma_wait3A_41 = tpu.memref_squeeze %dma_wait3A_40 : memref<1x10240xf32, #tpu.memory_space<hbm>> -> memref<10240xf32, #tpu.memory_space<hbm>>
      %dma_wait3A_42 = arith.constant 0 : i32
      %dma_wait3A_43 = tpu.memref_slice %arg6[%add3A, %dma_wait3A_42] : memref<32x10240xf32, #tpu.memory_space<hbm>> -> memref<1x10240xf32, #tpu.memory_space<hbm>>
      %dma_wait3A_44 = tpu.memref_squeeze %dma_wait3A_43 : memref<1x10240xf32, #tpu.memory_space<hbm>> -> memref<10240xf32, #tpu.memory_space<hbm>>
      tpu.wait_dma2 semaphore(%run_scoped3A : memref<!tpu.dma_semaphore, #tpu.memory_space<semaphore_mem>>) src(%arg12 : memref<10240xf32, #tpu.memory_space<vmem>>) dst(%dma_wait3A_44 : memref<10240xf32, #tpu.memory_space<hbm>>)
      tpu.yield
    }) : () -> ()
    "tpu.region"() ({
      %run_scoped3A = tpu.sem_alloc : memref<!tpu.dma_semaphore, #tpu.memory_space<semaphore_mem>>
      %dma_start3A = arith.constant 0 : i32
      %dma_start3A_35 = tpu.memref_slice %arg7[%add3A, %dma_start3A] : memref<32x10240xf32, #tpu.memory_space<hbm>> -> memref<1x10240xf32, #tpu.memory_space<hbm>>
      %dma_start3A_36 = tpu.memref_squeeze %dma_start3A_35 : memref<1x10240xf32, #tpu.memory_space<hbm>> -> memref<10240xf32, #tpu.memory_space<hbm>>
      %dma_start3A_37 = arith.constant 0 : i32
      %dma_start3A_38 = tpu.memref_slice %arg7[%add3A, %dma_start3A_37] : memref<32x10240xf32, #tpu.memory_space<hbm>> -> memref<1x10240xf32, #tpu.memory_space<hbm>>
      %dma_start3A_39 = tpu.memref_squeeze %dma_start3A_38 : memref<1x10240xf32, #tpu.memory_space<hbm>> -> memref<10240xf32, #tpu.memory_space<hbm>>
      tpu.enqueue_dma source(%arg13 : memref<10240xf32, #tpu.memory_space<vmem>>) target(%dma_start3A_39 : memref<10240xf32, #tpu.memory_space<hbm>>) target_semaphore(%run_scoped3A : memref<!tpu.dma_semaphore, #tpu.memory_space<semaphore_mem>>)
      %dma_wait3A = arith.constant 0 : i32
      %dma_wait3A_40 = tpu.memref_slice %arg7[%add3A, %dma_wait3A] : memref<32x10240xf32, #tpu.memory_space<hbm>> -> memref<1x10240xf32, #tpu.memory_space<hbm>>
      %dma_wait3A_41 = tpu.memref_squeeze %dma_wait3A_40 : memref<1x10240xf32, #tpu.memory_space<hbm>> -> memref<10240xf32, #tpu.memory_space<hbm>>
      %dma_wait3A_42 = arith.constant 0 : i32
      %dma_wait3A_43 = tpu.memref_slice %arg7[%add3A, %dma_wait3A_42] : memref<32x10240xf32, #tpu.memory_space<hbm>> -> memref<1x10240xf32, #tpu.memory_space<hbm>>
      %dma_wait3A_44 = tpu.memref_squeeze %dma_wait3A_43 : memref<1x10240xf32, #tpu.memory_space<hbm>> -> memref<10240xf32, #tpu.memory_space<hbm>>
      tpu.wait_dma2 semaphore(%run_scoped3A : memref<!tpu.dma_semaphore, #tpu.memory_space<semaphore_mem>>) src(%arg13 : memref<10240xf32, #tpu.memory_space<vmem>>) dst(%dma_wait3A_44 : memref<10240xf32, #tpu.memory_space<hbm>>)
      tpu.yield
    }) : () -> ()
    return
  }
}

#map = affine_map<(d0, d1) -> (0, 0)>
#map1 = affine_map<(d0, d1) -> (0, 0, 0)>
module attributes {stable_mosaic.version = 14 : i64} {
  func.func @_sc_prop_body(%arg0: i32, %arg1: i32, %arg2: memref<10240x128xf32, #tpu.memory_space<hbm>>, %arg3: memref<2640x128xi32, #tpu.memory_space<hbm>>, %arg4: memref<2640x128xi32, #tpu.memory_space<hbm>>, %arg5: memref<2x10240x128xf32, #tpu.memory_space<hbm>>, %arg6: memref<40x128xi32, #tpu.memory_space<vmem>>, %arg7: memref<40x128xi32, #tpu.memory_space<vmem>>, %arg8: memref<2x128x128xf32, #tpu.memory_space<vmem>>, %arg9: memref<10240x128xf32, #tpu.memory_space<vmem_shared>>, %arg10: memref<!tpu.dma_semaphore, #tpu.memory_space<semaphore_mem>>) attributes {dimension_semantics = [#tpu.dimension_semantics<core_parallel>, #tpu.dimension_semantics<subcore_parallel>], iteration_bounds = array<i64: 2, 16>, scalar_prefetch = 0 : i64, scratch_operands = 5 : i64, tpu.core_type = #tpu.core_type<sc_vector_subcore>, window_params = [{transform_indices = #map}, {transform_indices = #map}, {transform_indices = #map}, {transform_indices = #map1}]} {
    %mul3A = arith.constant 2 : i32
    %mul3A_0 = arith.muli %arg1, %mul3A : i32
    %add3A = arith.addi %mul3A_0, %arg0 : i32
    %mul3A_1 = arith.constant 80 : i32
    %mul3A_2 = arith.muli %add3A, %mul3A_1 : i32
    %broadcast_in_dim3A = arith.constant 0.000000e+00 : f32
    %broadcast_in_dim3A_3 = vector.broadcast %broadcast_in_dim3A : f32 to vector<16xf32>
    %scan3A = arith.constant 0 : i32
    %scan3A_4 = arith.constant 0 : i32
    %scan3A_5 = arith.constant 0 : i32
    %scan3A_6 = arith.constant 128 : i32
    %scan3A_7 = arith.addi %scan3A_5, %scan3A_6 : i32
    %scan3A_8 = arith.constant 1 : i32
    scf.for %scan3A_317 = %scan3A_5 to %scan3A_7 step %scan3A_8  : i32 {
      %swap3A = arith.constant 0 : i32
      %swap3A_318 = arith.constant 0 : i32
      %swap3A_319 = tpu.memref_slice %arg8[%scan3A_4, %swap3A, %swap3A_318] : memref<2x128x128xf32, #tpu.memory_space<vmem>> -> memref<1x128x128xf32, #tpu.memory_space<vmem>>
      %swap3A_320 = tpu.memref_squeeze %swap3A_319 : memref<1x128x128xf32, #tpu.memory_space<vmem>> -> memref<128x128xf32, #tpu.memory_space<vmem>>
      %swap3A_321 = arith.index_cast %scan3A_317 : i32 to index
      %swap3A_322 = arith.constant 0 : index
      %swap3A_323 = tpu.vector_load %swap3A_320[%swap3A_321, %swap3A_322] {strides = array<i32>} : memref<128x128xf32, #tpu.memory_space<vmem>>, vector<16xf32>,
      tpu.vector_store %swap3A_320[%swap3A_321, %swap3A_322], %broadcast_in_dim3A_3 {strides = array<i32>} : memref<128x128xf32, #tpu.memory_space<vmem>>, vector<16xf32>,
      %swap3A_324 = arith.constant 0 : i32
      %swap3A_325 = arith.constant 0 : i32
      %swap3A_326 = tpu.memref_slice %arg8[%scan3A_4, %swap3A_324, %swap3A_325] : memref<2x128x128xf32, #tpu.memory_space<vmem>> -> memref<1x128x128xf32, #tpu.memory_space<vmem>>
      %swap3A_327 = tpu.memref_squeeze %swap3A_326 : memref<1x128x128xf32, #tpu.memory_space<vmem>> -> memref<128x128xf32, #tpu.memory_space<vmem>>
      %swap3A_328 = arith.index_cast %scan3A_317 : i32 to index
      %swap3A_329 = arith.constant 16 : index
      %swap3A_330 = tpu.vector_load %swap3A_327[%swap3A_328, %swap3A_329] {strides = array<i32>} : memref<128x128xf32, #tpu.memory_space<vmem>>, vector<16xf32>,
      tpu.vector_store %swap3A_327[%swap3A_328, %swap3A_329], %broadcast_in_dim3A_3 {strides = array<i32>} : memref<128x128xf32, #tpu.memory_space<vmem>>, vector<16xf32>,
      %swap3A_331 = arith.constant 0 : i32
      %swap3A_332 = arith.constant 0 : i32
      %swap3A_333 = tpu.memref_slice %arg8[%scan3A_4, %swap3A_331, %swap3A_332] : memref<2x128x128xf32, #tpu.memory_space<vmem>> -> memref<1x128x128xf32, #tpu.memory_space<vmem>>
      %swap3A_334 = tpu.memref_squeeze %swap3A_333 : memref<1x128x128xf32, #tpu.memory_space<vmem>> -> memref<128x128xf32, #tpu.memory_space<vmem>>
      %swap3A_335 = arith.index_cast %scan3A_317 : i32 to index
      %swap3A_336 = arith.constant 32 : index
      %swap3A_337 = tpu.vector_load %swap3A_334[%swap3A_335, %swap3A_336] {strides = array<i32>} : memref<128x128xf32, #tpu.memory_space<vmem>>, vector<16xf32>,
      tpu.vector_store %swap3A_334[%swap3A_335, %swap3A_336], %broadcast_in_dim3A_3 {strides = array<i32>} : memref<128x128xf32, #tpu.memory_space<vmem>>, vector<16xf32>,
      %swap3A_338 = arith.constant 0 : i32
      %swap3A_339 = arith.constant 0 : i32
      %swap3A_340 = tpu.memref_slice %arg8[%scan3A_4, %swap3A_338, %swap3A_339] : memref<2x128x128xf32, #tpu.memory_space<vmem>> -> memref<1x128x128xf32, #tpu.memory_space<vmem>>
      %swap3A_341 = tpu.memref_squeeze %swap3A_340 : memref<1x128x128xf32, #tpu.memory_space<vmem>> -> memref<128x128xf32, #tpu.memory_space<vmem>>
      %swap3A_342 = arith.index_cast %scan3A_317 : i32 to index
      %swap3A_343 = arith.constant 48 : index
      %swap3A_344 = tpu.vector_load %swap3A_341[%swap3A_342, %swap3A_343] {strides = array<i32>} : memref<128x128xf32, #tpu.memory_space<vmem>>, vector<16xf32>,
      tpu.vector_store %swap3A_341[%swap3A_342, %swap3A_343], %broadcast_in_dim3A_3 {strides = array<i32>} : memref<128x128xf32, #tpu.memory_space<vmem>>, vector<16xf32>,
      %swap3A_345 = arith.constant 0 : i32
      %swap3A_346 = arith.constant 0 : i32
      %swap3A_347 = tpu.memref_slice %arg8[%scan3A_4, %swap3A_345, %swap3A_346] : memref<2x128x128xf32, #tpu.memory_space<vmem>> -> memref<1x128x128xf32, #tpu.memory_space<vmem>>
      %swap3A_348 = tpu.memref_squeeze %swap3A_347 : memref<1x128x128xf32, #tpu.memory_space<vmem>> -> memref<128x128xf32, #tpu.memory_space<vmem>>
      %swap3A_349 = arith.index_cast %scan3A_317 : i32 to index
      %swap3A_350 = arith.constant 64 : index
      %swap3A_351 = tpu.vector_load %swap3A_348[%swap3A_349, %swap3A_350] {strides = array<i32>} : memref<128x128xf32, #tpu.memory_space<vmem>>, vector<16xf32>,
      tpu.vector_store %swap3A_348[%swap3A_349, %swap3A_350], %broadcast_in_dim3A_3 {strides = array<i32>} : memref<128x128xf32, #tpu.memory_space<vmem>>, vector<16xf32>,
      %swap3A_352 = arith.constant 0 : i32
      %swap3A_353 = arith.constant 0 : i32
      %swap3A_354 = tpu.memref_slice %arg8[%scan3A_4, %swap3A_352, %swap3A_353] : memref<2x128x128xf32, #tpu.memory_space<vmem>> -> memref<1x128x128xf32, #tpu.memory_space<vmem>>
      %swap3A_355 = tpu.memref_squeeze %swap3A_354 : memref<1x128x128xf32, #tpu.memory_space<vmem>> -> memref<128x128xf32, #tpu.memory_space<vmem>>
      %swap3A_356 = arith.index_cast %scan3A_317 : i32 to index
      %swap3A_357 = arith.constant 80 : index
      %swap3A_358 = tpu.vector_load %swap3A_355[%swap3A_356, %swap3A_357] {strides = array<i32>} : memref<128x128xf32, #tpu.memory_space<vmem>>, vector<16xf32>,
      tpu.vector_store %swap3A_355[%swap3A_356, %swap3A_357], %broadcast_in_dim3A_3 {strides = array<i32>} : memref<128x128xf32, #tpu.memory_space<vmem>>, vector<16xf32>,
      %swap3A_359 = arith.constant 0 : i32
      %swap3A_360 = arith.constant 0 : i32
      %swap3A_361 = tpu.memref_slice %arg8[%scan3A_4, %swap3A_359, %swap3A_360] : memref<2x128x128xf32, #tpu.memory_space<vmem>> -> memref<1x128x128xf32, #tpu.memory_space<vmem>>
      %swap3A_362 = tpu.memref_squeeze %swap3A_361 : memref<1x128x128xf32, #tpu.memory_space<vmem>> -> memref<128x128xf32, #tpu.memory_space<vmem>>
      %swap3A_363 = arith.index_cast %scan3A_317 : i32 to index
      %swap3A_364 = arith.constant 96 : index
      %swap3A_365 = tpu.vector_load %swap3A_362[%swap3A_363, %swap3A_364] {strides = array<i32>} : memref<128x128xf32, #tpu.memory_space<vmem>>, vector<16xf32>,
      tpu.vector_store %swap3A_362[%swap3A_363, %swap3A_364], %broadcast_in_dim3A_3 {strides = array<i32>} : memref<128x128xf32, #tpu.memory_space<vmem>>, vector<16xf32>,
      %swap3A_366 = arith.constant 0 : i32
      %swap3A_367 = arith.constant 0 : i32
      %swap3A_368 = tpu.memref_slice %arg8[%scan3A_4, %swap3A_366, %swap3A_367] : memref<2x128x128xf32, #tpu.memory_space<vmem>> -> memref<1x128x128xf32, #tpu.memory_space<vmem>>
      %swap3A_369 = tpu.memref_squeeze %swap3A_368 : memref<1x128x128xf32, #tpu.memory_space<vmem>> -> memref<128x128xf32, #tpu.memory_space<vmem>>
      %swap3A_370 = arith.index_cast %scan3A_317 : i32 to index
      %swap3A_371 = arith.constant 112 : index
      %swap3A_372 = tpu.vector_load %swap3A_369[%swap3A_370, %swap3A_371] {strides = array<i32>} : memref<128x128xf32, #tpu.memory_space<vmem>>, vector<16xf32>,
      tpu.vector_store %swap3A_369[%swap3A_370, %swap3A_371], %broadcast_in_dim3A_3 {strides = array<i32>} : memref<128x128xf32, #tpu.memory_space<vmem>>, vector<16xf32>,
    }
    %scan3A_9 = arith.constant 128 : i32
    %mul3A_10 = arith.constant 640 : i32
    %mul3A_11 = arith.muli %arg1, %mul3A_10 : i32
    %add3A_12 = arith.constant 0 : i32
    %add3A_13 = arith.addi %mul3A_11, %add3A_12 : i32
    %dma_start3A = arith.constant 0 : i32
    %dma_start3A_14 = arith.constant 0 : i32
    %dma_start3A_15 = arith.constant 0 : i32
    %dma_start3A_16 = tpu.memref_slice %arg8[%dma_start3A, %dma_start3A_14, %dma_start3A_15] : memref<2x128x128xf32, #tpu.memory_space<vmem>> -> memref<1x128x128xf32, #tpu.memory_space<vmem>>
    %dma_start3A_17 = tpu.memref_squeeze %dma_start3A_16 : memref<1x128x128xf32, #tpu.memory_space<vmem>> -> memref<128x128xf32, #tpu.memory_space<vmem>>
    %dma_start3A_18 = arith.constant 0 : i32
    %dma_start3A_19 = tpu.memref_slice %arg9[%add3A_13, %dma_start3A_18] : memref<10240x128xf32, #tpu.memory_space<vmem_shared>> -> memref<128x128xf32, #tpu.memory_space<vmem_shared>>
    %dma_start3A_20 = arith.constant 0 : i32
    %dma_start3A_21 = tpu.memref_slice %arg9[%add3A_13, %dma_start3A_20] : memref<10240x128xf32, #tpu.memory_space<vmem_shared>> -> memref<128x128xf32, #tpu.memory_space<vmem_shared>>
    %dma_start3A_22 = arith.constant 0 : i32
    %dma_start3A_23 = arith.constant 0 : i32
    %dma_start3A_24 = tpu.memref_slice %arg8[%dma_start3A, %dma_start3A_22, %dma_start3A_23] : memref<2x128x128xf32, #tpu.memory_space<vmem>> -> memref<1x128x128xf32, #tpu.memory_space<vmem>>
    %dma_start3A_25 = tpu.memref_squeeze %dma_start3A_24 : memref<1x128x128xf32, #tpu.memory_space<vmem>> -> memref<128x128xf32, #tpu.memory_space<vmem>>
    tpu.enqueue_dma source(%dma_start3A_25 : memref<128x128xf32, #tpu.memory_space<vmem>>) target(%dma_start3A_21 : memref<128x128xf32, #tpu.memory_space<vmem_shared>>) target_semaphore(%arg10 : memref<!tpu.dma_semaphore, #tpu.memory_space<semaphore_mem>>)
    %mul3A_26 = arith.constant 640 : i32
    %mul3A_27 = arith.muli %arg1, %mul3A_26 : i32
    %add3A_28 = arith.constant 128 : i32
    %add3A_29 = arith.addi %mul3A_27, %add3A_28 : i32
    %dma_start3A_30 = arith.constant 0 : i32
    %dma_start3A_31 = arith.constant 0 : i32
    %dma_start3A_32 = arith.constant 0 : i32
    %dma_start3A_33 = tpu.memref_slice %arg8[%dma_start3A_30, %dma_start3A_31, %dma_start3A_32] : memref<2x128x128xf32, #tpu.memory_space<vmem>> -> memref<1x128x128xf32, #tpu.memory_space<vmem>>
    %dma_start3A_34 = tpu.memref_squeeze %dma_start3A_33 : memref<1x128x128xf32, #tpu.memory_space<vmem>> -> memref<128x128xf32, #tpu.memory_space<vmem>>
    %dma_start3A_35 = arith.constant 0 : i32
    %dma_start3A_36 = tpu.memref_slice %arg9[%add3A_29, %dma_start3A_35] : memref<10240x128xf32, #tpu.memory_space<vmem_shared>> -> memref<128x128xf32, #tpu.memory_space<vmem_shared>>
    %dma_start3A_37 = arith.constant 0 : i32
    %dma_start3A_38 = tpu.memref_slice %arg9[%add3A_29, %dma_start3A_37] : memref<10240x128xf32, #tpu.memory_space<vmem_shared>> -> memref<128x128xf32, #tpu.memory_space<vmem_shared>>
    %dma_start3A_39 = arith.constant 0 : i32
    %dma_start3A_40 = arith.constant 0 : i32
    %dma_start3A_41 = tpu.memref_slice %arg8[%dma_start3A_30, %dma_start3A_39, %dma_start3A_40] : memref<2x128x128xf32, #tpu.memory_space<vmem>> -> memref<1x128x128xf32, #tpu.memory_space<vmem>>
    %dma_start3A_42 = tpu.memref_squeeze %dma_start3A_41 : memref<1x128x128xf32, #tpu.memory_space<vmem>> -> memref<128x128xf32, #tpu.memory_space<vmem>>
    tpu.enqueue_dma source(%dma_start3A_42 : memref<128x128xf32, #tpu.memory_space<vmem>>) target(%dma_start3A_38 : memref<128x128xf32, #tpu.memory_space<vmem_shared>>) target_semaphore(%arg10 : memref<!tpu.dma_semaphore, #tpu.memory_space<semaphore_mem>>)
    %mul3A_43 = arith.constant 640 : i32
    %mul3A_44 = arith.muli %arg1, %mul3A_43 : i32
    %add3A_45 = arith.constant 256 : i32
    %add3A_46 = arith.addi %mul3A_44, %add3A_45 : i32
    %dma_start3A_47 = arith.constant 0 : i32
    %dma_start3A_48 = arith.constant 0 : i32
    %dma_start3A_49 = arith.constant 0 : i32
    %dma_start3A_50 = tpu.memref_slice %arg8[%dma_start3A_47, %dma_start3A_48, %dma_start3A_49] : memref<2x128x128xf32, #tpu.memory_space<vmem>> -> memref<1x128x128xf32, #tpu.memory_space<vmem>>
    %dma_start3A_51 = tpu.memref_squeeze %dma_start3A_50 : memref<1x128x128xf32, #tpu.memory_space<vmem>> -> memref<128x128xf32, #tpu.memory_space<vmem>>
    %dma_start3A_52 = arith.constant 0 : i32
    %dma_start3A_53 = tpu.memref_slice %arg9[%add3A_46, %dma_start3A_52] : memref<10240x128xf32, #tpu.memory_space<vmem_shared>> -> memref<128x128xf32, #tpu.memory_space<vmem_shared>>
    %dma_start3A_54 = arith.constant 0 : i32
    %dma_start3A_55 = tpu.memref_slice %arg9[%add3A_46, %dma_start3A_54] : memref<10240x128xf32, #tpu.memory_space<vmem_shared>> -> memref<128x128xf32, #tpu.memory_space<vmem_shared>>
    %dma_start3A_56 = arith.constant 0 : i32
    %dma_start3A_57 = arith.constant 0 : i32
    %dma_start3A_58 = tpu.memref_slice %arg8[%dma_start3A_47, %dma_start3A_56, %dma_start3A_57] : memref<2x128x128xf32, #tpu.memory_space<vmem>> -> memref<1x128x128xf32, #tpu.memory_space<vmem>>
    %dma_start3A_59 = tpu.memref_squeeze %dma_start3A_58 : memref<1x128x128xf32, #tpu.memory_space<vmem>> -> memref<128x128xf32, #tpu.memory_space<vmem>>
    tpu.enqueue_dma source(%dma_start3A_59 : memref<128x128xf32, #tpu.memory_space<vmem>>) target(%dma_start3A_55 : memref<128x128xf32, #tpu.memory_space<vmem_shared>>) target_semaphore(%arg10 : memref<!tpu.dma_semaphore, #tpu.memory_space<semaphore_mem>>)
    %mul3A_60 = arith.constant 640 : i32
    %mul3A_61 = arith.muli %arg1, %mul3A_60 : i32
    %add3A_62 = arith.constant 384 : i32
    %add3A_63 = arith.addi %mul3A_61, %add3A_62 : i32
    %dma_start3A_64 = arith.constant 0 : i32
    %dma_start3A_65 = arith.constant 0 : i32
    %dma_start3A_66 = arith.constant 0 : i32
    %dma_start3A_67 = tpu.memref_slice %arg8[%dma_start3A_64, %dma_start3A_65, %dma_start3A_66] : memref<2x128x128xf32, #tpu.memory_space<vmem>> -> memref<1x128x128xf32, #tpu.memory_space<vmem>>
    %dma_start3A_68 = tpu.memref_squeeze %dma_start3A_67 : memref<1x128x128xf32, #tpu.memory_space<vmem>> -> memref<128x128xf32, #tpu.memory_space<vmem>>
    %dma_start3A_69 = arith.constant 0 : i32
    %dma_start3A_70 = tpu.memref_slice %arg9[%add3A_63, %dma_start3A_69] : memref<10240x128xf32, #tpu.memory_space<vmem_shared>> -> memref<128x128xf32, #tpu.memory_space<vmem_shared>>
    %dma_start3A_71 = arith.constant 0 : i32
    %dma_start3A_72 = tpu.memref_slice %arg9[%add3A_63, %dma_start3A_71] : memref<10240x128xf32, #tpu.memory_space<vmem_shared>> -> memref<128x128xf32, #tpu.memory_space<vmem_shared>>
    %dma_start3A_73 = arith.constant 0 : i32
    %dma_start3A_74 = arith.constant 0 : i32
    %dma_start3A_75 = tpu.memref_slice %arg8[%dma_start3A_64, %dma_start3A_73, %dma_start3A_74] : memref<2x128x128xf32, #tpu.memory_space<vmem>> -> memref<1x128x128xf32, #tpu.memory_space<vmem>>
    %dma_start3A_76 = tpu.memref_squeeze %dma_start3A_75 : memref<1x128x128xf32, #tpu.memory_space<vmem>> -> memref<128x128xf32, #tpu.memory_space<vmem>>
    tpu.enqueue_dma source(%dma_start3A_76 : memref<128x128xf32, #tpu.memory_space<vmem>>) target(%dma_start3A_72 : memref<128x128xf32, #tpu.memory_space<vmem_shared>>) target_semaphore(%arg10 : memref<!tpu.dma_semaphore, #tpu.memory_space<semaphore_mem>>)
    %mul3A_77 = arith.constant 640 : i32
    %mul3A_78 = arith.muli %arg1, %mul3A_77 : i32
    %add3A_79 = arith.constant 512 : i32
    %add3A_80 = arith.addi %mul3A_78, %add3A_79 : i32
    %dma_start3A_81 = arith.constant 0 : i32
    %dma_start3A_82 = arith.constant 0 : i32
    %dma_start3A_83 = arith.constant 0 : i32
    %dma_start3A_84 = tpu.memref_slice %arg8[%dma_start3A_81, %dma_start3A_82, %dma_start3A_83] : memref<2x128x128xf32, #tpu.memory_space<vmem>> -> memref<1x128x128xf32, #tpu.memory_space<vmem>>
    %dma_start3A_85 = tpu.memref_squeeze %dma_start3A_84 : memref<1x128x128xf32, #tpu.memory_space<vmem>> -> memref<128x128xf32, #tpu.memory_space<vmem>>
    %dma_start3A_86 = arith.constant 0 : i32
    %dma_start3A_87 = tpu.memref_slice %arg9[%add3A_80, %dma_start3A_86] : memref<10240x128xf32, #tpu.memory_space<vmem_shared>> -> memref<128x128xf32, #tpu.memory_space<vmem_shared>>
    %dma_start3A_88 = arith.constant 0 : i32
    %dma_start3A_89 = tpu.memref_slice %arg9[%add3A_80, %dma_start3A_88] : memref<10240x128xf32, #tpu.memory_space<vmem_shared>> -> memref<128x128xf32, #tpu.memory_space<vmem_shared>>
    %dma_start3A_90 = arith.constant 0 : i32
    %dma_start3A_91 = arith.constant 0 : i32
    %dma_start3A_92 = tpu.memref_slice %arg8[%dma_start3A_81, %dma_start3A_90, %dma_start3A_91] : memref<2x128x128xf32, #tpu.memory_space<vmem>> -> memref<1x128x128xf32, #tpu.memory_space<vmem>>
    %dma_start3A_93 = tpu.memref_squeeze %dma_start3A_92 : memref<1x128x128xf32, #tpu.memory_space<vmem>> -> memref<128x128xf32, #tpu.memory_space<vmem>>
    tpu.enqueue_dma source(%dma_start3A_93 : memref<128x128xf32, #tpu.memory_space<vmem>>) target(%dma_start3A_89 : memref<128x128xf32, #tpu.memory_space<vmem_shared>>) target_semaphore(%arg10 : memref<!tpu.dma_semaphore, #tpu.memory_space<semaphore_mem>>)
    %dma_wait3A = arith.constant 0 : i32
    %dma_wait3A_94 = arith.constant 0 : i32
    %dma_wait3A_95 = arith.constant 0 : i32
    %dma_wait3A_96 = tpu.memref_slice %arg8[%dma_wait3A, %dma_wait3A_94, %dma_wait3A_95] : memref<2x128x128xf32, #tpu.memory_space<vmem>> -> memref<1x128x128xf32, #tpu.memory_space<vmem>>
    %dma_wait3A_97 = tpu.memref_squeeze %dma_wait3A_96 : memref<1x128x128xf32, #tpu.memory_space<vmem>> -> memref<128x128xf32, #tpu.memory_space<vmem>>
    %dma_wait3A_98 = arith.constant 0 : i32
    %dma_wait3A_99 = tpu.memref_slice %arg9[%add3A_13, %dma_wait3A_98] : memref<10240x128xf32, #tpu.memory_space<vmem_shared>> -> memref<128x128xf32, #tpu.memory_space<vmem_shared>>
    %dma_wait3A_100 = arith.constant 0 : i32
    %dma_wait3A_101 = tpu.memref_slice %arg9[%add3A_13, %dma_wait3A_100] : memref<10240x128xf32, #tpu.memory_space<vmem_shared>> -> memref<128x128xf32, #tpu.memory_space<vmem_shared>>
    %dma_wait3A_102 = arith.constant 0 : i32
    %dma_wait3A_103 = arith.constant 0 : i32
    %dma_wait3A_104 = tpu.memref_slice %arg8[%dma_wait3A, %dma_wait3A_102, %dma_wait3A_103] : memref<2x128x128xf32, #tpu.memory_space<vmem>> -> memref<1x128x128xf32, #tpu.memory_space<vmem>>
    %dma_wait3A_105 = tpu.memref_squeeze %dma_wait3A_104 : memref<1x128x128xf32, #tpu.memory_space<vmem>> -> memref<128x128xf32, #tpu.memory_space<vmem>>
    tpu.wait_dma2 semaphore(%arg10 : memref<!tpu.dma_semaphore, #tpu.memory_space<semaphore_mem>>) src(%dma_wait3A_105 : memref<128x128xf32, #tpu.memory_space<vmem>>) dst(%dma_wait3A_101 : memref<128x128xf32, #tpu.memory_space<vmem_shared>>)
    %dma_wait3A_106 = arith.constant 0 : i32
    %dma_wait3A_107 = arith.constant 0 : i32
    %dma_wait3A_108 = arith.constant 0 : i32
    %dma_wait3A_109 = tpu.memref_slice %arg8[%dma_wait3A_106, %dma_wait3A_107, %dma_wait3A_108] : memref<2x128x128xf32, #tpu.memory_space<vmem>> -> memref<1x128x128xf32, #tpu.memory_space<vmem>>
    %dma_wait3A_110 = tpu.memref_squeeze %dma_wait3A_109 : memref<1x128x128xf32, #tpu.memory_space<vmem>> -> memref<128x128xf32, #tpu.memory_space<vmem>>
    %dma_wait3A_111 = arith.constant 0 : i32
    %dma_wait3A_112 = tpu.memref_slice %arg9[%add3A_29, %dma_wait3A_111] : memref<10240x128xf32, #tpu.memory_space<vmem_shared>> -> memref<128x128xf32, #tpu.memory_space<vmem_shared>>
    %dma_wait3A_113 = arith.constant 0 : i32
    %dma_wait3A_114 = tpu.memref_slice %arg9[%add3A_29, %dma_wait3A_113] : memref<10240x128xf32, #tpu.memory_space<vmem_shared>> -> memref<128x128xf32, #tpu.memory_space<vmem_shared>>
    %dma_wait3A_115 = arith.constant 0 : i32
    %dma_wait3A_116 = arith.constant 0 : i32
    %dma_wait3A_117 = tpu.memref_slice %arg8[%dma_wait3A_106, %dma_wait3A_115, %dma_wait3A_116] : memref<2x128x128xf32, #tpu.memory_space<vmem>> -> memref<1x128x128xf32, #tpu.memory_space<vmem>>
    %dma_wait3A_118 = tpu.memref_squeeze %dma_wait3A_117 : memref<1x128x128xf32, #tpu.memory_space<vmem>> -> memref<128x128xf32, #tpu.memory_space<vmem>>
    tpu.wait_dma2 semaphore(%arg10 : memref<!tpu.dma_semaphore, #tpu.memory_space<semaphore_mem>>) src(%dma_wait3A_118 : memref<128x128xf32, #tpu.memory_space<vmem>>) dst(%dma_wait3A_114 : memref<128x128xf32, #tpu.memory_space<vmem_shared>>)
    %dma_wait3A_119 = arith.constant 0 : i32
    %dma_wait3A_120 = arith.constant 0 : i32
    %dma_wait3A_121 = arith.constant 0 : i32
    %dma_wait3A_122 = tpu.memref_slice %arg8[%dma_wait3A_119, %dma_wait3A_120, %dma_wait3A_121] : memref<2x128x128xf32, #tpu.memory_space<vmem>> -> memref<1x128x128xf32, #tpu.memory_space<vmem>>
    %dma_wait3A_123 = tpu.memref_squeeze %dma_wait3A_122 : memref<1x128x128xf32, #tpu.memory_space<vmem>> -> memref<128x128xf32, #tpu.memory_space<vmem>>
    %dma_wait3A_124 = arith.constant 0 : i32
    %dma_wait3A_125 = tpu.memref_slice %arg9[%add3A_46, %dma_wait3A_124] : memref<10240x128xf32, #tpu.memory_space<vmem_shared>> -> memref<128x128xf32, #tpu.memory_space<vmem_shared>>
    %dma_wait3A_126 = arith.constant 0 : i32
    %dma_wait3A_127 = tpu.memref_slice %arg9[%add3A_46, %dma_wait3A_126] : memref<10240x128xf32, #tpu.memory_space<vmem_shared>> -> memref<128x128xf32, #tpu.memory_space<vmem_shared>>
    %dma_wait3A_128 = arith.constant 0 : i32
    %dma_wait3A_129 = arith.constant 0 : i32
    %dma_wait3A_130 = tpu.memref_slice %arg8[%dma_wait3A_119, %dma_wait3A_128, %dma_wait3A_129] : memref<2x128x128xf32, #tpu.memory_space<vmem>> -> memref<1x128x128xf32, #tpu.memory_space<vmem>>
    %dma_wait3A_131 = tpu.memref_squeeze %dma_wait3A_130 : memref<1x128x128xf32, #tpu.memory_space<vmem>> -> memref<128x128xf32, #tpu.memory_space<vmem>>
    tpu.wait_dma2 semaphore(%arg10 : memref<!tpu.dma_semaphore, #tpu.memory_space<semaphore_mem>>) src(%dma_wait3A_131 : memref<128x128xf32, #tpu.memory_space<vmem>>) dst(%dma_wait3A_127 : memref<128x128xf32, #tpu.memory_space<vmem_shared>>)
    %dma_wait3A_132 = arith.constant 0 : i32
    %dma_wait3A_133 = arith.constant 0 : i32
    %dma_wait3A_134 = arith.constant 0 : i32
    %dma_wait3A_135 = tpu.memref_slice %arg8[%dma_wait3A_132, %dma_wait3A_133, %dma_wait3A_134] : memref<2x128x128xf32, #tpu.memory_space<vmem>> -> memref<1x128x128xf32, #tpu.memory_space<vmem>>
    %dma_wait3A_136 = tpu.memref_squeeze %dma_wait3A_135 : memref<1x128x128xf32, #tpu.memory_space<vmem>> -> memref<128x128xf32, #tpu.memory_space<vmem>>
    %dma_wait3A_137 = arith.constant 0 : i32
    %dma_wait3A_138 = tpu.memref_slice %arg9[%add3A_63, %dma_wait3A_137] : memref<10240x128xf32, #tpu.memory_space<vmem_shared>> -> memref<128x128xf32, #tpu.memory_space<vmem_shared>>
    %dma_wait3A_139 = arith.constant 0 : i32
    %dma_wait3A_140 = tpu.memref_slice %arg9[%add3A_63, %dma_wait3A_139] : memref<10240x128xf32, #tpu.memory_space<vmem_shared>> -> memref<128x128xf32, #tpu.memory_space<vmem_shared>>
    %dma_wait3A_141 = arith.constant 0 : i32
    %dma_wait3A_142 = arith.constant 0 : i32
    %dma_wait3A_143 = tpu.memref_slice %arg8[%dma_wait3A_132, %dma_wait3A_141, %dma_wait3A_142] : memref<2x128x128xf32, #tpu.memory_space<vmem>> -> memref<1x128x128xf32, #tpu.memory_space<vmem>>
    %dma_wait3A_144 = tpu.memref_squeeze %dma_wait3A_143 : memref<1x128x128xf32, #tpu.memory_space<vmem>> -> memref<128x128xf32, #tpu.memory_space<vmem>>
    tpu.wait_dma2 semaphore(%arg10 : memref<!tpu.dma_semaphore, #tpu.memory_space<semaphore_mem>>) src(%dma_wait3A_144 : memref<128x128xf32, #tpu.memory_space<vmem>>) dst(%dma_wait3A_140 : memref<128x128xf32, #tpu.memory_space<vmem_shared>>)
    %dma_wait3A_145 = arith.constant 0 : i32
    %dma_wait3A_146 = arith.constant 0 : i32
    %dma_wait3A_147 = arith.constant 0 : i32
    %dma_wait3A_148 = tpu.memref_slice %arg8[%dma_wait3A_145, %dma_wait3A_146, %dma_wait3A_147] : memref<2x128x128xf32, #tpu.memory_space<vmem>> -> memref<1x128x128xf32, #tpu.memory_space<vmem>>
    %dma_wait3A_149 = tpu.memref_squeeze %dma_wait3A_148 : memref<1x128x128xf32, #tpu.memory_space<vmem>> -> memref<128x128xf32, #tpu.memory_space<vmem>>
    %dma_wait3A_150 = arith.constant 0 : i32
    %dma_wait3A_151 = tpu.memref_slice %arg9[%add3A_80, %dma_wait3A_150] : memref<10240x128xf32, #tpu.memory_space<vmem_shared>> -> memref<128x128xf32, #tpu.memory_space<vmem_shared>>
    %dma_wait3A_152 = arith.constant 0 : i32
    %dma_wait3A_153 = tpu.memref_slice %arg9[%add3A_80, %dma_wait3A_152] : memref<10240x128xf32, #tpu.memory_space<vmem_shared>> -> memref<128x128xf32, #tpu.memory_space<vmem_shared>>
    %dma_wait3A_154 = arith.constant 0 : i32
    %dma_wait3A_155 = arith.constant 0 : i32
    %dma_wait3A_156 = tpu.memref_slice %arg8[%dma_wait3A_145, %dma_wait3A_154, %dma_wait3A_155] : memref<2x128x128xf32, #tpu.memory_space<vmem>> -> memref<1x128x128xf32, #tpu.memory_space<vmem>>
    %dma_wait3A_157 = tpu.memref_squeeze %dma_wait3A_156 : memref<1x128x128xf32, #tpu.memory_space<vmem>> -> memref<128x128xf32, #tpu.memory_space<vmem>>
    tpu.wait_dma2 semaphore(%arg10 : memref<!tpu.dma_semaphore, #tpu.memory_space<semaphore_mem>>) src(%dma_wait3A_157 : memref<128x128xf32, #tpu.memory_space<vmem>>) dst(%dma_wait3A_153 : memref<128x128xf32, #tpu.memory_space<vmem_shared>>)
    %barrier3A = arith.constant 0 : index
    tpu.barrier barrier_id(%barrier3A)
    %add3A_158 = arith.constant 0 : i32
    %add3A_159 = arith.addi %mul3A_2, %add3A_158 : i32
    "tpu.region"() ({
      %run_scoped3A = tpu.sem_alloc : memref<!tpu.dma_semaphore, #tpu.memory_space<semaphore_mem>>
      %dma_start3A_317 = arith.constant 0 : i32
      %dma_start3A_318 = tpu.memref_slice %arg3[%add3A_159, %dma_start3A_317] : memref<2640x128xi32, #tpu.memory_space<hbm>> -> memref<40x128xi32, #tpu.memory_space<hbm>>
      %dma_start3A_319 = arith.constant 0 : i32
      %dma_start3A_320 = tpu.memref_slice %arg3[%add3A_159, %dma_start3A_319] : memref<2640x128xi32, #tpu.memory_space<hbm>> -> memref<40x128xi32, #tpu.memory_space<hbm>>
      tpu.enqueue_dma source(%dma_start3A_320 : memref<40x128xi32, #tpu.memory_space<hbm>>) target(%arg6 : memref<40x128xi32, #tpu.memory_space<vmem>>) target_semaphore(%run_scoped3A : memref<!tpu.dma_semaphore, #tpu.memory_space<semaphore_mem>>)
      %dma_wait3A_321 = arith.constant 0 : i32
      %dma_wait3A_322 = tpu.memref_slice %arg3[%add3A_159, %dma_wait3A_321] : memref<2640x128xi32, #tpu.memory_space<hbm>> -> memref<40x128xi32, #tpu.memory_space<hbm>>
      %dma_wait3A_323 = arith.constant 0 : i32
      %dma_wait3A_324 = tpu.memref_slice %arg3[%add3A_159, %dma_wait3A_323] : memref<2640x128xi32, #tpu.memory_space<hbm>> -> memref<40x128xi32, #tpu.memory_space<hbm>>
      tpu.wait_dma2 semaphore(%run_scoped3A : memref<!tpu.dma_semaphore, #tpu.memory_space<semaphore_mem>>) src(%dma_wait3A_324 : memref<40x128xi32, #tpu.memory_space<hbm>>) dst(%arg6 : memref<40x128xi32, #tpu.memory_space<vmem>>)
      tpu.yield
    }) : () -> ()
    %add3A_160 = arith.constant 0 : i32
    %add3A_161 = arith.addi %mul3A_2, %add3A_160 : i32
    "tpu.region"() ({
      %run_scoped3A = tpu.sem_alloc : memref<!tpu.dma_semaphore, #tpu.memory_space<semaphore_mem>>
      %dma_start3A_317 = arith.constant 0 : i32
      %dma_start3A_318 = tpu.memref_slice %arg4[%add3A_161, %dma_start3A_317] : memref<2640x128xi32, #tpu.memory_space<hbm>> -> memref<40x128xi32, #tpu.memory_space<hbm>>
      %dma_start3A_319 = arith.constant 0 : i32
      %dma_start3A_320 = tpu.memref_slice %arg4[%add3A_161, %dma_start3A_319] : memref<2640x128xi32, #tpu.memory_space<hbm>> -> memref<40x128xi32, #tpu.memory_space<hbm>>
      tpu.enqueue_dma source(%dma_start3A_320 : memref<40x128xi32, #tpu.memory_space<hbm>>) target(%arg7 : memref<40x128xi32, #tpu.memory_space<vmem>>) target_semaphore(%run_scoped3A : memref<!tpu.dma_semaphore, #tpu.memory_space<semaphore_mem>>)
      %dma_wait3A_321 = arith.constant 0 : i32
      %dma_wait3A_322 = tpu.memref_slice %arg4[%add3A_161, %dma_wait3A_321] : memref<2640x128xi32, #tpu.memory_space<hbm>> -> memref<40x128xi32, #tpu.memory_space<hbm>>
      %dma_wait3A_323 = arith.constant 0 : i32
      %dma_wait3A_324 = tpu.memref_slice %arg4[%add3A_161, %dma_wait3A_323] : memref<2640x128xi32, #tpu.memory_space<hbm>> -> memref<40x128xi32, #tpu.memory_space<hbm>>
      tpu.wait_dma2 semaphore(%run_scoped3A : memref<!tpu.dma_semaphore, #tpu.memory_space<semaphore_mem>>) src(%dma_wait3A_324 : memref<40x128xi32, #tpu.memory_space<hbm>>) dst(%arg7 : memref<40x128xi32, #tpu.memory_space<vmem>>)
      tpu.yield
    }) : () -> ()
    %dma_start3A_162 = arith.constant 0 : i32
    %dma_start3A_163 = arith.constant 0 : i32
    %dma_start3A_164 = arith.constant 0 : i32
    %dma_start3A_165 = arith.constant 0 : i32
    %dma_start3A_166 = tpu.memref_slice %arg8[%dma_start3A_163, %dma_start3A_164, %dma_start3A_165] : memref<2x128x128xf32, #tpu.memory_space<vmem>> -> memref<1x128x128xf32, #tpu.memory_space<vmem>>
    %dma_start3A_167 = tpu.memref_squeeze %dma_start3A_166 : memref<1x128x128xf32, #tpu.memory_space<vmem>> -> memref<128x128xf32, #tpu.memory_space<vmem>>
    %dma_start3A_168 = arith.constant 0 : i32
    %dma_start3A_169 = tpu.memref_slice %arg6[%dma_start3A_162, %dma_start3A_168] : memref<40x128xi32, #tpu.memory_space<vmem>> -> memref<1x128xi32, #tpu.memory_space<vmem>>
    %dma_start3A_170 = tpu.memref_squeeze %dma_start3A_169 : memref<1x128xi32, #tpu.memory_space<vmem>> -> memref<128xi32, #tpu.memory_space<vmem>>
    %dma_start3A_171 = arith.constant 0 : i32
    %dma_start3A_172 = arith.constant 0 : i32
    %dma_start3A_173 = tpu.memref_slice %arg2[%dma_start3A_171, %dma_start3A_172] : memref<10240x128xf32, #tpu.memory_space<hbm>> -> memref<10240x128xf32, #tpu.memory_space<hbm>>
    tpu.enqueue_indirect_dma source(%dma_start3A_173 : memref<10240x128xf32, #tpu.memory_space<hbm>>) target(%dma_start3A_167 : memref<128x128xf32, #tpu.memory_space<vmem>>) offsets(%dma_start3A_170 : memref<128xi32, #tpu.memory_space<vmem>>) semaphore(%arg10 : memref<!tpu.dma_semaphore, #tpu.memory_space<semaphore_mem>>)
    %scan3A_174 = arith.constant 0 : i32
    %scan3A_175 = arith.constant 0 : i32
    %scan3A_176 = arith.constant 40 : i32
    %scan3A_177 = arith.addi %scan3A_175, %scan3A_176 : i32
    %scan3A_178 = arith.constant 1 : i32
    scf.for %scan3A_317 = %scan3A_175 to %scan3A_177 step %scan3A_178  : i32 {
      %rem3A = arith.constant 2 : i32
      %rem3A_318 = arith.remsi %scan3A_317, %rem3A : i32
      %sub3A = arith.constant 1 : i32
      %sub3A_319 = arith.subi %sub3A, %rem3A_318 : i32
      %add3A_320 = arith.constant 1 : i32
      %add3A_321 = arith.addi %scan3A_317, %add3A_320 : i32
      %min3A = arith.constant 39 : i32
      %min3A_322 = arith.minsi %add3A_321, %min3A : i32
      %dma_start3A_323 = arith.constant 0 : i32
      %dma_start3A_324 = arith.constant 0 : i32
      %dma_start3A_325 = tpu.memref_slice %arg8[%sub3A_319, %dma_start3A_323, %dma_start3A_324] : memref<2x128x128xf32, #tpu.memory_space<vmem>> -> memref<1x128x128xf32, #tpu.memory_space<vmem>>
      %dma_start3A_326 = tpu.memref_squeeze %dma_start3A_325 : memref<1x128x128xf32, #tpu.memory_space<vmem>> -> memref<128x128xf32, #tpu.memory_space<vmem>>
      %dma_start3A_327 = arith.constant 0 : i32
      %dma_start3A_328 = tpu.memref_slice %arg6[%min3A_322, %dma_start3A_327] : memref<40x128xi32, #tpu.memory_space<vmem>> -> memref<1x128xi32, #tpu.memory_space<vmem>>
      %dma_start3A_329 = tpu.memref_squeeze %dma_start3A_328 : memref<1x128xi32, #tpu.memory_space<vmem>> -> memref<128xi32, #tpu.memory_space<vmem>>
      %dma_start3A_330 = arith.constant 0 : i32
      %dma_start3A_331 = arith.constant 0 : i32
      %dma_start3A_332 = tpu.memref_slice %arg2[%dma_start3A_330, %dma_start3A_331] : memref<10240x128xf32, #tpu.memory_space<hbm>> -> memref<10240x128xf32, #tpu.memory_space<hbm>>
      tpu.enqueue_indirect_dma source(%dma_start3A_332 : memref<10240x128xf32, #tpu.memory_space<hbm>>) target(%dma_start3A_326 : memref<128x128xf32, #tpu.memory_space<vmem>>) offsets(%dma_start3A_329 : memref<128xi32, #tpu.memory_space<vmem>>) semaphore(%arg10 : memref<!tpu.dma_semaphore, #tpu.memory_space<semaphore_mem>>)
      %dma_wait3A_333 = arith.constant 0 : i32
      %dma_wait3A_334 = arith.constant 0 : i32
      %dma_wait3A_335 = tpu.memref_slice %arg8[%rem3A_318, %dma_wait3A_333, %dma_wait3A_334] : memref<2x128x128xf32, #tpu.memory_space<vmem>> -> memref<1x128x128xf32, #tpu.memory_space<vmem>>
      %dma_wait3A_336 = tpu.memref_squeeze %dma_wait3A_335 : memref<1x128x128xf32, #tpu.memory_space<vmem>> -> memref<128x128xf32, #tpu.memory_space<vmem>>
      %dma_wait3A_337 = arith.constant 0 : i32
      %dma_wait3A_338 = tpu.memref_slice %arg6[%scan3A_317, %dma_wait3A_337] : memref<40x128xi32, #tpu.memory_space<vmem>> -> memref<1x128xi32, #tpu.memory_space<vmem>>
      %dma_wait3A_339 = tpu.memref_squeeze %dma_wait3A_338 : memref<1x128xi32, #tpu.memory_space<vmem>> -> memref<128xi32, #tpu.memory_space<vmem>>
      %dma_wait3A_340 = arith.constant 0 : i32
      %dma_wait3A_341 = arith.constant 0 : i32
      %dma_wait3A_342 = tpu.memref_slice %arg2[%dma_wait3A_340, %dma_wait3A_341] : memref<10240x128xf32, #tpu.memory_space<hbm>> -> memref<10240x128xf32, #tpu.memory_space<hbm>>
      tpu.wait_indirect_dma semaphore(%arg10 : memref<!tpu.dma_semaphore, #tpu.memory_space<semaphore_mem>>) src(%dma_wait3A_342 : memref<10240x128xf32, #tpu.memory_space<hbm>>) dst(%dma_wait3A_336 : memref<128x128xf32, #tpu.memory_space<vmem>>)
      "tpu.region"() ({
        %run_scoped3A = tpu.sem_alloc : memref<!tpu.dma_semaphore, #tpu.memory_space<semaphore_mem>>
        %dma_start3A_343 = arith.constant 0 : i32
        %dma_start3A_344 = arith.constant 0 : i32
        %dma_start3A_345 = tpu.memref_slice %arg8[%rem3A_318, %dma_start3A_343, %dma_start3A_344] : memref<2x128x128xf32, #tpu.memory_space<vmem>> -> memref<1x128x128xf32, #tpu.memory_space<vmem>>
        %dma_start3A_346 = tpu.memref_squeeze %dma_start3A_345 : memref<1x128x128xf32, #tpu.memory_space<vmem>> -> memref<128x128xf32, #tpu.memory_space<vmem>>
        %dma_start3A_347 = arith.constant 0 : i32
        %dma_start3A_348 = tpu.memref_slice %arg7[%scan3A_317, %dma_start3A_347] : memref<40x128xi32, #tpu.memory_space<vmem>> -> memref<1x128xi32, #tpu.memory_space<vmem>>
        %dma_start3A_349 = tpu.memref_squeeze %dma_start3A_348 : memref<1x128xi32, #tpu.memory_space<vmem>> -> memref<128xi32, #tpu.memory_space<vmem>>
        %dma_start3A_350 = arith.constant 0 : i32
        %dma_start3A_351 = arith.constant 0 : i32
        %dma_start3A_352 = tpu.memref_slice %arg9[%dma_start3A_350, %dma_start3A_351] : memref<10240x128xf32, #tpu.memory_space<vmem_shared>> -> memref<10240x128xf32, #tpu.memory_space<vmem_shared>>
        tpu.enqueue_indirect_dma source(%dma_start3A_346 : memref<128x128xf32, #tpu.memory_space<vmem>>) target(%dma_start3A_352 : memref<10240x128xf32, #tpu.memory_space<vmem_shared>>) offsets(%dma_start3A_349 : memref<128xi32, #tpu.memory_space<vmem>>) semaphore(%run_scoped3A : memref<!tpu.dma_semaphore, #tpu.memory_space<semaphore_mem>>) {add = true}
        %dma_wait3A_353 = arith.constant 0 : i32
        %dma_wait3A_354 = arith.constant 0 : i32
        %dma_wait3A_355 = tpu.memref_slice %arg8[%rem3A_318, %dma_wait3A_353, %dma_wait3A_354] : memref<2x128x128xf32, #tpu.memory_space<vmem>> -> memref<1x128x128xf32, #tpu.memory_space<vmem>>
        %dma_wait3A_356 = tpu.memref_squeeze %dma_wait3A_355 : memref<1x128x128xf32, #tpu.memory_space<vmem>> -> memref<128x128xf32, #tpu.memory_space<vmem>>
        %dma_wait3A_357 = arith.constant 0 : i32
        %dma_wait3A_358 = tpu.memref_slice %arg7[%scan3A_317, %dma_wait3A_357] : memref<40x128xi32, #tpu.memory_space<vmem>> -> memref<1x128xi32, #tpu.memory_space<vmem>>
        %dma_wait3A_359 = tpu.memref_squeeze %dma_wait3A_358 : memref<1x128xi32, #tpu.memory_space<vmem>> -> memref<128xi32, #tpu.memory_space<vmem>>
        %dma_wait3A_360 = arith.constant 0 : i32
        %dma_wait3A_361 = arith.constant 0 : i32
        %dma_wait3A_362 = tpu.memref_slice %arg9[%dma_wait3A_360, %dma_wait3A_361] : memref<10240x128xf32, #tpu.memory_space<vmem_shared>> -> memref<10240x128xf32, #tpu.memory_space<vmem_shared>>
        tpu.wait_indirect_dma semaphore(%run_scoped3A : memref<!tpu.dma_semaphore, #tpu.memory_space<semaphore_mem>>) src(%dma_wait3A_356 : memref<128x128xf32, #tpu.memory_space<vmem>>) dst(%dma_wait3A_362 : memref<10240x128xf32, #tpu.memory_space<vmem_shared>>)
        tpu.yield
      }) : () -> ()
    }
    %scan3A_179 = arith.constant 40 : i32
    %dma_wait3A_180 = arith.constant 39 : i32
    %dma_wait3A_181 = arith.constant 0 : i32
    %dma_wait3A_182 = arith.constant 0 : i32
    %dma_wait3A_183 = arith.constant 0 : i32
    %dma_wait3A_184 = tpu.memref_slice %arg8[%dma_wait3A_181, %dma_wait3A_182, %dma_wait3A_183] : memref<2x128x128xf32, #tpu.memory_space<vmem>> -> memref<1x128x128xf32, #tpu.memory_space<vmem>>
    %dma_wait3A_185 = tpu.memref_squeeze %dma_wait3A_184 : memref<1x128x128xf32, #tpu.memory_space<vmem>> -> memref<128x128xf32, #tpu.memory_space<vmem>>
    %dma_wait3A_186 = arith.constant 0 : i32
    %dma_wait3A_187 = tpu.memref_slice %arg6[%dma_wait3A_180, %dma_wait3A_186] : memref<40x128xi32, #tpu.memory_space<vmem>> -> memref<1x128xi32, #tpu.memory_space<vmem>>
    %dma_wait3A_188 = tpu.memref_squeeze %dma_wait3A_187 : memref<1x128xi32, #tpu.memory_space<vmem>> -> memref<128xi32, #tpu.memory_space<vmem>>
    %dma_wait3A_189 = arith.constant 0 : i32
    %dma_wait3A_190 = arith.constant 0 : i32
    %dma_wait3A_191 = tpu.memref_slice %arg2[%dma_wait3A_189, %dma_wait3A_190] : memref<10240x128xf32, #tpu.memory_space<hbm>> -> memref<10240x128xf32, #tpu.memory_space<hbm>>
    tpu.wait_indirect_dma semaphore(%arg10 : memref<!tpu.dma_semaphore, #tpu.memory_space<semaphore_mem>>) src(%dma_wait3A_191 : memref<10240x128xf32, #tpu.memory_space<hbm>>) dst(%dma_wait3A_185 : memref<128x128xf32, #tpu.memory_space<vmem>>)
    %add3A_192 = arith.constant 40 : i32
    %add3A_193 = arith.addi %mul3A_2, %add3A_192 : i32
    "tpu.region"() ({
      %run_scoped3A = tpu.sem_alloc : memref<!tpu.dma_semaphore, #tpu.memory_space<semaphore_mem>>
      %dma_start3A_317 = arith.constant 0 : i32
      %dma_start3A_318 = tpu.memref_slice %arg3[%add3A_193, %dma_start3A_317] : memref<2640x128xi32, #tpu.memory_space<hbm>> -> memref<40x128xi32, #tpu.memory_space<hbm>>
      %dma_start3A_319 = arith.constant 0 : i32
      %dma_start3A_320 = tpu.memref_slice %arg3[%add3A_193, %dma_start3A_319] : memref<2640x128xi32, #tpu.memory_space<hbm>> -> memref<40x128xi32, #tpu.memory_space<hbm>>
      tpu.enqueue_dma source(%dma_start3A_320 : memref<40x128xi32, #tpu.memory_space<hbm>>) target(%arg6 : memref<40x128xi32, #tpu.memory_space<vmem>>) target_semaphore(%run_scoped3A : memref<!tpu.dma_semaphore, #tpu.memory_space<semaphore_mem>>)
      %dma_wait3A_321 = arith.constant 0 : i32
      %dma_wait3A_322 = tpu.memref_slice %arg3[%add3A_193, %dma_wait3A_321] : memref<2640x128xi32, #tpu.memory_space<hbm>> -> memref<40x128xi32, #tpu.memory_space<hbm>>
      %dma_wait3A_323 = arith.constant 0 : i32
      %dma_wait3A_324 = tpu.memref_slice %arg3[%add3A_193, %dma_wait3A_323] : memref<2640x128xi32, #tpu.memory_space<hbm>> -> memref<40x128xi32, #tpu.memory_space<hbm>>
      tpu.wait_dma2 semaphore(%run_scoped3A : memref<!tpu.dma_semaphore, #tpu.memory_space<semaphore_mem>>) src(%dma_wait3A_324 : memref<40x128xi32, #tpu.memory_space<hbm>>) dst(%arg6 : memref<40x128xi32, #tpu.memory_space<vmem>>)
      tpu.yield
    }) : () -> ()
    %add3A_194 = arith.constant 40 : i32
    %add3A_195 = arith.addi %mul3A_2, %add3A_194 : i32
    "tpu.region"() ({
      %run_scoped3A = tpu.sem_alloc : memref<!tpu.dma_semaphore, #tpu.memory_space<semaphore_mem>>
      %dma_start3A_317 = arith.constant 0 : i32
      %dma_start3A_318 = tpu.memref_slice %arg4[%add3A_195, %dma_start3A_317] : memref<2640x128xi32, #tpu.memory_space<hbm>> -> memref<40x128xi32, #tpu.memory_space<hbm>>
      %dma_start3A_319 = arith.constant 0 : i32
      %dma_start3A_320 = tpu.memref_slice %arg4[%add3A_195, %dma_start3A_319] : memref<2640x128xi32, #tpu.memory_space<hbm>> -> memref<40x128xi32, #tpu.memory_space<hbm>>
      tpu.enqueue_dma source(%dma_start3A_320 : memref<40x128xi32, #tpu.memory_space<hbm>>) target(%arg7 : memref<40x128xi32, #tpu.memory_space<vmem>>) target_semaphore(%run_scoped3A : memref<!tpu.dma_semaphore, #tpu.memory_space<semaphore_mem>>)
      %dma_wait3A_321 = arith.constant 0 : i32
      %dma_wait3A_322 = tpu.memref_slice %arg4[%add3A_195, %dma_wait3A_321] : memref<2640x128xi32, #tpu.memory_space<hbm>> -> memref<40x128xi32, #tpu.memory_space<hbm>>
      %dma_wait3A_323 = arith.constant 0 : i32
      %dma_wait3A_324 = tpu.memref_slice %arg4[%add3A_195, %dma_wait3A_323] : memref<2640x128xi32, #tpu.memory_space<hbm>> -> memref<40x128xi32, #tpu.memory_space<hbm>>
      tpu.wait_dma2 semaphore(%run_scoped3A : memref<!tpu.dma_semaphore, #tpu.memory_space<semaphore_mem>>) src(%dma_wait3A_324 : memref<40x128xi32, #tpu.memory_space<hbm>>) dst(%arg7 : memref<40x128xi32, #tpu.memory_space<vmem>>)
      tpu.yield
    }) : () -> ()
    %dma_start3A_196 = arith.constant 0 : i32
    %dma_start3A_197 = arith.constant 0 : i32
    %dma_start3A_198 = arith.constant 0 : i32
    %dma_start3A_199 = arith.constant 0 : i32
    %dma_start3A_200 = tpu.memref_slice %arg8[%dma_start3A_197, %dma_start3A_198, %dma_start3A_199] : memref<2x128x128xf32, #tpu.memory_space<vmem>> -> memref<1x128x128xf32, #tpu.memory_space<vmem>>
    %dma_start3A_201 = tpu.memref_squeeze %dma_start3A_200 : memref<1x128x128xf32, #tpu.memory_space<vmem>> -> memref<128x128xf32, #tpu.memory_space<vmem>>
    %dma_start3A_202 = arith.constant 0 : i32
    %dma_start3A_203 = tpu.memref_slice %arg6[%dma_start3A_196, %dma_start3A_202] : memref<40x128xi32, #tpu.memory_space<vmem>> -> memref<1x128xi32, #tpu.memory_space<vmem>>
    %dma_start3A_204 = tpu.memref_squeeze %dma_start3A_203 : memref<1x128xi32, #tpu.memory_space<vmem>> -> memref<128xi32, #tpu.memory_space<vmem>>
    %dma_start3A_205 = arith.constant 0 : i32
    %dma_start3A_206 = arith.constant 0 : i32
    %dma_start3A_207 = tpu.memref_slice %arg2[%dma_start3A_205, %dma_start3A_206] : memref<10240x128xf32, #tpu.memory_space<hbm>> -> memref<10240x128xf32, #tpu.memory_space<hbm>>
    tpu.enqueue_indirect_dma source(%dma_start3A_207 : memref<10240x128xf32, #tpu.memory_space<hbm>>) target(%dma_start3A_201 : memref<128x128xf32, #tpu.memory_space<vmem>>) offsets(%dma_start3A_204 : memref<128xi32, #tpu.memory_space<vmem>>) semaphore(%arg10 : memref<!tpu.dma_semaphore, #tpu.memory_space<semaphore_mem>>)
    %scan3A_208 = arith.constant 0 : i32
    %scan3A_209 = arith.constant 0 : i32
    %scan3A_210 = arith.constant 40 : i32
    %scan3A_211 = arith.addi %scan3A_209, %scan3A_210 : i32
    %scan3A_212 = arith.constant 1 : i32
    scf.for %scan3A_317 = %scan3A_209 to %scan3A_211 step %scan3A_212  : i32 {
      %rem3A = arith.constant 2 : i32
      %rem3A_318 = arith.remsi %scan3A_317, %rem3A : i32
      %sub3A = arith.constant 1 : i32
      %sub3A_319 = arith.subi %sub3A, %rem3A_318 : i32
      %add3A_320 = arith.constant 1 : i32
      %add3A_321 = arith.addi %scan3A_317, %add3A_320 : i32
      %min3A = arith.constant 39 : i32
      %min3A_322 = arith.minsi %add3A_321, %min3A : i32
      %dma_start3A_323 = arith.constant 0 : i32
      %dma_start3A_324 = arith.constant 0 : i32
      %dma_start3A_325 = tpu.memref_slice %arg8[%sub3A_319, %dma_start3A_323, %dma_start3A_324] : memref<2x128x128xf32, #tpu.memory_space<vmem>> -> memref<1x128x128xf32, #tpu.memory_space<vmem>>
      %dma_start3A_326 = tpu.memref_squeeze %dma_start3A_325 : memref<1x128x128xf32, #tpu.memory_space<vmem>> -> memref<128x128xf32, #tpu.memory_space<vmem>>
      %dma_start3A_327 = arith.constant 0 : i32
      %dma_start3A_328 = tpu.memref_slice %arg6[%min3A_322, %dma_start3A_327] : memref<40x128xi32, #tpu.memory_space<vmem>> -> memref<1x128xi32, #tpu.memory_space<vmem>>
      %dma_start3A_329 = tpu.memref_squeeze %dma_start3A_328 : memref<1x128xi32, #tpu.memory_space<vmem>> -> memref<128xi32, #tpu.memory_space<vmem>>
      %dma_start3A_330 = arith.constant 0 : i32
      %dma_start3A_331 = arith.constant 0 : i32
      %dma_start3A_332 = tpu.memref_slice %arg2[%dma_start3A_330, %dma_start3A_331] : memref<10240x128xf32, #tpu.memory_space<hbm>> -> memref<10240x128xf32, #tpu.memory_space<hbm>>
      tpu.enqueue_indirect_dma source(%dma_start3A_332 : memref<10240x128xf32, #tpu.memory_space<hbm>>) target(%dma_start3A_326 : memref<128x128xf32, #tpu.memory_space<vmem>>) offsets(%dma_start3A_329 : memref<128xi32, #tpu.memory_space<vmem>>) semaphore(%arg10 : memref<!tpu.dma_semaphore, #tpu.memory_space<semaphore_mem>>)
      %dma_wait3A_333 = arith.constant 0 : i32
      %dma_wait3A_334 = arith.constant 0 : i32
      %dma_wait3A_335 = tpu.memref_slice %arg8[%rem3A_318, %dma_wait3A_333, %dma_wait3A_334] : memref<2x128x128xf32, #tpu.memory_space<vmem>> -> memref<1x128x128xf32, #tpu.memory_space<vmem>>
      %dma_wait3A_336 = tpu.memref_squeeze %dma_wait3A_335 : memref<1x128x128xf32, #tpu.memory_space<vmem>> -> memref<128x128xf32, #tpu.memory_space<vmem>>
      %dma_wait3A_337 = arith.constant 0 : i32
      %dma_wait3A_338 = tpu.memref_slice %arg6[%scan3A_317, %dma_wait3A_337] : memref<40x128xi32, #tpu.memory_space<vmem>> -> memref<1x128xi32, #tpu.memory_space<vmem>>
      %dma_wait3A_339 = tpu.memref_squeeze %dma_wait3A_338 : memref<1x128xi32, #tpu.memory_space<vmem>> -> memref<128xi32, #tpu.memory_space<vmem>>
      %dma_wait3A_340 = arith.constant 0 : i32
      %dma_wait3A_341 = arith.constant 0 : i32
      %dma_wait3A_342 = tpu.memref_slice %arg2[%dma_wait3A_340, %dma_wait3A_341] : memref<10240x128xf32, #tpu.memory_space<hbm>> -> memref<10240x128xf32, #tpu.memory_space<hbm>>
      tpu.wait_indirect_dma semaphore(%arg10 : memref<!tpu.dma_semaphore, #tpu.memory_space<semaphore_mem>>) src(%dma_wait3A_342 : memref<10240x128xf32, #tpu.memory_space<hbm>>) dst(%dma_wait3A_336 : memref<128x128xf32, #tpu.memory_space<vmem>>)
      "tpu.region"() ({
        %run_scoped3A = tpu.sem_alloc : memref<!tpu.dma_semaphore, #tpu.memory_space<semaphore_mem>>
        %dma_start3A_343 = arith.constant 0 : i32
        %dma_start3A_344 = arith.constant 0 : i32
        %dma_start3A_345 = tpu.memref_slice %arg8[%rem3A_318, %dma_start3A_343, %dma_start3A_344] : memref<2x128x128xf32, #tpu.memory_space<vmem>> -> memref<1x128x128xf32, #tpu.memory_space<vmem>>
        %dma_start3A_346 = tpu.memref_squeeze %dma_start3A_345 : memref<1x128x128xf32, #tpu.memory_space<vmem>> -> memref<128x128xf32, #tpu.memory_space<vmem>>
        %dma_start3A_347 = arith.constant 0 : i32
        %dma_start3A_348 = tpu.memref_slice %arg7[%scan3A_317, %dma_start3A_347] : memref<40x128xi32, #tpu.memory_space<vmem>> -> memref<1x128xi32, #tpu.memory_space<vmem>>
        %dma_start3A_349 = tpu.memref_squeeze %dma_start3A_348 : memref<1x128xi32, #tpu.memory_space<vmem>> -> memref<128xi32, #tpu.memory_space<vmem>>
        %dma_start3A_350 = arith.constant 0 : i32
        %dma_start3A_351 = arith.constant 0 : i32
        %dma_start3A_352 = tpu.memref_slice %arg9[%dma_start3A_350, %dma_start3A_351] : memref<10240x128xf32, #tpu.memory_space<vmem_shared>> -> memref<10240x128xf32, #tpu.memory_space<vmem_shared>>
        tpu.enqueue_indirect_dma source(%dma_start3A_346 : memref<128x128xf32, #tpu.memory_space<vmem>>) target(%dma_start3A_352 : memref<10240x128xf32, #tpu.memory_space<vmem_shared>>) offsets(%dma_start3A_349 : memref<128xi32, #tpu.memory_space<vmem>>) semaphore(%run_scoped3A : memref<!tpu.dma_semaphore, #tpu.memory_space<semaphore_mem>>) {add = true}
        %dma_wait3A_353 = arith.constant 0 : i32
        %dma_wait3A_354 = arith.constant 0 : i32
        %dma_wait3A_355 = tpu.memref_slice %arg8[%rem3A_318, %dma_wait3A_353, %dma_wait3A_354] : memref<2x128x128xf32, #tpu.memory_space<vmem>> -> memref<1x128x128xf32, #tpu.memory_space<vmem>>
        %dma_wait3A_356 = tpu.memref_squeeze %dma_wait3A_355 : memref<1x128x128xf32, #tpu.memory_space<vmem>> -> memref<128x128xf32, #tpu.memory_space<vmem>>
        %dma_wait3A_357 = arith.constant 0 : i32
        %dma_wait3A_358 = tpu.memref_slice %arg7[%scan3A_317, %dma_wait3A_357] : memref<40x128xi32, #tpu.memory_space<vmem>> -> memref<1x128xi32, #tpu.memory_space<vmem>>
        %dma_wait3A_359 = tpu.memref_squeeze %dma_wait3A_358 : memref<1x128xi32, #tpu.memory_space<vmem>> -> memref<128xi32, #tpu.memory_space<vmem>>
        %dma_wait3A_360 = arith.constant 0 : i32
        %dma_wait3A_361 = arith.constant 0 : i32
        %dma_wait3A_362 = tpu.memref_slice %arg9[%dma_wait3A_360, %dma_wait3A_361] : memref<10240x128xf32, #tpu.memory_space<vmem_shared>> -> memref<10240x128xf32, #tpu.memory_space<vmem_shared>>
        tpu.wait_indirect_dma semaphore(%run_scoped3A : memref<!tpu.dma_semaphore, #tpu.memory_space<semaphore_mem>>) src(%dma_wait3A_356 : memref<128x128xf32, #tpu.memory_space<vmem>>) dst(%dma_wait3A_362 : memref<10240x128xf32, #tpu.memory_space<vmem_shared>>)
        tpu.yield
      }) : () -> ()
    }
    %scan3A_213 = arith.constant 40 : i32
    %dma_wait3A_214 = arith.constant 39 : i32
    %dma_wait3A_215 = arith.constant 0 : i32
    %dma_wait3A_216 = arith.constant 0 : i32
    %dma_wait3A_217 = arith.constant 0 : i32
    %dma_wait3A_218 = tpu.memref_slice %arg8[%dma_wait3A_215, %dma_wait3A_216, %dma_wait3A_217] : memref<2x128x128xf32, #tpu.memory_space<vmem>> -> memref<1x128x128xf32, #tpu.memory_space<vmem>>
    %dma_wait3A_219 = tpu.memref_squeeze %dma_wait3A_218 : memref<1x128x128xf32, #tpu.memory_space<vmem>> -> memref<128x128xf32, #tpu.memory_space<vmem>>
    %dma_wait3A_220 = arith.constant 0 : i32
    %dma_wait3A_221 = tpu.memref_slice %arg6[%dma_wait3A_214, %dma_wait3A_220] : memref<40x128xi32, #tpu.memory_space<vmem>> -> memref<1x128xi32, #tpu.memory_space<vmem>>
    %dma_wait3A_222 = tpu.memref_squeeze %dma_wait3A_221 : memref<1x128xi32, #tpu.memory_space<vmem>> -> memref<128xi32, #tpu.memory_space<vmem>>
    %dma_wait3A_223 = arith.constant 0 : i32
    %dma_wait3A_224 = arith.constant 0 : i32
    %dma_wait3A_225 = tpu.memref_slice %arg2[%dma_wait3A_223, %dma_wait3A_224] : memref<10240x128xf32, #tpu.memory_space<hbm>> -> memref<10240x128xf32, #tpu.memory_space<hbm>>
    tpu.wait_indirect_dma semaphore(%arg10 : memref<!tpu.dma_semaphore, #tpu.memory_space<semaphore_mem>>) src(%dma_wait3A_225 : memref<10240x128xf32, #tpu.memory_space<hbm>>) dst(%dma_wait3A_219 : memref<128x128xf32, #tpu.memory_space<vmem>>)
    %barrier3A_226 = arith.constant 0 : index
    tpu.barrier barrier_id(%barrier3A_226)
    %mul3A_227 = arith.constant 640 : i32
    %mul3A_228 = arith.muli %arg1, %mul3A_227 : i32
    %add3A_229 = arith.constant 0 : i32
    %add3A_230 = arith.addi %mul3A_228, %add3A_229 : i32
    %mul3A_231 = arith.constant 640 : i32
    %mul3A_232 = arith.muli %arg1, %mul3A_231 : i32
    %add3A_233 = arith.constant 0 : i32
    %add3A_234 = arith.addi %mul3A_232, %add3A_233 : i32
    %dma_start3A_235 = arith.constant 0 : i32
    %dma_start3A_236 = tpu.memref_slice %arg5[%arg0, %add3A_234, %dma_start3A_235] : memref<2x10240x128xf32, #tpu.memory_space<hbm>> -> memref<1x128x128xf32, #tpu.memory_space<hbm>>
    %dma_start3A_237 = tpu.memref_squeeze %dma_start3A_236 : memref<1x128x128xf32, #tpu.memory_space<hbm>> -> memref<128x128xf32, #tpu.memory_space<hbm>>
    %dma_start3A_238 = arith.constant 0 : i32
    %dma_start3A_239 = tpu.memref_slice %arg9[%add3A_230, %dma_start3A_238] : memref<10240x128xf32, #tpu.memory_space<vmem_shared>> -> memref<128x128xf32, #tpu.memory_space<vmem_shared>>
    tpu.enqueue_dma source(%dma_start3A_239 : memref<128x128xf32, #tpu.memory_space<vmem_shared>>) target(%dma_start3A_237 : memref<128x128xf32, #tpu.memory_space<hbm>>) target_semaphore(%arg10 : memref<!tpu.dma_semaphore, #tpu.memory_space<semaphore_mem>>)
    %mul3A_240 = arith.constant 640 : i32
    %mul3A_241 = arith.muli %arg1, %mul3A_240 : i32
    %add3A_242 = arith.constant 128 : i32
    %add3A_243 = arith.addi %mul3A_241, %add3A_242 : i32
    %mul3A_244 = arith.constant 640 : i32
    %mul3A_245 = arith.muli %arg1, %mul3A_244 : i32
    %add3A_246 = arith.constant 128 : i32
    %add3A_247 = arith.addi %mul3A_245, %add3A_246 : i32
    %dma_start3A_248 = arith.constant 0 : i32
    %dma_start3A_249 = tpu.memref_slice %arg5[%arg0, %add3A_247, %dma_start3A_248] : memref<2x10240x128xf32, #tpu.memory_space<hbm>> -> memref<1x128x128xf32, #tpu.memory_space<hbm>>
    %dma_start3A_250 = tpu.memref_squeeze %dma_start3A_249 : memref<1x128x128xf32, #tpu.memory_space<hbm>> -> memref<128x128xf32, #tpu.memory_space<hbm>>
    %dma_start3A_251 = arith.constant 0 : i32
    %dma_start3A_252 = tpu.memref_slice %arg9[%add3A_243, %dma_start3A_251] : memref<10240x128xf32, #tpu.memory_space<vmem_shared>> -> memref<128x128xf32, #tpu.memory_space<vmem_shared>>
    tpu.enqueue_dma source(%dma_start3A_252 : memref<128x128xf32, #tpu.memory_space<vmem_shared>>) target(%dma_start3A_250 : memref<128x128xf32, #tpu.memory_space<hbm>>) target_semaphore(%arg10 : memref<!tpu.dma_semaphore, #tpu.memory_space<semaphore_mem>>)
    %mul3A_253 = arith.constant 640 : i32
    %mul3A_254 = arith.muli %arg1, %mul3A_253 : i32
    %add3A_255 = arith.constant 256 : i32
    %add3A_256 = arith.addi %mul3A_254, %add3A_255 : i32
    %mul3A_257 = arith.constant 640 : i32
    %mul3A_258 = arith.muli %arg1, %mul3A_257 : i32
    %add3A_259 = arith.constant 256 : i32
    %add3A_260 = arith.addi %mul3A_258, %add3A_259 : i32
    %dma_start3A_261 = arith.constant 0 : i32
    %dma_start3A_262 = tpu.memref_slice %arg5[%arg0, %add3A_260, %dma_start3A_261] : memref<2x10240x128xf32, #tpu.memory_space<hbm>> -> memref<1x128x128xf32, #tpu.memory_space<hbm>>
    %dma_start3A_263 = tpu.memref_squeeze %dma_start3A_262 : memref<1x128x128xf32, #tpu.memory_space<hbm>> -> memref<128x128xf32, #tpu.memory_space<hbm>>
    %dma_start3A_264 = arith.constant 0 : i32
    %dma_start3A_265 = tpu.memref_slice %arg9[%add3A_256, %dma_start3A_264] : memref<10240x128xf32, #tpu.memory_space<vmem_shared>> -> memref<128x128xf32, #tpu.memory_space<vmem_shared>>
    tpu.enqueue_dma source(%dma_start3A_265 : memref<128x128xf32, #tpu.memory_space<vmem_shared>>) target(%dma_start3A_263 : memref<128x128xf32, #tpu.memory_space<hbm>>) target_semaphore(%arg10 : memref<!tpu.dma_semaphore, #tpu.memory_space<semaphore_mem>>)
    %mul3A_266 = arith.constant 640 : i32
    %mul3A_267 = arith.muli %arg1, %mul3A_266 : i32
    %add3A_268 = arith.constant 384 : i32
    %add3A_269 = arith.addi %mul3A_267, %add3A_268 : i32
    %mul3A_270 = arith.constant 640 : i32
    %mul3A_271 = arith.muli %arg1, %mul3A_270 : i32
    %add3A_272 = arith.constant 384 : i32
    %add3A_273 = arith.addi %mul3A_271, %add3A_272 : i32
    %dma_start3A_274 = arith.constant 0 : i32
    %dma_start3A_275 = tpu.memref_slice %arg5[%arg0, %add3A_273, %dma_start3A_274] : memref<2x10240x128xf32, #tpu.memory_space<hbm>> -> memref<1x128x128xf32, #tpu.memory_space<hbm>>
    %dma_start3A_276 = tpu.memref_squeeze %dma_start3A_275 : memref<1x128x128xf32, #tpu.memory_space<hbm>> -> memref<128x128xf32, #tpu.memory_space<hbm>>
    %dma_start3A_277 = arith.constant 0 : i32
    %dma_start3A_278 = tpu.memref_slice %arg9[%add3A_269, %dma_start3A_277] : memref<10240x128xf32, #tpu.memory_space<vmem_shared>> -> memref<128x128xf32, #tpu.memory_space<vmem_shared>>
    tpu.enqueue_dma source(%dma_start3A_278 : memref<128x128xf32, #tpu.memory_space<vmem_shared>>) target(%dma_start3A_276 : memref<128x128xf32, #tpu.memory_space<hbm>>) target_semaphore(%arg10 : memref<!tpu.dma_semaphore, #tpu.memory_space<semaphore_mem>>)
    %mul3A_279 = arith.constant 640 : i32
    %mul3A_280 = arith.muli %arg1, %mul3A_279 : i32
    %add3A_281 = arith.constant 512 : i32
    %add3A_282 = arith.addi %mul3A_280, %add3A_281 : i32
    %mul3A_283 = arith.constant 640 : i32
    %mul3A_284 = arith.muli %arg1, %mul3A_283 : i32
    %add3A_285 = arith.constant 512 : i32
    %add3A_286 = arith.addi %mul3A_284, %add3A_285 : i32
    %dma_start3A_287 = arith.constant 0 : i32
    %dma_start3A_288 = tpu.memref_slice %arg5[%arg0, %add3A_286, %dma_start3A_287] : memref<2x10240x128xf32, #tpu.memory_space<hbm>> -> memref<1x128x128xf32, #tpu.memory_space<hbm>>
    %dma_start3A_289 = tpu.memref_squeeze %dma_start3A_288 : memref<1x128x128xf32, #tpu.memory_space<hbm>> -> memref<128x128xf32, #tpu.memory_space<hbm>>
    %dma_start3A_290 = arith.constant 0 : i32
    %dma_start3A_291 = tpu.memref_slice %arg9[%add3A_282, %dma_start3A_290] : memref<10240x128xf32, #tpu.memory_space<vmem_shared>> -> memref<128x128xf32, #tpu.memory_space<vmem_shared>>
    tpu.enqueue_dma source(%dma_start3A_291 : memref<128x128xf32, #tpu.memory_space<vmem_shared>>) target(%dma_start3A_289 : memref<128x128xf32, #tpu.memory_space<hbm>>) target_semaphore(%arg10 : memref<!tpu.dma_semaphore, #tpu.memory_space<semaphore_mem>>)
    %dma_wait3A_292 = arith.constant 0 : i32
    %dma_wait3A_293 = tpu.memref_slice %arg5[%arg0, %add3A_234, %dma_wait3A_292] : memref<2x10240x128xf32, #tpu.memory_space<hbm>> -> memref<1x128x128xf32, #tpu.memory_space<hbm>>
    %dma_wait3A_294 = tpu.memref_squeeze %dma_wait3A_293 : memref<1x128x128xf32, #tpu.memory_space<hbm>> -> memref<128x128xf32, #tpu.memory_space<hbm>>
    %dma_wait3A_295 = arith.constant 0 : i32
    %dma_wait3A_296 = tpu.memref_slice %arg9[%add3A_230, %dma_wait3A_295] : memref<10240x128xf32, #tpu.memory_space<vmem_shared>> -> memref<128x128xf32, #tpu.memory_space<vmem_shared>>
    tpu.wait_dma2 semaphore(%arg10 : memref<!tpu.dma_semaphore, #tpu.memory_space<semaphore_mem>>) src(%dma_wait3A_296 : memref<128x128xf32, #tpu.memory_space<vmem_shared>>) dst(%dma_wait3A_294 : memref<128x128xf32, #tpu.memory_space<hbm>>)
    %dma_wait3A_297 = arith.constant 0 : i32
    %dma_wait3A_298 = tpu.memref_slice %arg5[%arg0, %add3A_247, %dma_wait3A_297] : memref<2x10240x128xf32, #tpu.memory_space<hbm>> -> memref<1x128x128xf32, #tpu.memory_space<hbm>>
    %dma_wait3A_299 = tpu.memref_squeeze %dma_wait3A_298 : memref<1x128x128xf32, #tpu.memory_space<hbm>> -> memref<128x128xf32, #tpu.memory_space<hbm>>
    %dma_wait3A_300 = arith.constant 0 : i32
    %dma_wait3A_301 = tpu.memref_slice %arg9[%add3A_243, %dma_wait3A_300] : memref<10240x128xf32, #tpu.memory_space<vmem_shared>> -> memref<128x128xf32, #tpu.memory_space<vmem_shared>>
    tpu.wait_dma2 semaphore(%arg10 : memref<!tpu.dma_semaphore, #tpu.memory_space<semaphore_mem>>) src(%dma_wait3A_301 : memref<128x128xf32, #tpu.memory_space<vmem_shared>>) dst(%dma_wait3A_299 : memref<128x128xf32, #tpu.memory_space<hbm>>)
    %dma_wait3A_302 = arith.constant 0 : i32
    %dma_wait3A_303 = tpu.memref_slice %arg5[%arg0, %add3A_260, %dma_wait3A_302] : memref<2x10240x128xf32, #tpu.memory_space<hbm>> -> memref<1x128x128xf32, #tpu.memory_space<hbm>>
    %dma_wait3A_304 = tpu.memref_squeeze %dma_wait3A_303 : memref<1x128x128xf32, #tpu.memory_space<hbm>> -> memref<128x128xf32, #tpu.memory_space<hbm>>
    %dma_wait3A_305 = arith.constant 0 : i32
    %dma_wait3A_306 = tpu.memref_slice %arg9[%add3A_256, %dma_wait3A_305] : memref<10240x128xf32, #tpu.memory_space<vmem_shared>> -> memref<128x128xf32, #tpu.memory_space<vmem_shared>>
    tpu.wait_dma2 semaphore(%arg10 : memref<!tpu.dma_semaphore, #tpu.memory_space<semaphore_mem>>) src(%dma_wait3A_306 : memref<128x128xf32, #tpu.memory_space<vmem_shared>>) dst(%dma_wait3A_304 : memref<128x128xf32, #tpu.memory_space<hbm>>)
    %dma_wait3A_307 = arith.constant 0 : i32
    %dma_wait3A_308 = tpu.memref_slice %arg5[%arg0, %add3A_273, %dma_wait3A_307] : memref<2x10240x128xf32, #tpu.memory_space<hbm>> -> memref<1x128x128xf32, #tpu.memory_space<hbm>>
    %dma_wait3A_309 = tpu.memref_squeeze %dma_wait3A_308 : memref<1x128x128xf32, #tpu.memory_space<hbm>> -> memref<128x128xf32, #tpu.memory_space<hbm>>
    %dma_wait3A_310 = arith.constant 0 : i32
    %dma_wait3A_311 = tpu.memref_slice %arg9[%add3A_269, %dma_wait3A_310] : memref<10240x128xf32, #tpu.memory_space<vmem_shared>> -> memref<128x128xf32, #tpu.memory_space<vmem_shared>>
    tpu.wait_dma2 semaphore(%arg10 : memref<!tpu.dma_semaphore, #tpu.memory_space<semaphore_mem>>) src(%dma_wait3A_311 : memref<128x128xf32, #tpu.memory_space<vmem_shared>>) dst(%dma_wait3A_309 : memref<128x128xf32, #tpu.memory_space<hbm>>)
    %dma_wait3A_312 = arith.constant 0 : i32
    %dma_wait3A_313 = tpu.memref_slice %arg5[%arg0, %add3A_286, %dma_wait3A_312] : memref<2x10240x128xf32, #tpu.memory_space<hbm>> -> memref<1x128x128xf32, #tpu.memory_space<hbm>>
    %dma_wait3A_314 = tpu.memref_squeeze %dma_wait3A_313 : memref<1x128x128xf32, #tpu.memory_space<hbm>> -> memref<128x128xf32, #tpu.memory_space<hbm>>
    %dma_wait3A_315 = arith.constant 0 : i32
    %dma_wait3A_316 = tpu.memref_slice %arg9[%add3A_282, %dma_wait3A_315] : memref<10240x128xf32, #tpu.memory_space<vmem_shared>> -> memref<128x128xf32, #tpu.memory_space<vmem_shared>>
    tpu.wait_dma2 semaphore(%arg10 : memref<!tpu.dma_semaphore, #tpu.memory_space<semaphore_mem>>) src(%dma_wait3A_316 : memref<128x128xf32, #tpu.memory_space<vmem_shared>>) dst(%dma_wait3A_314 : memref<128x128xf32, #tpu.memory_space<hbm>>)
    return
  }
}

#map = affine_map<(d0, d1) -> (0, 0)>
#map1 = affine_map<(d0, d1) -> (0, 0, 0)>
module attributes {stable_mosaic.version = 14 : i64} {
  func.func @_sc_prop_body(%arg0: i32, %arg1: i32, %arg2: memref<10240x128xf32, #tpu.memory_space<hbm>>, %arg3: memref<2640x128xi32, #tpu.memory_space<hbm>>, %arg4: memref<2640x128xi32, #tpu.memory_space<hbm>>, %arg5: memref<2x10240x128xf32, #tpu.memory_space<hbm>>, %arg6: memref<40x128xi32, #tpu.memory_space<vmem>>, %arg7: memref<40x128xi32, #tpu.memory_space<vmem>>, %arg8: memref<2x128x128xf32, #tpu.memory_space<vmem>>, %arg9: memref<10240x128xf32, #tpu.memory_space<vmem_shared>>, %arg10: memref<!tpu.dma_semaphore, #tpu.memory_space<semaphore_mem>>) attributes {dimension_semantics = [#tpu.dimension_semantics<core_parallel>, #tpu.dimension_semantics<subcore_parallel>], iteration_bounds = array<i64: 2, 16>, scalar_prefetch = 0 : i64, scratch_operands = 5 : i64, tpu.core_type = #tpu.core_type<sc_vector_subcore>, window_params = [{transform_indices = #map}, {transform_indices = #map}, {transform_indices = #map}, {transform_indices = #map1}]} {
    %mul3A = arith.constant 2 : i32
    %mul3A_0 = arith.muli %arg1, %mul3A : i32
    %add3A = arith.addi %mul3A_0, %arg0 : i32
    %mul3A_1 = arith.constant 80 : i32
    %mul3A_2 = arith.muli %add3A, %mul3A_1 : i32
    %broadcast_in_dim3A = arith.constant 0.000000e+00 : f32
    %broadcast_in_dim3A_3 = vector.broadcast %broadcast_in_dim3A : f32 to vector<16xf32>
    %scan3A = arith.constant 0 : i32
    %scan3A_4 = arith.constant 0 : i32
    %scan3A_5 = arith.constant 0 : i32
    %scan3A_6 = arith.constant 128 : i32
    %scan3A_7 = arith.addi %scan3A_5, %scan3A_6 : i32
    %scan3A_8 = arith.constant 1 : i32
    scf.for %scan3A_317 = %scan3A_5 to %scan3A_7 step %scan3A_8  : i32 {
      %swap3A = arith.constant 0 : i32
      %swap3A_318 = arith.constant 0 : i32
      %swap3A_319 = tpu.memref_slice %arg8[%scan3A_4, %swap3A, %swap3A_318] : memref<2x128x128xf32, #tpu.memory_space<vmem>> -> memref<1x128x128xf32, #tpu.memory_space<vmem>>
      %swap3A_320 = tpu.memref_squeeze %swap3A_319 : memref<1x128x128xf32, #tpu.memory_space<vmem>> -> memref<128x128xf32, #tpu.memory_space<vmem>>
      %swap3A_321 = arith.index_cast %scan3A_317 : i32 to index
      %swap3A_322 = arith.constant 0 : index
      %swap3A_323 = tpu.vector_load %swap3A_320[%swap3A_321, %swap3A_322] {strides = array<i32>} : memref<128x128xf32, #tpu.memory_space<vmem>>, vector<16xf32>,
      tpu.vector_store %swap3A_320[%swap3A_321, %swap3A_322], %broadcast_in_dim3A_3 {strides = array<i32>} : memref<128x128xf32, #tpu.memory_space<vmem>>, vector<16xf32>,
      %swap3A_324 = arith.constant 0 : i32
      %swap3A_325 = arith.constant 0 : i32
      %swap3A_326 = tpu.memref_slice %arg8[%scan3A_4, %swap3A_324, %swap3A_325] : memref<2x128x128xf32, #tpu.memory_space<vmem>> -> memref<1x128x128xf32, #tpu.memory_space<vmem>>
      %swap3A_327 = tpu.memref_squeeze %swap3A_326 : memref<1x128x128xf32, #tpu.memory_space<vmem>> -> memref<128x128xf32, #tpu.memory_space<vmem>>
      %swap3A_328 = arith.index_cast %scan3A_317 : i32 to index
      %swap3A_329 = arith.constant 16 : index
      %swap3A_330 = tpu.vector_load %swap3A_327[%swap3A_328, %swap3A_329] {strides = array<i32>} : memref<128x128xf32, #tpu.memory_space<vmem>>, vector<16xf32>,
      tpu.vector_store %swap3A_327[%swap3A_328, %swap3A_329], %broadcast_in_dim3A_3 {strides = array<i32>} : memref<128x128xf32, #tpu.memory_space<vmem>>, vector<16xf32>,
      %swap3A_331 = arith.constant 0 : i32
      %swap3A_332 = arith.constant 0 : i32
      %swap3A_333 = tpu.memref_slice %arg8[%scan3A_4, %swap3A_331, %swap3A_332] : memref<2x128x128xf32, #tpu.memory_space<vmem>> -> memref<1x128x128xf32, #tpu.memory_space<vmem>>
      %swap3A_334 = tpu.memref_squeeze %swap3A_333 : memref<1x128x128xf32, #tpu.memory_space<vmem>> -> memref<128x128xf32, #tpu.memory_space<vmem>>
      %swap3A_335 = arith.index_cast %scan3A_317 : i32 to index
      %swap3A_336 = arith.constant 32 : index
      %swap3A_337 = tpu.vector_load %swap3A_334[%swap3A_335, %swap3A_336] {strides = array<i32>} : memref<128x128xf32, #tpu.memory_space<vmem>>, vector<16xf32>,
      tpu.vector_store %swap3A_334[%swap3A_335, %swap3A_336], %broadcast_in_dim3A_3 {strides = array<i32>} : memref<128x128xf32, #tpu.memory_space<vmem>>, vector<16xf32>,
      %swap3A_338 = arith.constant 0 : i32
      %swap3A_339 = arith.constant 0 : i32
      %swap3A_340 = tpu.memref_slice %arg8[%scan3A_4, %swap3A_338, %swap3A_339] : memref<2x128x128xf32, #tpu.memory_space<vmem>> -> memref<1x128x128xf32, #tpu.memory_space<vmem>>
      %swap3A_341 = tpu.memref_squeeze %swap3A_340 : memref<1x128x128xf32, #tpu.memory_space<vmem>> -> memref<128x128xf32, #tpu.memory_space<vmem>>
      %swap3A_342 = arith.index_cast %scan3A_317 : i32 to index
      %swap3A_343 = arith.constant 48 : index
      %swap3A_344 = tpu.vector_load %swap3A_341[%swap3A_342, %swap3A_343] {strides = array<i32>} : memref<128x128xf32, #tpu.memory_space<vmem>>, vector<16xf32>,
      tpu.vector_store %swap3A_341[%swap3A_342, %swap3A_343], %broadcast_in_dim3A_3 {strides = array<i32>} : memref<128x128xf32, #tpu.memory_space<vmem>>, vector<16xf32>,
      %swap3A_345 = arith.constant 0 : i32
      %swap3A_346 = arith.constant 0 : i32
      %swap3A_347 = tpu.memref_slice %arg8[%scan3A_4, %swap3A_345, %swap3A_346] : memref<2x128x128xf32, #tpu.memory_space<vmem>> -> memref<1x128x128xf32, #tpu.memory_space<vmem>>
      %swap3A_348 = tpu.memref_squeeze %swap3A_347 : memref<1x128x128xf32, #tpu.memory_space<vmem>> -> memref<128x128xf32, #tpu.memory_space<vmem>>
      %swap3A_349 = arith.index_cast %scan3A_317 : i32 to index
      %swap3A_350 = arith.constant 64 : index
      %swap3A_351 = tpu.vector_load %swap3A_348[%swap3A_349, %swap3A_350] {strides = array<i32>} : memref<128x128xf32, #tpu.memory_space<vmem>>, vector<16xf32>,
      tpu.vector_store %swap3A_348[%swap3A_349, %swap3A_350], %broadcast_in_dim3A_3 {strides = array<i32>} : memref<128x128xf32, #tpu.memory_space<vmem>>, vector<16xf32>,
      %swap3A_352 = arith.constant 0 : i32
      %swap3A_353 = arith.constant 0 : i32
      %swap3A_354 = tpu.memref_slice %arg8[%scan3A_4, %swap3A_352, %swap3A_353] : memref<2x128x128xf32, #tpu.memory_space<vmem>> -> memref<1x128x128xf32, #tpu.memory_space<vmem>>
      %swap3A_355 = tpu.memref_squeeze %swap3A_354 : memref<1x128x128xf32, #tpu.memory_space<vmem>> -> memref<128x128xf32, #tpu.memory_space<vmem>>
      %swap3A_356 = arith.index_cast %scan3A_317 : i32 to index
      %swap3A_357 = arith.constant 80 : index
      %swap3A_358 = tpu.vector_load %swap3A_355[%swap3A_356, %swap3A_357] {strides = array<i32>} : memref<128x128xf32, #tpu.memory_space<vmem>>, vector<16xf32>,
      tpu.vector_store %swap3A_355[%swap3A_356, %swap3A_357], %broadcast_in_dim3A_3 {strides = array<i32>} : memref<128x128xf32, #tpu.memory_space<vmem>>, vector<16xf32>,
      %swap3A_359 = arith.constant 0 : i32
      %swap3A_360 = arith.constant 0 : i32
      %swap3A_361 = tpu.memref_slice %arg8[%scan3A_4, %swap3A_359, %swap3A_360] : memref<2x128x128xf32, #tpu.memory_space<vmem>> -> memref<1x128x128xf32, #tpu.memory_space<vmem>>
      %swap3A_362 = tpu.memref_squeeze %swap3A_361 : memref<1x128x128xf32, #tpu.memory_space<vmem>> -> memref<128x128xf32, #tpu.memory_space<vmem>>
      %swap3A_363 = arith.index_cast %scan3A_317 : i32 to index
      %swap3A_364 = arith.constant 96 : index
      %swap3A_365 = tpu.vector_load %swap3A_362[%swap3A_363, %swap3A_364] {strides = array<i32>} : memref<128x128xf32, #tpu.memory_space<vmem>>, vector<16xf32>,
      tpu.vector_store %swap3A_362[%swap3A_363, %swap3A_364], %broadcast_in_dim3A_3 {strides = array<i32>} : memref<128x128xf32, #tpu.memory_space<vmem>>, vector<16xf32>,
      %swap3A_366 = arith.constant 0 : i32
      %swap3A_367 = arith.constant 0 : i32
      %swap3A_368 = tpu.memref_slice %arg8[%scan3A_4, %swap3A_366, %swap3A_367] : memref<2x128x128xf32, #tpu.memory_space<vmem>> -> memref<1x128x128xf32, #tpu.memory_space<vmem>>
      %swap3A_369 = tpu.memref_squeeze %swap3A_368 : memref<1x128x128xf32, #tpu.memory_space<vmem>> -> memref<128x128xf32, #tpu.memory_space<vmem>>
      %swap3A_370 = arith.index_cast %scan3A_317 : i32 to index
      %swap3A_371 = arith.constant 112 : index
      %swap3A_372 = tpu.vector_load %swap3A_369[%swap3A_370, %swap3A_371] {strides = array<i32>} : memref<128x128xf32, #tpu.memory_space<vmem>>, vector<16xf32>,
      tpu.vector_store %swap3A_369[%swap3A_370, %swap3A_371], %broadcast_in_dim3A_3 {strides = array<i32>} : memref<128x128xf32, #tpu.memory_space<vmem>>, vector<16xf32>,
    }
    %scan3A_9 = arith.constant 128 : i32
    %mul3A_10 = arith.constant 640 : i32
    %mul3A_11 = arith.muli %arg1, %mul3A_10 : i32
    %add3A_12 = arith.constant 0 : i32
    %add3A_13 = arith.addi %mul3A_11, %add3A_12 : i32
    %dma_start3A = arith.constant 0 : i32
    %dma_start3A_14 = arith.constant 0 : i32
    %dma_start3A_15 = arith.constant 0 : i32
    %dma_start3A_16 = tpu.memref_slice %arg8[%dma_start3A, %dma_start3A_14, %dma_start3A_15] : memref<2x128x128xf32, #tpu.memory_space<vmem>> -> memref<1x128x128xf32, #tpu.memory_space<vmem>>
    %dma_start3A_17 = tpu.memref_squeeze %dma_start3A_16 : memref<1x128x128xf32, #tpu.memory_space<vmem>> -> memref<128x128xf32, #tpu.memory_space<vmem>>
    %dma_start3A_18 = arith.constant 0 : i32
    %dma_start3A_19 = tpu.memref_slice %arg9[%add3A_13, %dma_start3A_18] : memref<10240x128xf32, #tpu.memory_space<vmem_shared>> -> memref<128x128xf32, #tpu.memory_space<vmem_shared>>
    %dma_start3A_20 = arith.constant 0 : i32
    %dma_start3A_21 = tpu.memref_slice %arg9[%add3A_13, %dma_start3A_20] : memref<10240x128xf32, #tpu.memory_space<vmem_shared>> -> memref<128x128xf32, #tpu.memory_space<vmem_shared>>
    %dma_start3A_22 = arith.constant 0 : i32
    %dma_start3A_23 = arith.constant 0 : i32
    %dma_start3A_24 = tpu.memref_slice %arg8[%dma_start3A, %dma_start3A_22, %dma_start3A_23] : memref<2x128x128xf32, #tpu.memory_space<vmem>> -> memref<1x128x128xf32, #tpu.memory_space<vmem>>
    %dma_start3A_25 = tpu.memref_squeeze %dma_start3A_24 : memref<1x128x128xf32, #tpu.memory_space<vmem>> -> memref<128x128xf32, #tpu.memory_space<vmem>>
    tpu.enqueue_dma source(%dma_start3A_25 : memref<128x128xf32, #tpu.memory_space<vmem>>) target(%dma_start3A_21 : memref<128x128xf32, #tpu.memory_space<vmem_shared>>) target_semaphore(%arg10 : memref<!tpu.dma_semaphore, #tpu.memory_space<semaphore_mem>>)
    %mul3A_26 = arith.constant 640 : i32
    %mul3A_27 = arith.muli %arg1, %mul3A_26 : i32
    %add3A_28 = arith.constant 128 : i32
    %add3A_29 = arith.addi %mul3A_27, %add3A_28 : i32
    %dma_start3A_30 = arith.constant 0 : i32
    %dma_start3A_31 = arith.constant 0 : i32
    %dma_start3A_32 = arith.constant 0 : i32
    %dma_start3A_33 = tpu.memref_slice %arg8[%dma_start3A_30, %dma_start3A_31, %dma_start3A_32] : memref<2x128x128xf32, #tpu.memory_space<vmem>> -> memref<1x128x128xf32, #tpu.memory_space<vmem>>
    %dma_start3A_34 = tpu.memref_squeeze %dma_start3A_33 : memref<1x128x128xf32, #tpu.memory_space<vmem>> -> memref<128x128xf32, #tpu.memory_space<vmem>>
    %dma_start3A_35 = arith.constant 0 : i32
    %dma_start3A_36 = tpu.memref_slice %arg9[%add3A_29, %dma_start3A_35] : memref<10240x128xf32, #tpu.memory_space<vmem_shared>> -> memref<128x128xf32, #tpu.memory_space<vmem_shared>>
    %dma_start3A_37 = arith.constant 0 : i32
    %dma_start3A_38 = tpu.memref_slice %arg9[%add3A_29, %dma_start3A_37] : memref<10240x128xf32, #tpu.memory_space<vmem_shared>> -> memref<128x128xf32, #tpu.memory_space<vmem_shared>>
    %dma_start3A_39 = arith.constant 0 : i32
    %dma_start3A_40 = arith.constant 0 : i32
    %dma_start3A_41 = tpu.memref_slice %arg8[%dma_start3A_30, %dma_start3A_39, %dma_start3A_40] : memref<2x128x128xf32, #tpu.memory_space<vmem>> -> memref<1x128x128xf32, #tpu.memory_space<vmem>>
    %dma_start3A_42 = tpu.memref_squeeze %dma_start3A_41 : memref<1x128x128xf32, #tpu.memory_space<vmem>> -> memref<128x128xf32, #tpu.memory_space<vmem>>
    tpu.enqueue_dma source(%dma_start3A_42 : memref<128x128xf32, #tpu.memory_space<vmem>>) target(%dma_start3A_38 : memref<128x128xf32, #tpu.memory_space<vmem_shared>>) target_semaphore(%arg10 : memref<!tpu.dma_semaphore, #tpu.memory_space<semaphore_mem>>)
    %mul3A_43 = arith.constant 640 : i32
    %mul3A_44 = arith.muli %arg1, %mul3A_43 : i32
    %add3A_45 = arith.constant 256 : i32
    %add3A_46 = arith.addi %mul3A_44, %add3A_45 : i32
    %dma_start3A_47 = arith.constant 0 : i32
    %dma_start3A_48 = arith.constant 0 : i32
    %dma_start3A_49 = arith.constant 0 : i32
    %dma_start3A_50 = tpu.memref_slice %arg8[%dma_start3A_47, %dma_start3A_48, %dma_start3A_49] : memref<2x128x128xf32, #tpu.memory_space<vmem>> -> memref<1x128x128xf32, #tpu.memory_space<vmem>>
    %dma_start3A_51 = tpu.memref_squeeze %dma_start3A_50 : memref<1x128x128xf32, #tpu.memory_space<vmem>> -> memref<128x128xf32, #tpu.memory_space<vmem>>
    %dma_start3A_52 = arith.constant 0 : i32
    %dma_start3A_53 = tpu.memref_slice %arg9[%add3A_46, %dma_start3A_52] : memref<10240x128xf32, #tpu.memory_space<vmem_shared>> -> memref<128x128xf32, #tpu.memory_space<vmem_shared>>
    %dma_start3A_54 = arith.constant 0 : i32
    %dma_start3A_55 = tpu.memref_slice %arg9[%add3A_46, %dma_start3A_54] : memref<10240x128xf32, #tpu.memory_space<vmem_shared>> -> memref<128x128xf32, #tpu.memory_space<vmem_shared>>
    %dma_start3A_56 = arith.constant 0 : i32
    %dma_start3A_57 = arith.constant 0 : i32
    %dma_start3A_58 = tpu.memref_slice %arg8[%dma_start3A_47, %dma_start3A_56, %dma_start3A_57] : memref<2x128x128xf32, #tpu.memory_space<vmem>> -> memref<1x128x128xf32, #tpu.memory_space<vmem>>
    %dma_start3A_59 = tpu.memref_squeeze %dma_start3A_58 : memref<1x128x128xf32, #tpu.memory_space<vmem>> -> memref<128x128xf32, #tpu.memory_space<vmem>>
    tpu.enqueue_dma source(%dma_start3A_59 : memref<128x128xf32, #tpu.memory_space<vmem>>) target(%dma_start3A_55 : memref<128x128xf32, #tpu.memory_space<vmem_shared>>) target_semaphore(%arg10 : memref<!tpu.dma_semaphore, #tpu.memory_space<semaphore_mem>>)
    %mul3A_60 = arith.constant 640 : i32
    %mul3A_61 = arith.muli %arg1, %mul3A_60 : i32
    %add3A_62 = arith.constant 384 : i32
    %add3A_63 = arith.addi %mul3A_61, %add3A_62 : i32
    %dma_start3A_64 = arith.constant 0 : i32
    %dma_start3A_65 = arith.constant 0 : i32
    %dma_start3A_66 = arith.constant 0 : i32
    %dma_start3A_67 = tpu.memref_slice %arg8[%dma_start3A_64, %dma_start3A_65, %dma_start3A_66] : memref<2x128x128xf32, #tpu.memory_space<vmem>> -> memref<1x128x128xf32, #tpu.memory_space<vmem>>
    %dma_start3A_68 = tpu.memref_squeeze %dma_start3A_67 : memref<1x128x128xf32, #tpu.memory_space<vmem>> -> memref<128x128xf32, #tpu.memory_space<vmem>>
    %dma_start3A_69 = arith.constant 0 : i32
    %dma_start3A_70 = tpu.memref_slice %arg9[%add3A_63, %dma_start3A_69] : memref<10240x128xf32, #tpu.memory_space<vmem_shared>> -> memref<128x128xf32, #tpu.memory_space<vmem_shared>>
    %dma_start3A_71 = arith.constant 0 : i32
    %dma_start3A_72 = tpu.memref_slice %arg9[%add3A_63, %dma_start3A_71] : memref<10240x128xf32, #tpu.memory_space<vmem_shared>> -> memref<128x128xf32, #tpu.memory_space<vmem_shared>>
    %dma_start3A_73 = arith.constant 0 : i32
    %dma_start3A_74 = arith.constant 0 : i32
    %dma_start3A_75 = tpu.memref_slice %arg8[%dma_start3A_64, %dma_start3A_73, %dma_start3A_74] : memref<2x128x128xf32, #tpu.memory_space<vmem>> -> memref<1x128x128xf32, #tpu.memory_space<vmem>>
    %dma_start3A_76 = tpu.memref_squeeze %dma_start3A_75 : memref<1x128x128xf32, #tpu.memory_space<vmem>> -> memref<128x128xf32, #tpu.memory_space<vmem>>
    tpu.enqueue_dma source(%dma_start3A_76 : memref<128x128xf32, #tpu.memory_space<vmem>>) target(%dma_start3A_72 : memref<128x128xf32, #tpu.memory_space<vmem_shared>>) target_semaphore(%arg10 : memref<!tpu.dma_semaphore, #tpu.memory_space<semaphore_mem>>)
    %mul3A_77 = arith.constant 640 : i32
    %mul3A_78 = arith.muli %arg1, %mul3A_77 : i32
    %add3A_79 = arith.constant 512 : i32
    %add3A_80 = arith.addi %mul3A_78, %add3A_79 : i32
    %dma_start3A_81 = arith.constant 0 : i32
    %dma_start3A_82 = arith.constant 0 : i32
    %dma_start3A_83 = arith.constant 0 : i32
    %dma_start3A_84 = tpu.memref_slice %arg8[%dma_start3A_81, %dma_start3A_82, %dma_start3A_83] : memref<2x128x128xf32, #tpu.memory_space<vmem>> -> memref<1x128x128xf32, #tpu.memory_space<vmem>>
    %dma_start3A_85 = tpu.memref_squeeze %dma_start3A_84 : memref<1x128x128xf32, #tpu.memory_space<vmem>> -> memref<128x128xf32, #tpu.memory_space<vmem>>
    %dma_start3A_86 = arith.constant 0 : i32
    %dma_start3A_87 = tpu.memref_slice %arg9[%add3A_80, %dma_start3A_86] : memref<10240x128xf32, #tpu.memory_space<vmem_shared>> -> memref<128x128xf32, #tpu.memory_space<vmem_shared>>
    %dma_start3A_88 = arith.constant 0 : i32
    %dma_start3A_89 = tpu.memref_slice %arg9[%add3A_80, %dma_start3A_88] : memref<10240x128xf32, #tpu.memory_space<vmem_shared>> -> memref<128x128xf32, #tpu.memory_space<vmem_shared>>
    %dma_start3A_90 = arith.constant 0 : i32
    %dma_start3A_91 = arith.constant 0 : i32
    %dma_start3A_92 = tpu.memref_slice %arg8[%dma_start3A_81, %dma_start3A_90, %dma_start3A_91] : memref<2x128x128xf32, #tpu.memory_space<vmem>> -> memref<1x128x128xf32, #tpu.memory_space<vmem>>
    %dma_start3A_93 = tpu.memref_squeeze %dma_start3A_92 : memref<1x128x128xf32, #tpu.memory_space<vmem>> -> memref<128x128xf32, #tpu.memory_space<vmem>>
    tpu.enqueue_dma source(%dma_start3A_93 : memref<128x128xf32, #tpu.memory_space<vmem>>) target(%dma_start3A_89 : memref<128x128xf32, #tpu.memory_space<vmem_shared>>) target_semaphore(%arg10 : memref<!tpu.dma_semaphore, #tpu.memory_space<semaphore_mem>>)
    %dma_wait3A = arith.constant 0 : i32
    %dma_wait3A_94 = arith.constant 0 : i32
    %dma_wait3A_95 = arith.constant 0 : i32
    %dma_wait3A_96 = tpu.memref_slice %arg8[%dma_wait3A, %dma_wait3A_94, %dma_wait3A_95] : memref<2x128x128xf32, #tpu.memory_space<vmem>> -> memref<1x128x128xf32, #tpu.memory_space<vmem>>
    %dma_wait3A_97 = tpu.memref_squeeze %dma_wait3A_96 : memref<1x128x128xf32, #tpu.memory_space<vmem>> -> memref<128x128xf32, #tpu.memory_space<vmem>>
    %dma_wait3A_98 = arith.constant 0 : i32
    %dma_wait3A_99 = tpu.memref_slice %arg9[%add3A_13, %dma_wait3A_98] : memref<10240x128xf32, #tpu.memory_space<vmem_shared>> -> memref<128x128xf32, #tpu.memory_space<vmem_shared>>
    %dma_wait3A_100 = arith.constant 0 : i32
    %dma_wait3A_101 = tpu.memref_slice %arg9[%add3A_13, %dma_wait3A_100] : memref<10240x128xf32, #tpu.memory_space<vmem_shared>> -> memref<128x128xf32, #tpu.memory_space<vmem_shared>>
    %dma_wait3A_102 = arith.constant 0 : i32
    %dma_wait3A_103 = arith.constant 0 : i32
    %dma_wait3A_104 = tpu.memref_slice %arg8[%dma_wait3A, %dma_wait3A_102, %dma_wait3A_103] : memref<2x128x128xf32, #tpu.memory_space<vmem>> -> memref<1x128x128xf32, #tpu.memory_space<vmem>>
    %dma_wait3A_105 = tpu.memref_squeeze %dma_wait3A_104 : memref<1x128x128xf32, #tpu.memory_space<vmem>> -> memref<128x128xf32, #tpu.memory_space<vmem>>
    tpu.wait_dma2 semaphore(%arg10 : memref<!tpu.dma_semaphore, #tpu.memory_space<semaphore_mem>>) src(%dma_wait3A_105 : memref<128x128xf32, #tpu.memory_space<vmem>>) dst(%dma_wait3A_101 : memref<128x128xf32, #tpu.memory_space<vmem_shared>>)
    %dma_wait3A_106 = arith.constant 0 : i32
    %dma_wait3A_107 = arith.constant 0 : i32
    %dma_wait3A_108 = arith.constant 0 : i32
    %dma_wait3A_109 = tpu.memref_slice %arg8[%dma_wait3A_106, %dma_wait3A_107, %dma_wait3A_108] : memref<2x128x128xf32, #tpu.memory_space<vmem>> -> memref<1x128x128xf32, #tpu.memory_space<vmem>>
    %dma_wait3A_110 = tpu.memref_squeeze %dma_wait3A_109 : memref<1x128x128xf32, #tpu.memory_space<vmem>> -> memref<128x128xf32, #tpu.memory_space<vmem>>
    %dma_wait3A_111 = arith.constant 0 : i32
    %dma_wait3A_112 = tpu.memref_slice %arg9[%add3A_29, %dma_wait3A_111] : memref<10240x128xf32, #tpu.memory_space<vmem_shared>> -> memref<128x128xf32, #tpu.memory_space<vmem_shared>>
    %dma_wait3A_113 = arith.constant 0 : i32
    %dma_wait3A_114 = tpu.memref_slice %arg9[%add3A_29, %dma_wait3A_113] : memref<10240x128xf32, #tpu.memory_space<vmem_shared>> -> memref<128x128xf32, #tpu.memory_space<vmem_shared>>
    %dma_wait3A_115 = arith.constant 0 : i32
    %dma_wait3A_116 = arith.constant 0 : i32
    %dma_wait3A_117 = tpu.memref_slice %arg8[%dma_wait3A_106, %dma_wait3A_115, %dma_wait3A_116] : memref<2x128x128xf32, #tpu.memory_space<vmem>> -> memref<1x128x128xf32, #tpu.memory_space<vmem>>
    %dma_wait3A_118 = tpu.memref_squeeze %dma_wait3A_117 : memref<1x128x128xf32, #tpu.memory_space<vmem>> -> memref<128x128xf32, #tpu.memory_space<vmem>>
    tpu.wait_dma2 semaphore(%arg10 : memref<!tpu.dma_semaphore, #tpu.memory_space<semaphore_mem>>) src(%dma_wait3A_118 : memref<128x128xf32, #tpu.memory_space<vmem>>) dst(%dma_wait3A_114 : memref<128x128xf32, #tpu.memory_space<vmem_shared>>)
    %dma_wait3A_119 = arith.constant 0 : i32
    %dma_wait3A_120 = arith.constant 0 : i32
    %dma_wait3A_121 = arith.constant 0 : i32
    %dma_wait3A_122 = tpu.memref_slice %arg8[%dma_wait3A_119, %dma_wait3A_120, %dma_wait3A_121] : memref<2x128x128xf32, #tpu.memory_space<vmem>> -> memref<1x128x128xf32, #tpu.memory_space<vmem>>
    %dma_wait3A_123 = tpu.memref_squeeze %dma_wait3A_122 : memref<1x128x128xf32, #tpu.memory_space<vmem>> -> memref<128x128xf32, #tpu.memory_space<vmem>>
    %dma_wait3A_124 = arith.constant 0 : i32
    %dma_wait3A_125 = tpu.memref_slice %arg9[%add3A_46, %dma_wait3A_124] : memref<10240x128xf32, #tpu.memory_space<vmem_shared>> -> memref<128x128xf32, #tpu.memory_space<vmem_shared>>
    %dma_wait3A_126 = arith.constant 0 : i32
    %dma_wait3A_127 = tpu.memref_slice %arg9[%add3A_46, %dma_wait3A_126] : memref<10240x128xf32, #tpu.memory_space<vmem_shared>> -> memref<128x128xf32, #tpu.memory_space<vmem_shared>>
    %dma_wait3A_128 = arith.constant 0 : i32
    %dma_wait3A_129 = arith.constant 0 : i32
    %dma_wait3A_130 = tpu.memref_slice %arg8[%dma_wait3A_119, %dma_wait3A_128, %dma_wait3A_129] : memref<2x128x128xf32, #tpu.memory_space<vmem>> -> memref<1x128x128xf32, #tpu.memory_space<vmem>>
    %dma_wait3A_131 = tpu.memref_squeeze %dma_wait3A_130 : memref<1x128x128xf32, #tpu.memory_space<vmem>> -> memref<128x128xf32, #tpu.memory_space<vmem>>
    tpu.wait_dma2 semaphore(%arg10 : memref<!tpu.dma_semaphore, #tpu.memory_space<semaphore_mem>>) src(%dma_wait3A_131 : memref<128x128xf32, #tpu.memory_space<vmem>>) dst(%dma_wait3A_127 : memref<128x128xf32, #tpu.memory_space<vmem_shared>>)
    %dma_wait3A_132 = arith.constant 0 : i32
    %dma_wait3A_133 = arith.constant 0 : i32
    %dma_wait3A_134 = arith.constant 0 : i32
    %dma_wait3A_135 = tpu.memref_slice %arg8[%dma_wait3A_132, %dma_wait3A_133, %dma_wait3A_134] : memref<2x128x128xf32, #tpu.memory_space<vmem>> -> memref<1x128x128xf32, #tpu.memory_space<vmem>>
    %dma_wait3A_136 = tpu.memref_squeeze %dma_wait3A_135 : memref<1x128x128xf32, #tpu.memory_space<vmem>> -> memref<128x128xf32, #tpu.memory_space<vmem>>
    %dma_wait3A_137 = arith.constant 0 : i32
    %dma_wait3A_138 = tpu.memref_slice %arg9[%add3A_63, %dma_wait3A_137] : memref<10240x128xf32, #tpu.memory_space<vmem_shared>> -> memref<128x128xf32, #tpu.memory_space<vmem_shared>>
    %dma_wait3A_139 = arith.constant 0 : i32
    %dma_wait3A_140 = tpu.memref_slice %arg9[%add3A_63, %dma_wait3A_139] : memref<10240x128xf32, #tpu.memory_space<vmem_shared>> -> memref<128x128xf32, #tpu.memory_space<vmem_shared>>
    %dma_wait3A_141 = arith.constant 0 : i32
    %dma_wait3A_142 = arith.constant 0 : i32
    %dma_wait3A_143 = tpu.memref_slice %arg8[%dma_wait3A_132, %dma_wait3A_141, %dma_wait3A_142] : memref<2x128x128xf32, #tpu.memory_space<vmem>> -> memref<1x128x128xf32, #tpu.memory_space<vmem>>
    %dma_wait3A_144 = tpu.memref_squeeze %dma_wait3A_143 : memref<1x128x128xf32, #tpu.memory_space<vmem>> -> memref<128x128xf32, #tpu.memory_space<vmem>>
    tpu.wait_dma2 semaphore(%arg10 : memref<!tpu.dma_semaphore, #tpu.memory_space<semaphore_mem>>) src(%dma_wait3A_144 : memref<128x128xf32, #tpu.memory_space<vmem>>) dst(%dma_wait3A_140 : memref<128x128xf32, #tpu.memory_space<vmem_shared>>)
    %dma_wait3A_145 = arith.constant 0 : i32
    %dma_wait3A_146 = arith.constant 0 : i32
    %dma_wait3A_147 = arith.constant 0 : i32
    %dma_wait3A_148 = tpu.memref_slice %arg8[%dma_wait3A_145, %dma_wait3A_146, %dma_wait3A_147] : memref<2x128x128xf32, #tpu.memory_space<vmem>> -> memref<1x128x128xf32, #tpu.memory_space<vmem>>
    %dma_wait3A_149 = tpu.memref_squeeze %dma_wait3A_148 : memref<1x128x128xf32, #tpu.memory_space<vmem>> -> memref<128x128xf32, #tpu.memory_space<vmem>>
    %dma_wait3A_150 = arith.constant 0 : i32
    %dma_wait3A_151 = tpu.memref_slice %arg9[%add3A_80, %dma_wait3A_150] : memref<10240x128xf32, #tpu.memory_space<vmem_shared>> -> memref<128x128xf32, #tpu.memory_space<vmem_shared>>
    %dma_wait3A_152 = arith.constant 0 : i32
    %dma_wait3A_153 = tpu.memref_slice %arg9[%add3A_80, %dma_wait3A_152] : memref<10240x128xf32, #tpu.memory_space<vmem_shared>> -> memref<128x128xf32, #tpu.memory_space<vmem_shared>>
    %dma_wait3A_154 = arith.constant 0 : i32
    %dma_wait3A_155 = arith.constant 0 : i32
    %dma_wait3A_156 = tpu.memref_slice %arg8[%dma_wait3A_145, %dma_wait3A_154, %dma_wait3A_155] : memref<2x128x128xf32, #tpu.memory_space<vmem>> -> memref<1x128x128xf32, #tpu.memory_space<vmem>>
    %dma_wait3A_157 = tpu.memref_squeeze %dma_wait3A_156 : memref<1x128x128xf32, #tpu.memory_space<vmem>> -> memref<128x128xf32, #tpu.memory_space<vmem>>
    tpu.wait_dma2 semaphore(%arg10 : memref<!tpu.dma_semaphore, #tpu.memory_space<semaphore_mem>>) src(%dma_wait3A_157 : memref<128x128xf32, #tpu.memory_space<vmem>>) dst(%dma_wait3A_153 : memref<128x128xf32, #tpu.memory_space<vmem_shared>>)
    %barrier3A = arith.constant 0 : index
    tpu.barrier barrier_id(%barrier3A)
    %add3A_158 = arith.constant 0 : i32
    %add3A_159 = arith.addi %mul3A_2, %add3A_158 : i32
    "tpu.region"() ({
      %run_scoped3A = tpu.sem_alloc : memref<!tpu.dma_semaphore, #tpu.memory_space<semaphore_mem>>
      %dma_start3A_317 = arith.constant 0 : i32
      %dma_start3A_318 = tpu.memref_slice %arg3[%add3A_159, %dma_start3A_317] : memref<2640x128xi32, #tpu.memory_space<hbm>> -> memref<40x128xi32, #tpu.memory_space<hbm>>
      %dma_start3A_319 = arith.constant 0 : i32
      %dma_start3A_320 = tpu.memref_slice %arg3[%add3A_159, %dma_start3A_319] : memref<2640x128xi32, #tpu.memory_space<hbm>> -> memref<40x128xi32, #tpu.memory_space<hbm>>
      tpu.enqueue_dma source(%dma_start3A_320 : memref<40x128xi32, #tpu.memory_space<hbm>>) target(%arg6 : memref<40x128xi32, #tpu.memory_space<vmem>>) target_semaphore(%run_scoped3A : memref<!tpu.dma_semaphore, #tpu.memory_space<semaphore_mem>>)
      %dma_wait3A_321 = arith.constant 0 : i32
      %dma_wait3A_322 = tpu.memref_slice %arg3[%add3A_159, %dma_wait3A_321] : memref<2640x128xi32, #tpu.memory_space<hbm>> -> memref<40x128xi32, #tpu.memory_space<hbm>>
      %dma_wait3A_323 = arith.constant 0 : i32
      %dma_wait3A_324 = tpu.memref_slice %arg3[%add3A_159, %dma_wait3A_323] : memref<2640x128xi32, #tpu.memory_space<hbm>> -> memref<40x128xi32, #tpu.memory_space<hbm>>
      tpu.wait_dma2 semaphore(%run_scoped3A : memref<!tpu.dma_semaphore, #tpu.memory_space<semaphore_mem>>) src(%dma_wait3A_324 : memref<40x128xi32, #tpu.memory_space<hbm>>) dst(%arg6 : memref<40x128xi32, #tpu.memory_space<vmem>>)
      tpu.yield
    }) : () -> ()
    %add3A_160 = arith.constant 0 : i32
    %add3A_161 = arith.addi %mul3A_2, %add3A_160 : i32
    "tpu.region"() ({
      %run_scoped3A = tpu.sem_alloc : memref<!tpu.dma_semaphore, #tpu.memory_space<semaphore_mem>>
      %dma_start3A_317 = arith.constant 0 : i32
      %dma_start3A_318 = tpu.memref_slice %arg4[%add3A_161, %dma_start3A_317] : memref<2640x128xi32, #tpu.memory_space<hbm>> -> memref<40x128xi32, #tpu.memory_space<hbm>>
      %dma_start3A_319 = arith.constant 0 : i32
      %dma_start3A_320 = tpu.memref_slice %arg4[%add3A_161, %dma_start3A_319] : memref<2640x128xi32, #tpu.memory_space<hbm>> -> memref<40x128xi32, #tpu.memory_space<hbm>>
      tpu.enqueue_dma source(%dma_start3A_320 : memref<40x128xi32, #tpu.memory_space<hbm>>) target(%arg7 : memref<40x128xi32, #tpu.memory_space<vmem>>) target_semaphore(%run_scoped3A : memref<!tpu.dma_semaphore, #tpu.memory_space<semaphore_mem>>)
      %dma_wait3A_321 = arith.constant 0 : i32
      %dma_wait3A_322 = tpu.memref_slice %arg4[%add3A_161, %dma_wait3A_321] : memref<2640x128xi32, #tpu.memory_space<hbm>> -> memref<40x128xi32, #tpu.memory_space<hbm>>
      %dma_wait3A_323 = arith.constant 0 : i32
      %dma_wait3A_324 = tpu.memref_slice %arg4[%add3A_161, %dma_wait3A_323] : memref<2640x128xi32, #tpu.memory_space<hbm>> -> memref<40x128xi32, #tpu.memory_space<hbm>>
      tpu.wait_dma2 semaphore(%run_scoped3A : memref<!tpu.dma_semaphore, #tpu.memory_space<semaphore_mem>>) src(%dma_wait3A_324 : memref<40x128xi32, #tpu.memory_space<hbm>>) dst(%arg7 : memref<40x128xi32, #tpu.memory_space<vmem>>)
      tpu.yield
    }) : () -> ()
    %dma_start3A_162 = arith.constant 0 : i32
    %dma_start3A_163 = arith.constant 0 : i32
    %dma_start3A_164 = arith.constant 0 : i32
    %dma_start3A_165 = arith.constant 0 : i32
    %dma_start3A_166 = tpu.memref_slice %arg8[%dma_start3A_163, %dma_start3A_164, %dma_start3A_165] : memref<2x128x128xf32, #tpu.memory_space<vmem>> -> memref<1x128x128xf32, #tpu.memory_space<vmem>>
    %dma_start3A_167 = tpu.memref_squeeze %dma_start3A_166 : memref<1x128x128xf32, #tpu.memory_space<vmem>> -> memref<128x128xf32, #tpu.memory_space<vmem>>
    %dma_start3A_168 = arith.constant 0 : i32
    %dma_start3A_169 = tpu.memref_slice %arg6[%dma_start3A_162, %dma_start3A_168] : memref<40x128xi32, #tpu.memory_space<vmem>> -> memref<1x128xi32, #tpu.memory_space<vmem>>
    %dma_start3A_170 = tpu.memref_squeeze %dma_start3A_169 : memref<1x128xi32, #tpu.memory_space<vmem>> -> memref<128xi32, #tpu.memory_space<vmem>>
    %dma_start3A_171 = arith.constant 0 : i32
    %dma_start3A_172 = arith.constant 0 : i32
    %dma_start3A_173 = tpu.memref_slice %arg2[%dma_start3A_171, %dma_start3A_172] : memref<10240x128xf32, #tpu.memory_space<hbm>> -> memref<10240x128xf32, #tpu.memory_space<hbm>>
    tpu.enqueue_indirect_dma source(%dma_start3A_173 : memref<10240x128xf32, #tpu.memory_space<hbm>>) target(%dma_start3A_167 : memref<128x128xf32, #tpu.memory_space<vmem>>) offsets(%dma_start3A_170 : memref<128xi32, #tpu.memory_space<vmem>>) semaphore(%arg10 : memref<!tpu.dma_semaphore, #tpu.memory_space<semaphore_mem>>)
    %scan3A_174 = arith.constant 0 : i32
    %scan3A_175 = arith.constant 0 : i32
    %scan3A_176 = arith.constant 40 : i32
    %scan3A_177 = arith.addi %scan3A_175, %scan3A_176 : i32
    %scan3A_178 = arith.constant 1 : i32
    scf.for %scan3A_317 = %scan3A_175 to %scan3A_177 step %scan3A_178  : i32 {
      %rem3A = arith.constant 2 : i32
      %rem3A_318 = arith.remsi %scan3A_317, %rem3A : i32
      %sub3A = arith.constant 1 : i32
      %sub3A_319 = arith.subi %sub3A, %rem3A_318 : i32
      %add3A_320 = arith.constant 1 : i32
      %add3A_321 = arith.addi %scan3A_317, %add3A_320 : i32
      %min3A = arith.constant 39 : i32
      %min3A_322 = arith.minsi %add3A_321, %min3A : i32
      %dma_start3A_323 = arith.constant 0 : i32
      %dma_start3A_324 = arith.constant 0 : i32
      %dma_start3A_325 = tpu.memref_slice %arg8[%sub3A_319, %dma_start3A_323, %dma_start3A_324] : memref<2x128x128xf32, #tpu.memory_space<vmem>> -> memref<1x128x128xf32, #tpu.memory_space<vmem>>
      %dma_start3A_326 = tpu.memref_squeeze %dma_start3A_325 : memref<1x128x128xf32, #tpu.memory_space<vmem>> -> memref<128x128xf32, #tpu.memory_space<vmem>>
      %dma_start3A_327 = arith.constant 0 : i32
      %dma_start3A_328 = tpu.memref_slice %arg6[%min3A_322, %dma_start3A_327] : memref<40x128xi32, #tpu.memory_space<vmem>> -> memref<1x128xi32, #tpu.memory_space<vmem>>
      %dma_start3A_329 = tpu.memref_squeeze %dma_start3A_328 : memref<1x128xi32, #tpu.memory_space<vmem>> -> memref<128xi32, #tpu.memory_space<vmem>>
      %dma_start3A_330 = arith.constant 0 : i32
      %dma_start3A_331 = arith.constant 0 : i32
      %dma_start3A_332 = tpu.memref_slice %arg2[%dma_start3A_330, %dma_start3A_331] : memref<10240x128xf32, #tpu.memory_space<hbm>> -> memref<10240x128xf32, #tpu.memory_space<hbm>>
      tpu.enqueue_indirect_dma source(%dma_start3A_332 : memref<10240x128xf32, #tpu.memory_space<hbm>>) target(%dma_start3A_326 : memref<128x128xf32, #tpu.memory_space<vmem>>) offsets(%dma_start3A_329 : memref<128xi32, #tpu.memory_space<vmem>>) semaphore(%arg10 : memref<!tpu.dma_semaphore, #tpu.memory_space<semaphore_mem>>)
      %dma_wait3A_333 = arith.constant 0 : i32
      %dma_wait3A_334 = arith.constant 0 : i32
      %dma_wait3A_335 = tpu.memref_slice %arg8[%rem3A_318, %dma_wait3A_333, %dma_wait3A_334] : memref<2x128x128xf32, #tpu.memory_space<vmem>> -> memref<1x128x128xf32, #tpu.memory_space<vmem>>
      %dma_wait3A_336 = tpu.memref_squeeze %dma_wait3A_335 : memref<1x128x128xf32, #tpu.memory_space<vmem>> -> memref<128x128xf32, #tpu.memory_space<vmem>>
      %dma_wait3A_337 = arith.constant 0 : i32
      %dma_wait3A_338 = tpu.memref_slice %arg6[%scan3A_317, %dma_wait3A_337] : memref<40x128xi32, #tpu.memory_space<vmem>> -> memref<1x128xi32, #tpu.memory_space<vmem>>
      %dma_wait3A_339 = tpu.memref_squeeze %dma_wait3A_338 : memref<1x128xi32, #tpu.memory_space<vmem>> -> memref<128xi32, #tpu.memory_space<vmem>>
      %dma_wait3A_340 = arith.constant 0 : i32
      %dma_wait3A_341 = arith.constant 0 : i32
      %dma_wait3A_342 = tpu.memref_slice %arg2[%dma_wait3A_340, %dma_wait3A_341] : memref<10240x128xf32, #tpu.memory_space<hbm>> -> memref<10240x128xf32, #tpu.memory_space<hbm>>
      tpu.wait_indirect_dma semaphore(%arg10 : memref<!tpu.dma_semaphore, #tpu.memory_space<semaphore_mem>>) src(%dma_wait3A_342 : memref<10240x128xf32, #tpu.memory_space<hbm>>) dst(%dma_wait3A_336 : memref<128x128xf32, #tpu.memory_space<vmem>>)
      "tpu.region"() ({
        %run_scoped3A = tpu.sem_alloc : memref<!tpu.dma_semaphore, #tpu.memory_space<semaphore_mem>>
        %dma_start3A_343 = arith.constant 0 : i32
        %dma_start3A_344 = arith.constant 0 : i32
        %dma_start3A_345 = tpu.memref_slice %arg8[%rem3A_318, %dma_start3A_343, %dma_start3A_344] : memref<2x128x128xf32, #tpu.memory_space<vmem>> -> memref<1x128x128xf32, #tpu.memory_space<vmem>>
        %dma_start3A_346 = tpu.memref_squeeze %dma_start3A_345 : memref<1x128x128xf32, #tpu.memory_space<vmem>> -> memref<128x128xf32, #tpu.memory_space<vmem>>
        %dma_start3A_347 = arith.constant 0 : i32
        %dma_start3A_348 = tpu.memref_slice %arg7[%scan3A_317, %dma_start3A_347] : memref<40x128xi32, #tpu.memory_space<vmem>> -> memref<1x128xi32, #tpu.memory_space<vmem>>
        %dma_start3A_349 = tpu.memref_squeeze %dma_start3A_348 : memref<1x128xi32, #tpu.memory_space<vmem>> -> memref<128xi32, #tpu.memory_space<vmem>>
        %dma_start3A_350 = arith.constant 0 : i32
        %dma_start3A_351 = arith.constant 0 : i32
        %dma_start3A_352 = tpu.memref_slice %arg9[%dma_start3A_350, %dma_start3A_351] : memref<10240x128xf32, #tpu.memory_space<vmem_shared>> -> memref<10240x128xf32, #tpu.memory_space<vmem_shared>>
        tpu.enqueue_indirect_dma source(%dma_start3A_346 : memref<128x128xf32, #tpu.memory_space<vmem>>) target(%dma_start3A_352 : memref<10240x128xf32, #tpu.memory_space<vmem_shared>>) offsets(%dma_start3A_349 : memref<128xi32, #tpu.memory_space<vmem>>) semaphore(%run_scoped3A : memref<!tpu.dma_semaphore, #tpu.memory_space<semaphore_mem>>) {add = true}
        %dma_wait3A_353 = arith.constant 0 : i32
        %dma_wait3A_354 = arith.constant 0 : i32
        %dma_wait3A_355 = tpu.memref_slice %arg8[%rem3A_318, %dma_wait3A_353, %dma_wait3A_354] : memref<2x128x128xf32, #tpu.memory_space<vmem>> -> memref<1x128x128xf32, #tpu.memory_space<vmem>>
        %dma_wait3A_356 = tpu.memref_squeeze %dma_wait3A_355 : memref<1x128x128xf32, #tpu.memory_space<vmem>> -> memref<128x128xf32, #tpu.memory_space<vmem>>
        %dma_wait3A_357 = arith.constant 0 : i32
        %dma_wait3A_358 = tpu.memref_slice %arg7[%scan3A_317, %dma_wait3A_357] : memref<40x128xi32, #tpu.memory_space<vmem>> -> memref<1x128xi32, #tpu.memory_space<vmem>>
        %dma_wait3A_359 = tpu.memref_squeeze %dma_wait3A_358 : memref<1x128xi32, #tpu.memory_space<vmem>> -> memref<128xi32, #tpu.memory_space<vmem>>
        %dma_wait3A_360 = arith.constant 0 : i32
        %dma_wait3A_361 = arith.constant 0 : i32
        %dma_wait3A_362 = tpu.memref_slice %arg9[%dma_wait3A_360, %dma_wait3A_361] : memref<10240x128xf32, #tpu.memory_space<vmem_shared>> -> memref<10240x128xf32, #tpu.memory_space<vmem_shared>>
        tpu.wait_indirect_dma semaphore(%run_scoped3A : memref<!tpu.dma_semaphore, #tpu.memory_space<semaphore_mem>>) src(%dma_wait3A_356 : memref<128x128xf32, #tpu.memory_space<vmem>>) dst(%dma_wait3A_362 : memref<10240x128xf32, #tpu.memory_space<vmem_shared>>)
        tpu.yield
      }) : () -> ()
    }
    %scan3A_179 = arith.constant 40 : i32
    %dma_wait3A_180 = arith.constant 39 : i32
    %dma_wait3A_181 = arith.constant 0 : i32
    %dma_wait3A_182 = arith.constant 0 : i32
    %dma_wait3A_183 = arith.constant 0 : i32
    %dma_wait3A_184 = tpu.memref_slice %arg8[%dma_wait3A_181, %dma_wait3A_182, %dma_wait3A_183] : memref<2x128x128xf32, #tpu.memory_space<vmem>> -> memref<1x128x128xf32, #tpu.memory_space<vmem>>
    %dma_wait3A_185 = tpu.memref_squeeze %dma_wait3A_184 : memref<1x128x128xf32, #tpu.memory_space<vmem>> -> memref<128x128xf32, #tpu.memory_space<vmem>>
    %dma_wait3A_186 = arith.constant 0 : i32
    %dma_wait3A_187 = tpu.memref_slice %arg6[%dma_wait3A_180, %dma_wait3A_186] : memref<40x128xi32, #tpu.memory_space<vmem>> -> memref<1x128xi32, #tpu.memory_space<vmem>>
    %dma_wait3A_188 = tpu.memref_squeeze %dma_wait3A_187 : memref<1x128xi32, #tpu.memory_space<vmem>> -> memref<128xi32, #tpu.memory_space<vmem>>
    %dma_wait3A_189 = arith.constant 0 : i32
    %dma_wait3A_190 = arith.constant 0 : i32
    %dma_wait3A_191 = tpu.memref_slice %arg2[%dma_wait3A_189, %dma_wait3A_190] : memref<10240x128xf32, #tpu.memory_space<hbm>> -> memref<10240x128xf32, #tpu.memory_space<hbm>>
    tpu.wait_indirect_dma semaphore(%arg10 : memref<!tpu.dma_semaphore, #tpu.memory_space<semaphore_mem>>) src(%dma_wait3A_191 : memref<10240x128xf32, #tpu.memory_space<hbm>>) dst(%dma_wait3A_185 : memref<128x128xf32, #tpu.memory_space<vmem>>)
    %add3A_192 = arith.constant 40 : i32
    %add3A_193 = arith.addi %mul3A_2, %add3A_192 : i32
    "tpu.region"() ({
      %run_scoped3A = tpu.sem_alloc : memref<!tpu.dma_semaphore, #tpu.memory_space<semaphore_mem>>
      %dma_start3A_317 = arith.constant 0 : i32
      %dma_start3A_318 = tpu.memref_slice %arg3[%add3A_193, %dma_start3A_317] : memref<2640x128xi32, #tpu.memory_space<hbm>> -> memref<40x128xi32, #tpu.memory_space<hbm>>
      %dma_start3A_319 = arith.constant 0 : i32
      %dma_start3A_320 = tpu.memref_slice %arg3[%add3A_193, %dma_start3A_319] : memref<2640x128xi32, #tpu.memory_space<hbm>> -> memref<40x128xi32, #tpu.memory_space<hbm>>
      tpu.enqueue_dma source(%dma_start3A_320 : memref<40x128xi32, #tpu.memory_space<hbm>>) target(%arg6 : memref<40x128xi32, #tpu.memory_space<vmem>>) target_semaphore(%run_scoped3A : memref<!tpu.dma_semaphore, #tpu.memory_space<semaphore_mem>>)
      %dma_wait3A_321 = arith.constant 0 : i32
      %dma_wait3A_322 = tpu.memref_slice %arg3[%add3A_193, %dma_wait3A_321] : memref<2640x128xi32, #tpu.memory_space<hbm>> -> memref<40x128xi32, #tpu.memory_space<hbm>>
      %dma_wait3A_323 = arith.constant 0 : i32
      %dma_wait3A_324 = tpu.memref_slice %arg3[%add3A_193, %dma_wait3A_323] : memref<2640x128xi32, #tpu.memory_space<hbm>> -> memref<40x128xi32, #tpu.memory_space<hbm>>
      tpu.wait_dma2 semaphore(%run_scoped3A : memref<!tpu.dma_semaphore, #tpu.memory_space<semaphore_mem>>) src(%dma_wait3A_324 : memref<40x128xi32, #tpu.memory_space<hbm>>) dst(%arg6 : memref<40x128xi32, #tpu.memory_space<vmem>>)
      tpu.yield
    }) : () -> ()
    %add3A_194 = arith.constant 40 : i32
    %add3A_195 = arith.addi %mul3A_2, %add3A_194 : i32
    "tpu.region"() ({
      %run_scoped3A = tpu.sem_alloc : memref<!tpu.dma_semaphore, #tpu.memory_space<semaphore_mem>>
      %dma_start3A_317 = arith.constant 0 : i32
      %dma_start3A_318 = tpu.memref_slice %arg4[%add3A_195, %dma_start3A_317] : memref<2640x128xi32, #tpu.memory_space<hbm>> -> memref<40x128xi32, #tpu.memory_space<hbm>>
      %dma_start3A_319 = arith.constant 0 : i32
      %dma_start3A_320 = tpu.memref_slice %arg4[%add3A_195, %dma_start3A_319] : memref<2640x128xi32, #tpu.memory_space<hbm>> -> memref<40x128xi32, #tpu.memory_space<hbm>>
      tpu.enqueue_dma source(%dma_start3A_320 : memref<40x128xi32, #tpu.memory_space<hbm>>) target(%arg7 : memref<40x128xi32, #tpu.memory_space<vmem>>) target_semaphore(%run_scoped3A : memref<!tpu.dma_semaphore, #tpu.memory_space<semaphore_mem>>)
      %dma_wait3A_321 = arith.constant 0 : i32
      %dma_wait3A_322 = tpu.memref_slice %arg4[%add3A_195, %dma_wait3A_321] : memref<2640x128xi32, #tpu.memory_space<hbm>> -> memref<40x128xi32, #tpu.memory_space<hbm>>
      %dma_wait3A_323 = arith.constant 0 : i32
      %dma_wait3A_324 = tpu.memref_slice %arg4[%add3A_195, %dma_wait3A_323] : memref<2640x128xi32, #tpu.memory_space<hbm>> -> memref<40x128xi32, #tpu.memory_space<hbm>>
      tpu.wait_dma2 semaphore(%run_scoped3A : memref<!tpu.dma_semaphore, #tpu.memory_space<semaphore_mem>>) src(%dma_wait3A_324 : memref<40x128xi32, #tpu.memory_space<hbm>>) dst(%arg7 : memref<40x128xi32, #tpu.memory_space<vmem>>)
      tpu.yield
    }) : () -> ()
    %dma_start3A_196 = arith.constant 0 : i32
    %dma_start3A_197 = arith.constant 0 : i32
    %dma_start3A_198 = arith.constant 0 : i32
    %dma_start3A_199 = arith.constant 0 : i32
    %dma_start3A_200 = tpu.memref_slice %arg8[%dma_start3A_197, %dma_start3A_198, %dma_start3A_199] : memref<2x128x128xf32, #tpu.memory_space<vmem>> -> memref<1x128x128xf32, #tpu.memory_space<vmem>>
    %dma_start3A_201 = tpu.memref_squeeze %dma_start3A_200 : memref<1x128x128xf32, #tpu.memory_space<vmem>> -> memref<128x128xf32, #tpu.memory_space<vmem>>
    %dma_start3A_202 = arith.constant 0 : i32
    %dma_start3A_203 = tpu.memref_slice %arg6[%dma_start3A_196, %dma_start3A_202] : memref<40x128xi32, #tpu.memory_space<vmem>> -> memref<1x128xi32, #tpu.memory_space<vmem>>
    %dma_start3A_204 = tpu.memref_squeeze %dma_start3A_203 : memref<1x128xi32, #tpu.memory_space<vmem>> -> memref<128xi32, #tpu.memory_space<vmem>>
    %dma_start3A_205 = arith.constant 0 : i32
    %dma_start3A_206 = arith.constant 0 : i32
    %dma_start3A_207 = tpu.memref_slice %arg2[%dma_start3A_205, %dma_start3A_206] : memref<10240x128xf32, #tpu.memory_space<hbm>> -> memref<10240x128xf32, #tpu.memory_space<hbm>>
    tpu.enqueue_indirect_dma source(%dma_start3A_207 : memref<10240x128xf32, #tpu.memory_space<hbm>>) target(%dma_start3A_201 : memref<128x128xf32, #tpu.memory_space<vmem>>) offsets(%dma_start3A_204 : memref<128xi32, #tpu.memory_space<vmem>>) semaphore(%arg10 : memref<!tpu.dma_semaphore, #tpu.memory_space<semaphore_mem>>)
    %scan3A_208 = arith.constant 0 : i32
    %scan3A_209 = arith.constant 0 : i32
    %scan3A_210 = arith.constant 40 : i32
    %scan3A_211 = arith.addi %scan3A_209, %scan3A_210 : i32
    %scan3A_212 = arith.constant 1 : i32
    scf.for %scan3A_317 = %scan3A_209 to %scan3A_211 step %scan3A_212  : i32 {
      %rem3A = arith.constant 2 : i32
      %rem3A_318 = arith.remsi %scan3A_317, %rem3A : i32
      %sub3A = arith.constant 1 : i32
      %sub3A_319 = arith.subi %sub3A, %rem3A_318 : i32
      %add3A_320 = arith.constant 1 : i32
      %add3A_321 = arith.addi %scan3A_317, %add3A_320 : i32
      %min3A = arith.constant 39 : i32
      %min3A_322 = arith.minsi %add3A_321, %min3A : i32
      %dma_start3A_323 = arith.constant 0 : i32
      %dma_start3A_324 = arith.constant 0 : i32
      %dma_start3A_325 = tpu.memref_slice %arg8[%sub3A_319, %dma_start3A_323, %dma_start3A_324] : memref<2x128x128xf32, #tpu.memory_space<vmem>> -> memref<1x128x128xf32, #tpu.memory_space<vmem>>
      %dma_start3A_326 = tpu.memref_squeeze %dma_start3A_325 : memref<1x128x128xf32, #tpu.memory_space<vmem>> -> memref<128x128xf32, #tpu.memory_space<vmem>>
      %dma_start3A_327 = arith.constant 0 : i32
      %dma_start3A_328 = tpu.memref_slice %arg6[%min3A_322, %dma_start3A_327] : memref<40x128xi32, #tpu.memory_space<vmem>> -> memref<1x128xi32, #tpu.memory_space<vmem>>
      %dma_start3A_329 = tpu.memref_squeeze %dma_start3A_328 : memref<1x128xi32, #tpu.memory_space<vmem>> -> memref<128xi32, #tpu.memory_space<vmem>>
      %dma_start3A_330 = arith.constant 0 : i32
      %dma_start3A_331 = arith.constant 0 : i32
      %dma_start3A_332 = tpu.memref_slice %arg2[%dma_start3A_330, %dma_start3A_331] : memref<10240x128xf32, #tpu.memory_space<hbm>> -> memref<10240x128xf32, #tpu.memory_space<hbm>>
      tpu.enqueue_indirect_dma source(%dma_start3A_332 : memref<10240x128xf32, #tpu.memory_space<hbm>>) target(%dma_start3A_326 : memref<128x128xf32, #tpu.memory_space<vmem>>) offsets(%dma_start3A_329 : memref<128xi32, #tpu.memory_space<vmem>>) semaphore(%arg10 : memref<!tpu.dma_semaphore, #tpu.memory_space<semaphore_mem>>)
      %dma_wait3A_333 = arith.constant 0 : i32
      %dma_wait3A_334 = arith.constant 0 : i32
      %dma_wait3A_335 = tpu.memref_slice %arg8[%rem3A_318, %dma_wait3A_333, %dma_wait3A_334] : memref<2x128x128xf32, #tpu.memory_space<vmem>> -> memref<1x128x128xf32, #tpu.memory_space<vmem>>
      %dma_wait3A_336 = tpu.memref_squeeze %dma_wait3A_335 : memref<1x128x128xf32, #tpu.memory_space<vmem>> -> memref<128x128xf32, #tpu.memory_space<vmem>>
      %dma_wait3A_337 = arith.constant 0 : i32
      %dma_wait3A_338 = tpu.memref_slice %arg6[%scan3A_317, %dma_wait3A_337] : memref<40x128xi32, #tpu.memory_space<vmem>> -> memref<1x128xi32, #tpu.memory_space<vmem>>
      %dma_wait3A_339 = tpu.memref_squeeze %dma_wait3A_338 : memref<1x128xi32, #tpu.memory_space<vmem>> -> memref<128xi32, #tpu.memory_space<vmem>>
      %dma_wait3A_340 = arith.constant 0 : i32
      %dma_wait3A_341 = arith.constant 0 : i32
      %dma_wait3A_342 = tpu.memref_slice %arg2[%dma_wait3A_340, %dma_wait3A_341] : memref<10240x128xf32, #tpu.memory_space<hbm>> -> memref<10240x128xf32, #tpu.memory_space<hbm>>
      tpu.wait_indirect_dma semaphore(%arg10 : memref<!tpu.dma_semaphore, #tpu.memory_space<semaphore_mem>>) src(%dma_wait3A_342 : memref<10240x128xf32, #tpu.memory_space<hbm>>) dst(%dma_wait3A_336 : memref<128x128xf32, #tpu.memory_space<vmem>>)
      "tpu.region"() ({
        %run_scoped3A = tpu.sem_alloc : memref<!tpu.dma_semaphore, #tpu.memory_space<semaphore_mem>>
        %dma_start3A_343 = arith.constant 0 : i32
        %dma_start3A_344 = arith.constant 0 : i32
        %dma_start3A_345 = tpu.memref_slice %arg8[%rem3A_318, %dma_start3A_343, %dma_start3A_344] : memref<2x128x128xf32, #tpu.memory_space<vmem>> -> memref<1x128x128xf32, #tpu.memory_space<vmem>>
        %dma_start3A_346 = tpu.memref_squeeze %dma_start3A_345 : memref<1x128x128xf32, #tpu.memory_space<vmem>> -> memref<128x128xf32, #tpu.memory_space<vmem>>
        %dma_start3A_347 = arith.constant 0 : i32
        %dma_start3A_348 = tpu.memref_slice %arg7[%scan3A_317, %dma_start3A_347] : memref<40x128xi32, #tpu.memory_space<vmem>> -> memref<1x128xi32, #tpu.memory_space<vmem>>
        %dma_start3A_349 = tpu.memref_squeeze %dma_start3A_348 : memref<1x128xi32, #tpu.memory_space<vmem>> -> memref<128xi32, #tpu.memory_space<vmem>>
        %dma_start3A_350 = arith.constant 0 : i32
        %dma_start3A_351 = arith.constant 0 : i32
        %dma_start3A_352 = tpu.memref_slice %arg9[%dma_start3A_350, %dma_start3A_351] : memref<10240x128xf32, #tpu.memory_space<vmem_shared>> -> memref<10240x128xf32, #tpu.memory_space<vmem_shared>>
        tpu.enqueue_indirect_dma source(%dma_start3A_346 : memref<128x128xf32, #tpu.memory_space<vmem>>) target(%dma_start3A_352 : memref<10240x128xf32, #tpu.memory_space<vmem_shared>>) offsets(%dma_start3A_349 : memref<128xi32, #tpu.memory_space<vmem>>) semaphore(%run_scoped3A : memref<!tpu.dma_semaphore, #tpu.memory_space<semaphore_mem>>) {add = true}
        %dma_wait3A_353 = arith.constant 0 : i32
        %dma_wait3A_354 = arith.constant 0 : i32
        %dma_wait3A_355 = tpu.memref_slice %arg8[%rem3A_318, %dma_wait3A_353, %dma_wait3A_354] : memref<2x128x128xf32, #tpu.memory_space<vmem>> -> memref<1x128x128xf32, #tpu.memory_space<vmem>>
        %dma_wait3A_356 = tpu.memref_squeeze %dma_wait3A_355 : memref<1x128x128xf32, #tpu.memory_space<vmem>> -> memref<128x128xf32, #tpu.memory_space<vmem>>
        %dma_wait3A_357 = arith.constant 0 : i32
        %dma_wait3A_358 = tpu.memref_slice %arg7[%scan3A_317, %dma_wait3A_357] : memref<40x128xi32, #tpu.memory_space<vmem>> -> memref<1x128xi32, #tpu.memory_space<vmem>>
        %dma_wait3A_359 = tpu.memref_squeeze %dma_wait3A_358 : memref<1x128xi32, #tpu.memory_space<vmem>> -> memref<128xi32, #tpu.memory_space<vmem>>
        %dma_wait3A_360 = arith.constant 0 : i32
        %dma_wait3A_361 = arith.constant 0 : i32
        %dma_wait3A_362 = tpu.memref_slice %arg9[%dma_wait3A_360, %dma_wait3A_361] : memref<10240x128xf32, #tpu.memory_space<vmem_shared>> -> memref<10240x128xf32, #tpu.memory_space<vmem_shared>>
        tpu.wait_indirect_dma semaphore(%run_scoped3A : memref<!tpu.dma_semaphore, #tpu.memory_space<semaphore_mem>>) src(%dma_wait3A_356 : memref<128x128xf32, #tpu.memory_space<vmem>>) dst(%dma_wait3A_362 : memref<10240x128xf32, #tpu.memory_space<vmem_shared>>)
        tpu.yield
      }) : () -> ()
    }
    %scan3A_213 = arith.constant 40 : i32
    %dma_wait3A_214 = arith.constant 39 : i32
    %dma_wait3A_215 = arith.constant 0 : i32
    %dma_wait3A_216 = arith.constant 0 : i32
    %dma_wait3A_217 = arith.constant 0 : i32
    %dma_wait3A_218 = tpu.memref_slice %arg8[%dma_wait3A_215, %dma_wait3A_216, %dma_wait3A_217] : memref<2x128x128xf32, #tpu.memory_space<vmem>> -> memref<1x128x128xf32, #tpu.memory_space<vmem>>
    %dma_wait3A_219 = tpu.memref_squeeze %dma_wait3A_218 : memref<1x128x128xf32, #tpu.memory_space<vmem>> -> memref<128x128xf32, #tpu.memory_space<vmem>>
    %dma_wait3A_220 = arith.constant 0 : i32
    %dma_wait3A_221 = tpu.memref_slice %arg6[%dma_wait3A_214, %dma_wait3A_220] : memref<40x128xi32, #tpu.memory_space<vmem>> -> memref<1x128xi32, #tpu.memory_space<vmem>>
    %dma_wait3A_222 = tpu.memref_squeeze %dma_wait3A_221 : memref<1x128xi32, #tpu.memory_space<vmem>> -> memref<128xi32, #tpu.memory_space<vmem>>
    %dma_wait3A_223 = arith.constant 0 : i32
    %dma_wait3A_224 = arith.constant 0 : i32
    %dma_wait3A_225 = tpu.memref_slice %arg2[%dma_wait3A_223, %dma_wait3A_224] : memref<10240x128xf32, #tpu.memory_space<hbm>> -> memref<10240x128xf32, #tpu.memory_space<hbm>>
    tpu.wait_indirect_dma semaphore(%arg10 : memref<!tpu.dma_semaphore, #tpu.memory_space<semaphore_mem>>) src(%dma_wait3A_225 : memref<10240x128xf32, #tpu.memory_space<hbm>>) dst(%dma_wait3A_219 : memref<128x128xf32, #tpu.memory_space<vmem>>)
    %barrier3A_226 = arith.constant 0 : index
    tpu.barrier barrier_id(%barrier3A_226)
    %mul3A_227 = arith.constant 640 : i32
    %mul3A_228 = arith.muli %arg1, %mul3A_227 : i32
    %add3A_229 = arith.constant 0 : i32
    %add3A_230 = arith.addi %mul3A_228, %add3A_229 : i32
    %mul3A_231 = arith.constant 640 : i32
    %mul3A_232 = arith.muli %arg1, %mul3A_231 : i32
    %add3A_233 = arith.constant 0 : i32
    %add3A_234 = arith.addi %mul3A_232, %add3A_233 : i32
    %dma_start3A_235 = arith.constant 0 : i32
    %dma_start3A_236 = tpu.memref_slice %arg5[%arg0, %add3A_234, %dma_start3A_235] : memref<2x10240x128xf32, #tpu.memory_space<hbm>> -> memref<1x128x128xf32, #tpu.memory_space<hbm>>
    %dma_start3A_237 = tpu.memref_squeeze %dma_start3A_236 : memref<1x128x128xf32, #tpu.memory_space<hbm>> -> memref<128x128xf32, #tpu.memory_space<hbm>>
    %dma_start3A_238 = arith.constant 0 : i32
    %dma_start3A_239 = tpu.memref_slice %arg9[%add3A_230, %dma_start3A_238] : memref<10240x128xf32, #tpu.memory_space<vmem_shared>> -> memref<128x128xf32, #tpu.memory_space<vmem_shared>>
    tpu.enqueue_dma source(%dma_start3A_239 : memref<128x128xf32, #tpu.memory_space<vmem_shared>>) target(%dma_start3A_237 : memref<128x128xf32, #tpu.memory_space<hbm>>) target_semaphore(%arg10 : memref<!tpu.dma_semaphore, #tpu.memory_space<semaphore_mem>>)
    %mul3A_240 = arith.constant 640 : i32
    %mul3A_241 = arith.muli %arg1, %mul3A_240 : i32
    %add3A_242 = arith.constant 128 : i32
    %add3A_243 = arith.addi %mul3A_241, %add3A_242 : i32
    %mul3A_244 = arith.constant 640 : i32
    %mul3A_245 = arith.muli %arg1, %mul3A_244 : i32
    %add3A_246 = arith.constant 128 : i32
    %add3A_247 = arith.addi %mul3A_245, %add3A_246 : i32
    %dma_start3A_248 = arith.constant 0 : i32
    %dma_start3A_249 = tpu.memref_slice %arg5[%arg0, %add3A_247, %dma_start3A_248] : memref<2x10240x128xf32, #tpu.memory_space<hbm>> -> memref<1x128x128xf32, #tpu.memory_space<hbm>>
    %dma_start3A_250 = tpu.memref_squeeze %dma_start3A_249 : memref<1x128x128xf32, #tpu.memory_space<hbm>> -> memref<128x128xf32, #tpu.memory_space<hbm>>
    %dma_start3A_251 = arith.constant 0 : i32
    %dma_start3A_252 = tpu.memref_slice %arg9[%add3A_243, %dma_start3A_251] : memref<10240x128xf32, #tpu.memory_space<vmem_shared>> -> memref<128x128xf32, #tpu.memory_space<vmem_shared>>
    tpu.enqueue_dma source(%dma_start3A_252 : memref<128x128xf32, #tpu.memory_space<vmem_shared>>) target(%dma_start3A_250 : memref<128x128xf32, #tpu.memory_space<hbm>>) target_semaphore(%arg10 : memref<!tpu.dma_semaphore, #tpu.memory_space<semaphore_mem>>)
    %mul3A_253 = arith.constant 640 : i32
    %mul3A_254 = arith.muli %arg1, %mul3A_253 : i32
    %add3A_255 = arith.constant 256 : i32
    %add3A_256 = arith.addi %mul3A_254, %add3A_255 : i32
    %mul3A_257 = arith.constant 640 : i32
    %mul3A_258 = arith.muli %arg1, %mul3A_257 : i32
    %add3A_259 = arith.constant 256 : i32
    %add3A_260 = arith.addi %mul3A_258, %add3A_259 : i32
    %dma_start3A_261 = arith.constant 0 : i32
    %dma_start3A_262 = tpu.memref_slice %arg5[%arg0, %add3A_260, %dma_start3A_261] : memref<2x10240x128xf32, #tpu.memory_space<hbm>> -> memref<1x128x128xf32, #tpu.memory_space<hbm>>
    %dma_start3A_263 = tpu.memref_squeeze %dma_start3A_262 : memref<1x128x128xf32, #tpu.memory_space<hbm>> -> memref<128x128xf32, #tpu.memory_space<hbm>>
    %dma_start3A_264 = arith.constant 0 : i32
    %dma_start3A_265 = tpu.memref_slice %arg9[%add3A_256, %dma_start3A_264] : memref<10240x128xf32, #tpu.memory_space<vmem_shared>> -> memref<128x128xf32, #tpu.memory_space<vmem_shared>>
    tpu.enqueue_dma source(%dma_start3A_265 : memref<128x128xf32, #tpu.memory_space<vmem_shared>>) target(%dma_start3A_263 : memref<128x128xf32, #tpu.memory_space<hbm>>) target_semaphore(%arg10 : memref<!tpu.dma_semaphore, #tpu.memory_space<semaphore_mem>>)
    %mul3A_266 = arith.constant 640 : i32
    %mul3A_267 = arith.muli %arg1, %mul3A_266 : i32
    %add3A_268 = arith.constant 384 : i32
    %add3A_269 = arith.addi %mul3A_267, %add3A_268 : i32
    %mul3A_270 = arith.constant 640 : i32
    %mul3A_271 = arith.muli %arg1, %mul3A_270 : i32
    %add3A_272 = arith.constant 384 : i32
    %add3A_273 = arith.addi %mul3A_271, %add3A_272 : i32
    %dma_start3A_274 = arith.constant 0 : i32
    %dma_start3A_275 = tpu.memref_slice %arg5[%arg0, %add3A_273, %dma_start3A_274] : memref<2x10240x128xf32, #tpu.memory_space<hbm>> -> memref<1x128x128xf32, #tpu.memory_space<hbm>>
    %dma_start3A_276 = tpu.memref_squeeze %dma_start3A_275 : memref<1x128x128xf32, #tpu.memory_space<hbm>> -> memref<128x128xf32, #tpu.memory_space<hbm>>
    %dma_start3A_277 = arith.constant 0 : i32
    %dma_start3A_278 = tpu.memref_slice %arg9[%add3A_269, %dma_start3A_277] : memref<10240x128xf32, #tpu.memory_space<vmem_shared>> -> memref<128x128xf32, #tpu.memory_space<vmem_shared>>
    tpu.enqueue_dma source(%dma_start3A_278 : memref<128x128xf32, #tpu.memory_space<vmem_shared>>) target(%dma_start3A_276 : memref<128x128xf32, #tpu.memory_space<hbm>>) target_semaphore(%arg10 : memref<!tpu.dma_semaphore, #tpu.memory_space<semaphore_mem>>)
    %mul3A_279 = arith.constant 640 : i32
    %mul3A_280 = arith.muli %arg1, %mul3A_279 : i32
    %add3A_281 = arith.constant 512 : i32
    %add3A_282 = arith.addi %mul3A_280, %add3A_281 : i32
    %mul3A_283 = arith.constant 640 : i32
    %mul3A_284 = arith.muli %arg1, %mul3A_283 : i32
    %add3A_285 = arith.constant 512 : i32
    %add3A_286 = arith.addi %mul3A_284, %add3A_285 : i32
    %dma_start3A_287 = arith.constant 0 : i32
    %dma_start3A_288 = tpu.memref_slice %arg5[%arg0, %add3A_286, %dma_start3A_287] : memref<2x10240x128xf32, #tpu.memory_space<hbm>> -> memref<1x128x128xf32, #tpu.memory_space<hbm>>
    %dma_start3A_289 = tpu.memref_squeeze %dma_start3A_288 : memref<1x128x128xf32, #tpu.memory_space<hbm>> -> memref<128x128xf32, #tpu.memory_space<hbm>>
    %dma_start3A_290 = arith.constant 0 : i32
    %dma_start3A_291 = tpu.memref_slice %arg9[%add3A_282, %dma_start3A_290] : memref<10240x128xf32, #tpu.memory_space<vmem_shared>> -> memref<128x128xf32, #tpu.memory_space<vmem_shared>>
    tpu.enqueue_dma source(%dma_start3A_291 : memref<128x128xf32, #tpu.memory_space<vmem_shared>>) target(%dma_start3A_289 : memref<128x128xf32, #tpu.memory_space<hbm>>) target_semaphore(%arg10 : memref<!tpu.dma_semaphore, #tpu.memory_space<semaphore_mem>>)
    %dma_wait3A_292 = arith.constant 0 : i32
    %dma_wait3A_293 = tpu.memref_slice %arg5[%arg0, %add3A_234, %dma_wait3A_292] : memref<2x10240x128xf32, #tpu.memory_space<hbm>> -> memref<1x128x128xf32, #tpu.memory_space<hbm>>
    %dma_wait3A_294 = tpu.memref_squeeze %dma_wait3A_293 : memref<1x128x128xf32, #tpu.memory_space<hbm>> -> memref<128x128xf32, #tpu.memory_space<hbm>>
    %dma_wait3A_295 = arith.constant 0 : i32
    %dma_wait3A_296 = tpu.memref_slice %arg9[%add3A_230, %dma_wait3A_295] : memref<10240x128xf32, #tpu.memory_space<vmem_shared>> -> memref<128x128xf32, #tpu.memory_space<vmem_shared>>
    tpu.wait_dma2 semaphore(%arg10 : memref<!tpu.dma_semaphore, #tpu.memory_space<semaphore_mem>>) src(%dma_wait3A_296 : memref<128x128xf32, #tpu.memory_space<vmem_shared>>) dst(%dma_wait3A_294 : memref<128x128xf32, #tpu.memory_space<hbm>>)
    %dma_wait3A_297 = arith.constant 0 : i32
    %dma_wait3A_298 = tpu.memref_slice %arg5[%arg0, %add3A_247, %dma_wait3A_297] : memref<2x10240x128xf32, #tpu.memory_space<hbm>> -> memref<1x128x128xf32, #tpu.memory_space<hbm>>
    %dma_wait3A_299 = tpu.memref_squeeze %dma_wait3A_298 : memref<1x128x128xf32, #tpu.memory_space<hbm>> -> memref<128x128xf32, #tpu.memory_space<hbm>>
    %dma_wait3A_300 = arith.constant 0 : i32
    %dma_wait3A_301 = tpu.memref_slice %arg9[%add3A_243, %dma_wait3A_300] : memref<10240x128xf32, #tpu.memory_space<vmem_shared>> -> memref<128x128xf32, #tpu.memory_space<vmem_shared>>
    tpu.wait_dma2 semaphore(%arg10 : memref<!tpu.dma_semaphore, #tpu.memory_space<semaphore_mem>>) src(%dma_wait3A_301 : memref<128x128xf32, #tpu.memory_space<vmem_shared>>) dst(%dma_wait3A_299 : memref<128x128xf32, #tpu.memory_space<hbm>>)
    %dma_wait3A_302 = arith.constant 0 : i32
    %dma_wait3A_303 = tpu.memref_slice %arg5[%arg0, %add3A_260, %dma_wait3A_302] : memref<2x10240x128xf32, #tpu.memory_space<hbm>> -> memref<1x128x128xf32, #tpu.memory_space<hbm>>
    %dma_wait3A_304 = tpu.memref_squeeze %dma_wait3A_303 : memref<1x128x128xf32, #tpu.memory_space<hbm>> -> memref<128x128xf32, #tpu.memory_space<hbm>>
    %dma_wait3A_305 = arith.constant 0 : i32
    %dma_wait3A_306 = tpu.memref_slice %arg9[%add3A_256, %dma_wait3A_305] : memref<10240x128xf32, #tpu.memory_space<vmem_shared>> -> memref<128x128xf32, #tpu.memory_space<vmem_shared>>
    tpu.wait_dma2 semaphore(%arg10 : memref<!tpu.dma_semaphore, #tpu.memory_space<semaphore_mem>>) src(%dma_wait3A_306 : memref<128x128xf32, #tpu.memory_space<vmem_shared>>) dst(%dma_wait3A_304 : memref<128x128xf32, #tpu.memory_space<hbm>>)
    %dma_wait3A_307 = arith.constant 0 : i32
    %dma_wait3A_308 = tpu.memref_slice %arg5[%arg0, %add3A_273, %dma_wait3A_307] : memref<2x10240x128xf32, #tpu.memory_space<hbm>> -> memref<1x128x128xf32, #tpu.memory_space<hbm>>
    %dma_wait3A_309 = tpu.memref_squeeze %dma_wait3A_308 : memref<1x128x128xf32, #tpu.memory_space<hbm>> -> memref<128x128xf32, #tpu.memory_space<hbm>>
    %dma_wait3A_310 = arith.constant 0 : i32
    %dma_wait3A_311 = tpu.memref_slice %arg9[%add3A_269, %dma_wait3A_310] : memref<10240x128xf32, #tpu.memory_space<vmem_shared>> -> memref<128x128xf32, #tpu.memory_space<vmem_shared>>
    tpu.wait_dma2 semaphore(%arg10 : memref<!tpu.dma_semaphore, #tpu.memory_space<semaphore_mem>>) src(%dma_wait3A_311 : memref<128x128xf32, #tpu.memory_space<vmem_shared>>) dst(%dma_wait3A_309 : memref<128x128xf32, #tpu.memory_space<hbm>>)
    %dma_wait3A_312 = arith.constant 0 : i32
    %dma_wait3A_313 = tpu.memref_slice %arg5[%arg0, %add3A_286, %dma_wait3A_312] : memref<2x10240x128xf32, #tpu.memory_space<hbm>> -> memref<1x128x128xf32, #tpu.memory_space<hbm>>
    %dma_wait3A_314 = tpu.memref_squeeze %dma_wait3A_313 : memref<1x128x128xf32, #tpu.memory_space<hbm>> -> memref<128x128xf32, #tpu.memory_space<hbm>>
    %dma_wait3A_315 = arith.constant 0 : i32
    %dma_wait3A_316 = tpu.memref_slice %arg9[%add3A_282, %dma_wait3A_315] : memref<10240x128xf32, #tpu.memory_space<vmem_shared>> -> memref<128x128xf32, #tpu.memory_space<vmem_shared>>
    tpu.wait_dma2 semaphore(%arg10 : memref<!tpu.dma_semaphore, #tpu.memory_space<semaphore_mem>>) src(%dma_wait3A_316 : memref<128x128xf32, #tpu.memory_space<vmem_shared>>) dst(%dma_wait3A_314 : memref<128x128xf32, #tpu.memory_space<hbm>>)
    return
  }
}

#map = affine_map<(d0, d1) -> (0, 0)>
#map1 = affine_map<(d0, d1) -> (0, 0, 0)>
module attributes {stable_mosaic.version = 14 : i64} {
  func.func @_sc_prop_body(%arg0: i32, %arg1: i32, %arg2: memref<10240x128xf32, #tpu.memory_space<hbm>>, %arg3: memref<2640x128xi32, #tpu.memory_space<hbm>>, %arg4: memref<2640x128xi32, #tpu.memory_space<hbm>>, %arg5: memref<2x10240x128xf32, #tpu.memory_space<hbm>>, %arg6: memref<40x128xi32, #tpu.memory_space<vmem>>, %arg7: memref<40x128xi32, #tpu.memory_space<vmem>>, %arg8: memref<2x128x128xf32, #tpu.memory_space<vmem>>, %arg9: memref<10240x128xf32, #tpu.memory_space<vmem_shared>>, %arg10: memref<!tpu.dma_semaphore, #tpu.memory_space<semaphore_mem>>) attributes {dimension_semantics = [#tpu.dimension_semantics<core_parallel>, #tpu.dimension_semantics<subcore_parallel>], iteration_bounds = array<i64: 2, 16>, scalar_prefetch = 0 : i64, scratch_operands = 5 : i64, tpu.core_type = #tpu.core_type<sc_vector_subcore>, window_params = [{transform_indices = #map}, {transform_indices = #map}, {transform_indices = #map}, {transform_indices = #map1}]} {
    %mul3A = arith.constant 2 : i32
    %mul3A_0 = arith.muli %arg1, %mul3A : i32
    %add3A = arith.addi %mul3A_0, %arg0 : i32
    %mul3A_1 = arith.constant 80 : i32
    %mul3A_2 = arith.muli %add3A, %mul3A_1 : i32
    %broadcast_in_dim3A = arith.constant 0.000000e+00 : f32
    %broadcast_in_dim3A_3 = vector.broadcast %broadcast_in_dim3A : f32 to vector<16xf32>
    %scan3A = arith.constant 0 : i32
    %scan3A_4 = arith.constant 0 : i32
    %scan3A_5 = arith.constant 0 : i32
    %scan3A_6 = arith.constant 128 : i32
    %scan3A_7 = arith.addi %scan3A_5, %scan3A_6 : i32
    %scan3A_8 = arith.constant 1 : i32
    scf.for %scan3A_317 = %scan3A_5 to %scan3A_7 step %scan3A_8  : i32 {
      %swap3A = arith.constant 0 : i32
      %swap3A_318 = arith.constant 0 : i32
      %swap3A_319 = tpu.memref_slice %arg8[%scan3A_4, %swap3A, %swap3A_318] : memref<2x128x128xf32, #tpu.memory_space<vmem>> -> memref<1x128x128xf32, #tpu.memory_space<vmem>>
      %swap3A_320 = tpu.memref_squeeze %swap3A_319 : memref<1x128x128xf32, #tpu.memory_space<vmem>> -> memref<128x128xf32, #tpu.memory_space<vmem>>
      %swap3A_321 = arith.index_cast %scan3A_317 : i32 to index
      %swap3A_322 = arith.constant 0 : index
      %swap3A_323 = tpu.vector_load %swap3A_320[%swap3A_321, %swap3A_322] {strides = array<i32>} : memref<128x128xf32, #tpu.memory_space<vmem>>, vector<16xf32>,
      tpu.vector_store %swap3A_320[%swap3A_321, %swap3A_322], %broadcast_in_dim3A_3 {strides = array<i32>} : memref<128x128xf32, #tpu.memory_space<vmem>>, vector<16xf32>,
      %swap3A_324 = arith.constant 0 : i32
      %swap3A_325 = arith.constant 0 : i32
      %swap3A_326 = tpu.memref_slice %arg8[%scan3A_4, %swap3A_324, %swap3A_325] : memref<2x128x128xf32, #tpu.memory_space<vmem>> -> memref<1x128x128xf32, #tpu.memory_space<vmem>>
      %swap3A_327 = tpu.memref_squeeze %swap3A_326 : memref<1x128x128xf32, #tpu.memory_space<vmem>> -> memref<128x128xf32, #tpu.memory_space<vmem>>
      %swap3A_328 = arith.index_cast %scan3A_317 : i32 to index
      %swap3A_329 = arith.constant 16 : index
      %swap3A_330 = tpu.vector_load %swap3A_327[%swap3A_328, %swap3A_329] {strides = array<i32>} : memref<128x128xf32, #tpu.memory_space<vmem>>, vector<16xf32>,
      tpu.vector_store %swap3A_327[%swap3A_328, %swap3A_329], %broadcast_in_dim3A_3 {strides = array<i32>} : memref<128x128xf32, #tpu.memory_space<vmem>>, vector<16xf32>,
      %swap3A_331 = arith.constant 0 : i32
      %swap3A_332 = arith.constant 0 : i32
      %swap3A_333 = tpu.memref_slice %arg8[%scan3A_4, %swap3A_331, %swap3A_332] : memref<2x128x128xf32, #tpu.memory_space<vmem>> -> memref<1x128x128xf32, #tpu.memory_space<vmem>>
      %swap3A_334 = tpu.memref_squeeze %swap3A_333 : memref<1x128x128xf32, #tpu.memory_space<vmem>> -> memref<128x128xf32, #tpu.memory_space<vmem>>
      %swap3A_335 = arith.index_cast %scan3A_317 : i32 to index
      %swap3A_336 = arith.constant 32 : index
      %swap3A_337 = tpu.vector_load %swap3A_334[%swap3A_335, %swap3A_336] {strides = array<i32>} : memref<128x128xf32, #tpu.memory_space<vmem>>, vector<16xf32>,
      tpu.vector_store %swap3A_334[%swap3A_335, %swap3A_336], %broadcast_in_dim3A_3 {strides = array<i32>} : memref<128x128xf32, #tpu.memory_space<vmem>>, vector<16xf32>,
      %swap3A_338 = arith.constant 0 : i32
      %swap3A_339 = arith.constant 0 : i32
      %swap3A_340 = tpu.memref_slice %arg8[%scan3A_4, %swap3A_338, %swap3A_339] : memref<2x128x128xf32, #tpu.memory_space<vmem>> -> memref<1x128x128xf32, #tpu.memory_space<vmem>>
      %swap3A_341 = tpu.memref_squeeze %swap3A_340 : memref<1x128x128xf32, #tpu.memory_space<vmem>> -> memref<128x128xf32, #tpu.memory_space<vmem>>
      %swap3A_342 = arith.index_cast %scan3A_317 : i32 to index
      %swap3A_343 = arith.constant 48 : index
      %swap3A_344 = tpu.vector_load %swap3A_341[%swap3A_342, %swap3A_343] {strides = array<i32>} : memref<128x128xf32, #tpu.memory_space<vmem>>, vector<16xf32>,
      tpu.vector_store %swap3A_341[%swap3A_342, %swap3A_343], %broadcast_in_dim3A_3 {strides = array<i32>} : memref<128x128xf32, #tpu.memory_space<vmem>>, vector<16xf32>,
      %swap3A_345 = arith.constant 0 : i32
      %swap3A_346 = arith.constant 0 : i32
      %swap3A_347 = tpu.memref_slice %arg8[%scan3A_4, %swap3A_345, %swap3A_346] : memref<2x128x128xf32, #tpu.memory_space<vmem>> -> memref<1x128x128xf32, #tpu.memory_space<vmem>>
      %swap3A_348 = tpu.memref_squeeze %swap3A_347 : memref<1x128x128xf32, #tpu.memory_space<vmem>> -> memref<128x128xf32, #tpu.memory_space<vmem>>
      %swap3A_349 = arith.index_cast %scan3A_317 : i32 to index
      %swap3A_350 = arith.constant 64 : index
      %swap3A_351 = tpu.vector_load %swap3A_348[%swap3A_349, %swap3A_350] {strides = array<i32>} : memref<128x128xf32, #tpu.memory_space<vmem>>, vector<16xf32>,
      tpu.vector_store %swap3A_348[%swap3A_349, %swap3A_350], %broadcast_in_dim3A_3 {strides = array<i32>} : memref<128x128xf32, #tpu.memory_space<vmem>>, vector<16xf32>,
      %swap3A_352 = arith.constant 0 : i32
      %swap3A_353 = arith.constant 0 : i32
      %swap3A_354 = tpu.memref_slice %arg8[%scan3A_4, %swap3A_352, %swap3A_353] : memref<2x128x128xf32, #tpu.memory_space<vmem>> -> memref<1x128x128xf32, #tpu.memory_space<vmem>>
      %swap3A_355 = tpu.memref_squeeze %swap3A_354 : memref<1x128x128xf32, #tpu.memory_space<vmem>> -> memref<128x128xf32, #tpu.memory_space<vmem>>
      %swap3A_356 = arith.index_cast %scan3A_317 : i32 to index
      %swap3A_357 = arith.constant 80 : index
      %swap3A_358 = tpu.vector_load %swap3A_355[%swap3A_356, %swap3A_357] {strides = array<i32>} : memref<128x128xf32, #tpu.memory_space<vmem>>, vector<16xf32>,
      tpu.vector_store %swap3A_355[%swap3A_356, %swap3A_357], %broadcast_in_dim3A_3 {strides = array<i32>} : memref<128x128xf32, #tpu.memory_space<vmem>>, vector<16xf32>,
      %swap3A_359 = arith.constant 0 : i32
      %swap3A_360 = arith.constant 0 : i32
      %swap3A_361 = tpu.memref_slice %arg8[%scan3A_4, %swap3A_359, %swap3A_360] : memref<2x128x128xf32, #tpu.memory_space<vmem>> -> memref<1x128x128xf32, #tpu.memory_space<vmem>>
      %swap3A_362 = tpu.memref_squeeze %swap3A_361 : memref<1x128x128xf32, #tpu.memory_space<vmem>> -> memref<128x128xf32, #tpu.memory_space<vmem>>
      %swap3A_363 = arith.index_cast %scan3A_317 : i32 to index
      %swap3A_364 = arith.constant 96 : index
      %swap3A_365 = tpu.vector_load %swap3A_362[%swap3A_363, %swap3A_364] {strides = array<i32>} : memref<128x128xf32, #tpu.memory_space<vmem>>, vector<16xf32>,
      tpu.vector_store %swap3A_362[%swap3A_363, %swap3A_364], %broadcast_in_dim3A_3 {strides = array<i32>} : memref<128x128xf32, #tpu.memory_space<vmem>>, vector<16xf32>,
      %swap3A_366 = arith.constant 0 : i32
      %swap3A_367 = arith.constant 0 : i32
      %swap3A_368 = tpu.memref_slice %arg8[%scan3A_4, %swap3A_366, %swap3A_367] : memref<2x128x128xf32, #tpu.memory_space<vmem>> -> memref<1x128x128xf32, #tpu.memory_space<vmem>>
      %swap3A_369 = tpu.memref_squeeze %swap3A_368 : memref<1x128x128xf32, #tpu.memory_space<vmem>> -> memref<128x128xf32, #tpu.memory_space<vmem>>
      %swap3A_370 = arith.index_cast %scan3A_317 : i32 to index
      %swap3A_371 = arith.constant 112 : index
      %swap3A_372 = tpu.vector_load %swap3A_369[%swap3A_370, %swap3A_371] {strides = array<i32>} : memref<128x128xf32, #tpu.memory_space<vmem>>, vector<16xf32>,
      tpu.vector_store %swap3A_369[%swap3A_370, %swap3A_371], %broadcast_in_dim3A_3 {strides = array<i32>} : memref<128x128xf32, #tpu.memory_space<vmem>>, vector<16xf32>,
    }
    %scan3A_9 = arith.constant 128 : i32
    %mul3A_10 = arith.constant 640 : i32
    %mul3A_11 = arith.muli %arg1, %mul3A_10 : i32
    %add3A_12 = arith.constant 0 : i32
    %add3A_13 = arith.addi %mul3A_11, %add3A_12 : i32
    %dma_start3A = arith.constant 0 : i32
    %dma_start3A_14 = arith.constant 0 : i32
    %dma_start3A_15 = arith.constant 0 : i32
    %dma_start3A_16 = tpu.memref_slice %arg8[%dma_start3A, %dma_start3A_14, %dma_start3A_15] : memref<2x128x128xf32, #tpu.memory_space<vmem>> -> memref<1x128x128xf32, #tpu.memory_space<vmem>>
    %dma_start3A_17 = tpu.memref_squeeze %dma_start3A_16 : memref<1x128x128xf32, #tpu.memory_space<vmem>> -> memref<128x128xf32, #tpu.memory_space<vmem>>
    %dma_start3A_18 = arith.constant 0 : i32
    %dma_start3A_19 = tpu.memref_slice %arg9[%add3A_13, %dma_start3A_18] : memref<10240x128xf32, #tpu.memory_space<vmem_shared>> -> memref<128x128xf32, #tpu.memory_space<vmem_shared>>
    %dma_start3A_20 = arith.constant 0 : i32
    %dma_start3A_21 = tpu.memref_slice %arg9[%add3A_13, %dma_start3A_20] : memref<10240x128xf32, #tpu.memory_space<vmem_shared>> -> memref<128x128xf32, #tpu.memory_space<vmem_shared>>
    %dma_start3A_22 = arith.constant 0 : i32
    %dma_start3A_23 = arith.constant 0 : i32
    %dma_start3A_24 = tpu.memref_slice %arg8[%dma_start3A, %dma_start3A_22, %dma_start3A_23] : memref<2x128x128xf32, #tpu.memory_space<vmem>> -> memref<1x128x128xf32, #tpu.memory_space<vmem>>
    %dma_start3A_25 = tpu.memref_squeeze %dma_start3A_24 : memref<1x128x128xf32, #tpu.memory_space<vmem>> -> memref<128x128xf32, #tpu.memory_space<vmem>>
    tpu.enqueue_dma source(%dma_start3A_25 : memref<128x128xf32, #tpu.memory_space<vmem>>) target(%dma_start3A_21 : memref<128x128xf32, #tpu.memory_space<vmem_shared>>) target_semaphore(%arg10 : memref<!tpu.dma_semaphore, #tpu.memory_space<semaphore_mem>>)
    %mul3A_26 = arith.constant 640 : i32
    %mul3A_27 = arith.muli %arg1, %mul3A_26 : i32
    %add3A_28 = arith.constant 128 : i32
    %add3A_29 = arith.addi %mul3A_27, %add3A_28 : i32
    %dma_start3A_30 = arith.constant 0 : i32
    %dma_start3A_31 = arith.constant 0 : i32
    %dma_start3A_32 = arith.constant 0 : i32
    %dma_start3A_33 = tpu.memref_slice %arg8[%dma_start3A_30, %dma_start3A_31, %dma_start3A_32] : memref<2x128x128xf32, #tpu.memory_space<vmem>> -> memref<1x128x128xf32, #tpu.memory_space<vmem>>
    %dma_start3A_34 = tpu.memref_squeeze %dma_start3A_33 : memref<1x128x128xf32, #tpu.memory_space<vmem>> -> memref<128x128xf32, #tpu.memory_space<vmem>>
    %dma_start3A_35 = arith.constant 0 : i32
    %dma_start3A_36 = tpu.memref_slice %arg9[%add3A_29, %dma_start3A_35] : memref<10240x128xf32, #tpu.memory_space<vmem_shared>> -> memref<128x128xf32, #tpu.memory_space<vmem_shared>>
    %dma_start3A_37 = arith.constant 0 : i32
    %dma_start3A_38 = tpu.memref_slice %arg9[%add3A_29, %dma_start3A_37] : memref<10240x128xf32, #tpu.memory_space<vmem_shared>> -> memref<128x128xf32, #tpu.memory_space<vmem_shared>>
    %dma_start3A_39 = arith.constant 0 : i32
    %dma_start3A_40 = arith.constant 0 : i32
    %dma_start3A_41 = tpu.memref_slice %arg8[%dma_start3A_30, %dma_start3A_39, %dma_start3A_40] : memref<2x128x128xf32, #tpu.memory_space<vmem>> -> memref<1x128x128xf32, #tpu.memory_space<vmem>>
    %dma_start3A_42 = tpu.memref_squeeze %dma_start3A_41 : memref<1x128x128xf32, #tpu.memory_space<vmem>> -> memref<128x128xf32, #tpu.memory_space<vmem>>
    tpu.enqueue_dma source(%dma_start3A_42 : memref<128x128xf32, #tpu.memory_space<vmem>>) target(%dma_start3A_38 : memref<128x128xf32, #tpu.memory_space<vmem_shared>>) target_semaphore(%arg10 : memref<!tpu.dma_semaphore, #tpu.memory_space<semaphore_mem>>)
    %mul3A_43 = arith.constant 640 : i32
    %mul3A_44 = arith.muli %arg1, %mul3A_43 : i32
    %add3A_45 = arith.constant 256 : i32
    %add3A_46 = arith.addi %mul3A_44, %add3A_45 : i32
    %dma_start3A_47 = arith.constant 0 : i32
    %dma_start3A_48 = arith.constant 0 : i32
    %dma_start3A_49 = arith.constant 0 : i32
    %dma_start3A_50 = tpu.memref_slice %arg8[%dma_start3A_47, %dma_start3A_48, %dma_start3A_49] : memref<2x128x128xf32, #tpu.memory_space<vmem>> -> memref<1x128x128xf32, #tpu.memory_space<vmem>>
    %dma_start3A_51 = tpu.memref_squeeze %dma_start3A_50 : memref<1x128x128xf32, #tpu.memory_space<vmem>> -> memref<128x128xf32, #tpu.memory_space<vmem>>
    %dma_start3A_52 = arith.constant 0 : i32
    %dma_start3A_53 = tpu.memref_slice %arg9[%add3A_46, %dma_start3A_52] : memref<10240x128xf32, #tpu.memory_space<vmem_shared>> -> memref<128x128xf32, #tpu.memory_space<vmem_shared>>
    %dma_start3A_54 = arith.constant 0 : i32
    %dma_start3A_55 = tpu.memref_slice %arg9[%add3A_46, %dma_start3A_54] : memref<10240x128xf32, #tpu.memory_space<vmem_shared>> -> memref<128x128xf32, #tpu.memory_space<vmem_shared>>
    %dma_start3A_56 = arith.constant 0 : i32
    %dma_start3A_57 = arith.constant 0 : i32
    %dma_start3A_58 = tpu.memref_slice %arg8[%dma_start3A_47, %dma_start3A_56, %dma_start3A_57] : memref<2x128x128xf32, #tpu.memory_space<vmem>> -> memref<1x128x128xf32, #tpu.memory_space<vmem>>
    %dma_start3A_59 = tpu.memref_squeeze %dma_start3A_58 : memref<1x128x128xf32, #tpu.memory_space<vmem>> -> memref<128x128xf32, #tpu.memory_space<vmem>>
    tpu.enqueue_dma source(%dma_start3A_59 : memref<128x128xf32, #tpu.memory_space<vmem>>) target(%dma_start3A_55 : memref<128x128xf32, #tpu.memory_space<vmem_shared>>) target_semaphore(%arg10 : memref<!tpu.dma_semaphore, #tpu.memory_space<semaphore_mem>>)
    %mul3A_60 = arith.constant 640 : i32
    %mul3A_61 = arith.muli %arg1, %mul3A_60 : i32
    %add3A_62 = arith.constant 384 : i32
    %add3A_63 = arith.addi %mul3A_61, %add3A_62 : i32
    %dma_start3A_64 = arith.constant 0 : i32
    %dma_start3A_65 = arith.constant 0 : i32
    %dma_start3A_66 = arith.constant 0 : i32
    %dma_start3A_67 = tpu.memref_slice %arg8[%dma_start3A_64, %dma_start3A_65, %dma_start3A_66] : memref<2x128x128xf32, #tpu.memory_space<vmem>> -> memref<1x128x128xf32, #tpu.memory_space<vmem>>
    %dma_start3A_68 = tpu.memref_squeeze %dma_start3A_67 : memref<1x128x128xf32, #tpu.memory_space<vmem>> -> memref<128x128xf32, #tpu.memory_space<vmem>>
    %dma_start3A_69 = arith.constant 0 : i32
    %dma_start3A_70 = tpu.memref_slice %arg9[%add3A_63, %dma_start3A_69] : memref<10240x128xf32, #tpu.memory_space<vmem_shared>> -> memref<128x128xf32, #tpu.memory_space<vmem_shared>>
    %dma_start3A_71 = arith.constant 0 : i32
    %dma_start3A_72 = tpu.memref_slice %arg9[%add3A_63, %dma_start3A_71] : memref<10240x128xf32, #tpu.memory_space<vmem_shared>> -> memref<128x128xf32, #tpu.memory_space<vmem_shared>>
    %dma_start3A_73 = arith.constant 0 : i32
    %dma_start3A_74 = arith.constant 0 : i32
    %dma_start3A_75 = tpu.memref_slice %arg8[%dma_start3A_64, %dma_start3A_73, %dma_start3A_74] : memref<2x128x128xf32, #tpu.memory_space<vmem>> -> memref<1x128x128xf32, #tpu.memory_space<vmem>>
    %dma_start3A_76 = tpu.memref_squeeze %dma_start3A_75 : memref<1x128x128xf32, #tpu.memory_space<vmem>> -> memref<128x128xf32, #tpu.memory_space<vmem>>
    tpu.enqueue_dma source(%dma_start3A_76 : memref<128x128xf32, #tpu.memory_space<vmem>>) target(%dma_start3A_72 : memref<128x128xf32, #tpu.memory_space<vmem_shared>>) target_semaphore(%arg10 : memref<!tpu.dma_semaphore, #tpu.memory_space<semaphore_mem>>)
    %mul3A_77 = arith.constant 640 : i32
    %mul3A_78 = arith.muli %arg1, %mul3A_77 : i32
    %add3A_79 = arith.constant 512 : i32
    %add3A_80 = arith.addi %mul3A_78, %add3A_79 : i32
    %dma_start3A_81 = arith.constant 0 : i32
    %dma_start3A_82 = arith.constant 0 : i32
    %dma_start3A_83 = arith.constant 0 : i32
    %dma_start3A_84 = tpu.memref_slice %arg8[%dma_start3A_81, %dma_start3A_82, %dma_start3A_83] : memref<2x128x128xf32, #tpu.memory_space<vmem>> -> memref<1x128x128xf32, #tpu.memory_space<vmem>>
    %dma_start3A_85 = tpu.memref_squeeze %dma_start3A_84 : memref<1x128x128xf32, #tpu.memory_space<vmem>> -> memref<128x128xf32, #tpu.memory_space<vmem>>
    %dma_start3A_86 = arith.constant 0 : i32
    %dma_start3A_87 = tpu.memref_slice %arg9[%add3A_80, %dma_start3A_86] : memref<10240x128xf32, #tpu.memory_space<vmem_shared>> -> memref<128x128xf32, #tpu.memory_space<vmem_shared>>
    %dma_start3A_88 = arith.constant 0 : i32
    %dma_start3A_89 = tpu.memref_slice %arg9[%add3A_80, %dma_start3A_88] : memref<10240x128xf32, #tpu.memory_space<vmem_shared>> -> memref<128x128xf32, #tpu.memory_space<vmem_shared>>
    %dma_start3A_90 = arith.constant 0 : i32
    %dma_start3A_91 = arith.constant 0 : i32
    %dma_start3A_92 = tpu.memref_slice %arg8[%dma_start3A_81, %dma_start3A_90, %dma_start3A_91] : memref<2x128x128xf32, #tpu.memory_space<vmem>> -> memref<1x128x128xf32, #tpu.memory_space<vmem>>
    %dma_start3A_93 = tpu.memref_squeeze %dma_start3A_92 : memref<1x128x128xf32, #tpu.memory_space<vmem>> -> memref<128x128xf32, #tpu.memory_space<vmem>>
    tpu.enqueue_dma source(%dma_start3A_93 : memref<128x128xf32, #tpu.memory_space<vmem>>) target(%dma_start3A_89 : memref<128x128xf32, #tpu.memory_space<vmem_shared>>) target_semaphore(%arg10 : memref<!tpu.dma_semaphore, #tpu.memory_space<semaphore_mem>>)
    %dma_wait3A = arith.constant 0 : i32
    %dma_wait3A_94 = arith.constant 0 : i32
    %dma_wait3A_95 = arith.constant 0 : i32
    %dma_wait3A_96 = tpu.memref_slice %arg8[%dma_wait3A, %dma_wait3A_94, %dma_wait3A_95] : memref<2x128x128xf32, #tpu.memory_space<vmem>> -> memref<1x128x128xf32, #tpu.memory_space<vmem>>
    %dma_wait3A_97 = tpu.memref_squeeze %dma_wait3A_96 : memref<1x128x128xf32, #tpu.memory_space<vmem>> -> memref<128x128xf32, #tpu.memory_space<vmem>>
    %dma_wait3A_98 = arith.constant 0 : i32
    %dma_wait3A_99 = tpu.memref_slice %arg9[%add3A_13, %dma_wait3A_98] : memref<10240x128xf32, #tpu.memory_space<vmem_shared>> -> memref<128x128xf32, #tpu.memory_space<vmem_shared>>
    %dma_wait3A_100 = arith.constant 0 : i32
    %dma_wait3A_101 = tpu.memref_slice %arg9[%add3A_13, %dma_wait3A_100] : memref<10240x128xf32, #tpu.memory_space<vmem_shared>> -> memref<128x128xf32, #tpu.memory_space<vmem_shared>>
    %dma_wait3A_102 = arith.constant 0 : i32
    %dma_wait3A_103 = arith.constant 0 : i32
    %dma_wait3A_104 = tpu.memref_slice %arg8[%dma_wait3A, %dma_wait3A_102, %dma_wait3A_103] : memref<2x128x128xf32, #tpu.memory_space<vmem>> -> memref<1x128x128xf32, #tpu.memory_space<vmem>>
    %dma_wait3A_105 = tpu.memref_squeeze %dma_wait3A_104 : memref<1x128x128xf32, #tpu.memory_space<vmem>> -> memref<128x128xf32, #tpu.memory_space<vmem>>
    tpu.wait_dma2 semaphore(%arg10 : memref<!tpu.dma_semaphore, #tpu.memory_space<semaphore_mem>>) src(%dma_wait3A_105 : memref<128x128xf32, #tpu.memory_space<vmem>>) dst(%dma_wait3A_101 : memref<128x128xf32, #tpu.memory_space<vmem_shared>>)
    %dma_wait3A_106 = arith.constant 0 : i32
    %dma_wait3A_107 = arith.constant 0 : i32
    %dma_wait3A_108 = arith.constant 0 : i32
    %dma_wait3A_109 = tpu.memref_slice %arg8[%dma_wait3A_106, %dma_wait3A_107, %dma_wait3A_108] : memref<2x128x128xf32, #tpu.memory_space<vmem>> -> memref<1x128x128xf32, #tpu.memory_space<vmem>>
    %dma_wait3A_110 = tpu.memref_squeeze %dma_wait3A_109 : memref<1x128x128xf32, #tpu.memory_space<vmem>> -> memref<128x128xf32, #tpu.memory_space<vmem>>
    %dma_wait3A_111 = arith.constant 0 : i32
    %dma_wait3A_112 = tpu.memref_slice %arg9[%add3A_29, %dma_wait3A_111] : memref<10240x128xf32, #tpu.memory_space<vmem_shared>> -> memref<128x128xf32, #tpu.memory_space<vmem_shared>>
    %dma_wait3A_113 = arith.constant 0 : i32
    %dma_wait3A_114 = tpu.memref_slice %arg9[%add3A_29, %dma_wait3A_113] : memref<10240x128xf32, #tpu.memory_space<vmem_shared>> -> memref<128x128xf32, #tpu.memory_space<vmem_shared>>
    %dma_wait3A_115 = arith.constant 0 : i32
    %dma_wait3A_116 = arith.constant 0 : i32
    %dma_wait3A_117 = tpu.memref_slice %arg8[%dma_wait3A_106, %dma_wait3A_115, %dma_wait3A_116] : memref<2x128x128xf32, #tpu.memory_space<vmem>> -> memref<1x128x128xf32, #tpu.memory_space<vmem>>
    %dma_wait3A_118 = tpu.memref_squeeze %dma_wait3A_117 : memref<1x128x128xf32, #tpu.memory_space<vmem>> -> memref<128x128xf32, #tpu.memory_space<vmem>>
    tpu.wait_dma2 semaphore(%arg10 : memref<!tpu.dma_semaphore, #tpu.memory_space<semaphore_mem>>) src(%dma_wait3A_118 : memref<128x128xf32, #tpu.memory_space<vmem>>) dst(%dma_wait3A_114 : memref<128x128xf32, #tpu.memory_space<vmem_shared>>)
    %dma_wait3A_119 = arith.constant 0 : i32
    %dma_wait3A_120 = arith.constant 0 : i32
    %dma_wait3A_121 = arith.constant 0 : i32
    %dma_wait3A_122 = tpu.memref_slice %arg8[%dma_wait3A_119, %dma_wait3A_120, %dma_wait3A_121] : memref<2x128x128xf32, #tpu.memory_space<vmem>> -> memref<1x128x128xf32, #tpu.memory_space<vmem>>
    %dma_wait3A_123 = tpu.memref_squeeze %dma_wait3A_122 : memref<1x128x128xf32, #tpu.memory_space<vmem>> -> memref<128x128xf32, #tpu.memory_space<vmem>>
    %dma_wait3A_124 = arith.constant 0 : i32
    %dma_wait3A_125 = tpu.memref_slice %arg9[%add3A_46, %dma_wait3A_124] : memref<10240x128xf32, #tpu.memory_space<vmem_shared>> -> memref<128x128xf32, #tpu.memory_space<vmem_shared>>
    %dma_wait3A_126 = arith.constant 0 : i32
    %dma_wait3A_127 = tpu.memref_slice %arg9[%add3A_46, %dma_wait3A_126] : memref<10240x128xf32, #tpu.memory_space<vmem_shared>> -> memref<128x128xf32, #tpu.memory_space<vmem_shared>>
    %dma_wait3A_128 = arith.constant 0 : i32
    %dma_wait3A_129 = arith.constant 0 : i32
    %dma_wait3A_130 = tpu.memref_slice %arg8[%dma_wait3A_119, %dma_wait3A_128, %dma_wait3A_129] : memref<2x128x128xf32, #tpu.memory_space<vmem>> -> memref<1x128x128xf32, #tpu.memory_space<vmem>>
    %dma_wait3A_131 = tpu.memref_squeeze %dma_wait3A_130 : memref<1x128x128xf32, #tpu.memory_space<vmem>> -> memref<128x128xf32, #tpu.memory_space<vmem>>
    tpu.wait_dma2 semaphore(%arg10 : memref<!tpu.dma_semaphore, #tpu.memory_space<semaphore_mem>>) src(%dma_wait3A_131 : memref<128x128xf32, #tpu.memory_space<vmem>>) dst(%dma_wait3A_127 : memref<128x128xf32, #tpu.memory_space<vmem_shared>>)
    %dma_wait3A_132 = arith.constant 0 : i32
    %dma_wait3A_133 = arith.constant 0 : i32
    %dma_wait3A_134 = arith.constant 0 : i32
    %dma_wait3A_135 = tpu.memref_slice %arg8[%dma_wait3A_132, %dma_wait3A_133, %dma_wait3A_134] : memref<2x128x128xf32, #tpu.memory_space<vmem>> -> memref<1x128x128xf32, #tpu.memory_space<vmem>>
    %dma_wait3A_136 = tpu.memref_squeeze %dma_wait3A_135 : memref<1x128x128xf32, #tpu.memory_space<vmem>> -> memref<128x128xf32, #tpu.memory_space<vmem>>
    %dma_wait3A_137 = arith.constant 0 : i32
    %dma_wait3A_138 = tpu.memref_slice %arg9[%add3A_63, %dma_wait3A_137] : memref<10240x128xf32, #tpu.memory_space<vmem_shared>> -> memref<128x128xf32, #tpu.memory_space<vmem_shared>>
    %dma_wait3A_139 = arith.constant 0 : i32
    %dma_wait3A_140 = tpu.memref_slice %arg9[%add3A_63, %dma_wait3A_139] : memref<10240x128xf32, #tpu.memory_space<vmem_shared>> -> memref<128x128xf32, #tpu.memory_space<vmem_shared>>
    %dma_wait3A_141 = arith.constant 0 : i32
    %dma_wait3A_142 = arith.constant 0 : i32
    %dma_wait3A_143 = tpu.memref_slice %arg8[%dma_wait3A_132, %dma_wait3A_141, %dma_wait3A_142] : memref<2x128x128xf32, #tpu.memory_space<vmem>> -> memref<1x128x128xf32, #tpu.memory_space<vmem>>
    %dma_wait3A_144 = tpu.memref_squeeze %dma_wait3A_143 : memref<1x128x128xf32, #tpu.memory_space<vmem>> -> memref<128x128xf32, #tpu.memory_space<vmem>>
    tpu.wait_dma2 semaphore(%arg10 : memref<!tpu.dma_semaphore, #tpu.memory_space<semaphore_mem>>) src(%dma_wait3A_144 : memref<128x128xf32, #tpu.memory_space<vmem>>) dst(%dma_wait3A_140 : memref<128x128xf32, #tpu.memory_space<vmem_shared>>)
    %dma_wait3A_145 = arith.constant 0 : i32
    %dma_wait3A_146 = arith.constant 0 : i32
    %dma_wait3A_147 = arith.constant 0 : i32
    %dma_wait3A_148 = tpu.memref_slice %arg8[%dma_wait3A_145, %dma_wait3A_146, %dma_wait3A_147] : memref<2x128x128xf32, #tpu.memory_space<vmem>> -> memref<1x128x128xf32, #tpu.memory_space<vmem>>
    %dma_wait3A_149 = tpu.memref_squeeze %dma_wait3A_148 : memref<1x128x128xf32, #tpu.memory_space<vmem>> -> memref<128x128xf32, #tpu.memory_space<vmem>>
    %dma_wait3A_150 = arith.constant 0 : i32
    %dma_wait3A_151 = tpu.memref_slice %arg9[%add3A_80, %dma_wait3A_150] : memref<10240x128xf32, #tpu.memory_space<vmem_shared>> -> memref<128x128xf32, #tpu.memory_space<vmem_shared>>
    %dma_wait3A_152 = arith.constant 0 : i32
    %dma_wait3A_153 = tpu.memref_slice %arg9[%add3A_80, %dma_wait3A_152] : memref<10240x128xf32, #tpu.memory_space<vmem_shared>> -> memref<128x128xf32, #tpu.memory_space<vmem_shared>>
    %dma_wait3A_154 = arith.constant 0 : i32
    %dma_wait3A_155 = arith.constant 0 : i32
    %dma_wait3A_156 = tpu.memref_slice %arg8[%dma_wait3A_145, %dma_wait3A_154, %dma_wait3A_155] : memref<2x128x128xf32, #tpu.memory_space<vmem>> -> memref<1x128x128xf32, #tpu.memory_space<vmem>>
    %dma_wait3A_157 = tpu.memref_squeeze %dma_wait3A_156 : memref<1x128x128xf32, #tpu.memory_space<vmem>> -> memref<128x128xf32, #tpu.memory_space<vmem>>
    tpu.wait_dma2 semaphore(%arg10 : memref<!tpu.dma_semaphore, #tpu.memory_space<semaphore_mem>>) src(%dma_wait3A_157 : memref<128x128xf32, #tpu.memory_space<vmem>>) dst(%dma_wait3A_153 : memref<128x128xf32, #tpu.memory_space<vmem_shared>>)
    %barrier3A = arith.constant 0 : index
    tpu.barrier barrier_id(%barrier3A)
    %add3A_158 = arith.constant 0 : i32
    %add3A_159 = arith.addi %mul3A_2, %add3A_158 : i32
    "tpu.region"() ({
      %run_scoped3A = tpu.sem_alloc : memref<!tpu.dma_semaphore, #tpu.memory_space<semaphore_mem>>
      %dma_start3A_317 = arith.constant 0 : i32
      %dma_start3A_318 = tpu.memref_slice %arg3[%add3A_159, %dma_start3A_317] : memref<2640x128xi32, #tpu.memory_space<hbm>> -> memref<40x128xi32, #tpu.memory_space<hbm>>
      %dma_start3A_319 = arith.constant 0 : i32
      %dma_start3A_320 = tpu.memref_slice %arg3[%add3A_159, %dma_start3A_319] : memref<2640x128xi32, #tpu.memory_space<hbm>> -> memref<40x128xi32, #tpu.memory_space<hbm>>
      tpu.enqueue_dma source(%dma_start3A_320 : memref<40x128xi32, #tpu.memory_space<hbm>>) target(%arg6 : memref<40x128xi32, #tpu.memory_space<vmem>>) target_semaphore(%run_scoped3A : memref<!tpu.dma_semaphore, #tpu.memory_space<semaphore_mem>>)
      %dma_wait3A_321 = arith.constant 0 : i32
      %dma_wait3A_322 = tpu.memref_slice %arg3[%add3A_159, %dma_wait3A_321] : memref<2640x128xi32, #tpu.memory_space<hbm>> -> memref<40x128xi32, #tpu.memory_space<hbm>>
      %dma_wait3A_323 = arith.constant 0 : i32
      %dma_wait3A_324 = tpu.memref_slice %arg3[%add3A_159, %dma_wait3A_323] : memref<2640x128xi32, #tpu.memory_space<hbm>> -> memref<40x128xi32, #tpu.memory_space<hbm>>
      tpu.wait_dma2 semaphore(%run_scoped3A : memref<!tpu.dma_semaphore, #tpu.memory_space<semaphore_mem>>) src(%dma_wait3A_324 : memref<40x128xi32, #tpu.memory_space<hbm>>) dst(%arg6 : memref<40x128xi32, #tpu.memory_space<vmem>>)
      tpu.yield
    }) : () -> ()
    %add3A_160 = arith.constant 0 : i32
    %add3A_161 = arith.addi %mul3A_2, %add3A_160 : i32
    "tpu.region"() ({
      %run_scoped3A = tpu.sem_alloc : memref<!tpu.dma_semaphore, #tpu.memory_space<semaphore_mem>>
      %dma_start3A_317 = arith.constant 0 : i32
      %dma_start3A_318 = tpu.memref_slice %arg4[%add3A_161, %dma_start3A_317] : memref<2640x128xi32, #tpu.memory_space<hbm>> -> memref<40x128xi32, #tpu.memory_space<hbm>>
      %dma_start3A_319 = arith.constant 0 : i32
      %dma_start3A_320 = tpu.memref_slice %arg4[%add3A_161, %dma_start3A_319] : memref<2640x128xi32, #tpu.memory_space<hbm>> -> memref<40x128xi32, #tpu.memory_space<hbm>>
      tpu.enqueue_dma source(%dma_start3A_320 : memref<40x128xi32, #tpu.memory_space<hbm>>) target(%arg7 : memref<40x128xi32, #tpu.memory_space<vmem>>) target_semaphore(%run_scoped3A : memref<!tpu.dma_semaphore, #tpu.memory_space<semaphore_mem>>)
      %dma_wait3A_321 = arith.constant 0 : i32
      %dma_wait3A_322 = tpu.memref_slice %arg4[%add3A_161, %dma_wait3A_321] : memref<2640x128xi32, #tpu.memory_space<hbm>> -> memref<40x128xi32, #tpu.memory_space<hbm>>
      %dma_wait3A_323 = arith.constant 0 : i32
      %dma_wait3A_324 = tpu.memref_slice %arg4[%add3A_161, %dma_wait3A_323] : memref<2640x128xi32, #tpu.memory_space<hbm>> -> memref<40x128xi32, #tpu.memory_space<hbm>>
      tpu.wait_dma2 semaphore(%run_scoped3A : memref<!tpu.dma_semaphore, #tpu.memory_space<semaphore_mem>>) src(%dma_wait3A_324 : memref<40x128xi32, #tpu.memory_space<hbm>>) dst(%arg7 : memref<40x128xi32, #tpu.memory_space<vmem>>)
      tpu.yield
    }) : () -> ()
    %dma_start3A_162 = arith.constant 0 : i32
    %dma_start3A_163 = arith.constant 0 : i32
    %dma_start3A_164 = arith.constant 0 : i32
    %dma_start3A_165 = arith.constant 0 : i32
    %dma_start3A_166 = tpu.memref_slice %arg8[%dma_start3A_163, %dma_start3A_164, %dma_start3A_165] : memref<2x128x128xf32, #tpu.memory_space<vmem>> -> memref<1x128x128xf32, #tpu.memory_space<vmem>>
    %dma_start3A_167 = tpu.memref_squeeze %dma_start3A_166 : memref<1x128x128xf32, #tpu.memory_space<vmem>> -> memref<128x128xf32, #tpu.memory_space<vmem>>
    %dma_start3A_168 = arith.constant 0 : i32
    %dma_start3A_169 = tpu.memref_slice %arg6[%dma_start3A_162, %dma_start3A_168] : memref<40x128xi32, #tpu.memory_space<vmem>> -> memref<1x128xi32, #tpu.memory_space<vmem>>
    %dma_start3A_170 = tpu.memref_squeeze %dma_start3A_169 : memref<1x128xi32, #tpu.memory_space<vmem>> -> memref<128xi32, #tpu.memory_space<vmem>>
    %dma_start3A_171 = arith.constant 0 : i32
    %dma_start3A_172 = arith.constant 0 : i32
    %dma_start3A_173 = tpu.memref_slice %arg2[%dma_start3A_171, %dma_start3A_172] : memref<10240x128xf32, #tpu.memory_space<hbm>> -> memref<10240x128xf32, #tpu.memory_space<hbm>>
    tpu.enqueue_indirect_dma source(%dma_start3A_173 : memref<10240x128xf32, #tpu.memory_space<hbm>>) target(%dma_start3A_167 : memref<128x128xf32, #tpu.memory_space<vmem>>) offsets(%dma_start3A_170 : memref<128xi32, #tpu.memory_space<vmem>>) semaphore(%arg10 : memref<!tpu.dma_semaphore, #tpu.memory_space<semaphore_mem>>)
    %scan3A_174 = arith.constant 0 : i32
    %scan3A_175 = arith.constant 0 : i32
    %scan3A_176 = arith.constant 40 : i32
    %scan3A_177 = arith.addi %scan3A_175, %scan3A_176 : i32
    %scan3A_178 = arith.constant 1 : i32
    scf.for %scan3A_317 = %scan3A_175 to %scan3A_177 step %scan3A_178  : i32 {
      %rem3A = arith.constant 2 : i32
      %rem3A_318 = arith.remsi %scan3A_317, %rem3A : i32
      %sub3A = arith.constant 1 : i32
      %sub3A_319 = arith.subi %sub3A, %rem3A_318 : i32
      %add3A_320 = arith.constant 1 : i32
      %add3A_321 = arith.addi %scan3A_317, %add3A_320 : i32
      %min3A = arith.constant 39 : i32
      %min3A_322 = arith.minsi %add3A_321, %min3A : i32
      %dma_start3A_323 = arith.constant 0 : i32
      %dma_start3A_324 = arith.constant 0 : i32
      %dma_start3A_325 = tpu.memref_slice %arg8[%sub3A_319, %dma_start3A_323, %dma_start3A_324] : memref<2x128x128xf32, #tpu.memory_space<vmem>> -> memref<1x128x128xf32, #tpu.memory_space<vmem>>
      %dma_start3A_326 = tpu.memref_squeeze %dma_start3A_325 : memref<1x128x128xf32, #tpu.memory_space<vmem>> -> memref<128x128xf32, #tpu.memory_space<vmem>>
      %dma_start3A_327 = arith.constant 0 : i32
      %dma_start3A_328 = tpu.memref_slice %arg6[%min3A_322, %dma_start3A_327] : memref<40x128xi32, #tpu.memory_space<vmem>> -> memref<1x128xi32, #tpu.memory_space<vmem>>
      %dma_start3A_329 = tpu.memref_squeeze %dma_start3A_328 : memref<1x128xi32, #tpu.memory_space<vmem>> -> memref<128xi32, #tpu.memory_space<vmem>>
      %dma_start3A_330 = arith.constant 0 : i32
      %dma_start3A_331 = arith.constant 0 : i32
      %dma_start3A_332 = tpu.memref_slice %arg2[%dma_start3A_330, %dma_start3A_331] : memref<10240x128xf32, #tpu.memory_space<hbm>> -> memref<10240x128xf32, #tpu.memory_space<hbm>>
      tpu.enqueue_indirect_dma source(%dma_start3A_332 : memref<10240x128xf32, #tpu.memory_space<hbm>>) target(%dma_start3A_326 : memref<128x128xf32, #tpu.memory_space<vmem>>) offsets(%dma_start3A_329 : memref<128xi32, #tpu.memory_space<vmem>>) semaphore(%arg10 : memref<!tpu.dma_semaphore, #tpu.memory_space<semaphore_mem>>)
      %dma_wait3A_333 = arith.constant 0 : i32
      %dma_wait3A_334 = arith.constant 0 : i32
      %dma_wait3A_335 = tpu.memref_slice %arg8[%rem3A_318, %dma_wait3A_333, %dma_wait3A_334] : memref<2x128x128xf32, #tpu.memory_space<vmem>> -> memref<1x128x128xf32, #tpu.memory_space<vmem>>
      %dma_wait3A_336 = tpu.memref_squeeze %dma_wait3A_335 : memref<1x128x128xf32, #tpu.memory_space<vmem>> -> memref<128x128xf32, #tpu.memory_space<vmem>>
      %dma_wait3A_337 = arith.constant 0 : i32
      %dma_wait3A_338 = tpu.memref_slice %arg6[%scan3A_317, %dma_wait3A_337] : memref<40x128xi32, #tpu.memory_space<vmem>> -> memref<1x128xi32, #tpu.memory_space<vmem>>
      %dma_wait3A_339 = tpu.memref_squeeze %dma_wait3A_338 : memref<1x128xi32, #tpu.memory_space<vmem>> -> memref<128xi32, #tpu.memory_space<vmem>>
      %dma_wait3A_340 = arith.constant 0 : i32
      %dma_wait3A_341 = arith.constant 0 : i32
      %dma_wait3A_342 = tpu.memref_slice %arg2[%dma_wait3A_340, %dma_wait3A_341] : memref<10240x128xf32, #tpu.memory_space<hbm>> -> memref<10240x128xf32, #tpu.memory_space<hbm>>
      tpu.wait_indirect_dma semaphore(%arg10 : memref<!tpu.dma_semaphore, #tpu.memory_space<semaphore_mem>>) src(%dma_wait3A_342 : memref<10240x128xf32, #tpu.memory_space<hbm>>) dst(%dma_wait3A_336 : memref<128x128xf32, #tpu.memory_space<vmem>>)
      "tpu.region"() ({
        %run_scoped3A = tpu.sem_alloc : memref<!tpu.dma_semaphore, #tpu.memory_space<semaphore_mem>>
        %dma_start3A_343 = arith.constant 0 : i32
        %dma_start3A_344 = arith.constant 0 : i32
        %dma_start3A_345 = tpu.memref_slice %arg8[%rem3A_318, %dma_start3A_343, %dma_start3A_344] : memref<2x128x128xf32, #tpu.memory_space<vmem>> -> memref<1x128x128xf32, #tpu.memory_space<vmem>>
        %dma_start3A_346 = tpu.memref_squeeze %dma_start3A_345 : memref<1x128x128xf32, #tpu.memory_space<vmem>> -> memref<128x128xf32, #tpu.memory_space<vmem>>
        %dma_start3A_347 = arith.constant 0 : i32
        %dma_start3A_348 = tpu.memref_slice %arg7[%scan3A_317, %dma_start3A_347] : memref<40x128xi32, #tpu.memory_space<vmem>> -> memref<1x128xi32, #tpu.memory_space<vmem>>
        %dma_start3A_349 = tpu.memref_squeeze %dma_start3A_348 : memref<1x128xi32, #tpu.memory_space<vmem>> -> memref<128xi32, #tpu.memory_space<vmem>>
        %dma_start3A_350 = arith.constant 0 : i32
        %dma_start3A_351 = arith.constant 0 : i32
        %dma_start3A_352 = tpu.memref_slice %arg9[%dma_start3A_350, %dma_start3A_351] : memref<10240x128xf32, #tpu.memory_space<vmem_shared>> -> memref<10240x128xf32, #tpu.memory_space<vmem_shared>>
        tpu.enqueue_indirect_dma source(%dma_start3A_346 : memref<128x128xf32, #tpu.memory_space<vmem>>) target(%dma_start3A_352 : memref<10240x128xf32, #tpu.memory_space<vmem_shared>>) offsets(%dma_start3A_349 : memref<128xi32, #tpu.memory_space<vmem>>) semaphore(%run_scoped3A : memref<!tpu.dma_semaphore, #tpu.memory_space<semaphore_mem>>) {add = true}
        %dma_wait3A_353 = arith.constant 0 : i32
        %dma_wait3A_354 = arith.constant 0 : i32
        %dma_wait3A_355 = tpu.memref_slice %arg8[%rem3A_318, %dma_wait3A_353, %dma_wait3A_354] : memref<2x128x128xf32, #tpu.memory_space<vmem>> -> memref<1x128x128xf32, #tpu.memory_space<vmem>>
        %dma_wait3A_356 = tpu.memref_squeeze %dma_wait3A_355 : memref<1x128x128xf32, #tpu.memory_space<vmem>> -> memref<128x128xf32, #tpu.memory_space<vmem>>
        %dma_wait3A_357 = arith.constant 0 : i32
        %dma_wait3A_358 = tpu.memref_slice %arg7[%scan3A_317, %dma_wait3A_357] : memref<40x128xi32, #tpu.memory_space<vmem>> -> memref<1x128xi32, #tpu.memory_space<vmem>>
        %dma_wait3A_359 = tpu.memref_squeeze %dma_wait3A_358 : memref<1x128xi32, #tpu.memory_space<vmem>> -> memref<128xi32, #tpu.memory_space<vmem>>
        %dma_wait3A_360 = arith.constant 0 : i32
        %dma_wait3A_361 = arith.constant 0 : i32
        %dma_wait3A_362 = tpu.memref_slice %arg9[%dma_wait3A_360, %dma_wait3A_361] : memref<10240x128xf32, #tpu.memory_space<vmem_shared>> -> memref<10240x128xf32, #tpu.memory_space<vmem_shared>>
        tpu.wait_indirect_dma semaphore(%run_scoped3A : memref<!tpu.dma_semaphore, #tpu.memory_space<semaphore_mem>>) src(%dma_wait3A_356 : memref<128x128xf32, #tpu.memory_space<vmem>>) dst(%dma_wait3A_362 : memref<10240x128xf32, #tpu.memory_space<vmem_shared>>)
        tpu.yield
      }) : () -> ()
    }
    %scan3A_179 = arith.constant 40 : i32
    %dma_wait3A_180 = arith.constant 39 : i32
    %dma_wait3A_181 = arith.constant 0 : i32
    %dma_wait3A_182 = arith.constant 0 : i32
    %dma_wait3A_183 = arith.constant 0 : i32
    %dma_wait3A_184 = tpu.memref_slice %arg8[%dma_wait3A_181, %dma_wait3A_182, %dma_wait3A_183] : memref<2x128x128xf32, #tpu.memory_space<vmem>> -> memref<1x128x128xf32, #tpu.memory_space<vmem>>
    %dma_wait3A_185 = tpu.memref_squeeze %dma_wait3A_184 : memref<1x128x128xf32, #tpu.memory_space<vmem>> -> memref<128x128xf32, #tpu.memory_space<vmem>>
    %dma_wait3A_186 = arith.constant 0 : i32
    %dma_wait3A_187 = tpu.memref_slice %arg6[%dma_wait3A_180, %dma_wait3A_186] : memref<40x128xi32, #tpu.memory_space<vmem>> -> memref<1x128xi32, #tpu.memory_space<vmem>>
    %dma_wait3A_188 = tpu.memref_squeeze %dma_wait3A_187 : memref<1x128xi32, #tpu.memory_space<vmem>> -> memref<128xi32, #tpu.memory_space<vmem>>
    %dma_wait3A_189 = arith.constant 0 : i32
    %dma_wait3A_190 = arith.constant 0 : i32
    %dma_wait3A_191 = tpu.memref_slice %arg2[%dma_wait3A_189, %dma_wait3A_190] : memref<10240x128xf32, #tpu.memory_space<hbm>> -> memref<10240x128xf32, #tpu.memory_space<hbm>>
    tpu.wait_indirect_dma semaphore(%arg10 : memref<!tpu.dma_semaphore, #tpu.memory_space<semaphore_mem>>) src(%dma_wait3A_191 : memref<10240x128xf32, #tpu.memory_space<hbm>>) dst(%dma_wait3A_185 : memref<128x128xf32, #tpu.memory_space<vmem>>)
    %add3A_192 = arith.constant 40 : i32
    %add3A_193 = arith.addi %mul3A_2, %add3A_192 : i32
    "tpu.region"() ({
      %run_scoped3A = tpu.sem_alloc : memref<!tpu.dma_semaphore, #tpu.memory_space<semaphore_mem>>
      %dma_start3A_317 = arith.constant 0 : i32
      %dma_start3A_318 = tpu.memref_slice %arg3[%add3A_193, %dma_start3A_317] : memref<2640x128xi32, #tpu.memory_space<hbm>> -> memref<40x128xi32, #tpu.memory_space<hbm>>
      %dma_start3A_319 = arith.constant 0 : i32
      %dma_start3A_320 = tpu.memref_slice %arg3[%add3A_193, %dma_start3A_319] : memref<2640x128xi32, #tpu.memory_space<hbm>> -> memref<40x128xi32, #tpu.memory_space<hbm>>
      tpu.enqueue_dma source(%dma_start3A_320 : memref<40x128xi32, #tpu.memory_space<hbm>>) target(%arg6 : memref<40x128xi32, #tpu.memory_space<vmem>>) target_semaphore(%run_scoped3A : memref<!tpu.dma_semaphore, #tpu.memory_space<semaphore_mem>>)
      %dma_wait3A_321 = arith.constant 0 : i32
      %dma_wait3A_322 = tpu.memref_slice %arg3[%add3A_193, %dma_wait3A_321] : memref<2640x128xi32, #tpu.memory_space<hbm>> -> memref<40x128xi32, #tpu.memory_space<hbm>>
      %dma_wait3A_323 = arith.constant 0 : i32
      %dma_wait3A_324 = tpu.memref_slice %arg3[%add3A_193, %dma_wait3A_323] : memref<2640x128xi32, #tpu.memory_space<hbm>> -> memref<40x128xi32, #tpu.memory_space<hbm>>
      tpu.wait_dma2 semaphore(%run_scoped3A : memref<!tpu.dma_semaphore, #tpu.memory_space<semaphore_mem>>) src(%dma_wait3A_324 : memref<40x128xi32, #tpu.memory_space<hbm>>) dst(%arg6 : memref<40x128xi32, #tpu.memory_space<vmem>>)
      tpu.yield
    }) : () -> ()
    %add3A_194 = arith.constant 40 : i32
    %add3A_195 = arith.addi %mul3A_2, %add3A_194 : i32
    "tpu.region"() ({
      %run_scoped3A = tpu.sem_alloc : memref<!tpu.dma_semaphore, #tpu.memory_space<semaphore_mem>>
      %dma_start3A_317 = arith.constant 0 : i32
      %dma_start3A_318 = tpu.memref_slice %arg4[%add3A_195, %dma_start3A_317] : memref<2640x128xi32, #tpu.memory_space<hbm>> -> memref<40x128xi32, #tpu.memory_space<hbm>>
      %dma_start3A_319 = arith.constant 0 : i32
      %dma_start3A_320 = tpu.memref_slice %arg4[%add3A_195, %dma_start3A_319] : memref<2640x128xi32, #tpu.memory_space<hbm>> -> memref<40x128xi32, #tpu.memory_space<hbm>>
      tpu.enqueue_dma source(%dma_start3A_320 : memref<40x128xi32, #tpu.memory_space<hbm>>) target(%arg7 : memref<40x128xi32, #tpu.memory_space<vmem>>) target_semaphore(%run_scoped3A : memref<!tpu.dma_semaphore, #tpu.memory_space<semaphore_mem>>)
      %dma_wait3A_321 = arith.constant 0 : i32
      %dma_wait3A_322 = tpu.memref_slice %arg4[%add3A_195, %dma_wait3A_321] : memref<2640x128xi32, #tpu.memory_space<hbm>> -> memref<40x128xi32, #tpu.memory_space<hbm>>
      %dma_wait3A_323 = arith.constant 0 : i32
      %dma_wait3A_324 = tpu.memref_slice %arg4[%add3A_195, %dma_wait3A_323] : memref<2640x128xi32, #tpu.memory_space<hbm>> -> memref<40x128xi32, #tpu.memory_space<hbm>>
      tpu.wait_dma2 semaphore(%run_scoped3A : memref<!tpu.dma_semaphore, #tpu.memory_space<semaphore_mem>>) src(%dma_wait3A_324 : memref<40x128xi32, #tpu.memory_space<hbm>>) dst(%arg7 : memref<40x128xi32, #tpu.memory_space<vmem>>)
      tpu.yield
    }) : () -> ()
    %dma_start3A_196 = arith.constant 0 : i32
    %dma_start3A_197 = arith.constant 0 : i32
    %dma_start3A_198 = arith.constant 0 : i32
    %dma_start3A_199 = arith.constant 0 : i32
    %dma_start3A_200 = tpu.memref_slice %arg8[%dma_start3A_197, %dma_start3A_198, %dma_start3A_199] : memref<2x128x128xf32, #tpu.memory_space<vmem>> -> memref<1x128x128xf32, #tpu.memory_space<vmem>>
    %dma_start3A_201 = tpu.memref_squeeze %dma_start3A_200 : memref<1x128x128xf32, #tpu.memory_space<vmem>> -> memref<128x128xf32, #tpu.memory_space<vmem>>
    %dma_start3A_202 = arith.constant 0 : i32
    %dma_start3A_203 = tpu.memref_slice %arg6[%dma_start3A_196, %dma_start3A_202] : memref<40x128xi32, #tpu.memory_space<vmem>> -> memref<1x128xi32, #tpu.memory_space<vmem>>
    %dma_start3A_204 = tpu.memref_squeeze %dma_start3A_203 : memref<1x128xi32, #tpu.memory_space<vmem>> -> memref<128xi32, #tpu.memory_space<vmem>>
    %dma_start3A_205 = arith.constant 0 : i32
    %dma_start3A_206 = arith.constant 0 : i32
    %dma_start3A_207 = tpu.memref_slice %arg2[%dma_start3A_205, %dma_start3A_206] : memref<10240x128xf32, #tpu.memory_space<hbm>> -> memref<10240x128xf32, #tpu.memory_space<hbm>>
    tpu.enqueue_indirect_dma source(%dma_start3A_207 : memref<10240x128xf32, #tpu.memory_space<hbm>>) target(%dma_start3A_201 : memref<128x128xf32, #tpu.memory_space<vmem>>) offsets(%dma_start3A_204 : memref<128xi32, #tpu.memory_space<vmem>>) semaphore(%arg10 : memref<!tpu.dma_semaphore, #tpu.memory_space<semaphore_mem>>)
    %scan3A_208 = arith.constant 0 : i32
    %scan3A_209 = arith.constant 0 : i32
    %scan3A_210 = arith.constant 40 : i32
    %scan3A_211 = arith.addi %scan3A_209, %scan3A_210 : i32
    %scan3A_212 = arith.constant 1 : i32
    scf.for %scan3A_317 = %scan3A_209 to %scan3A_211 step %scan3A_212  : i32 {
      %rem3A = arith.constant 2 : i32
      %rem3A_318 = arith.remsi %scan3A_317, %rem3A : i32
      %sub3A = arith.constant 1 : i32
      %sub3A_319 = arith.subi %sub3A, %rem3A_318 : i32
      %add3A_320 = arith.constant 1 : i32
      %add3A_321 = arith.addi %scan3A_317, %add3A_320 : i32
      %min3A = arith.constant 39 : i32
      %min3A_322 = arith.minsi %add3A_321, %min3A : i32
      %dma_start3A_323 = arith.constant 0 : i32
      %dma_start3A_324 = arith.constant 0 : i32
      %dma_start3A_325 = tpu.memref_slice %arg8[%sub3A_319, %dma_start3A_323, %dma_start3A_324] : memref<2x128x128xf32, #tpu.memory_space<vmem>> -> memref<1x128x128xf32, #tpu.memory_space<vmem>>
      %dma_start3A_326 = tpu.memref_squeeze %dma_start3A_325 : memref<1x128x128xf32, #tpu.memory_space<vmem>> -> memref<128x128xf32, #tpu.memory_space<vmem>>
      %dma_start3A_327 = arith.constant 0 : i32
      %dma_start3A_328 = tpu.memref_slice %arg6[%min3A_322, %dma_start3A_327] : memref<40x128xi32, #tpu.memory_space<vmem>> -> memref<1x128xi32, #tpu.memory_space<vmem>>
      %dma_start3A_329 = tpu.memref_squeeze %dma_start3A_328 : memref<1x128xi32, #tpu.memory_space<vmem>> -> memref<128xi32, #tpu.memory_space<vmem>>
      %dma_start3A_330 = arith.constant 0 : i32
      %dma_start3A_331 = arith.constant 0 : i32
      %dma_start3A_332 = tpu.memref_slice %arg2[%dma_start3A_330, %dma_start3A_331] : memref<10240x128xf32, #tpu.memory_space<hbm>> -> memref<10240x128xf32, #tpu.memory_space<hbm>>
      tpu.enqueue_indirect_dma source(%dma_start3A_332 : memref<10240x128xf32, #tpu.memory_space<hbm>>) target(%dma_start3A_326 : memref<128x128xf32, #tpu.memory_space<vmem>>) offsets(%dma_start3A_329 : memref<128xi32, #tpu.memory_space<vmem>>) semaphore(%arg10 : memref<!tpu.dma_semaphore, #tpu.memory_space<semaphore_mem>>)
      %dma_wait3A_333 = arith.constant 0 : i32
      %dma_wait3A_334 = arith.constant 0 : i32
      %dma_wait3A_335 = tpu.memref_slice %arg8[%rem3A_318, %dma_wait3A_333, %dma_wait3A_334] : memref<2x128x128xf32, #tpu.memory_space<vmem>> -> memref<1x128x128xf32, #tpu.memory_space<vmem>>
      %dma_wait3A_336 = tpu.memref_squeeze %dma_wait3A_335 : memref<1x128x128xf32, #tpu.memory_space<vmem>> -> memref<128x128xf32, #tpu.memory_space<vmem>>
      %dma_wait3A_337 = arith.constant 0 : i32
      %dma_wait3A_338 = tpu.memref_slice %arg6[%scan3A_317, %dma_wait3A_337] : memref<40x128xi32, #tpu.memory_space<vmem>> -> memref<1x128xi32, #tpu.memory_space<vmem>>
      %dma_wait3A_339 = tpu.memref_squeeze %dma_wait3A_338 : memref<1x128xi32, #tpu.memory_space<vmem>> -> memref<128xi32, #tpu.memory_space<vmem>>
      %dma_wait3A_340 = arith.constant 0 : i32
      %dma_wait3A_341 = arith.constant 0 : i32
      %dma_wait3A_342 = tpu.memref_slice %arg2[%dma_wait3A_340, %dma_wait3A_341] : memref<10240x128xf32, #tpu.memory_space<hbm>> -> memref<10240x128xf32, #tpu.memory_space<hbm>>
      tpu.wait_indirect_dma semaphore(%arg10 : memref<!tpu.dma_semaphore, #tpu.memory_space<semaphore_mem>>) src(%dma_wait3A_342 : memref<10240x128xf32, #tpu.memory_space<hbm>>) dst(%dma_wait3A_336 : memref<128x128xf32, #tpu.memory_space<vmem>>)
      "tpu.region"() ({
        %run_scoped3A = tpu.sem_alloc : memref<!tpu.dma_semaphore, #tpu.memory_space<semaphore_mem>>
        %dma_start3A_343 = arith.constant 0 : i32
        %dma_start3A_344 = arith.constant 0 : i32
        %dma_start3A_345 = tpu.memref_slice %arg8[%rem3A_318, %dma_start3A_343, %dma_start3A_344] : memref<2x128x128xf32, #tpu.memory_space<vmem>> -> memref<1x128x128xf32, #tpu.memory_space<vmem>>
        %dma_start3A_346 = tpu.memref_squeeze %dma_start3A_345 : memref<1x128x128xf32, #tpu.memory_space<vmem>> -> memref<128x128xf32, #tpu.memory_space<vmem>>
        %dma_start3A_347 = arith.constant 0 : i32
        %dma_start3A_348 = tpu.memref_slice %arg7[%scan3A_317, %dma_start3A_347] : memref<40x128xi32, #tpu.memory_space<vmem>> -> memref<1x128xi32, #tpu.memory_space<vmem>>
        %dma_start3A_349 = tpu.memref_squeeze %dma_start3A_348 : memref<1x128xi32, #tpu.memory_space<vmem>> -> memref<128xi32, #tpu.memory_space<vmem>>
        %dma_start3A_350 = arith.constant 0 : i32
        %dma_start3A_351 = arith.constant 0 : i32
        %dma_start3A_352 = tpu.memref_slice %arg9[%dma_start3A_350, %dma_start3A_351] : memref<10240x128xf32, #tpu.memory_space<vmem_shared>> -> memref<10240x128xf32, #tpu.memory_space<vmem_shared>>
        tpu.enqueue_indirect_dma source(%dma_start3A_346 : memref<128x128xf32, #tpu.memory_space<vmem>>) target(%dma_start3A_352 : memref<10240x128xf32, #tpu.memory_space<vmem_shared>>) offsets(%dma_start3A_349 : memref<128xi32, #tpu.memory_space<vmem>>) semaphore(%run_scoped3A : memref<!tpu.dma_semaphore, #tpu.memory_space<semaphore_mem>>) {add = true}
        %dma_wait3A_353 = arith.constant 0 : i32
        %dma_wait3A_354 = arith.constant 0 : i32
        %dma_wait3A_355 = tpu.memref_slice %arg8[%rem3A_318, %dma_wait3A_353, %dma_wait3A_354] : memref<2x128x128xf32, #tpu.memory_space<vmem>> -> memref<1x128x128xf32, #tpu.memory_space<vmem>>
        %dma_wait3A_356 = tpu.memref_squeeze %dma_wait3A_355 : memref<1x128x128xf32, #tpu.memory_space<vmem>> -> memref<128x128xf32, #tpu.memory_space<vmem>>
        %dma_wait3A_357 = arith.constant 0 : i32
        %dma_wait3A_358 = tpu.memref_slice %arg7[%scan3A_317, %dma_wait3A_357] : memref<40x128xi32, #tpu.memory_space<vmem>> -> memref<1x128xi32, #tpu.memory_space<vmem>>
        %dma_wait3A_359 = tpu.memref_squeeze %dma_wait3A_358 : memref<1x128xi32, #tpu.memory_space<vmem>> -> memref<128xi32, #tpu.memory_space<vmem>>
        %dma_wait3A_360 = arith.constant 0 : i32
        %dma_wait3A_361 = arith.constant 0 : i32
        %dma_wait3A_362 = tpu.memref_slice %arg9[%dma_wait3A_360, %dma_wait3A_361] : memref<10240x128xf32, #tpu.memory_space<vmem_shared>> -> memref<10240x128xf32, #tpu.memory_space<vmem_shared>>
        tpu.wait_indirect_dma semaphore(%run_scoped3A : memref<!tpu.dma_semaphore, #tpu.memory_space<semaphore_mem>>) src(%dma_wait3A_356 : memref<128x128xf32, #tpu.memory_space<vmem>>) dst(%dma_wait3A_362 : memref<10240x128xf32, #tpu.memory_space<vmem_shared>>)
        tpu.yield
      }) : () -> ()
    }
    %scan3A_213 = arith.constant 40 : i32
    %dma_wait3A_214 = arith.constant 39 : i32
    %dma_wait3A_215 = arith.constant 0 : i32
    %dma_wait3A_216 = arith.constant 0 : i32
    %dma_wait3A_217 = arith.constant 0 : i32
    %dma_wait3A_218 = tpu.memref_slice %arg8[%dma_wait3A_215, %dma_wait3A_216, %dma_wait3A_217] : memref<2x128x128xf32, #tpu.memory_space<vmem>> -> memref<1x128x128xf32, #tpu.memory_space<vmem>>
    %dma_wait3A_219 = tpu.memref_squeeze %dma_wait3A_218 : memref<1x128x128xf32, #tpu.memory_space<vmem>> -> memref<128x128xf32, #tpu.memory_space<vmem>>
    %dma_wait3A_220 = arith.constant 0 : i32
    %dma_wait3A_221 = tpu.memref_slice %arg6[%dma_wait3A_214, %dma_wait3A_220] : memref<40x128xi32, #tpu.memory_space<vmem>> -> memref<1x128xi32, #tpu.memory_space<vmem>>
    %dma_wait3A_222 = tpu.memref_squeeze %dma_wait3A_221 : memref<1x128xi32, #tpu.memory_space<vmem>> -> memref<128xi32, #tpu.memory_space<vmem>>
    %dma_wait3A_223 = arith.constant 0 : i32
    %dma_wait3A_224 = arith.constant 0 : i32
    %dma_wait3A_225 = tpu.memref_slice %arg2[%dma_wait3A_223, %dma_wait3A_224] : memref<10240x128xf32, #tpu.memory_space<hbm>> -> memref<10240x128xf32, #tpu.memory_space<hbm>>
    tpu.wait_indirect_dma semaphore(%arg10 : memref<!tpu.dma_semaphore, #tpu.memory_space<semaphore_mem>>) src(%dma_wait3A_225 : memref<10240x128xf32, #tpu.memory_space<hbm>>) dst(%dma_wait3A_219 : memref<128x128xf32, #tpu.memory_space<vmem>>)
    %barrier3A_226 = arith.constant 0 : index
    tpu.barrier barrier_id(%barrier3A_226)
    %mul3A_227 = arith.constant 640 : i32
    %mul3A_228 = arith.muli %arg1, %mul3A_227 : i32
    %add3A_229 = arith.constant 0 : i32
    %add3A_230 = arith.addi %mul3A_228, %add3A_229 : i32
    %mul3A_231 = arith.constant 640 : i32
    %mul3A_232 = arith.muli %arg1, %mul3A_231 : i32
    %add3A_233 = arith.constant 0 : i32
    %add3A_234 = arith.addi %mul3A_232, %add3A_233 : i32
    %dma_start3A_235 = arith.constant 0 : i32
    %dma_start3A_236 = tpu.memref_slice %arg5[%arg0, %add3A_234, %dma_start3A_235] : memref<2x10240x128xf32, #tpu.memory_space<hbm>> -> memref<1x128x128xf32, #tpu.memory_space<hbm>>
    %dma_start3A_237 = tpu.memref_squeeze %dma_start3A_236 : memref<1x128x128xf32, #tpu.memory_space<hbm>> -> memref<128x128xf32, #tpu.memory_space<hbm>>
    %dma_start3A_238 = arith.constant 0 : i32
    %dma_start3A_239 = tpu.memref_slice %arg9[%add3A_230, %dma_start3A_238] : memref<10240x128xf32, #tpu.memory_space<vmem_shared>> -> memref<128x128xf32, #tpu.memory_space<vmem_shared>>
    tpu.enqueue_dma source(%dma_start3A_239 : memref<128x128xf32, #tpu.memory_space<vmem_shared>>) target(%dma_start3A_237 : memref<128x128xf32, #tpu.memory_space<hbm>>) target_semaphore(%arg10 : memref<!tpu.dma_semaphore, #tpu.memory_space<semaphore_mem>>)
    %mul3A_240 = arith.constant 640 : i32
    %mul3A_241 = arith.muli %arg1, %mul3A_240 : i32
    %add3A_242 = arith.constant 128 : i32
    %add3A_243 = arith.addi %mul3A_241, %add3A_242 : i32
    %mul3A_244 = arith.constant 640 : i32
    %mul3A_245 = arith.muli %arg1, %mul3A_244 : i32
    %add3A_246 = arith.constant 128 : i32
    %add3A_247 = arith.addi %mul3A_245, %add3A_246 : i32
    %dma_start3A_248 = arith.constant 0 : i32
    %dma_start3A_249 = tpu.memref_slice %arg5[%arg0, %add3A_247, %dma_start3A_248] : memref<2x10240x128xf32, #tpu.memory_space<hbm>> -> memref<1x128x128xf32, #tpu.memory_space<hbm>>
    %dma_start3A_250 = tpu.memref_squeeze %dma_start3A_249 : memref<1x128x128xf32, #tpu.memory_space<hbm>> -> memref<128x128xf32, #tpu.memory_space<hbm>>
    %dma_start3A_251 = arith.constant 0 : i32
    %dma_start3A_252 = tpu.memref_slice %arg9[%add3A_243, %dma_start3A_251] : memref<10240x128xf32, #tpu.memory_space<vmem_shared>> -> memref<128x128xf32, #tpu.memory_space<vmem_shared>>
    tpu.enqueue_dma source(%dma_start3A_252 : memref<128x128xf32, #tpu.memory_space<vmem_shared>>) target(%dma_start3A_250 : memref<128x128xf32, #tpu.memory_space<hbm>>) target_semaphore(%arg10 : memref<!tpu.dma_semaphore, #tpu.memory_space<semaphore_mem>>)
    %mul3A_253 = arith.constant 640 : i32
    %mul3A_254 = arith.muli %arg1, %mul3A_253 : i32
    %add3A_255 = arith.constant 256 : i32
    %add3A_256 = arith.addi %mul3A_254, %add3A_255 : i32
    %mul3A_257 = arith.constant 640 : i32
    %mul3A_258 = arith.muli %arg1, %mul3A_257 : i32
    %add3A_259 = arith.constant 256 : i32
    %add3A_260 = arith.addi %mul3A_258, %add3A_259 : i32
    %dma_start3A_261 = arith.constant 0 : i32
    %dma_start3A_262 = tpu.memref_slice %arg5[%arg0, %add3A_260, %dma_start3A_261] : memref<2x10240x128xf32, #tpu.memory_space<hbm>> -> memref<1x128x128xf32, #tpu.memory_space<hbm>>
    %dma_start3A_263 = tpu.memref_squeeze %dma_start3A_262 : memref<1x128x128xf32, #tpu.memory_space<hbm>> -> memref<128x128xf32, #tpu.memory_space<hbm>>
    %dma_start3A_264 = arith.constant 0 : i32
    %dma_start3A_265 = tpu.memref_slice %arg9[%add3A_256, %dma_start3A_264] : memref<10240x128xf32, #tpu.memory_space<vmem_shared>> -> memref<128x128xf32, #tpu.memory_space<vmem_shared>>
    tpu.enqueue_dma source(%dma_start3A_265 : memref<128x128xf32, #tpu.memory_space<vmem_shared>>) target(%dma_start3A_263 : memref<128x128xf32, #tpu.memory_space<hbm>>) target_semaphore(%arg10 : memref<!tpu.dma_semaphore, #tpu.memory_space<semaphore_mem>>)
    %mul3A_266 = arith.constant 640 : i32
    %mul3A_267 = arith.muli %arg1, %mul3A_266 : i32
    %add3A_268 = arith.constant 384 : i32
    %add3A_269 = arith.addi %mul3A_267, %add3A_268 : i32
    %mul3A_270 = arith.constant 640 : i32
    %mul3A_271 = arith.muli %arg1, %mul3A_270 : i32
    %add3A_272 = arith.constant 384 : i32
    %add3A_273 = arith.addi %mul3A_271, %add3A_272 : i32
    %dma_start3A_274 = arith.constant 0 : i32
    %dma_start3A_275 = tpu.memref_slice %arg5[%arg0, %add3A_273, %dma_start3A_274] : memref<2x10240x128xf32, #tpu.memory_space<hbm>> -> memref<1x128x128xf32, #tpu.memory_space<hbm>>
    %dma_start3A_276 = tpu.memref_squeeze %dma_start3A_275 : memref<1x128x128xf32, #tpu.memory_space<hbm>> -> memref<128x128xf32, #tpu.memory_space<hbm>>
    %dma_start3A_277 = arith.constant 0 : i32
    %dma_start3A_278 = tpu.memref_slice %arg9[%add3A_269, %dma_start3A_277] : memref<10240x128xf32, #tpu.memory_space<vmem_shared>> -> memref<128x128xf32, #tpu.memory_space<vmem_shared>>
    tpu.enqueue_dma source(%dma_start3A_278 : memref<128x128xf32, #tpu.memory_space<vmem_shared>>) target(%dma_start3A_276 : memref<128x128xf32, #tpu.memory_space<hbm>>) target_semaphore(%arg10 : memref<!tpu.dma_semaphore, #tpu.memory_space<semaphore_mem>>)
    %mul3A_279 = arith.constant 640 : i32
    %mul3A_280 = arith.muli %arg1, %mul3A_279 : i32
    %add3A_281 = arith.constant 512 : i32
    %add3A_282 = arith.addi %mul3A_280, %add3A_281 : i32
    %mul3A_283 = arith.constant 640 : i32
    %mul3A_284 = arith.muli %arg1, %mul3A_283 : i32
    %add3A_285 = arith.constant 512 : i32
    %add3A_286 = arith.addi %mul3A_284, %add3A_285 : i32
    %dma_start3A_287 = arith.constant 0 : i32
    %dma_start3A_288 = tpu.memref_slice %arg5[%arg0, %add3A_286, %dma_start3A_287] : memref<2x10240x128xf32, #tpu.memory_space<hbm>> -> memref<1x128x128xf32, #tpu.memory_space<hbm>>
    %dma_start3A_289 = tpu.memref_squeeze %dma_start3A_288 : memref<1x128x128xf32, #tpu.memory_space<hbm>> -> memref<128x128xf32, #tpu.memory_space<hbm>>
    %dma_start3A_290 = arith.constant 0 : i32
    %dma_start3A_291 = tpu.memref_slice %arg9[%add3A_282, %dma_start3A_290] : memref<10240x128xf32, #tpu.memory_space<vmem_shared>> -> memref<128x128xf32, #tpu.memory_space<vmem_shared>>
    tpu.enqueue_dma source(%dma_start3A_291 : memref<128x128xf32, #tpu.memory_space<vmem_shared>>) target(%dma_start3A_289 : memref<128x128xf32, #tpu.memory_space<hbm>>) target_semaphore(%arg10 : memref<!tpu.dma_semaphore, #tpu.memory_space<semaphore_mem>>)
    %dma_wait3A_292 = arith.constant 0 : i32
    %dma_wait3A_293 = tpu.memref_slice %arg5[%arg0, %add3A_234, %dma_wait3A_292] : memref<2x10240x128xf32, #tpu.memory_space<hbm>> -> memref<1x128x128xf32, #tpu.memory_space<hbm>>
    %dma_wait3A_294 = tpu.memref_squeeze %dma_wait3A_293 : memref<1x128x128xf32, #tpu.memory_space<hbm>> -> memref<128x128xf32, #tpu.memory_space<hbm>>
    %dma_wait3A_295 = arith.constant 0 : i32
    %dma_wait3A_296 = tpu.memref_slice %arg9[%add3A_230, %dma_wait3A_295] : memref<10240x128xf32, #tpu.memory_space<vmem_shared>> -> memref<128x128xf32, #tpu.memory_space<vmem_shared>>
    tpu.wait_dma2 semaphore(%arg10 : memref<!tpu.dma_semaphore, #tpu.memory_space<semaphore_mem>>) src(%dma_wait3A_296 : memref<128x128xf32, #tpu.memory_space<vmem_shared>>) dst(%dma_wait3A_294 : memref<128x128xf32, #tpu.memory_space<hbm>>)
    %dma_wait3A_297 = arith.constant 0 : i32
    %dma_wait3A_298 = tpu.memref_slice %arg5[%arg0, %add3A_247, %dma_wait3A_297] : memref<2x10240x128xf32, #tpu.memory_space<hbm>> -> memref<1x128x128xf32, #tpu.memory_space<hbm>>
    %dma_wait3A_299 = tpu.memref_squeeze %dma_wait3A_298 : memref<1x128x128xf32, #tpu.memory_space<hbm>> -> memref<128x128xf32, #tpu.memory_space<hbm>>
    %dma_wait3A_300 = arith.constant 0 : i32
    %dma_wait3A_301 = tpu.memref_slice %arg9[%add3A_243, %dma_wait3A_300] : memref<10240x128xf32, #tpu.memory_space<vmem_shared>> -> memref<128x128xf32, #tpu.memory_space<vmem_shared>>
    tpu.wait_dma2 semaphore(%arg10 : memref<!tpu.dma_semaphore, #tpu.memory_space<semaphore_mem>>) src(%dma_wait3A_301 : memref<128x128xf32, #tpu.memory_space<vmem_shared>>) dst(%dma_wait3A_299 : memref<128x128xf32, #tpu.memory_space<hbm>>)
    %dma_wait3A_302 = arith.constant 0 : i32
    %dma_wait3A_303 = tpu.memref_slice %arg5[%arg0, %add3A_260, %dma_wait3A_302] : memref<2x10240x128xf32, #tpu.memory_space<hbm>> -> memref<1x128x128xf32, #tpu.memory_space<hbm>>
    %dma_wait3A_304 = tpu.memref_squeeze %dma_wait3A_303 : memref<1x128x128xf32, #tpu.memory_space<hbm>> -> memref<128x128xf32, #tpu.memory_space<hbm>>
    %dma_wait3A_305 = arith.constant 0 : i32
    %dma_wait3A_306 = tpu.memref_slice %arg9[%add3A_256, %dma_wait3A_305] : memref<10240x128xf32, #tpu.memory_space<vmem_shared>> -> memref<128x128xf32, #tpu.memory_space<vmem_shared>>
    tpu.wait_dma2 semaphore(%arg10 : memref<!tpu.dma_semaphore, #tpu.memory_space<semaphore_mem>>) src(%dma_wait3A_306 : memref<128x128xf32, #tpu.memory_space<vmem_shared>>) dst(%dma_wait3A_304 : memref<128x128xf32, #tpu.memory_space<hbm>>)
    %dma_wait3A_307 = arith.constant 0 : i32
    %dma_wait3A_308 = tpu.memref_slice %arg5[%arg0, %add3A_273, %dma_wait3A_307] : memref<2x10240x128xf32, #tpu.memory_space<hbm>> -> memref<1x128x128xf32, #tpu.memory_space<hbm>>
    %dma_wait3A_309 = tpu.memref_squeeze %dma_wait3A_308 : memref<1x128x128xf32, #tpu.memory_space<hbm>> -> memref<128x128xf32, #tpu.memory_space<hbm>>
    %dma_wait3A_310 = arith.constant 0 : i32
    %dma_wait3A_311 = tpu.memref_slice %arg9[%add3A_269, %dma_wait3A_310] : memref<10240x128xf32, #tpu.memory_space<vmem_shared>> -> memref<128x128xf32, #tpu.memory_space<vmem_shared>>
    tpu.wait_dma2 semaphore(%arg10 : memref<!tpu.dma_semaphore, #tpu.memory_space<semaphore_mem>>) src(%dma_wait3A_311 : memref<128x128xf32, #tpu.memory_space<vmem_shared>>) dst(%dma_wait3A_309 : memref<128x128xf32, #tpu.memory_space<hbm>>)
    %dma_wait3A_312 = arith.constant 0 : i32
    %dma_wait3A_313 = tpu.memref_slice %arg5[%arg0, %add3A_286, %dma_wait3A_312] : memref<2x10240x128xf32, #tpu.memory_space<hbm>> -> memref<1x128x128xf32, #tpu.memory_space<hbm>>
    %dma_wait3A_314 = tpu.memref_squeeze %dma_wait3A_313 : memref<1x128x128xf32, #tpu.memory_space<hbm>> -> memref<128x128xf32, #tpu.memory_space<hbm>>
    %dma_wait3A_315 = arith.constant 0 : i32
    %dma_wait3A_316 = tpu.memref_slice %arg9[%add3A_282, %dma_wait3A_315] : memref<10240x128xf32, #tpu.memory_space<vmem_shared>> -> memref<128x128xf32, #tpu.memory_space<vmem_shared>>
    tpu.wait_dma2 semaphore(%arg10 : memref<!tpu.dma_semaphore, #tpu.memory_space<semaphore_mem>>) src(%dma_wait3A_316 : memref<128x128xf32, #tpu.memory_space<vmem_shared>>) dst(%dma_wait3A_314 : memref<128x128xf32, #tpu.memory_space<hbm>>)
    return
  }
}

module attributes {stable_mosaic.version = 14 : i64} {
  func.func @_tca_body(%arg0: i32, %arg1: memref<2x2560x128xf32, #tpu.memory_space<vmem>>, %arg2: memref<32x2560xf32, #tpu.memory_space<vmem>>, %arg3: memref<32x2560xf32, #tpu.memory_space<vmem>>, %arg4: memref<32x2560xf32, #tpu.memory_space<vmem>>, %arg5: memref<2560x128xf32, #tpu.memory_space<vmem>>, %arg6: memref<2560x1xf32, #tpu.memory_space<vmem>>, %arg7: memref<2560x1xf32, #tpu.memory_space<vmem>>, %arg8: memref<2560x1xf32, #tpu.memory_space<vmem>>) attributes {dimension_semantics = [#tpu.dimension_semantics<arbitrary>], iteration_bounds = array<i64: 4>, scalar_prefetch = 0 : i64, scratch_operands = 0 : i64, tpu.core_type = #tpu.core_type<tc>, window_params = [{transform_indices = @transform_0, window_bounds = array<i64: 2, 2560, 128>}, {transform_indices = @transform_1, window_bounds = array<i64: 32, 2560>}, {transform_indices = @transform_2, window_bounds = array<i64: 32, 2560>}, {transform_indices = @transform_3, window_bounds = array<i64: 32, 2560>}, {transform_indices = @transform_4, window_bounds = array<i64: 2560, 128>}, {transform_indices = @transform_5, window_bounds = array<i64: 2560, 1>}, {transform_indices = @transform_6, window_bounds = array<i64: 2560, 1>}, {transform_indices = @transform_7, window_bounds = array<i64: 2560, 1>}]} {
    %broadcast_in_dim3A = arith.constant 1.000000e+00 : f32
    %broadcast_in_dim3A_0 = vector.broadcast %broadcast_in_dim3A : f32 to vector<32x1xf32>
    %get3A = arith.constant 0 : index
    %get3A_1 = arith.constant 0 : index
    %get3A_2 = vector.load %arg2[%get3A, %get3A_1] : memref<32x2560xf32, #tpu.memory_space<vmem>>, vector<32x2560xf32>
    %dot_general3A = arith.constant dense<0.000000e+00> : vector<2560x1xf32>
    %dot_general3A_3 = tpu.matmul %get3A_2, %broadcast_in_dim3A_0, %dot_general3A {dimension_numbers = #tpu.dot_dimension_numbers<[0], [0], [1], [1], [0, 1, 1, 1], [], []>, transpose_lhs_hint = false} : vector<32x2560xf32>, vector<32x1xf32>, vector<2560x1xf32> -> vector<2560x1xf32>
    %get3A_4 = arith.constant 0 : index
    %get3A_5 = arith.constant 0 : index
    %get3A_6 = vector.load %arg3[%get3A_4, %get3A_5] : memref<32x2560xf32, #tpu.memory_space<vmem>>, vector<32x2560xf32>
    %dot_general3A_7 = arith.constant dense<0.000000e+00> : vector<2560x1xf32>
    %dot_general3A_8 = tpu.matmul %get3A_6, %broadcast_in_dim3A_0, %dot_general3A_7 {dimension_numbers = #tpu.dot_dimension_numbers<[0], [0], [1], [1], [0, 1, 1, 1], [], []>, transpose_lhs_hint = false} : vector<32x2560xf32>, vector<32x1xf32>, vector<2560x1xf32> -> vector<2560x1xf32>
    %get3A_9 = arith.constant 0 : index
    %get3A_10 = arith.constant 0 : index
    %get3A_11 = vector.load %arg4[%get3A_9, %get3A_10] : memref<32x2560xf32, #tpu.memory_space<vmem>>, vector<32x2560xf32>
    %dot_general3A_12 = arith.constant dense<0.000000e+00> : vector<2560x1xf32>
    %dot_general3A_13 = tpu.matmul %get3A_11, %broadcast_in_dim3A_0, %dot_general3A_12 {dimension_numbers = #tpu.dot_dimension_numbers<[0], [0], [1], [1], [0, 1, 1, 1], [], []>, transpose_lhs_hint = false} : vector<32x2560xf32>, vector<32x1xf32>, vector<2560x1xf32> -> vector<2560x1xf32>
    %mul3A = arith.constant 2560 : i32
    %mul3A_14 = arith.muli %arg0, %mul3A : i32
    %iota3A = tpu.iota {dimensions = array<i32: 0>} : vector<2560x1xi32>
    %add3A = vector.broadcast %mul3A_14 : i32 to vector<2560x1xi32>
    %add3A_15 = arith.addi %add3A, %iota3A : vector<2560x1xi32>
    %lt3A = arith.constant 10000 : i32
    %lt3A_16 = vector.broadcast %lt3A : i32 to vector<2560x1xi32>
    %lt3A_17 = arith.cmpi slt, %add3A_15, %lt3A_16 : vector<2560x1xi32>
    %gt3A = arith.constant 0.000000e+00 : f32
    %gt3A_18 = vector.broadcast %gt3A : f32 to vector<2560x1xf32>
    %gt3A_19 = arith.cmpf ogt, %dot_general3A_8, %gt3A_18 : vector<2560x1xf32>
    %and3A = arith.andi %lt3A_17, %gt3A_19 : vector<2560x1xi1>
    %div3A = arith.constant 1.000000e+00 : f32
    %div3A_20 = vector.broadcast %div3A : f32 to vector<2560x1xf32>
    %div3A_21 = arith.divf %div3A_20, %dot_general3A_8 : vector<2560x1xf32>
    %jit3A = arith.constant 0.000000e+00 : f32
    %broadcast_in_dim3A_22 = vector.broadcast %jit3A : f32 to vector<2560x1xf32>
    %select_n3A = arith.select %and3A, %div3A_21, %broadcast_in_dim3A_22 : vector<2560x1xi1>, vector<2560x1xf32>
    %gt3A_23 = arith.constant 0.000000e+00 : f32
    %gt3A_24 = vector.broadcast %gt3A_23 : f32 to vector<2560x1xf32>
    %gt3A_25 = arith.cmpf ogt, %dot_general3A_3, %gt3A_24 : vector<2560x1xf32>
    %and3A_26 = arith.andi %lt3A_17, %gt3A_25 : vector<2560x1xi1>
    %div3A_27 = arith.constant 1.000000e+00 : f32
    %div3A_28 = vector.broadcast %div3A_27 : f32 to vector<2560x1xf32>
    %div3A_29 = arith.divf %div3A_28, %dot_general3A_3 : vector<2560x1xf32>
    %jit3A_30 = arith.constant 0.000000e+00 : f32
    %broadcast_in_dim3A_31 = vector.broadcast %jit3A_30 : f32 to vector<2560x1xf32>
    %select_n3A_32 = arith.select %and3A_26, %div3A_29, %broadcast_in_dim3A_31 : vector<2560x1xi1>, vector<2560x1xf32>
    %get3A_33 = arith.constant 0 : index
    %get3A_34 = arith.constant 0 : index
    %get3A_35 = arith.constant 0 : index
    %get3A_36 = vector.load %arg1[%get3A_33, %get3A_34, %get3A_35] : memref<2x2560x128xf32, #tpu.memory_space<vmem>>, vector<1x2560x128xf32>
    %get3A_37 = vector.shape_cast %get3A_36 : vector<1x2560x128xf32> to vector<2560x128xf32>
    %get3A_38 = arith.constant 1 : index
    %get3A_39 = arith.constant 0 : index
    %get3A_40 = arith.constant 0 : index
    %get3A_41 = vector.load %arg1[%get3A_38, %get3A_39, %get3A_40] : memref<2x2560x128xf32, #tpu.memory_space<vmem>>, vector<1x2560x128xf32>
    %get3A_42 = vector.shape_cast %get3A_41 : vector<1x2560x128xf32> to vector<2560x128xf32>
    %add3A_43 = arith.addf %get3A_37, %get3A_42 : vector<2560x128xf32>
    %mul3A_44 = vector.broadcast %select_n3A : vector<2560x1xf32> to vector<2560x128xf32>
    %mul3A_45 = arith.mulf %mul3A_44, %add3A_43 : vector<2560x128xf32>
    %swap3A = arith.constant 0 : index
    %swap3A_46 = arith.constant 0 : index
    %swap3A_47 = vector.load %arg5[%swap3A, %swap3A_46] : memref<2560x128xf32, #tpu.memory_space<vmem>>, vector<2560x128xf32>
    tpu.vector_store %arg5[%swap3A, %swap3A_46], %mul3A_45 {strides = array<i32>} : memref<2560x128xf32, #tpu.memory_space<vmem>>, vector<2560x128xf32>,
    %swap3A_48 = arith.constant 0 : index
    %swap3A_49 = arith.constant 0 : index
    %swap3A_50 = vector.load %arg6[%swap3A_48, %swap3A_49] : memref<2560x1xf32, #tpu.memory_space<vmem>>, vector<2560x1xf32>
    tpu.vector_store %arg6[%swap3A_48, %swap3A_49], %select_n3A {strides = array<i32>} : memref<2560x1xf32, #tpu.memory_space<vmem>>, vector<2560x1xf32>,
    %swap3A_51 = arith.constant 0 : index
    %swap3A_52 = arith.constant 0 : index
    %swap3A_53 = vector.load %arg7[%swap3A_51, %swap3A_52] : memref<2560x1xf32, #tpu.memory_space<vmem>>, vector<2560x1xf32>
    tpu.vector_store %arg7[%swap3A_51, %swap3A_52], %select_n3A_32 {strides = array<i32>} : memref<2560x1xf32, #tpu.memory_space<vmem>>, vector<2560x1xf32>,
    %mul3A_54 = arith.mulf %dot_general3A_13, %select_n3A_32 : vector<2560x1xf32>
    %swap3A_55 = arith.constant 0 : index
    %swap3A_56 = arith.constant 0 : index
    %swap3A_57 = vector.load %arg8[%swap3A_55, %swap3A_56] : memref<2560x1xf32, #tpu.memory_space<vmem>>, vector<2560x1xf32>
    tpu.vector_store %arg8[%swap3A_55, %swap3A_56], %mul3A_54 {strides = array<i32>} : memref<2560x1xf32, #tpu.memory_space<vmem>>, vector<2560x1xf32>,
    return
  }
  func.func @transform_0(%arg0: i32) -> (i32, i32, i32) {
    %c0_i32 = arith.constant 0 : i32
    %c0_i32_0 = arith.constant 0 : i32
    %c0_i32_1 = arith.constant 0 : i32
    return %c0_i32, %arg0, %c0_i32_0 : i32, i32, i32
  }
  func.func @transform_1(%arg0: i32) -> (i32, i32) {
    %c0_i32 = arith.constant 0 : i32
    %c0_i32_0 = arith.constant 0 : i32
    return %c0_i32, %arg0 : i32, i32
  }
  func.func @transform_2(%arg0: i32) -> (i32, i32) {
    %c0_i32 = arith.constant 0 : i32
    %c0_i32_0 = arith.constant 0 : i32
    return %c0_i32, %arg0 : i32, i32
  }
  func.func @transform_3(%arg0: i32) -> (i32, i32) {
    %c0_i32 = arith.constant 0 : i32
    %c0_i32_0 = arith.constant 0 : i32
    return %c0_i32, %arg0 : i32, i32
  }
  func.func @transform_4(%arg0: i32) -> (i32, i32) {
    %c0_i32 = arith.constant 0 : i32
    %c0_i32_0 = arith.constant 0 : i32
    return %arg0, %c0_i32 : i32, i32
  }
  func.func @transform_5(%arg0: i32) -> (i32, i32) {
    %c0_i32 = arith.constant 0 : i32
    %c0_i32_0 = arith.constant 0 : i32
    return %arg0, %c0_i32 : i32, i32
  }
  func.func @transform_6(%arg0: i32) -> (i32, i32) {
    %c0_i32 = arith.constant 0 : i32
    %c0_i32_0 = arith.constant 0 : i32
    return %arg0, %c0_i32 : i32, i32
  }
  func.func @transform_7(%arg0: i32) -> (i32, i32) {
    %c0_i32 = arith.constant 0 : i32
    %c0_i32_0 = arith.constant 0 : i32
    return %arg0, %c0_i32 : i32, i32
  }
}

module attributes {stable_mosaic.version = 14 : i64} {
  func.func @_tcb_body(%arg0: i32, %arg1: memref<2x2560x128xf32, #tpu.memory_space<vmem>>, %arg2: memref<2560x1xf32, #tpu.memory_space<vmem>>, %arg3: memref<2560x1xf32, #tpu.memory_space<vmem>>, %arg4: memref<2560x256xf32, #tpu.memory_space<vmem>>, %arg5: memref<256x128xf32, #tpu.memory_space<vmem>>, %arg6: memref<1x256xf32, #tpu.memory_space<vmem>>, %arg7: memref<128x256xf32, #tpu.memory_space<vmem>>, %arg8: memref<1x128xf32, #tpu.memory_space<vmem>>, %arg9: memref<2560x128xf32, #tpu.memory_space<vmem>>) attributes {dimension_semantics = [#tpu.dimension_semantics<arbitrary>], iteration_bounds = array<i64: 4>, scalar_prefetch = 0 : i64, scratch_operands = 0 : i64, tpu.core_type = #tpu.core_type<tc>, window_params = [{transform_indices = @transform_0, window_bounds = array<i64: 2, 2560, 128>}, {transform_indices = @transform_1, window_bounds = array<i64: 2560, 1>}, {transform_indices = @transform_2, window_bounds = array<i64: 2560, 1>}, {transform_indices = @transform_3, window_bounds = array<i64: 2560, 256>}, {pipeline_mode = #tpu.pipeline_mode<synchronous>, transform_indices = @transform_4, window_bounds = array<i64: 256, 128>}, {pipeline_mode = #tpu.pipeline_mode<synchronous>, transform_indices = @transform_5, window_bounds = array<i64: 1, 256>}, {pipeline_mode = #tpu.pipeline_mode<synchronous>, transform_indices = @transform_6, window_bounds = array<i64: 128, 256>}, {pipeline_mode = #tpu.pipeline_mode<synchronous>, transform_indices = @transform_7, window_bounds = array<i64: 1, 128>}, {transform_indices = @transform_8, window_bounds = array<i64: 2560, 128>}]} {
    %get3A = arith.constant 0 : index
    %get3A_0 = arith.constant 0 : index
    %get3A_1 = vector.load %arg2[%get3A, %get3A_0] : memref<2560x1xf32, #tpu.memory_space<vmem>>, vector<2560x1xf32>
    %get3A_2 = arith.constant 0 : index
    %get3A_3 = arith.constant 0 : index
    %get3A_4 = arith.constant 0 : index
    %get3A_5 = vector.load %arg1[%get3A_2, %get3A_3, %get3A_4] : memref<2x2560x128xf32, #tpu.memory_space<vmem>>, vector<1x2560x128xf32>
    %get3A_6 = vector.shape_cast %get3A_5 : vector<1x2560x128xf32> to vector<2560x128xf32>
    %get3A_7 = arith.constant 1 : index
    %get3A_8 = arith.constant 0 : index
    %get3A_9 = arith.constant 0 : index
    %get3A_10 = vector.load %arg1[%get3A_7, %get3A_8, %get3A_9] : memref<2x2560x128xf32, #tpu.memory_space<vmem>>, vector<1x2560x128xf32>
    %get3A_11 = vector.shape_cast %get3A_10 : vector<1x2560x128xf32> to vector<2560x128xf32>
    %add3A = arith.addf %get3A_6, %get3A_11 : vector<2560x128xf32>
    %mul3A = vector.broadcast %get3A_1 : vector<2560x1xf32> to vector<2560x128xf32>
    %mul3A_12 = arith.mulf %mul3A, %add3A : vector<2560x128xf32>
    %get3A_13 = arith.constant 0 : index
    %get3A_14 = arith.constant 0 : index
    %get3A_15 = vector.load %arg5[%get3A_13, %get3A_14] : memref<256x128xf32, #tpu.memory_space<vmem>>, vector<256x128xf32>
    %dot_general3A = arith.constant dense<0.000000e+00> : vector<2560x256xf32>
    %dot_general3A_16 = tpu.matmul %mul3A_12, %get3A_15, %dot_general3A {dimension_numbers = #tpu.dot_dimension_numbers<[1], [1], [0], [0], [0, 0, 1, 0], [], []>, transpose_lhs_hint = false} : vector<2560x128xf32>, vector<256x128xf32>, vector<2560x256xf32> -> vector<2560x256xf32>
    %get3A_17 = arith.constant 0 : index
    %get3A_18 = arith.constant 0 : index
    %get3A_19 = vector.load %arg3[%get3A_17, %get3A_18] : memref<2560x1xf32, #tpu.memory_space<vmem>>, vector<2560x1xf32>
    %get3A_20 = arith.constant 0 : index
    %get3A_21 = arith.constant 0 : index
    %get3A_22 = vector.load %arg6[%get3A_20, %get3A_21] : memref<1x256xf32, #tpu.memory_space<vmem>>, vector<1x256xf32>
    %mul3A_23 = vector.broadcast %get3A_19 : vector<2560x1xf32> to vector<2560x256xf32>
    %mul3A_24 = vector.broadcast %get3A_22 : vector<1x256xf32> to vector<2560x256xf32>
    %mul3A_25 = arith.mulf %mul3A_23, %mul3A_24 : vector<2560x256xf32>
    %add3A_26 = arith.addf %dot_general3A_16, %mul3A_25 : vector<2560x256xf32>
    %max3A = arith.constant 0.000000e+00 : f32
    %max3A_27 = vector.broadcast %max3A : f32 to vector<2560x256xf32>
    %max3A_28 = arith.maximumf %add3A_26, %max3A_27 : vector<2560x256xf32>
    %get3A_29 = arith.constant 0 : index
    %get3A_30 = arith.constant 0 : index
    %get3A_31 = vector.load %arg4[%get3A_29, %get3A_30] : memref<2560x256xf32, #tpu.memory_space<vmem>>, vector<2560x256xf32>
    %mul3A_32 = arith.mulf %max3A_28, %get3A_31 : vector<2560x256xf32>
    %get3A_33 = arith.constant 0 : index
    %get3A_34 = arith.constant 0 : index
    %get3A_35 = vector.load %arg7[%get3A_33, %get3A_34] : memref<128x256xf32, #tpu.memory_space<vmem>>, vector<128x256xf32>
    %dot_general3A_36 = arith.constant dense<0.000000e+00> : vector<2560x128xf32>
    %dot_general3A_37 = tpu.matmul %mul3A_32, %get3A_35, %dot_general3A_36 {dimension_numbers = #tpu.dot_dimension_numbers<[1], [1], [0], [0], [0, 0, 1, 0], [], []>, transpose_lhs_hint = false} : vector<2560x256xf32>, vector<128x256xf32>, vector<2560x128xf32> -> vector<2560x128xf32>
    %get3A_38 = arith.constant 0 : index
    %get3A_39 = arith.constant 0 : index
    %get3A_40 = vector.load %arg8[%get3A_38, %get3A_39] : memref<1x128xf32, #tpu.memory_space<vmem>>, vector<1x128xf32>
    %add3A_41 = vector.broadcast %get3A_40 : vector<1x128xf32> to vector<2560x128xf32>
    %add3A_42 = arith.addf %dot_general3A_37, %add3A_41 : vector<2560x128xf32>
    %swap3A = arith.constant 0 : index
    %swap3A_43 = arith.constant 0 : index
    %swap3A_44 = vector.load %arg9[%swap3A, %swap3A_43] : memref<2560x128xf32, #tpu.memory_space<vmem>>, vector<2560x128xf32>
    tpu.vector_store %arg9[%swap3A, %swap3A_43], %add3A_42 {strides = array<i32>} : memref<2560x128xf32, #tpu.memory_space<vmem>>, vector<2560x128xf32>,
    return
  }
  func.func @transform_0(%arg0: i32) -> (i32, i32, i32) {
    %c0_i32 = arith.constant 0 : i32
    %c0_i32_0 = arith.constant 0 : i32
    %c0_i32_1 = arith.constant 0 : i32
    return %c0_i32, %arg0, %c0_i32_0 : i32, i32, i32
  }
  func.func @transform_1(%arg0: i32) -> (i32, i32) {
    %c0_i32 = arith.constant 0 : i32
    %c0_i32_0 = arith.constant 0 : i32
    return %arg0, %c0_i32 : i32, i32
  }
  func.func @transform_2(%arg0: i32) -> (i32, i32) {
    %c0_i32 = arith.constant 0 : i32
    %c0_i32_0 = arith.constant 0 : i32
    return %arg0, %c0_i32 : i32, i32
  }
  func.func @transform_3(%arg0: i32) -> (i32, i32) {
    %c0_i32 = arith.constant 0 : i32
    %c0_i32_0 = arith.constant 0 : i32
    return %arg0, %c0_i32 : i32, i32
  }
  func.func @transform_4(%arg0: i32) -> (i32, i32) {
    %c0_i32 = arith.constant 0 : i32
    %c0_i32_0 = arith.constant 0 : i32
    %c0_i32_1 = arith.constant 0 : i32
    return %c0_i32, %c0_i32_0 : i32, i32
  }
  func.func @transform_5(%arg0: i32) -> (i32, i32) {
    %c0_i32 = arith.constant 0 : i32
    %c0_i32_0 = arith.constant 0 : i32
    %c0_i32_1 = arith.constant 0 : i32
    return %c0_i32, %c0_i32_0 : i32, i32
  }
  func.func @transform_6(%arg0: i32) -> (i32, i32) {
    %c0_i32 = arith.constant 0 : i32
    %c0_i32_0 = arith.constant 0 : i32
    %c0_i32_1 = arith.constant 0 : i32
    return %c0_i32, %c0_i32_0 : i32, i32
  }
  func.func @transform_7(%arg0: i32) -> (i32, i32) {
    %c0_i32 = arith.constant 0 : i32
    %c0_i32_0 = arith.constant 0 : i32
    %c0_i32_1 = arith.constant 0 : i32
    return %c0_i32, %c0_i32_0 : i32, i32
  }
  func.func @transform_8(%arg0: i32) -> (i32, i32) {
    %c0_i32 = arith.constant 0 : i32
    %c0_i32_0 = arith.constant 0 : i32
    return %arg0, %c0_i32 : i32, i32
  }
}

module attributes {stable_mosaic.version = 14 : i64} {
  func.func @_tcc_body(%arg0: i32, %arg1: memref<2x2560x128xf32, #tpu.memory_space<vmem>>, %arg2: memref<2560x1xf32, #tpu.memory_space<vmem>>, %arg3: memref<2560x128xf32, #tpu.memory_space<vmem>>) attributes {dimension_semantics = [#tpu.dimension_semantics<arbitrary>], iteration_bounds = array<i64: 4>, scalar_prefetch = 0 : i64, scratch_operands = 0 : i64, tpu.core_type = #tpu.core_type<tc>, window_params = [{transform_indices = @transform_0, window_bounds = array<i64: 2, 2560, 128>}, {transform_indices = @transform_1, window_bounds = array<i64: 2560, 1>}, {transform_indices = @transform_2, window_bounds = array<i64: 2560, 128>}]} {
    %get3A = arith.constant 0 : index
    %get3A_0 = arith.constant 0 : index
    %get3A_1 = vector.load %arg2[%get3A, %get3A_0] : memref<2560x1xf32, #tpu.memory_space<vmem>>, vector<2560x1xf32>
    %get3A_2 = arith.constant 0 : index
    %get3A_3 = arith.constant 0 : index
    %get3A_4 = arith.constant 0 : index
    %get3A_5 = vector.load %arg1[%get3A_2, %get3A_3, %get3A_4] : memref<2x2560x128xf32, #tpu.memory_space<vmem>>, vector<1x2560x128xf32>
    %get3A_6 = vector.shape_cast %get3A_5 : vector<1x2560x128xf32> to vector<2560x128xf32>
    %get3A_7 = arith.constant 1 : index
    %get3A_8 = arith.constant 0 : index
    %get3A_9 = arith.constant 0 : index
    %get3A_10 = vector.load %arg1[%get3A_7, %get3A_8, %get3A_9] : memref<2x2560x128xf32, #tpu.memory_space<vmem>>, vector<1x2560x128xf32>
    %get3A_11 = vector.shape_cast %get3A_10 : vector<1x2560x128xf32> to vector<2560x128xf32>
    %add3A = arith.addf %get3A_6, %get3A_11 : vector<2560x128xf32>
    %mul3A = vector.broadcast %get3A_1 : vector<2560x1xf32> to vector<2560x128xf32>
    %mul3A_12 = arith.mulf %mul3A, %add3A : vector<2560x128xf32>
    %swap3A = arith.constant 0 : index
    %swap3A_13 = arith.constant 0 : index
    %swap3A_14 = vector.load %arg3[%swap3A, %swap3A_13] : memref<2560x128xf32, #tpu.memory_space<vmem>>, vector<2560x128xf32>
    tpu.vector_store %arg3[%swap3A, %swap3A_13], %mul3A_12 {strides = array<i32>} : memref<2560x128xf32, #tpu.memory_space<vmem>>, vector<2560x128xf32>,
    return
  }
  func.func @transform_0(%arg0: i32) -> (i32, i32, i32) {
    %c0_i32 = arith.constant 0 : i32
    %c0_i32_0 = arith.constant 0 : i32
    %c0_i32_1 = arith.constant 0 : i32
    return %c0_i32, %arg0, %c0_i32_0 : i32, i32, i32
  }
  func.func @transform_1(%arg0: i32) -> (i32, i32) {
    %c0_i32 = arith.constant 0 : i32
    %c0_i32_0 = arith.constant 0 : i32
    return %arg0, %c0_i32 : i32, i32
  }
  func.func @transform_2(%arg0: i32) -> (i32, i32) {
    %c0_i32 = arith.constant 0 : i32
    %c0_i32_0 = arith.constant 0 : i32
    return %arg0, %c0_i32 : i32, i32
  }
}

module attributes {stable_mosaic.version = 14 : i64} {
  func.func @_tcd_body(%arg0: i32, %arg1: memref<2x2560x128xf32, #tpu.memory_space<vmem>>, %arg2: memref<2560x1xf32, #tpu.memory_space<vmem>>, %arg3: memref<1x128xf32, #tpu.memory_space<vmem>>, %arg4: memref<1x128xf32, #tpu.memory_space<vmem>>, %arg5: memref<2560x128xf32, #tpu.memory_space<vmem>>) attributes {dimension_semantics = [#tpu.dimension_semantics<arbitrary>], iteration_bounds = array<i64: 4>, scalar_prefetch = 0 : i64, scratch_operands = 0 : i64, tpu.core_type = #tpu.core_type<tc>, window_params = [{transform_indices = @transform_0, window_bounds = array<i64: 2, 2560, 128>}, {transform_indices = @transform_1, window_bounds = array<i64: 2560, 1>}, {pipeline_mode = #tpu.pipeline_mode<synchronous>, transform_indices = @transform_2, window_bounds = array<i64: 1, 128>}, {pipeline_mode = #tpu.pipeline_mode<synchronous>, transform_indices = @transform_3, window_bounds = array<i64: 1, 128>}, {transform_indices = @transform_4, window_bounds = array<i64: 2560, 128>}]} {
    %get3A = arith.constant 0 : index
    %get3A_0 = arith.constant 0 : index
    %get3A_1 = vector.load %arg2[%get3A, %get3A_0] : memref<2560x1xf32, #tpu.memory_space<vmem>>, vector<2560x1xf32>
    %get3A_2 = arith.constant 0 : index
    %get3A_3 = arith.constant 0 : index
    %get3A_4 = arith.constant 0 : index
    %get3A_5 = vector.load %arg1[%get3A_2, %get3A_3, %get3A_4] : memref<2x2560x128xf32, #tpu.memory_space<vmem>>, vector<1x2560x128xf32>
    %get3A_6 = vector.shape_cast %get3A_5 : vector<1x2560x128xf32> to vector<2560x128xf32>
    %get3A_7 = arith.constant 1 : index
    %get3A_8 = arith.constant 0 : index
    %get3A_9 = arith.constant 0 : index
    %get3A_10 = vector.load %arg1[%get3A_7, %get3A_8, %get3A_9] : memref<2x2560x128xf32, #tpu.memory_space<vmem>>, vector<1x2560x128xf32>
    %get3A_11 = vector.shape_cast %get3A_10 : vector<1x2560x128xf32> to vector<2560x128xf32>
    %add3A = arith.addf %get3A_6, %get3A_11 : vector<2560x128xf32>
    %mul3A = vector.broadcast %get3A_1 : vector<2560x1xf32> to vector<2560x128xf32>
    %mul3A_12 = arith.mulf %mul3A, %add3A : vector<2560x128xf32>
    %reduce_sum3A = arith.constant dense<0.000000e+00> : vector<2560xf32>
    %reduce_sum3A_13 = vector.multi_reduction <add>, %mul3A_12, %reduce_sum3A [1] : vector<2560x128xf32> to vector<2560xf32>
    %broadcast_in_dim3A = vector.shape_cast %reduce_sum3A_13 : vector<2560xf32> to vector<2560x1xf32>
    %div3A = arith.constant 1.280000e+02 : f32
    %div3A_14 = vector.broadcast %div3A : f32 to vector<2560x1xf32>
    %div3A_15 = arith.divf %broadcast_in_dim3A, %div3A_14 : vector<2560x1xf32>
    %sub3A = vector.broadcast %div3A_15 : vector<2560x1xf32> to vector<2560x128xf32>
    %sub3A_16 = arith.subf %mul3A_12, %sub3A : vector<2560x128xf32>
    %mul3A_17 = arith.mulf %sub3A_16, %sub3A_16 : vector<2560x128xf32>
    %reduce_sum3A_18 = arith.constant dense<0.000000e+00> : vector<2560xf32>
    %reduce_sum3A_19 = vector.multi_reduction <add>, %mul3A_17, %reduce_sum3A_18 [1] : vector<2560x128xf32> to vector<2560xf32>
    %broadcast_in_dim3A_20 = vector.shape_cast %reduce_sum3A_19 : vector<2560xf32> to vector<2560x1xf32>
    %div3A_21 = arith.constant 1.280000e+02 : f32
    %div3A_22 = vector.broadcast %div3A_21 : f32 to vector<2560x1xf32>
    %div3A_23 = arith.divf %broadcast_in_dim3A_20, %div3A_22 : vector<2560x1xf32>
    %add3A_24 = arith.constant 9.99999974E-6 : f32
    %add3A_25 = vector.broadcast %add3A_24 : f32 to vector<2560x1xf32>
    %add3A_26 = arith.addf %div3A_23, %add3A_25 : vector<2560x1xf32>
    %rsqrt3A = math.rsqrt %add3A_26 : vector<2560x1xf32>
    %mul3A_27 = vector.broadcast %rsqrt3A : vector<2560x1xf32> to vector<2560x128xf32>
    %mul3A_28 = arith.mulf %sub3A_16, %mul3A_27 : vector<2560x128xf32>
    %get3A_29 = arith.constant 0 : index
    %get3A_30 = arith.constant 0 : index
    %get3A_31 = vector.load %arg3[%get3A_29, %get3A_30] : memref<1x128xf32, #tpu.memory_space<vmem>>, vector<1x128xf32>
    %mul3A_32 = vector.broadcast %get3A_31 : vector<1x128xf32> to vector<2560x128xf32>
    %mul3A_33 = arith.mulf %mul3A_28, %mul3A_32 : vector<2560x128xf32>
    %get3A_34 = arith.constant 0 : index
    %get3A_35 = arith.constant 0 : index
    %get3A_36 = vector.load %arg4[%get3A_34, %get3A_35] : memref<1x128xf32, #tpu.memory_space<vmem>>, vector<1x128xf32>
    %add3A_37 = vector.broadcast %get3A_36 : vector<1x128xf32> to vector<2560x128xf32>
    %add3A_38 = arith.addf %mul3A_33, %add3A_37 : vector<2560x128xf32>
    %swap3A = arith.constant 0 : index
    %swap3A_39 = arith.constant 0 : index
    %swap3A_40 = vector.load %arg5[%swap3A, %swap3A_39] : memref<2560x128xf32, #tpu.memory_space<vmem>>, vector<2560x128xf32>
    tpu.vector_store %arg5[%swap3A, %swap3A_39], %add3A_38 {strides = array<i32>} : memref<2560x128xf32, #tpu.memory_space<vmem>>, vector<2560x128xf32>,
    return
  }
  func.func @transform_0(%arg0: i32) -> (i32, i32, i32) {
    %c0_i32 = arith.constant 0 : i32
    %c0_i32_0 = arith.constant 0 : i32
    %c0_i32_1 = arith.constant 0 : i32
    return %c0_i32, %arg0, %c0_i32_0 : i32, i32, i32
  }
  func.func @transform_1(%arg0: i32) -> (i32, i32) {
    %c0_i32 = arith.constant 0 : i32
    %c0_i32_0 = arith.constant 0 : i32
    return %arg0, %c0_i32 : i32, i32
  }
  func.func @transform_2(%arg0: i32) -> (i32, i32) {
    %c0_i32 = arith.constant 0 : i32
    %c0_i32_0 = arith.constant 0 : i32
    %c0_i32_1 = arith.constant 0 : i32
    return %c0_i32, %c0_i32_0 : i32, i32
  }
  func.func @transform_3(%arg0: i32) -> (i32, i32) {
    %c0_i32 = arith.constant 0 : i32
    %c0_i32_0 = arith.constant 0 : i32
    %c0_i32_1 = arith.constant 0 : i32
    return %c0_i32, %c0_i32_0 : i32, i32
  }
  func.func @transform_4(%arg0: i32) -> (i32, i32) {
    %c0_i32 = arith.constant 0 : i32
    %c0_i32_0 = arith.constant 0 : i32
    return %arg0, %c0_i32 : i32, i32
  }
}

</mosaic_0001>

<sc_bundles>
// kernel: kernel.11.cloned.1.call-start
scs
__scs_entry_jumppad:
0x0: {  	(pc) =	sbr.rel $0x88, $3  }
0x1: {  	(tag) =	ssettag $0x0;
	lr =	simm.s32 $0x1  }
0x2: {  	[smem:$0x3F98] =	sst lr;
	_ =	strace $0xD0000000  }
0x3: {  	_ = 	snop  }
0x4: {  	_ = 	snop  }
0x5: {  	_ = 	snop  }
0x6: {  	_ = 	snop  }
0x7: {  	_ = 	snop  }
__scs_overlays_trampoline_lowered:
0x8: {  	[smem:$0x3FA7] =	sst s0  }
0x9: {  	[smem:$0x3FA8] =	sst s1  }
0xa: {  	[smem:$0x3FA9] =	sst s2  }
0xb: {  	[smem:$0x3FAA] =	sst s3  }
0xc: {  	[smem:$0x3FAB] =	sst s4  }
0xd: {  	[smem:$0x3FAC] =	sst s5  }
0xe: {  	[smem:$0x3FAD] =	sst s6  }
0xf: {  	[smem:$0x3FAE] =	sst s7  }
0x10: {  	[smem:$0x3FAF] =	sst s8  }
0x11: {  	[smem:$0x3FB0] =	sst s9;
	s0 =	simm.s32 @!p0 $0x0  }
0x12: {  	s1 =	sld [smem:$0x3F96];
	s0 =	simm.s32 @p0 $0x1  }
0x13: {  	[smem:$0x3FB1] =	sst s0;
	s0 =	simm.s32 @!p1 $0x0  }
0x14: {  	s2 =	sld [smem:$0x3F95];
	s0 =	simm.s32 @p1 $0x1  }
0x15: {  	[smem:$0x3FB2] =	sst s0;
	s0 =	simm.s32 @!p2 $0x0  }
0x16: {  	s3 =	sld [smem:$0x3FDB];
	s0 =	simm.s32 @p2 $0x1  }
0x17: {  	s4 =	simm.s32 $0x1BF5;
	[smem:$0x3FB4] =	sst s0  }
0x18: {  	s0 =	sld [smem:$0x3F97];
	_ =	swait.ge [sflag:s4], $0x0  }
0x19: {  	s7 =	sld [smem:$0x3F98]  }
0x1a: {  	s8 =	sadd.s32 $0xFFFFE003, lr  }
0x1b: {  	s9 =	sadd.s32 $0xFFFFFEF7, lr;
	s5 =	simm.s32 $0xFFFFFFFF;
	p2 =	slt.u32 s8, $0xFFFFF086  }
0x1c: {  	p1 =	slt.u32 s9, $0xF7A;
	s5 =	simm.s32 @!p2 $0x0  }
0x1d: {  	s5 =	simm.s32 @p1 $0x1;
	p0 =	seq.s32 s7, s2  }
0x1e: {  	s7 =	smul.u32 @!p0 $0xF7A, s2;
	p2 =	seq.s32 @!p0 s5, $0x0  }
0x1f: {  	s9 =	smul.u32 $0xF7A, s1;
	s8 =	simm.s32 @!p0 $0x1BF5;
	p2 =	por !p2, p0  }
0x20: {  	[sflag:s8] =	ssyncset.s32 @!p0 $0xFFFFF086;
	s6 =	sadd.s32 @!p0 s3, s7;
	s7 =	simm.s32 @!p0 $0x108  }
0x21: {  	s3 =	sadd.s32 s3, s9;
	s6 =	sadd.s32 @!p0 $0x88, s6;
	s7 =	simm.s32 @p2 $0x1082  }
0x22: {  	[simem:s7], [sflag:s8] =	dma.local @!p0 [hbm:s6], $0xF7A  }
0x23: {  	s9 =	sor.u32 $0xD0000000, s2;
	s6 =	simm.s32 $0x108;
	_ =	swait.ge @!p0 [sflag:s8], $0x0  }
0x24: {  	s3 =	sadd.s32 $0x88, s3;
	s6 =	simm.s32 @!p1 $0x1082;
	[sflag:s4] =	ssyncset.s32 $0xFFFFF086  }
0x25: {  	[simem:s6], [sflag:s4] =	dma.local [hbm:s3], $0xF7A  }
0x26: {  	[smem:$0x3F98] =	sst s1;
	(tag) =	ssettag s2;
	_ =	strace s9  }
0x27: {  	s1 =	sld [smem:$0x3FA8]  }
0x28: {  	s2 =	sld [smem:$0x3FA9]  }
0x29: {  	s4 =	sld [smem:$0x3FAB]  }
0x2a: {  	p0 =	seq.s32 s5, $0x0;
	s5 =	sld [smem:$0x3FAC]  }
0x2b: {  	s6 =	sld [smem:$0x3FAD]  }
0x2c: {  	s7 =	sld [smem:$0x3FAE]  }
0x2d: {  	s3 =	simm.s32 $0x108;
	s8 =	sld [smem:$0x3FAF]  }
0x2e: {  	s3 =	simm.s32 @!p0 $0x1082;
	s9 =	sld [smem:$0x3FB0]  }
0x2f: {  	lr =	sadd.s32 s0, s3;
	s0 =	sld [smem:$0x3FA7]  }
0x30: {  	s3 =	sld [smem:$0x3FAA]  }
0x31: {  	[smem:$0x3FB3] =	sst s10  }
0x32: {  	s10 =	sld [smem:$0x3FB1];
	_ =	sdelay $0x3  }
0x33: {  	p0 =	seq.s32 s10, $0x1;
	s10 =	sld [smem:$0x3FB3];
	_ =	sdelay $0x3  }
0x34: {  	[smem:$0x3FB3] =	sst s10  }
0x35: {  	s10 =	sld [smem:$0x3FB2];
	_ =	sdelay $0x3  }
0x36: {  	p1 =	seq.s32 s10, $0x1;
	s10 =	sld [smem:$0x3FB3];
	_ =	sdelay $0x3  }
0x37: {  	[smem:$0x3FB3] =	sst s10  }
0x38: {  	s10 =	sld [smem:$0x3FB4]  }
0x39: {  	_ = 	snop;
	(pc) =	sbr.ind lr, $3  }
0x3a: {  	_ = 	snop  }
0x3b: {  	_ = 	snop  }
0x3c: {  	p2 =	seq.s32 s10, $0x1;
	s10 =	sld [smem:$0x3FB3]  }
0x3d: {  	_ =	shalt  }
0x3e: {  	_ =	shalt  }
0x3f: {  	_ =	shalt  }
0x40: {  	_ =	shalt  }
0x41: {  	_ =	shalt  }
0x42: {  	_ =	shalt  }
0x43: {  	_ =	shalt  }
0x44: {  	_ =	shalt  }
0x45: {  	_ =	shalt  }
0x46: {  	_ =	shalt  }
0x47: {  	_ =	shalt  }
0x48: {  	_ =	shalt  }
0x49: {  	_ =	shalt  }
0x4a: {  	_ =	shalt  }
0x4b: {  	_ =	shalt  }
0x4c: {  	_ =	shalt  }
0x4d: {  	_ =	shalt  }
0x4e: {  	_ =	shalt  }
0x4f: {  	_ =	shalt  }
0x50: {  	_ =	shalt  }
0x51: {  	_ =	shalt  }
0x52: {  	_ =	shalt  }
0x53: {  	_ =	shalt  }
0x54: {  	_ =	shalt  }
0x55: {  	_ =	shalt  }
0x56: {  	_ =	shalt  }
0x57: {  	_ =	shalt  }
0x58: {  	_ =	shalt  }
0x59: {  	_ =	shalt  }
0x5a: {  	_ =	shalt  }
0x5b: {  	_ =	shalt  }
0x5c: {  	_ =	shalt  }
0x5d: {  	_ =	shalt  }
0x5e: {  	_ =	shalt  }
0x5f: {  	_ =	shalt  }
0x60: {  	_ =	shalt  }
0x61: {  	_ =	shalt  }
0x62: {  	_ =	shalt  }
0x63: {  	_ =	shalt  }
0x64: {  	_ =	shalt  }
0x65: {  	_ =	shalt  }
0x66: {  	_ =	shalt  }
0x67: {  	_ =	shalt  }
0x68: {  	_ =	shalt  }
0x69: {  	_ =	shalt  }
0x6a: {  	_ =	shalt  }
0x6b: {  	_ =	shalt  }
0x6c: {  	_ =	shalt  }
0x6d: {  	_ =	shalt  }
0x6e: {  	_ =	shalt  }
0x6f: {  	_ =	shalt  }
0x70: {  	_ =	shalt  }
0x71: {  	_ =	shalt  }
0x72: {  	_ =	shalt  }
0x73: {  	_ =	shalt  }
0x74: {  	_ =	shalt  }
0x75: {  	_ =	shalt  }
0x76: {  	_ =	shalt  }
0x77: {  	_ =	shalt  }
0x78: {  	_ =	shalt  }
0x79: {  	_ =	shalt  }
0x7a: {  	_ =	shalt  }
0x7b: {  	_ =	shalt  }
0x7c: {  	_ =	shalt  }
0x7d: {  	_ =	shalt  }
0x7e: {  	_ =	shalt  }
0x7f: {  	_ =	shalt  }
0x80: {  	_ =	shalt  }
0x81: {  	_ =	shalt  }
0x82: {  	_ =	shalt  }
0x83: {  	_ =	shalt  }
0x84: {  	_ =	shalt  }
0x85: {  	_ =	shalt  }
0x86: {  	_ =	shalt  }
0x87: {  	_ =	shalt  }
.Lfunc_end0:
.L_simem_size_0:
called_computation_lowered:
.L_overlay_start_0:
0x88: {  	s2 =	sld [smem:$0x3FD9]  }
0x89: {  	s3 =	sld [smem:$0x3FFE];
	_ =	sdelay $0x1  }
0x8a: {  	s1 =	srdreg.scid  }
0x8b: {  	s0 =	sand.u32 $0x1, s1  }
0x8c: {  	s17 =	sshll.u32 s0, $0xA;
	s2 =	sadd.s32 s3, s2  }
0x8d: {  	s2 =	sadd.s32 s2, s17  }
0x8e: {  	[smem:$0x3FBF] =	sst s2  }
0x8f: {  	_ = 	snop  }
0x90: {  	s18 =	sld [smem:$0x3FD0];
	(tm) =	ssettm $0x1  }
0x91: {  	s19 =	sld [smem:$0x3FFB];
	_ =	sdelay $0x3  }
0x92: {  	_ =	strace s19  }
0x93: {  	s2 =	sld [smem:$0x3FFC];
	_ =	sdelay $0x3  }
0x94: {  	_ =	strace s2  }
0x95: {  	s2 =	sld [smem:$0x3FFD];
	_ =	sdelay $0x3  }
0x96: {  	_ =	strace s2  }
0x97: {  	_ =	strace $0x8FFFFFFF  }
0x98: {  	s20 =	sld [smem:$0x3FDB];
	_ =	sdelay $0x1  }
0x99: {  	s4 =	simm.s32 $_scs_section_size  }
0x9a: {  	s5 =	simm.s32 $_size__tile_overlayer_lowered;
	s6 =	simm.s32 $_tile_overlayer_lowered  }
0x9b: {  	s7 =	simm.s32 $0x1BFF;
	s21 =	sshll.u32 s6, $0x1;
	s4 =	sadd.s32 s4, s20  }
0x9c: {  	s22 =	simm.s32 $0x0;
	s5 =	sshll.u32 s5, $0x1;
	s6 =	sadd.s32 s21, s4  }
0x9d: {  	[timem:s22], [sflag:s7] =	dma.local [hbm:s6], s5  }
0x9e: {  	_ =	swait.ge [sflag:s7], s5  }
0x9f: {  	s5 =	ssub.s32 $0x0, s5;
	[sflag:s7] =	ssyncset.done $0x0  }
0xa0: {  	[sflag:s7] =	ssyncadd.s32 s5;
	_ =	sdelay $0x1  }
0xa1: {  	s23 =	simm.s32 $0x1B8B  }
0xa2: {  	_ =	swait.ge [sflag:s23], $0x1  }
0xa3: {  	[sflag:s23] =	ssyncset.done $0x0  }
0xa4: {  	[sflag:s23] =	ssyncadd.s32 $0xFFFFFFFF  }
0xa5: {  	s5 =	sld [smem:$0x0]  }
0xa6: {  	s6 =	sand.u32 $0xFFFFFFFE, s1  }
0xa7: {  	p0 =	sne.s32 s1, s6  }
0xa8: {  	s6 =	sshll.u32 @p0 s6, $0xE  }
0xa9: {  	s6 =	sadd.s32 @p0 $0x11B8D, s6;
	s7 =	sshll.u32 @p0 s5, $0x11  }
0xaa: {  	s6 =	sor.u32 @p0 s7, s6  }
0xab: {  	[sflag:s6] =	ssyncadd.remote.s32 @p0 $0x1;
	_ =	sdelay $0x1  }
0xac: {  	s6 =	simm.s32 @p0 $0x1B8D  }
0xad: {  	_ =	swait.eq @p0 [sflag:s6], $0x1  }
0xae: {  	[sflag:s6] =	ssyncadd.s32 @p0 $0xFFFFFFFF  }
0xaf: {  	s7 =	sshll.u32 @!p0 s1, $0xE  }
0xb0: {  	s7 =	sor.u32 @!p0 $0x4000, s7;
	s6 =	simm.s32 @!p0 $0x1B8D  }
0xb1: {  	s5 =	sshll.u32 @!p0 s5, $0x11;
	s7 =	sadd.s32 @!p0 $0x11B8D, s7;
	_ =	swait.eq @!p0 [sflag:s6], $0x1  }
0xb2: {  	s5 =	sor.u32 @!p0 s5, s7;
	[sflag:s6] =	ssyncadd.s32 @!p0 $0xFFFFFFFF  }
0xb3: {  	s25 =	simm.s32 $0x1B8E;
	s24 =	sld [smem:$0x3FFE];
	[sflag:s5] =	ssyncadd.remote.s32 @!p0 $0x1  }
0xb4: {  	s26 =	simm.s32 $execute0_lowered;
	[smem:$0x3FD2] =	sst s25  }
0xb5: {  	s6 =	sshll.u32 s26, $0x1;
	_ =	strace $0x80000049;
	[dreg:$0x1] =	wrdreg $0xFFFFFFFF  }
0xb6: {  	s28 =	simm.s32 $_size_execute0_lowered;
	s4 =	sadd.s32 s4, s6;
	[dreg:$0x0] =	wrdreg $0x0  }
0xb7: {  	s6 =	sshll.u32 s28, $0x1;
	[dreg:$0x2] =	wrdreg s4  }
0xb8: {  	[dreg:$0x3] =	wrdreg s6  }
0xb9: {  	[dreg:$0x4] =	wrdreg $0xC0  }
0xba: {  	_ =	task [dreg:s22], $0x5FFFF  }
0xbb: {  	[dreg:$0x1] =	wrdreg $0xFFFFFFFF  }
0xbc: {  	[dreg:$0x0] =	wrdreg $0x60  }
0xbd: {  	[dreg:$0x2] =	wrdreg s24  }
0xbe: {  	[dreg:$0x3] =	wrdreg s18  }
0xbf: {  	[dreg:$0x4] =	wrdreg $0xA8000  }
0xc0: {  	[dreg:$0x5] =	wrdreg $0x9  }
0xc1: {  	_ =	task.clear_ibuf [dreg:s22], $0x6FFFF;
	_ =	strace $0x90000049  }
0xc2: {  	s29 =	simm.s32 $0x9;
	_ =	strace $0x8000004B  }
0xc3: {  	_ =	swait.ge [sflag:s29], $0x1  }
0xc4: {  	[sflag:s29] =	ssyncadd.s32 $0xFFFFFFFF  }
0xc5: {  	_ =	strace $0x9000004B  }
0xc6: {  	_ =	sfence  }
0xc7: {  	s30 =	sld [smem:$0x0];
	_ =	sdelay $0x2  }
0xc8: {  	s31 =	sshll.u32 s1, $0xD;
	s1 =	sshrl.u32 s1, $0x2  }
0xc9: {  	s4 =	sand.u32 $0x4000, s31;
	s1 =	sadd.s32 s1, s30  }
0xca: {  	s0 =	sor.u32 s4, s0;
	s1 =	sshll.u32 s1, $0x11  }
0xcb: {  	s0 =	sor.u32 s1, s0  }
0xcc: {  	s0 =	sadd.s32 $0x8F2B, s0  }
0xcd: {  	[sflag:s0] =	ssyncadd.remote.s32 $0x1  }
0xce: {  	_ =	sfence.sel $0xFFFF  }
0xcf: {  	[dreg:$0x0] =	wrdreg $0xFFFFFFFF;
	(pc) =	sbr.abs _section_cstart, $3  }
0xd0: {  	[dreg:$0x1] =	wrdreg $0xFFFFFFFF  }
0xd1: {  	_ =	task.clear_ibuf [dreg:s22], $0x2FFFF;
	_ =	strace $0x9FFFFFFF  }
0xd2: {  	(tm) =	ssettm $0x7FFFFFFF  }
0xd3: {  	_ =	shalt  }
tec
execute0_lowered:
.L_overlay_start_1:
0x0: {  	(tag) =	ssettag $0x1  }
0x1: {  	s5 =	rddreg [dreg:$0x0]  }
0x2: {  	s13 =	rddreg [dreg:$0x1]  }
0x3: {  	s1 =	rddreg [dreg:$0x2]  }
0x4: {  	s0 =	rddreg [dreg:$0x3];
	s2 =	simm.s32 $0x0;
	s6 =	srdreg.scid  }
0x5: {  	s3 =	stileid.u32;
	s23 =	simm.s32 $0x1;
	s24 =	simm.s32 $0x0  }
0x6: {  	[smem:$0x7FF] =	sst s2;
	s4 =	sadd.s32 $0x2CE00, s5;
	s12 =	sadd.s32 $0x4800, s5  }
0x7: {  	s10 =	sand.u32 $0x1, s6;
	s18 =	sadd.s32 $0x54E00, s5;
	s30 =	smul.u32 $0x50000, s3  }
0x8: {  	s8 =	sshll.u32 s3, $0x1;
	s14 =	smul.u32 $0x14000, s3;
	_ =	strace $0x8000004A  }
0x9: {  	s29 =	ssub.s32 $0x2, s10;
	s8 =	sor.u32 s10, s8;
	s22 =	smul.u32 $0x140000, s10  }
0xa: {  	s7 =	sshrl.u32 s29, $0x1;
	s31 =	sshrl.u32 s30, $0x2;
	s15 =	sadd.s32 $0x4000, s14  }
0xb: {  	s16 =	sadd.s32 $0x8000, s14;
	s11 =	smul.u32 $0x500, s8;
	s17 =	sadd.s32 $0xC000, s14  }
0xc: {  	s20 =	sadd.s32 $0x10000, s14;
	s21 =	smul.u32 $0x2800, s8;
	s19 =	ssub.s32 s29, s7  }
0xd: {  	s5 =	sadd.s32 s31, s1;
	s6 =	sadd.s32 s15, s1;
	s7 =	sadd.s32 s16, s1  }
0xe: {  	s8 =	sadd.s32 s17, s1;
	s9 =	sadd.s32 s20, s1;
	s14 =	sadd.s32 s14, s22  }
0xf: {  	s15 =	sadd.s32 s22, s15;
	s16 =	sadd.s32 s22, s16;
	s17 =	sadd.s32 s22, s17  }
0x10: {  	s20 =	sadd.s32 s22, s20;
	s22 =	simm.s32 $0x80;
	s10 =	sadd.s32 s12, s11  }
0x11: {  	s11 =	sadd.s32 s13, s11;
	s21 =	sshrl.u32 s21, $0x3;
	s14 =	sshrl.u32 s14, $0x3  }
0x12: {  	s15 =	sshrl.u32 s15, $0x3;
	s16 =	sshrl.u32 s16, $0x3;
	s17 =	sshrl.u32 s17, $0x3  }
0x13: {  	s20 =	sshrl.u32 s20, $0x3;
	s19 =	smax.u32 s19, $0x1;
	s21 =	sadd.s32 $0x280, s21  }
0x14: {  	s14 =	sadd.s32 s18, s14;
	s15 =	sadd.s32 s18, s15;
	s16 =	sadd.s32 s18, s16  }
0x15: {  	s17 =	sadd.s32 s18, s17;
	s18 =	sadd.s32 s18, s20;
	s20 =	simm.s32 $0x2800  }
0x16: {  	v0 =	vimm.f32 $0.0e+00;
	s12 =	sadd.s32 s12, s21;
	s13 =	sadd.s32 s13, s21;
	s21 =	simm.s32 $0x2  }
.LBB2_1:
0x17: {  	s25 =	simm.s32 $0x0;
	s26 =	simm.s32 $0x200  }
.LBB2_2:
0x18: {  	p0 =	sne.s32 s26, $0xFE00;
	[tilespmem:s25+$0x2870] =	vst v0  }
0x19: {  	[tilespmem:s25+$0x2800] =	vst v0  }
0x1a: {  	[tilespmem:s25+$0x2810] =	vst v0  }
.Ltmp0:
0x1b: {  	[tilespmem:s25+$0x2820] =	vst v0;
	(pc) =	sbr.rel @p0 .LBB2_2-.Ltmp0, $4  }
0x1c: {  	[tilespmem:s25+$0x2830] =	vst v0  }
0x1d: {  	[tilespmem:s25+$0x2840] =	vst v0  }
0x1e: {  	[tilespmem:s25+$0x2850] =	vst v0  }
0x1f: {  	[tilespmem:s25+$0x2860] =	vst v0;
	s25 =	sshra.s32 s26, $0x2;
	s26 =	sadd.s32 $0x200, s26  }
0x20: {  	[tilespmem:s25+$0x2870] =	vst v0  }
0x21: {  	[tilespmem:s25+$0x2800] =	vst v0  }
0x22: {  	[tilespmem:s25+$0x2810] =	vst v0  }
0x23: {  	[tilespmem:s25+$0x2820] =	vst v0  }
0x24: {  	[tilespmem:s25+$0x2830] =	vst v0  }
0x25: {  	[tilespmem:s25+$0x2840] =	vst v0  }
0x26: {  	[tilespmem:s25+$0x2850] =	vst v0  }
0x27: {  	[tilespmem:s25+$0x2860] =	vst v0  }
0x28: {  	[spmem:s5] =	stream.linear.scatter [tilespmem:s20], [sflag:$0x1], $0x4000, $0x38;
	[tilespmem:$0x1E800] =	vst v63  }
0x29: {  	_ = 	snop  }
0x2a: {  	[spmem:s6] =	stream.linear.scatter [tilespmem:s20], [sflag:$0x1], $0x4000, $0x38;
	[tilespmem:$0x1E800] =	vst v63  }
0x2b: {  	_ = 	snop  }
0x2c: {  	[spmem:s7] =	stream.linear.scatter [tilespmem:s20], [sflag:$0x1], $0x4000, $0x38;
	[tilespmem:$0x1E800] =	vst v63  }
0x2d: {  	_ = 	snop  }
0x2e: {  	[spmem:s8] =	stream.linear.scatter [tilespmem:s20], [sflag:$0x1], $0x4000, $0x38;
	[tilespmem:$0x1E800] =	vst v63  }
0x2f: {  	s30 =	simm.s32 $0x1  }
0x30: {  	[spmem:s9] =	stream.linear.scatter [tilespmem:s20], [sflag:$0x1], $0x4000, $0x38;
	[tilespmem:$0x1E800] =	vst v63  }
0x31: {  	_ =	swait.ge [sflag:s30], $0x4000  }
0x32: {  	[sflag:s30] =	ssyncset.done $0x0  }
0x33: {  	[sflag:s30] =	ssyncadd.s32 $0xFFFFC000  }
0x34: {  	_ =	swait.ge [sflag:s30], $0x4000  }
0x35: {  	[sflag:s30] =	ssyncset.done $0x0  }
0x36: {  	[sflag:s30] =	ssyncadd.s32 $0xFFFFC000  }
0x37: {  	_ =	swait.ge [sflag:s30], $0x4000  }
0x38: {  	[sflag:s30] =	ssyncset.done $0x0  }
0x39: {  	[sflag:s30] =	ssyncadd.s32 $0xFFFFC000  }
0x3a: {  	_ =	swait.ge [sflag:s30], $0x4000  }
0x3b: {  	[sflag:s30] =	ssyncset.done $0x0  }
0x3c: {  	[sflag:s30] =	ssyncadd.s32 $0xFFFFC000  }
0x3d: {  	_ =	swait.ge [sflag:s30], $0x4000  }
0x3e: {  	[sflag:s30] =	ssyncset.done $0x0  }
0x3f: {  	[sflag:s30] =	ssyncadd.s32 $0xFFFFC000  }
0x40: {  	[bflag:$0x0] =	sbarrier.arrive $0xFFFF  }
0x41: {  	[tilespmem:s2], [sflag:$0x2] =	stream.linear.gather [hbm4b:s10+s2], $0x1400, $0x38;
	[tilespmem:$0x1E800] =	vst v63  }
0x42: {  	_ =	swait.ge [sflag:s21], $0x1400  }
0x43: {  	[sflag:s21] =	ssyncset.done $0x0  }
0x44: {  	s28 =	simm.s32 $0x1400;
	[sflag:s21] =	ssyncadd.s32 $0xFFFFEC00  }
0x45: {  	[tilespmem:s28], [sflag:$0x2] =	stream.linear.gather [hbm4b:s11+s2], $0x1400, $0x38;
	[tilespmem:$0x1E800] =	vst v63  }
0x46: {  	s26 =	simm.s32 $0x0;
	_ =	swait.ge [sflag:s21], $0x1400  }
0x47: {  	s26 =	sand.u32 $0x1, s26;
	[sflag:s21] =	ssyncset.done $0x0  }
0x48: {  	s25 =	smin.u32 s30, $0x27;
	s29 =	sshll.u32 s26, $0xE;
	[sflag:s21] =	ssyncadd.s32 $0xFFFFEC00  }
0x49: {  	[tilespmem:s20], [sflag:$0x1] =	stream.indirect.gather [hbm4b:s4+s22], $0x80, s2, s22, $0xb8;
	[tilespmem:$0x1E800] =	vst v63  }
0x4a: {  	s25 =	sshll.u32 s25, $0x7;
	s26 =	sxor.u32 $0x6800, s29  }
0x4b: {  	[tilespmem:s26], [sflag:$0x1] =	stream.indirect.gather [hbm4b:s4+s22], $0x80, s25, s22, $0xb8;
	[tilespmem:$0x1E800] =	vst v63  }
0x4c: {  	_ =	swait.ge [sflag:s23], $0x4000  }
0x4d: {  	s31 =	simm.s32 $0x1;
	s29 =	sor.u32 $0x2800, s29;
	[sflag:s23] =	ssyncset.done $0x0  }
0x4e: {  	s30 =	simm.s32 $0x2;
	s26 =	simm.s32 $0x3;
	[sflag:s23] =	ssyncadd.s32 $0xFFFFC000  }
0x4f: {  	[spmem:s1] =	stream.indirect.scatter.add.f32 [tilespmem:s29], [sflag:$0x2], $0x80, s28, s22, $0xb8;
	[tilespmem:$0x1E800] =	vst v63  }
0x50: {  	s25 =	simm.s32 $0x1480;
	s28 =	sand.u32 $0x1, s31;
	_ =	swait.ge [sflag:s21], $0x4000  }
0x51: {  	s29 =	smin.u32 s30, $0x27;
	s28 =	sshll.u32 s28, $0xE;
	[sflag:s21] =	ssyncset.done $0x0  }
.LBB2_4:
0x52: {  	s30 =	sxor.u32 $0x6800, s28  }
0x53: {  	s29 =	sshll.u32 s29, $0x7;
	[sflag:s21] =	ssyncadd.s32 $0xFFFFC000;
	s31 =	smov.u32 s26  }
0x54: {  	[tilespmem:s30], [sflag:$0x1] =	stream.indirect.gather [hbm4b:s4+s22], $0x80, s29, s22, $0xb8;
	[tilespmem:$0x1E800] =	vst v63  }
0x55: {  	p0 =	sne.s32 s26, $0x28;
	s26 =	sadd.s32 $0x1, s26;
	_ =	swait.ge [sflag:s23], $0x4000  }
.Ltmp1:
0x56: {  	[sflag:s23] =	ssyncset.done $0x0;
	(pc) =	sbr.rel @p0 .LBB2_4-.Ltmp1, $4  }
0x57: {  	s28 =	sor.u32 $0x2800, s28;
	s29 =	sadd.s32 $0xFFFFFFFF, s31;
	[sflag:s23] =	ssyncadd.s32 $0xFFFFC000  }
0x58: {  	[spmem:s1] =	stream.indirect.scatter.add.f32 [tilespmem:s28], [sflag:$0x2], $0x80, s25, s22, $0xb8;
	[tilespmem:$0x1E800] =	vst v63  }
0x59: {  	s28 =	sand.u32 $0x1, s29;
	s25 =	sadd.s32 $0x80, s25;
	_ =	swait.ge [sflag:s21], $0x4000  }
0x5a: {  	s29 =	smin.u32 s31, $0x27;
	s28 =	sshll.u32 s28, $0xE;
	[sflag:s21] =	ssyncset.done $0x0  }
0x5b: {  	s26 =	sxor.u32 $0x6800, s28;
	s29 =	sshll.u32 s29, $0x7;
	[sflag:s21] =	ssyncadd.s32 $0xFFFFC000  }
0x5c: {  	[tilespmem:s26], [sflag:$0x1] =	stream.indirect.gather [hbm4b:s4+s22], $0x80, s29, s22, $0xb8;
	[tilespmem:$0x1E800] =	vst v63  }
0x5d: {  	_ =	swait.ge [sflag:s23], $0x4000  }
0x5e: {  	[sflag:s23] =	ssyncset.done $0x0  }
0x5f: {  	s30 =	sor.u32 $0x2800, s28;
	[sflag:s23] =	ssyncadd.s32 $0xFFFFC000  }
0x60: {  	[spmem:s1] =	stream.indirect.scatter.add.f32 [tilespmem:s30], [sflag:$0x2], $0x80, s25, s22, $0xb8;
	[tilespmem:$0x1E800] =	vst v63  }
0x61: {  	_ =	swait.ge [sflag:s21], $0x4000  }
0x62: {  	[sflag:s21] =	ssyncset.done $0x0  }
0x63: {  	s31 =	simm.s32 $0x1;
	[sflag:s21] =	ssyncadd.s32 $0xFFFFC000  }
0x64: {  	_ =	swait.ge [sflag:s31], $0x4000  }
0x65: {  	[sflag:s31] =	ssyncset.done $0x0  }
0x66: {  	[sflag:s31] =	ssyncadd.s32 $0xFFFFC000  }
0x67: {  	[tilespmem:s2], [sflag:$0x2] =	stream.linear.gather [hbm4b:s12+s2], $0x1400, $0x38;
	[tilespmem:$0x1E800] =	vst v63  }
0x68: {  	_ =	swait.ge [sflag:s21], $0x1400  }
0x69: {  	[sflag:s21] =	ssyncset.done $0x0  }
0x6a: {  	s28 =	simm.s32 $0x1400;
	[sflag:s21] =	ssyncadd.s32 $0xFFFFEC00  }
0x6b: {  	[tilespmem:s28], [sflag:$0x2] =	stream.linear.gather [hbm4b:s13+s2], $0x1400, $0x38;
	[tilespmem:$0x1E800] =	vst v63  }
0x6c: {  	s30 =	simm.s32 $0x0;
	_ =	swait.ge [sflag:s21], $0x1400  }
0x6d: {  	s26 =	sand.u32 $0x1, s30;
	[sflag:s21] =	ssyncset.done $0x0  }
0x6e: {  	s25 =	smin.u32 s31, $0x27;
	s29 =	sshll.u32 s26, $0xE;
	[sflag:s21] =	ssyncadd.s32 $0xFFFFEC00  }
0x6f: {  	[tilespmem:s20], [sflag:$0x1] =	stream.indirect.gather [hbm4b:s4+s22], $0x80, s2, s22, $0xb8;
	[tilespmem:$0x1E800] =	vst v63  }
0x70: {  	s25 =	sshll.u32 s25, $0x7;
	s26 =	sxor.u32 $0x6800, s29  }
0x71: {  	[tilespmem:s26], [sflag:$0x1] =	stream.indirect.gather [hbm4b:s4+s22], $0x80, s25, s22, $0xb8;
	[tilespmem:$0x1E800] =	vst v63  }
0x72: {  	_ =	swait.ge [sflag:s23], $0x4000  }
0x73: {  	s30 =	simm.s32 $0x2;
	s29 =	sor.u32 $0x2800, s29;
	[sflag:s23] =	ssyncset.done $0x0  }
0x74: {  	s31 =	simm.s32 $0x1;
	s26 =	simm.s32 $0x3;
	[sflag:s23] =	ssyncadd.s32 $0xFFFFC000  }
0x75: {  	[spmem:s1] =	stream.indirect.scatter.add.f32 [tilespmem:s29], [sflag:$0x2], $0x80, s28, s22, $0xb8;
	[tilespmem:$0x1E800] =	vst v63  }
0x76: {  	s25 =	simm.s32 $0x1480;
	s28 =	sand.u32 $0x1, s31;
	_ =	swait.ge [sflag:s21], $0x4000  }
0x77: {  	s29 =	smin.u32 s30, $0x27;
	s28 =	sshll.u32 s28, $0xE;
	[sflag:s21] =	ssyncset.done $0x0  }
.LBB2_6:
0x78: {  	s30 =	sxor.u32 $0x6800, s28  }
0x79: {  	s29 =	sshll.u32 s29, $0x7;
	[sflag:s21] =	ssyncadd.s32 $0xFFFFC000;
	s31 =	smov.u32 s26  }
0x7a: {  	[tilespmem:s30], [sflag:$0x1] =	stream.indirect.gather [hbm4b:s4+s22], $0x80, s29, s22, $0xb8;
	[tilespmem:$0x1E800] =	vst v63  }
0x7b: {  	p0 =	sne.s32 s26, $0x28;
	s26 =	sadd.s32 $0x1, s26;
	_ =	swait.ge [sflag:s23], $0x4000  }
.Ltmp2:
0x7c: {  	[sflag:s23] =	ssyncset.done $0x0;
	(pc) =	sbr.rel @p0 .LBB2_6-.Ltmp2, $4  }
0x7d: {  	s28 =	sor.u32 $0x2800, s28;
	s29 =	sadd.s32 $0xFFFFFFFF, s31;
	[sflag:s23] =	ssyncadd.s32 $0xFFFFC000  }
0x7e: {  	[spmem:s1] =	stream.indirect.scatter.add.f32 [tilespmem:s28], [sflag:$0x2], $0x80, s25, s22, $0xb8;
	[tilespmem:$0x1E800] =	vst v63  }
0x7f: {  	s28 =	sand.u32 $0x1, s29;
	s25 =	sadd.s32 $0x80, s25;
	_ =	swait.ge [sflag:s21], $0x4000  }
0x80: {  	s29 =	smin.u32 s31, $0x27;
	s28 =	sshll.u32 s28, $0xE;
	[sflag:s21] =	ssyncset.done $0x0  }
0x81: {  	s26 =	sxor.u32 $0x6800, s28;
	s29 =	sshll.u32 s29, $0x7;
	[sflag:s21] =	ssyncadd.s32 $0xFFFFC000  }
0x82: {  	[tilespmem:s26], [sflag:$0x1] =	stream.indirect.gather [hbm4b:s4+s22], $0x80, s29, s22, $0xb8;
	[tilespmem:$0x1E800] =	vst v63  }
0x83: {  	_ =	swait.ge [sflag:s23], $0x4000  }
0x84: {  	[sflag:s23] =	ssyncset.done $0x0  }
0x85: {  	s29 =	sor.u32 $0x2800, s28;
	[sflag:s23] =	ssyncadd.s32 $0xFFFFC000  }
0x86: {  	[spmem:s1] =	stream.indirect.scatter.add.f32 [tilespmem:s29], [sflag:$0x2], $0x80, s25, s22, $0xb8;
	[tilespmem:$0x1E800] =	vst v63  }
0x87: {  	_ =	swait.ge [sflag:s21], $0x4000  }
0x88: {  	[sflag:s21] =	ssyncset.done $0x0  }
0x89: {  	[sflag:s21] =	ssyncadd.s32 $0xFFFFC000  }
0x8a: {  	_ =	swait.ge [sflag:s23], $0x4000  }
0x8b: {  	[sflag:s23] =	ssyncset.done $0x0  }
0x8c: {  	s30 =	sshll.u32 s3, $0x6;
	s31 =	sshrl.u32 s5, $0x3;
	[sflag:s23] =	ssyncadd.s32 $0xFFFFC000  }
0x8d: {  	s28 =	sshrl.u32 s6, $0x3;
	s25 =	sor.u32 $0x1C01, s30;
	[bflag:$0x0] =	sbarrier.arrive $0xFFFF  }
0x8e: {  	[hbm:s14], [sflag:s25] =	dma.local [spmem:s31], $0x800  }
0x8f: {  	s29 =	sshrl.u32 s7, $0x3;
	s30 =	sshrl.u32 s8, $0x3;
	s31 =	sshrl.u32 s9, $0x3  }
0x90: {  	[hbm:s15], [sflag:s25] =	dma.local [spmem:s28], $0x800  }
0x91: {  	[hbm:s16], [sflag:s25] =	dma.local [spmem:s29], $0x800  }
0x92: {  	[hbm:s17], [sflag:s25] =	dma.local [spmem:s30], $0x800  }
0x93: {  	[hbm:s18], [sflag:s25] =	dma.local [spmem:s31], $0x800  }
0x94: {  	_ =	swait.ge [sflag:s23], $0x800  }
0x95: {  	[sflag:s23] =	ssyncset.done $0x0  }
0x96: {  	[sflag:s23] =	ssyncadd.s32 $0xFFFFF800  }
0x97: {  	_ =	swait.ge [sflag:s23], $0x800  }
0x98: {  	[sflag:s23] =	ssyncset.done $0x0  }
0x99: {  	[sflag:s23] =	ssyncadd.s32 $0xFFFFF800  }
0x9a: {  	_ =	swait.ge [sflag:s23], $0x800  }
0x9b: {  	[sflag:s23] =	ssyncset.done $0x0  }
0x9c: {  	s24 =	sadd.s32 $0x1, s24;
	[sflag:s23] =	ssyncadd.s32 $0xFFFFF800  }
0x9d: {  	p0 =	sne.s32 s24, s19;
	_ =	swait.ge [sflag:s23], $0x800  }
.Ltmp3:
0x9e: {  	[sflag:s23] =	ssyncset.done $0x0;
	(pc) =	sbr.rel @p0 .LBB2_1-.Ltmp3, $4  }
0x9f: {  	[sflag:s23] =	ssyncadd.s32 $0xFFFFF800  }
0xa0: {  	_ =	swait.ge [sflag:s23], $0x800  }
0xa1: {  	[sflag:s23] =	ssyncset.done $0x0  }
0xa2: {  	[sflag:s23] =	ssyncadd.s32 $0xFFFFF800  }
0xa3: {  	_ =	sfence.sel $0x180000  }
0xa4: {  	[bflag:$0x0] =	sbarrier.arrive $0xFFFF  }
0xa5: {  	p0 =	sne.s32 s3, $0x0;
	_ =	strace $0x9000004A  }
0xa6: {  	s0 =	sadd.s32 @!p0 $0x100000, s0;
	[bflag:$0x2] =	sbarrier.arrive $0xFFFF  }
0xa7: {  	[sflag:s0] =	ssyncadd.tile.s32 @!p0 $0x1;
	_ =	shalt  }
.Lfunc_end2:
_tile_overlayer_lowered:
.L_overlay_start_2:
0xa8: {  	(tag) =	ssettag $0x2  }
0xa9: {  	s0 =	rddreg [dreg:$0x0];
	s2 =	stileid.u32  }
0xaa: {  	s1 =	rddreg [dreg:$0x1];
	p0 =	sne.s32 s2, $0x0  }
0xab: {  	s3 =	rddreg [dreg:$0x2];
	[bflag:$0x3] =	sbarrier.arrive $0xFFFF;
	s2 =	simm.s32 @!p0 $0x1C02  }
0xac: {  	[timem:s3], [sflag:s2] =	dma.local @!p0 [hbm:s0], s1  }
0xad: {  	s0 =	simm.s32 @!p0 $0x2  }
0xae: {  	_ =	swait.ge @!p0 [sflag:s0], s1  }
0xaf: {  	s1 =	ssub.s32 @!p0 $0x0, s1;
	[sflag:s0] =	ssyncset.done @!p0 $0x0  }
0xb0: {  	[sflag:s0] =	ssyncadd.s32 @!p0 s1  }
0xb1: {  	[bflag:$0x3] =	sbarrier.arrive $0xFFFF  }
0xb2: {  	_ =	shalt  }

// kernel: kernel.14.cloned.1.call-start
scs
__scs_entry_jumppad:
0x0: {  	(pc) =	sbr.rel $0x88, $3  }
0x1: {  	(tag) =	ssettag $0x0;
	lr =	simm.s32 $0x1  }
0x2: {  	[smem:$0x3F98] =	sst lr;
	_ =	strace $0xD0000000  }
0x3: {  	_ = 	snop  }
0x4: {  	_ = 	snop  }
0x5: {  	_ = 	snop  }
0x6: {  	_ = 	snop  }
0x7: {  	_ = 	snop  }
__scs_overlays_trampoline_lowered:
0x8: {  	[smem:$0x3FA7] =	sst s0  }
0x9: {  	[smem:$0x3FA8] =	sst s1  }
0xa: {  	[smem:$0x3FA9] =	sst s2  }
0xb: {  	[smem:$0x3FAA] =	sst s3  }
0xc: {  	[smem:$0x3FAB] =	sst s4  }
0xd: {  	[smem:$0x3FAC] =	sst s5  }
0xe: {  	[smem:$0x3FAD] =	sst s6  }
0xf: {  	[smem:$0x3FAE] =	sst s7  }
0x10: {  	[smem:$0x3FAF] =	sst s8  }
0x11: {  	[smem:$0x3FB0] =	sst s9;
	s0 =	simm.s32 @!p0 $0x0  }
0x12: {  	s1 =	sld [smem:$0x3F96];
	s0 =	simm.s32 @p0 $0x1  }
0x13: {  	[smem:$0x3FB1] =	sst s0;
	s0 =	simm.s32 @!p1 $0x0  }
0x14: {  	s2 =	sld [smem:$0x3F95];
	s0 =	simm.s32 @p1 $0x1  }
0x15: {  	[smem:$0x3FB2] =	sst s0;
	s0 =	simm.s32 @!p2 $0x0  }
0x16: {  	s3 =	sld [smem:$0x3FDB];
	s0 =	simm.s32 @p2 $0x1  }
0x17: {  	s4 =	simm.s32 $0x1BF5;
	[smem:$0x3FB4] =	sst s0  }
0x18: {  	s0 =	sld [smem:$0x3F97];
	_ =	swait.ge [sflag:s4], $0x0  }
0x19: {  	s7 =	sld [smem:$0x3F98]  }
0x1a: {  	s8 =	sadd.s32 $0xFFFFE003, lr  }
0x1b: {  	s9 =	sadd.s32 $0xFFFFFEF7, lr;
	s5 =	simm.s32 $0xFFFFFFFF;
	p2 =	slt.u32 s8, $0xFFFFF086  }
0x1c: {  	p1 =	slt.u32 s9, $0xF7A;
	s5 =	simm.s32 @!p2 $0x0  }
0x1d: {  	s5 =	simm.s32 @p1 $0x1;
	p0 =	seq.s32 s7, s2  }
0x1e: {  	s7 =	smul.u32 @!p0 $0xF7A, s2;
	p2 =	seq.s32 @!p0 s5, $0x0  }
0x1f: {  	s9 =	smul.u32 $0xF7A, s1;
	s8 =	simm.s32 @!p0 $0x1BF5;
	p2 =	por !p2, p0  }
0x20: {  	[sflag:s8] =	ssyncset.s32 @!p0 $0xFFFFF086;
	s6 =	sadd.s32 @!p0 s3, s7;
	s7 =	simm.s32 @!p0 $0x108  }
0x21: {  	s3 =	sadd.s32 s3, s9;
	s6 =	sadd.s32 @!p0 $0x88, s6;
	s7 =	simm.s32 @p2 $0x1082  }
0x22: {  	[simem:s7], [sflag:s8] =	dma.local @!p0 [hbm:s6], $0xF7A  }
0x23: {  	s9 =	sor.u32 $0xD0000000, s2;
	s6 =	simm.s32 $0x108;
	_ =	swait.ge @!p0 [sflag:s8], $0x0  }
0x24: {  	s3 =	sadd.s32 $0x88, s3;
	s6 =	simm.s32 @!p1 $0x1082;
	[sflag:s4] =	ssyncset.s32 $0xFFFFF086  }
0x25: {  	[simem:s6], [sflag:s4] =	dma.local [hbm:s3], $0xF7A  }
0x26: {  	[smem:$0x3F98] =	sst s1;
	(tag) =	ssettag s2;
	_ =	strace s9  }
0x27: {  	s1 =	sld [smem:$0x3FA8]  }
0x28: {  	s2 =	sld [smem:$0x3FA9]  }
0x29: {  	s4 =	sld [smem:$0x3FAB]  }
0x2a: {  	p0 =	seq.s32 s5, $0x0;
	s5 =	sld [smem:$0x3FAC]  }
0x2b: {  	s6 =	sld [smem:$0x3FAD]  }
0x2c: {  	s7 =	sld [smem:$0x3FAE]  }
0x2d: {  	s3 =	simm.s32 $0x108;
	s8 =	sld [smem:$0x3FAF]  }
0x2e: {  	s3 =	simm.s32 @!p0 $0x1082;
	s9 =	sld [smem:$0x3FB0]  }
0x2f: {  	lr =	sadd.s32 s0, s3;
	s0 =	sld [smem:$0x3FA7]  }
0x30: {  	s3 =	sld [smem:$0x3FAA]  }
0x31: {  	[smem:$0x3FB3] =	sst s10  }
0x32: {  	s10 =	sld [smem:$0x3FB1];
	_ =	sdelay $0x3  }
0x33: {  	p0 =	seq.s32 s10, $0x1;
	s10 =	sld [smem:$0x3FB3];
	_ =	sdelay $0x3  }
0x34: {  	[smem:$0x3FB3] =	sst s10  }
0x35: {  	s10 =	sld [smem:$0x3FB2];
	_ =	sdelay $0x3  }
0x36: {  	p1 =	seq.s32 s10, $0x1;
	s10 =	sld [smem:$0x3FB3];
	_ =	sdelay $0x3  }
0x37: {  	[smem:$0x3FB3] =	sst s10  }
0x38: {  	s10 =	sld [smem:$0x3FB4]  }
0x39: {  	_ = 	snop;
	(pc) =	sbr.ind lr, $3  }
0x3a: {  	_ = 	snop  }
0x3b: {  	_ = 	snop  }
0x3c: {  	p2 =	seq.s32 s10, $0x1;
	s10 =	sld [smem:$0x3FB3]  }
0x3d: {  	_ =	shalt  }
0x3e: {  	_ =	shalt  }
0x3f: {  	_ =	shalt  }
0x40: {  	_ =	shalt  }
0x41: {  	_ =	shalt  }
0x42: {  	_ =	shalt  }
0x43: {  	_ =	shalt  }
0x44: {  	_ =	shalt  }
0x45: {  	_ =	shalt  }
0x46: {  	_ =	shalt  }
0x47: {  	_ =	shalt  }
0x48: {  	_ =	shalt  }
0x49: {  	_ =	shalt  }
0x4a: {  	_ =	shalt  }
0x4b: {  	_ =	shalt  }
0x4c: {  	_ =	shalt  }
0x4d: {  	_ =	shalt  }
0x4e: {  	_ =	shalt  }
0x4f: {  	_ =	shalt  }
0x50: {  	_ =	shalt  }
0x51: {  	_ =	shalt  }
0x52: {  	_ =	shalt  }
0x53: {  	_ =	shalt  }
0x54: {  	_ =	shalt  }
0x55: {  	_ =	shalt  }
0x56: {  	_ =	shalt  }
0x57: {  	_ =	shalt  }
0x58: {  	_ =	shalt  }
0x59: {  	_ =	shalt  }
0x5a: {  	_ =	shalt  }
0x5b: {  	_ =	shalt  }
0x5c: {  	_ =	shalt  }
0x5d: {  	_ =	shalt  }
0x5e: {  	_ =	shalt  }
0x5f: {  	_ =	shalt  }
0x60: {  	_ =	shalt  }
0x61: {  	_ =	shalt  }
0x62: {  	_ =	shalt  }
0x63: {  	_ =	shalt  }
0x64: {  	_ =	shalt  }
0x65: {  	_ =	shalt  }
0x66: {  	_ =	shalt  }
0x67: {  	_ =	shalt  }
0x68: {  	_ =	shalt  }
0x69: {  	_ =	shalt  }
0x6a: {  	_ =	shalt  }
0x6b: {  	_ =	shalt  }
0x6c: {  	_ =	shalt  }
0x6d: {  	_ =	shalt  }
0x6e: {  	_ =	shalt  }
0x6f: {  	_ =	shalt  }
0x70: {  	_ =	shalt  }
0x71: {  	_ =	shalt  }
0x72: {  	_ =	shalt  }
0x73: {  	_ =	shalt  }
0x74: {  	_ =	shalt  }
0x75: {  	_ =	shalt  }
0x76: {  	_ =	shalt  }
0x77: {  	_ =	shalt  }
0x78: {  	_ =	shalt  }
0x79: {  	_ =	shalt  }
0x7a: {  	_ =	shalt  }
0x7b: {  	_ =	shalt  }
0x7c: {  	_ =	shalt  }
0x7d: {  	_ =	shalt  }
0x7e: {  	_ =	shalt  }
0x7f: {  	_ =	shalt  }
0x80: {  	_ =	shalt  }
0x81: {  	_ =	shalt  }
0x82: {  	_ =	shalt  }
0x83: {  	_ =	shalt  }
0x84: {  	_ =	shalt  }
0x85: {  	_ =	shalt  }
0x86: {  	_ =	shalt  }
0x87: {  	_ =	shalt  }
.Lfunc_end0:
.L_simem_size_0:
called_computation.1_lowered:
.L_overlay_start_0:
0x88: {  	s2 =	sld [smem:$0x3FD9]  }
0x89: {  	s3 =	sld [smem:$0x3FFE];
	_ =	sdelay $0x1  }
0x8a: {  	s1 =	srdreg.scid  }
0x8b: {  	s0 =	sand.u32 $0x1, s1  }
0x8c: {  	s17 =	sshll.u32 s0, $0xA;
	s2 =	sadd.s32 s3, s2  }
0x8d: {  	s2 =	sadd.s32 s2, s17  }
0x8e: {  	[smem:$0x3FBF] =	sst s2  }
0x8f: {  	_ = 	snop  }
0x90: {  	s2 =	sld [smem:$0x3FD0];
	(tm) =	ssettm $0x1  }
0x91: {  	s18 =	sld [smem:$0x3FFB];
	_ =	sdelay $0x3  }
0x92: {  	_ =	strace s18  }
0x93: {  	s3 =	sld [smem:$0x3FFC];
	_ =	sdelay $0x3  }
0x94: {  	_ =	strace s3  }
0x95: {  	s3 =	sld [smem:$0x3FFD];
	_ =	sdelay $0x3  }
0x96: {  	_ =	strace s3  }
0x97: {  	_ =	strace $0x8FFFFFFF  }
0x98: {  	s19 =	sld [smem:$0x3FDB];
	_ =	sdelay $0x1  }
0x99: {  	s4 =	simm.s32 $_scs_section_size  }
0x9a: {  	s5 =	simm.s32 $_size__tile_overlayer_lowered;
	s6 =	simm.s32 $_tile_overlayer_lowered  }
0x9b: {  	s22 =	simm.s32 $0x1BFF;
	s21 =	sshll.u32 s6, $0x1;
	s3 =	sadd.s32 s4, s19  }
0x9c: {  	s7 =	simm.s32 $0x0;
	s20 =	sshll.u32 s5, $0x1;
	s5 =	sadd.s32 s21, s3  }
0x9d: {  	[timem:s7], [sflag:s22] =	dma.local [hbm:s5], s20  }
0x9e: {  	_ =	swait.ge [sflag:s22], s20  }
0x9f: {  	s4 =	ssub.s32 $0x0, s20;
	[sflag:s22] =	ssyncset.done $0x0  }
0xa0: {  	[sflag:s22] =	ssyncadd.s32 s4;
	_ =	sdelay $0x1  }
0xa1: {  	s23 =	simm.s32 $0x1B8B  }
0xa2: {  	_ =	swait.ge [sflag:s23], $0x1  }
0xa3: {  	[sflag:s23] =	ssyncset.done $0x0  }
0xa4: {  	s25 =	simm.s32 $0x1B8E;
	s24 =	sld [smem:$0x3FFE];
	[sflag:s23] =	ssyncadd.s32 $0xFFFFFFFF  }
0xa5: {  	s26 =	simm.s32 $execute0_lowered;
	[smem:$0x3FD2] =	sst s25  }
0xa6: {  	s5 =	sshll.u32 s26, $0x1;
	_ =	strace $0x80000046;
	[dreg:$0x1] =	wrdreg $0xFFFFFFFF  }
0xa7: {  	s28 =	simm.s32 $_size_execute0_lowered;
	s3 =	sadd.s32 s3, s5;
	[dreg:$0x0] =	wrdreg $0x0  }
0xa8: {  	s5 =	sshll.u32 s28, $0x1;
	[dreg:$0x2] =	wrdreg s3  }
0xa9: {  	[dreg:$0x3] =	wrdreg s5  }
0xaa: {  	[dreg:$0x4] =	wrdreg $0xC0  }
0xab: {  	_ =	task [dreg:s7], $0x5FFFF  }
0xac: {  	[dreg:$0x1] =	wrdreg $0xFFFFFFFF  }
0xad: {  	[dreg:$0x0] =	wrdreg $0x60  }
0xae: {  	[dreg:$0x2] =	wrdreg s24  }
0xaf: {  	[dreg:$0x3] =	wrdreg s2  }
0xb0: {  	[dreg:$0x4] =	wrdreg $0xA  }
0xb1: {  	_ =	task.clear_ibuf [dreg:s7], $0x5FFFF;
	_ =	strace $0x90000046  }
0xb2: {  	s29 =	simm.s32 $0xA;
	_ =	strace $0x80000048  }
0xb3: {  	_ =	swait.ge [sflag:s29], $0x1  }
0xb4: {  	[sflag:s29] =	ssyncadd.s32 $0xFFFFFFFF  }
0xb5: {  	_ =	strace $0x90000048  }
0xb6: {  	_ =	sfence  }
0xb7: {  	s30 =	sld [smem:$0x0];
	_ =	sdelay $0x2  }
0xb8: {  	s31 =	sshll.u32 s1, $0xD;
	s1 =	sshrl.u32 s1, $0x2  }
0xb9: {  	s3 =	sand.u32 $0x4000, s31;
	s1 =	sadd.s32 s1, s30  }
0xba: {  	s0 =	sor.u32 s3, s0;
	s1 =	sshll.u32 s1, $0x11  }
0xbb: {  	s0 =	sor.u32 s1, s0  }
0xbc: {  	s0 =	sadd.s32 $0x8F2B, s0  }
0xbd: {  	[sflag:s0] =	ssyncadd.remote.s32 $0x1  }
0xbe: {  	_ =	sfence.sel $0xFFFF  }
0xbf: {  	[dreg:$0x0] =	wrdreg $0xFFFFFFFF;
	(pc) =	sbr.abs _section_cstart, $3  }
0xc0: {  	[dreg:$0x1] =	wrdreg $0xFFFFFFFF  }
0xc1: {  	_ =	task.clear_ibuf [dreg:s7], $0x2FFFF;
	_ =	strace $0x9FFFFFFF  }
0xc2: {  	(tm) =	ssettm $0x7FFFFFFF  }
0xc3: {  	_ =	shalt  }
tec
execute0_lowered:
.L_overlay_start_1:
0x0: {  	(tag) =	ssettag $0x1  }
0x1: {  	s4 =	rddreg [dreg:$0x0]  }
0x2: {  	s1 =	srdreg.scid;
	s0 =	stileid.u32  }
0x3: {  	s5 =	rddreg [dreg:$0x1];
	s12 =	simm.s32 $0x5000;
	s13 =	simm.s32 $0x7800  }
0x4: {  	s14 =	simm.s32 $0xA000;
	s15 =	simm.s32 $0xC800;
	s16 =	simm.s32 $0x80  }
0x5: {  	s17 =	simm.s32 $0x400;
	s18 =	simm.s32 $0x0;
	s3 =	sand.u32 $0x1, s1  }
0x6: {  	s2 =	sshll.u32 s0, $0x1;
	s1 =	rddreg [dreg:$0x2];
	s7 =	sshrl.u32 s0, $0x2  }
0x7: {  	s6 =	sor.u32 s3, s2;
	s2 =	simm.s32 $0x0;
	s7 =	smul.u32 $0x14000, s7  }
0x8: {  	s31 =	ssub.s32 $0x2, s3;
	s3 =	sadd.s32 $0x4200, s4;
	s8 =	sshll.u32 s6, $0x7  }
0x9: {  	[smem:$0x7FF] =	sst s2;
	s6 =	smul.u32 $0x500, s6;
	s8 =	sand.u32 $0x380, s8  }
0xa: {  	s10 =	sshrl.u32 s31, $0x1;
	_ =	strace $0x80000047;
	s7 =	sor.u32 s7, s8  }
0xb: {  	s10 =	ssub.s32 s31, s10;
	s9 =	sadd.s32 s6, s4;
	s7 =	sshrl.u32 s7, $0x3  }
0xc: {  	s5 =	sadd.s32 s5, s6;
	s11 =	sadd.s32 s7, s4;
	s4 =	sadd.s32 $0x4800, s9  }
0xd: {  	s9 =	smax.u32 s10, $0x1;
	s10 =	simm.s32 $0x1;
	s6 =	sadd.s32 $0xEE00, s11  }
0xe: {  	v0 =	vimm.f32 $0.0e+00;
	v1 =	vimm.f32 $1.000000000e+00;
	s7 =	sadd.s32 $0x18E00, s11;
	s8 =	sadd.s32 $0x22E00, s11;
	s11 =	simm.s32 $0x2800  }
.LBB2_1:
0xf: {  	[tilespmem:s2], [sflag:$0x1] =	stream.linear.gather [hbm4b:s4+s2], $0x2800, $0x38;
	[tilespmem:$0xF000] =	vst v63  }
0x10: {  	_ =	swait.ge [sflag:s10], $0x2800  }
0x11: {  	[sflag:s10] =	ssyncset.done $0x0  }
0x12: {  	[sflag:s10] =	ssyncadd.s32 $0xFFFFD800  }
0x13: {  	[tilespmem:s11], [sflag:$0x1] =	stream.linear.gather [hbm4b:s5+s2], $0x2800, $0x38;
	[tilespmem:$0xF000] =	vst v63  }
0x14: {  	_ =	swait.ge [sflag:s10], $0x2800  }
0x15: {  	[sflag:s10] =	ssyncset.done $0x0  }
0x16: {  	[sflag:s10] =	ssyncadd.s32 $0xFFFFD800  }
0x17: {  	[tilespmem:s12], [sflag:$0x1] =	stream.linear.gather [hbm4b:s3+s2], $0x2800, $0x38;
	[tilespmem:$0xF000] =	vst v63  }
0x18: {  	_ =	swait.ge [sflag:s10], $0x2800  }
0x19: {  	[sflag:s10] =	ssyncset.done $0x0  }
0x1a: {  	s19 =	simm.s32 $0x40;
	s20 =	simm.s32 $0x0;
	[sflag:s10] =	ssyncadd.s32 $0xFFFFD800  }
.LBB2_2:
0x1b: {  	p0 =	sne.s32 s19, $0x9FC0;
	[tilespmem:s20+$0x7800] =	vst v0;
	s20 =	smov.u32 s19;
	s19 =	sadd.s32 $0x40, s19  }
.Ltmp0:
0x1c: {  	(pc) =	sbr.rel @p0 .LBB2_2-.Ltmp0, $2  }
0x1d: {  	_ =	sdelay $0x2  }
0x1e: {  	s20 =	sshra.s32 s20, $0x2  }
0x1f: {  	[tilespmem:s20+$0x7800] =	vst v0;
	s19 =	simm.s32 $0x0;
	s20 =	simm.s32 $0x40;
	s21 =	simm.s32 $0x0  }
.LBB2_4:
0x20: {  	p0 =	sne.s32 s20, $0x9FC0;
	[tilespmem:s21+$0xA000] =	vst v0;
	s21 =	smov.u32 s20;
	s20 =	sadd.s32 $0x40, s20  }
.Ltmp1:
0x21: {  	(pc) =	sbr.rel @p0 .LBB2_4-.Ltmp1, $2  }
0x22: {  	_ =	sdelay $0x2  }
0x23: {  	s21 =	sshra.s32 s21, $0x2  }
0x24: {  	[tilespmem:s21+$0xA000] =	vst v0  }
.LBB2_6:
0x25: {  	p0 =	sne.s32 s19, $0x9FC0  }
.Ltmp2:
0x26: {  	_ = 	snop;
	(pc) =	sbr.rel @p0 .LBB2_6-.Ltmp2, $3  }
0x27: {  	_ =	sdelay $0x1  }
0x28: {  	s20 =	sshra.s32 s19, $0x2  }
0x29: {  	s19 =	sadd.s32 $0x40, s19;
	[tilespmem:s20+$0xC800] =	vst v0  }
0x2a: {  	s19 =	simm.s32 $0x0  }
.LBB2_8:
0x2b: {  	s20 =	sshra.s32 s19, $0x2  }
0x2c: {  	v2 =	vld [tilespmem:s20+$0x2800];
	_ =	sdelay $0x4  }
0x2d: {  	v3 =	vld [tilespmem:s20+$0x0];
	_ =	sdelay $0x2  }
0x2e: {  	v4 =	vld.idx.msk [tilespmem:v2+s12+$0x0], $0xffff;
	_ =	sdelay $0x4  }
0x2f: {  	[tilespmem:v3+s13+$0x0] =	vst.idx.add.f32.msk $0xffff, v4  }
0x30: {  	[tilespmem:v2+s14+$0x0] =	vst.idx.add.f32.msk $0xffff, v1  }
0x31: {  	[tilespmem:v3+s15+$0x0] =	vst.idx.add.f32.msk $0xffff, v1  }
0x32: {  	v2 =	vld [tilespmem:s20+$0x2810];
	_ =	sdelay $0x4  }
0x33: {  	v3 =	vld [tilespmem:s20+$0x10];
	_ =	sdelay $0x2  }
0x34: {  	v4 =	vld.idx.msk [tilespmem:v2+s12+$0x0], $0xffff;
	_ =	sdelay $0x4  }
0x35: {  	[tilespmem:v3+s13+$0x0] =	vst.idx.add.f32.msk $0xffff, v4  }
0x36: {  	[tilespmem:v2+s14+$0x0] =	vst.idx.add.f32.msk $0xffff, v1  }
0x37: {  	[tilespmem:v3+s15+$0x0] =	vst.idx.add.f32.msk $0xffff, v1  }
0x38: {  	v2 =	vld [tilespmem:s20+$0x2820];
	_ =	sdelay $0x4  }
0x39: {  	v3 =	vld [tilespmem:s20+$0x20];
	_ =	sdelay $0x2  }
0x3a: {  	v4 =	vld.idx.msk [tilespmem:v2+s12+$0x0], $0xffff;
	_ =	sdelay $0x4  }
0x3b: {  	[tilespmem:v3+s13+$0x0] =	vst.idx.add.f32.msk $0xffff, v4  }
0x3c: {  	[tilespmem:v2+s14+$0x0] =	vst.idx.add.f32.msk $0xffff, v1  }
0x3d: {  	[tilespmem:v3+s15+$0x0] =	vst.idx.add.f32.msk $0xffff, v1  }
0x3e: {  	v2 =	vld [tilespmem:s20+$0x2830];
	_ =	sdelay $0x4  }
0x3f: {  	v3 =	vld [tilespmem:s20+$0x30];
	_ =	sdelay $0x2  }
0x40: {  	v4 =	vld.idx.msk [tilespmem:v2+s12+$0x0], $0xffff;
	_ =	sdelay $0x4  }
0x41: {  	[tilespmem:v3+s13+$0x0] =	vst.idx.add.f32.msk $0xffff, v4  }
0x42: {  	[tilespmem:v2+s14+$0x0] =	vst.idx.add.f32.msk $0xffff, v1  }
0x43: {  	[tilespmem:v3+s15+$0x0] =	vst.idx.add.f32.msk $0xffff, v1  }
0x44: {  	v2 =	vld [tilespmem:s20+$0x2840];
	_ =	sdelay $0x4  }
0x45: {  	v3 =	vld [tilespmem:s20+$0x40];
	_ =	sdelay $0x2  }
0x46: {  	v4 =	vld.idx.msk [tilespmem:v2+s12+$0x0], $0xffff;
	_ =	sdelay $0x4  }
0x47: {  	[tilespmem:v3+s13+$0x0] =	vst.idx.add.f32.msk $0xffff, v4  }
0x48: {  	[tilespmem:v2+s14+$0x0] =	vst.idx.add.f32.msk $0xffff, v1  }
0x49: {  	[tilespmem:v3+s15+$0x0] =	vst.idx.add.f32.msk $0xffff, v1  }
0x4a: {  	v2 =	vld [tilespmem:s20+$0x2850];
	_ =	sdelay $0x4  }
0x4b: {  	v3 =	vld [tilespmem:s20+$0x50];
	_ =	sdelay $0x2  }
0x4c: {  	v4 =	vld.idx.msk [tilespmem:v2+s12+$0x0], $0xffff;
	_ =	sdelay $0x4  }
0x4d: {  	[tilespmem:v3+s13+$0x0] =	vst.idx.add.f32.msk $0xffff, v4  }
0x4e: {  	[tilespmem:v2+s14+$0x0] =	vst.idx.add.f32.msk $0xffff, v1  }
0x4f: {  	[tilespmem:v3+s15+$0x0] =	vst.idx.add.f32.msk $0xffff, v1  }
0x50: {  	v2 =	vld [tilespmem:s20+$0x2860];
	_ =	sdelay $0x4  }
0x51: {  	v3 =	vld [tilespmem:s20+$0x60];
	_ =	sdelay $0x2  }
0x52: {  	v4 =	vld.idx.msk [tilespmem:v2+s12+$0x0], $0xffff;
	_ =	sdelay $0x4  }
0x53: {  	[tilespmem:v3+s13+$0x0] =	vst.idx.add.f32.msk $0xffff, v4  }
0x54: {  	[tilespmem:v2+s14+$0x0] =	vst.idx.add.f32.msk $0xffff, v1  }
0x55: {  	[tilespmem:v3+s15+$0x0] =	vst.idx.add.f32.msk $0xffff, v1  }
0x56: {  	v2 =	vld [tilespmem:s20+$0x2870];
	_ =	sdelay $0x4  }
0x57: {  	v3 =	vld [tilespmem:s20+$0x70];
	_ =	sdelay $0x2  }
0x58: {  	v4 =	vld.idx.msk [tilespmem:v2+s12+$0x0], $0xffff;
	_ =	sdelay $0x1  }
0x59: {  	p0 =	sne.s32 s19, $0x9E00  }
.Ltmp3:
0x5a: {  	_ = 	snop;
	(pc) =	sbr.rel @p0 .LBB2_8-.Ltmp3, $4  }
0x5b: {  	_ = 	snop  }
0x5c: {  	[tilespmem:v3+s13+$0x0] =	vst.idx.add.f32.msk $0xffff, v4  }
0x5d: {  	[tilespmem:v2+s14+$0x0] =	vst.idx.add.f32.msk $0xffff, v1  }
0x5e: {  	s19 =	sadd.s32 $0x200, s19;
	[tilespmem:v3+s15+$0x0] =	vst.idx.add.f32.msk $0xffff, v1  }
0x5f: {  	[hbm4b:s6+s16] =	stream.strided.scatter [tilespmem:s13], [sflag:$0x1], $0x2800, s17, s16, $0x38;
	[tilespmem:$0xF000] =	vst v63  }
0x60: {  	_ =	swait.ge [sflag:s10], $0x2800  }
0x61: {  	[sflag:s10] =	ssyncset.done $0x0  }
0x62: {  	[sflag:s10] =	ssyncadd.s32 $0xFFFFD800  }
0x63: {  	[hbm4b:s7+s16] =	stream.strided.scatter [tilespmem:s14], [sflag:$0x1], $0x2800, s17, s16, $0x38;
	[tilespmem:$0xF000] =	vst v63  }
0x64: {  	s18 =	sadd.s32 $0x1, s18;
	_ =	swait.ge [sflag:s10], $0x2800  }
0x65: {  	p0 =	sne.s32 s18, s9;
	[sflag:s10] =	ssyncset.done $0x0  }
.Ltmp4:
0x66: {  	[sflag:s10] =	ssyncadd.s32 $0xFFFFD800;
	(pc) =	sbr.rel @p0 .LBB2_1-.Ltmp4, $4  }
0x67: {  	[hbm4b:s8+s16] =	stream.strided.scatter [tilespmem:s15], [sflag:$0x1], $0x2800, s17, s16, $0x38;
	[tilespmem:$0xF000] =	vst v63  }
0x68: {  	_ =	swait.ge [sflag:s10], $0x2800  }
0x69: {  	[sflag:s10] =	ssyncset.done $0x0  }
0x6a: {  	[sflag:s10] =	ssyncadd.s32 $0xFFFFD800  }
0x6b: {  	_ =	sfence.sel $0x180000  }
0x6c: {  	[bflag:$0x0] =	sbarrier.arrive $0xFFFF  }
0x6d: {  	p0 =	sne.s32 s0, $0x0;
	_ =	strace $0x90000047  }
0x6e: {  	s0 =	sadd.s32 @!p0 $0x100000, s1;
	[bflag:$0x2] =	sbarrier.arrive $0xFFFF  }
0x6f: {  	[sflag:s0] =	ssyncadd.tile.s32 @!p0 $0x1;
	_ =	shalt  }
.Lfunc_end2:
_tile_overlayer_lowered:
.L_overlay_start_2:
0x70: {  	(tag) =	ssettag $0x2  }
0x71: {  	s0 =	rddreg [dreg:$0x0];
	s2 =	stileid.u32  }
0x72: {  	s1 =	rddreg [dreg:$0x1];
	p0 =	sne.s32 s2, $0x0  }
0x73: {  	s3 =	rddreg [dreg:$0x2];
	[bflag:$0x3] =	sbarrier.arrive $0xFFFF;
	s2 =	simm.s32 @!p0 $0x1C01  }
0x74: {  	[timem:s3], [sflag:s2] =	dma.local @!p0 [hbm:s0], s1  }
0x75: {  	s0 =	simm.s32 @!p0 $0x1  }
0x76: {  	_ =	swait.ge @!p0 [sflag:s0], s1  }
0x77: {  	s1 =	ssub.s32 @!p0 $0x0, s1;
	[sflag:s0] =	ssyncset.done @!p0 $0x0  }
0x78: {  	[sflag:s0] =	ssyncadd.s32 @!p0 s1  }
0x79: {  	[bflag:$0x3] =	sbarrier.arrive $0xFFFF  }
0x7a: {  	_ =	shalt  }

// kernel: kernel.17.cloned.1.call-start
scs
__scs_entry_jumppad:
0x0: {  	(pc) =	sbr.rel $0x88, $3  }
0x1: {  	(tag) =	ssettag $0x0;
	lr =	simm.s32 $0x1  }
0x2: {  	[smem:$0x3F98] =	sst lr;
	_ =	strace $0xD0000000  }
0x3: {  	_ = 	snop  }
0x4: {  	_ = 	snop  }
0x5: {  	_ = 	snop  }
0x6: {  	_ = 	snop  }
0x7: {  	_ = 	snop  }
__scs_overlays_trampoline_lowered:
0x8: {  	[smem:$0x3FA7] =	sst s0  }
0x9: {  	[smem:$0x3FA8] =	sst s1  }
0xa: {  	[smem:$0x3FA9] =	sst s2  }
0xb: {  	[smem:$0x3FAA] =	sst s3  }
0xc: {  	[smem:$0x3FAB] =	sst s4  }
0xd: {  	[smem:$0x3FAC] =	sst s5  }
0xe: {  	[smem:$0x3FAD] =	sst s6  }
0xf: {  	[smem:$0x3FAE] =	sst s7  }
0x10: {  	[smem:$0x3FAF] =	sst s8  }
0x11: {  	[smem:$0x3FB0] =	sst s9;
	s0 =	simm.s32 @!p0 $0x0  }
0x12: {  	s1 =	sld [smem:$0x3F96];
	s0 =	simm.s32 @p0 $0x1  }
0x13: {  	[smem:$0x3FB1] =	sst s0;
	s0 =	simm.s32 @!p1 $0x0  }
0x14: {  	s2 =	sld [smem:$0x3F95];
	s0 =	simm.s32 @p1 $0x1  }
0x15: {  	[smem:$0x3FB2] =	sst s0;
	s0 =	simm.s32 @!p2 $0x0  }
0x16: {  	s3 =	sld [smem:$0x3FDB];
	s0 =	simm.s32 @p2 $0x1  }
0x17: {  	s4 =	simm.s32 $0x1BF5;
	[smem:$0x3FB4] =	sst s0  }
0x18: {  	s0 =	sld [smem:$0x3F97];
	_ =	swait.ge [sflag:s4], $0x0  }
0x19: {  	s7 =	sld [smem:$0x3F98]  }
0x1a: {  	s8 =	sadd.s32 $0xFFFFE003, lr  }
0x1b: {  	s9 =	sadd.s32 $0xFFFFFEF7, lr;
	s5 =	simm.s32 $0xFFFFFFFF;
	p2 =	slt.u32 s8, $0xFFFFF086  }
0x1c: {  	p1 =	slt.u32 s9, $0xF7A;
	s5 =	simm.s32 @!p2 $0x0  }
0x1d: {  	s5 =	simm.s32 @p1 $0x1;
	p0 =	seq.s32 s7, s2  }
0x1e: {  	s7 =	smul.u32 @!p0 $0xF7A, s2;
	p2 =	seq.s32 @!p0 s5, $0x0  }
0x1f: {  	s9 =	smul.u32 $0xF7A, s1;
	s8 =	simm.s32 @!p0 $0x1BF5;
	p2 =	por !p2, p0  }
0x20: {  	[sflag:s8] =	ssyncset.s32 @!p0 $0xFFFFF086;
	s6 =	sadd.s32 @!p0 s3, s7;
	s7 =	simm.s32 @!p0 $0x108  }
0x21: {  	s3 =	sadd.s32 s3, s9;
	s6 =	sadd.s32 @!p0 $0x88, s6;
	s7 =	simm.s32 @p2 $0x1082  }
0x22: {  	[simem:s7], [sflag:s8] =	dma.local @!p0 [hbm:s6], $0xF7A  }
0x23: {  	s9 =	sor.u32 $0xD0000000, s2;
	s6 =	simm.s32 $0x108;
	_ =	swait.ge @!p0 [sflag:s8], $0x0  }
0x24: {  	s3 =	sadd.s32 $0x88, s3;
	s6 =	simm.s32 @!p1 $0x1082;
	[sflag:s4] =	ssyncset.s32 $0xFFFFF086  }
0x25: {  	[simem:s6], [sflag:s4] =	dma.local [hbm:s3], $0xF7A  }
0x26: {  	[smem:$0x3F98] =	sst s1;
	(tag) =	ssettag s2;
	_ =	strace s9  }
0x27: {  	s1 =	sld [smem:$0x3FA8]  }
0x28: {  	s2 =	sld [smem:$0x3FA9]  }
0x29: {  	s4 =	sld [smem:$0x3FAB]  }
0x2a: {  	p0 =	seq.s32 s5, $0x0;
	s5 =	sld [smem:$0x3FAC]  }
0x2b: {  	s6 =	sld [smem:$0x3FAD]  }
0x2c: {  	s7 =	sld [smem:$0x3FAE]  }
0x2d: {  	s3 =	simm.s32 $0x108;
	s8 =	sld [smem:$0x3FAF]  }
0x2e: {  	s3 =	simm.s32 @!p0 $0x1082;
	s9 =	sld [smem:$0x3FB0]  }
0x2f: {  	lr =	sadd.s32 s0, s3;
	s0 =	sld [smem:$0x3FA7]  }
0x30: {  	s3 =	sld [smem:$0x3FAA]  }
0x31: {  	[smem:$0x3FB3] =	sst s10  }
0x32: {  	s10 =	sld [smem:$0x3FB1];
	_ =	sdelay $0x3  }
0x33: {  	p0 =	seq.s32 s10, $0x1;
	s10 =	sld [smem:$0x3FB3];
	_ =	sdelay $0x3  }
0x34: {  	[smem:$0x3FB3] =	sst s10  }
0x35: {  	s10 =	sld [smem:$0x3FB2];
	_ =	sdelay $0x3  }
0x36: {  	p1 =	seq.s32 s10, $0x1;
	s10 =	sld [smem:$0x3FB3];
	_ =	sdelay $0x3  }
0x37: {  	[smem:$0x3FB3] =	sst s10  }
0x38: {  	s10 =	sld [smem:$0x3FB4]  }
0x39: {  	_ = 	snop;
	(pc) =	sbr.ind lr, $3  }
0x3a: {  	_ = 	snop  }
0x3b: {  	_ = 	snop  }
0x3c: {  	p2 =	seq.s32 s10, $0x1;
	s10 =	sld [smem:$0x3FB3]  }
0x3d: {  	_ =	shalt  }
0x3e: {  	_ =	shalt  }
0x3f: {  	_ =	shalt  }
0x40: {  	_ =	shalt  }
0x41: {  	_ =	shalt  }
0x42: {  	_ =	shalt  }
0x43: {  	_ =	shalt  }
0x44: {  	_ =	shalt  }
0x45: {  	_ =	shalt  }
0x46: {  	_ =	shalt  }
0x47: {  	_ =	shalt  }
0x48: {  	_ =	shalt  }
0x49: {  	_ =	shalt  }
0x4a: {  	_ =	shalt  }
0x4b: {  	_ =	shalt  }
0x4c: {  	_ =	shalt  }
0x4d: {  	_ =	shalt  }
0x4e: {  	_ =	shalt  }
0x4f: {  	_ =	shalt  }
0x50: {  	_ =	shalt  }
0x51: {  	_ =	shalt  }
0x52: {  	_ =	shalt  }
0x53: {  	_ =	shalt  }
0x54: {  	_ =	shalt  }
0x55: {  	_ =	shalt  }
0x56: {  	_ =	shalt  }
0x57: {  	_ =	shalt  }
0x58: {  	_ =	shalt  }
0x59: {  	_ =	shalt  }
0x5a: {  	_ =	shalt  }
0x5b: {  	_ =	shalt  }
0x5c: {  	_ =	shalt  }
0x5d: {  	_ =	shalt  }
0x5e: {  	_ =	shalt  }
0x5f: {  	_ =	shalt  }
0x60: {  	_ =	shalt  }
0x61: {  	_ =	shalt  }
0x62: {  	_ =	shalt  }
0x63: {  	_ =	shalt  }
0x64: {  	_ =	shalt  }
0x65: {  	_ =	shalt  }
0x66: {  	_ =	shalt  }
0x67: {  	_ =	shalt  }
0x68: {  	_ =	shalt  }
0x69: {  	_ =	shalt  }
0x6a: {  	_ =	shalt  }
0x6b: {  	_ =	shalt  }
0x6c: {  	_ =	shalt  }
0x6d: {  	_ =	shalt  }
0x6e: {  	_ =	shalt  }
0x6f: {  	_ =	shalt  }
0x70: {  	_ =	shalt  }
0x71: {  	_ =	shalt  }
0x72: {  	_ =	shalt  }
0x73: {  	_ =	shalt  }
0x74: {  	_ =	shalt  }
0x75: {  	_ =	shalt  }
0x76: {  	_ =	shalt  }
0x77: {  	_ =	shalt  }
0x78: {  	_ =	shalt  }
0x79: {  	_ =	shalt  }
0x7a: {  	_ =	shalt  }
0x7b: {  	_ =	shalt  }
0x7c: {  	_ =	shalt  }
0x7d: {  	_ =	shalt  }
0x7e: {  	_ =	shalt  }
0x7f: {  	_ =	shalt  }
0x80: {  	_ =	shalt  }
0x81: {  	_ =	shalt  }
0x82: {  	_ =	shalt  }
0x83: {  	_ =	shalt  }
0x84: {  	_ =	shalt  }
0x85: {  	_ =	shalt  }
0x86: {  	_ =	shalt  }
0x87: {  	_ =	shalt  }
.Lfunc_end0:
.L_simem_size_0:
called_computation.2_lowered:
.L_overlay_start_0:
0x88: {  	s2 =	sld [smem:$0x3FD9]  }
0x89: {  	s3 =	sld [smem:$0x3FFE];
	_ =	sdelay $0x1  }
0x8a: {  	s1 =	srdreg.scid  }
0x8b: {  	s0 =	sand.u32 $0x1, s1  }
0x8c: {  	s17 =	sshll.u32 s0, $0xA;
	s2 =	sadd.s32 s3, s2  }
0x8d: {  	s2 =	sadd.s32 s2, s17  }
0x8e: {  	[smem:$0x3FBF] =	sst s2  }
0x8f: {  	_ = 	snop  }
0x90: {  	s2 =	sld [smem:$0x3FD0];
	(tm) =	ssettm $0x1  }
0x91: {  	s18 =	sld [smem:$0x3FFB];
	_ =	sdelay $0x3  }
0x92: {  	_ =	strace s18  }
0x93: {  	s3 =	sld [smem:$0x3FFC];
	_ =	sdelay $0x3  }
0x94: {  	_ =	strace s3  }
0x95: {  	s3 =	sld [smem:$0x3FFD];
	_ =	sdelay $0x3  }
0x96: {  	_ =	strace s3  }
0x97: {  	_ =	strace $0x8FFFFFFF  }
0x98: {  	s19 =	sld [smem:$0x3FDB];
	_ =	sdelay $0x1  }
0x99: {  	s4 =	simm.s32 $_scs_section_size  }
0x9a: {  	s5 =	simm.s32 $_size__tile_overlayer_lowered;
	s6 =	simm.s32 $_tile_overlayer_lowered  }
0x9b: {  	s22 =	simm.s32 $0x1BFF;
	s21 =	sshll.u32 s6, $0x1;
	s3 =	sadd.s32 s4, s19  }
0x9c: {  	s7 =	simm.s32 $0x0;
	s20 =	sshll.u32 s5, $0x1;
	s5 =	sadd.s32 s21, s3  }
0x9d: {  	[timem:s7], [sflag:s22] =	dma.local [hbm:s5], s20  }
0x9e: {  	_ =	swait.ge [sflag:s22], s20  }
0x9f: {  	s4 =	ssub.s32 $0x0, s20;
	[sflag:s22] =	ssyncset.done $0x0  }
0xa0: {  	[sflag:s22] =	ssyncadd.s32 s4;
	_ =	sdelay $0x1  }
0xa1: {  	s23 =	simm.s32 $0x1B8B  }
0xa2: {  	_ =	swait.ge [sflag:s23], $0x1  }
0xa3: {  	[sflag:s23] =	ssyncset.done $0x0  }
0xa4: {  	s25 =	simm.s32 $0x1B8E;
	s24 =	sld [smem:$0x3FFE];
	[sflag:s23] =	ssyncadd.s32 $0xFFFFFFFF  }
0xa5: {  	s26 =	simm.s32 $execute0_lowered;
	[smem:$0x3FD2] =	sst s25  }
0xa6: {  	s5 =	sshll.u32 s26, $0x1;
	_ =	strace $0x8000004C;
	[dreg:$0x1] =	wrdreg $0xFFFFFFFF  }
0xa7: {  	s28 =	simm.s32 $_size_execute0_lowered;
	s3 =	sadd.s32 s3, s5;
	[dreg:$0x0] =	wrdreg $0x0  }
0xa8: {  	s5 =	sshll.u32 s28, $0x1;
	[dreg:$0x2] =	wrdreg s3  }
0xa9: {  	[dreg:$0x3] =	wrdreg s5  }
0xaa: {  	[dreg:$0x4] =	wrdreg $0xC0  }
0xab: {  	_ =	task [dreg:s7], $0x5FFFF  }
0xac: {  	[dreg:$0x1] =	wrdreg $0xFFFFFFFF  }
0xad: {  	[dreg:$0x0] =	wrdreg $0x60  }
0xae: {  	[dreg:$0x2] =	wrdreg s24  }
0xaf: {  	[dreg:$0x3] =	wrdreg s2  }
0xb0: {  	[dreg:$0x4] =	wrdreg $0xA8000  }
0xb1: {  	[dreg:$0x5] =	wrdreg $0x9  }
0xb2: {  	_ =	task.clear_ibuf [dreg:s7], $0x6FFFF;
	_ =	strace $0x9000004C  }
0xb3: {  	s29 =	simm.s32 $0x9;
	_ =	strace $0x8000004E  }
0xb4: {  	_ =	swait.ge [sflag:s29], $0x1  }
0xb5: {  	[sflag:s29] =	ssyncadd.s32 $0xFFFFFFFF  }
0xb6: {  	_ =	strace $0x9000004E  }
0xb7: {  	_ =	sfence  }
0xb8: {  	s30 =	sld [smem:$0x0];
	_ =	sdelay $0x2  }
0xb9: {  	s31 =	sshll.u32 s1, $0xD;
	s1 =	sshrl.u32 s1, $0x2  }
0xba: {  	s3 =	sand.u32 $0x4000, s31;
	s1 =	sadd.s32 s1, s30  }
0xbb: {  	s0 =	sor.u32 s3, s0;
	s1 =	sshll.u32 s1, $0x11  }
0xbc: {  	s0 =	sor.u32 s1, s0  }
0xbd: {  	s0 =	sadd.s32 $0x8F2B, s0  }
0xbe: {  	[sflag:s0] =	ssyncadd.remote.s32 $0x1  }
0xbf: {  	_ =	sfence.sel $0xFFFF  }
0xc0: {  	[dreg:$0x0] =	wrdreg $0xFFFFFFFF;
	(pc) =	sbr.abs _section_cstart, $3  }
0xc1: {  	[dreg:$0x1] =	wrdreg $0xFFFFFFFF  }
0xc2: {  	_ =	task.clear_ibuf [dreg:s7], $0x2FFFF;
	_ =	strace $0x9FFFFFFF  }
0xc3: {  	(tm) =	ssettm $0x7FFFFFFF  }
tec
execute0_lowered:
.L_overlay_start_1:
0x0: {  	(tag) =	ssettag $0x1  }
0x1: {  	s5 =	rddreg [dreg:$0x0]  }
0x2: {  	s12 =	rddreg [dreg:$0x1]  }
0x3: {  	s1 =	rddreg [dreg:$0x2]  }
0x4: {  	s0 =	rddreg [dreg:$0x3];
	s2 =	simm.s32 $0x0;
	s6 =	srdreg.scid  }
0x5: {  	s3 =	stileid.u32;
	s23 =	simm.s32 $0x1;
	s24 =	simm.s32 $0x0  }
0x6: {  	[smem:$0x7FF] =	sst s2;
	s4 =	sadd.s32 $0x36E00, s5;
	s13 =	sadd.s32 $0x4800, s5  }
0x7: {  	s10 =	sand.u32 $0x1, s6;
	s18 =	sadd.s32 $0x5EE00, s5;
	s30 =	smul.u32 $0x50000, s3  }
0x8: {  	s8 =	sshll.u32 s3, $0x1;
	s14 =	smul.u32 $0x14000, s3;
	_ =	strace $0x8000004D  }
0x9: {  	s29 =	ssub.s32 $0x2, s10;
	s8 =	sor.u32 s10, s8;
	s22 =	smul.u32 $0x140000, s10  }
0xa: {  	s7 =	sshrl.u32 s29, $0x1;
	s31 =	sshrl.u32 s30, $0x2;
	s15 =	sadd.s32 $0x4000, s14  }
0xb: {  	s16 =	sadd.s32 $0x8000, s14;
	s11 =	smul.u32 $0x500, s8;
	s17 =	sadd.s32 $0xC000, s14  }
0xc: {  	s20 =	sadd.s32 $0x10000, s14;
	s21 =	smul.u32 $0x2800, s8;
	s19 =	ssub.s32 s29, s7  }
0xd: {  	s5 =	sadd.s32 s31, s1;
	s6 =	sadd.s32 s15, s1;
	s7 =	sadd.s32 s16, s1  }
0xe: {  	s8 =	sadd.s32 s17, s1;
	s9 =	sadd.s32 s20, s1;
	s14 =	sadd.s32 s14, s22  }
0xf: {  	s15 =	sadd.s32 s22, s15;
	s16 =	sadd.s32 s22, s16;
	s17 =	sadd.s32 s22, s17  }
0x10: {  	s20 =	sadd.s32 s22, s20;
	s22 =	simm.s32 $0x80;
	s10 =	sadd.s32 s12, s11  }
0x11: {  	s11 =	sadd.s32 s13, s11;
	s21 =	sshrl.u32 s21, $0x3;
	s14 =	sshrl.u32 s14, $0x3  }
0x12: {  	s15 =	sshrl.u32 s15, $0x3;
	s16 =	sshrl.u32 s16, $0x3;
	s17 =	sshrl.u32 s17, $0x3  }
0x13: {  	s20 =	sshrl.u32 s20, $0x3;
	s19 =	smax.u32 s19, $0x1;
	s21 =	sadd.s32 $0x280, s21  }
0x14: {  	s14 =	sadd.s32 s18, s14;
	s15 =	sadd.s32 s18, s15;
	s16 =	sadd.s32 s18, s16  }
0x15: {  	s17 =	sadd.s32 s18, s17;
	s18 =	sadd.s32 s18, s20;
	s20 =	simm.s32 $0x2800  }
0x16: {  	v0 =	vimm.f32 $0.0e+00;
	s12 =	sadd.s32 s12, s21;
	s13 =	sadd.s32 s13, s21;
	s21 =	simm.s32 $0x2  }
.LBB2_1:
0x17: {  	s25 =	simm.s32 $0x0;
	s26 =	simm.s32 $0x200  }
.LBB2_2:
0x18: {  	p0 =	sne.s32 s26, $0xFE00;
	[tilespmem:s25+$0x2870] =	vst v0  }
0x19: {  	[tilespmem:s25+$0x2800] =	vst v0  }
0x1a: {  	[tilespmem:s25+$0x2810] =	vst v0  }
.Ltmp0:
0x1b: {  	[tilespmem:s25+$0x2820] =	vst v0;
	(pc) =	sbr.rel @p0 .LBB2_2-.Ltmp0, $4  }
0x1c: {  	[tilespmem:s25+$0x2830] =	vst v0  }
0x1d: {  	[tilespmem:s25+$0x2840] =	vst v0  }
0x1e: {  	[tilespmem:s25+$0x2850] =	vst v0  }
0x1f: {  	[tilespmem:s25+$0x2860] =	vst v0;
	s25 =	sshra.s32 s26, $0x2;
	s26 =	sadd.s32 $0x200, s26  }
0x20: {  	[tilespmem:s25+$0x2870] =	vst v0  }
0x21: {  	[tilespmem:s25+$0x2800] =	vst v0  }
0x22: {  	[tilespmem:s25+$0x2810] =	vst v0  }
0x23: {  	[tilespmem:s25+$0x2820] =	vst v0  }
0x24: {  	[tilespmem:s25+$0x2830] =	vst v0  }
0x25: {  	[tilespmem:s25+$0x2840] =	vst v0  }
0x26: {  	[tilespmem:s25+$0x2850] =	vst v0  }
0x27: {  	[tilespmem:s25+$0x2860] =	vst v0  }
0x28: {  	[spmem:s5] =	stream.linear.scatter [tilespmem:s20], [sflag:$0x1], $0x4000, $0x38;
	[tilespmem:$0x1E800] =	vst v63  }
0x29: {  	_ = 	snop  }
0x2a: {  	[spmem:s6] =	stream.linear.scatter [tilespmem:s20], [sflag:$0x1], $0x4000, $0x38;
	[tilespmem:$0x1E800] =	vst v63  }
0x2b: {  	_ = 	snop  }
0x2c: {  	[spmem:s7] =	stream.linear.scatter [tilespmem:s20], [sflag:$0x1], $0x4000, $0x38;
	[tilespmem:$0x1E800] =	vst v63  }
0x2d: {  	_ = 	snop  }
0x2e: {  	[spmem:s8] =	stream.linear.scatter [tilespmem:s20], [sflag:$0x1], $0x4000, $0x38;
	[tilespmem:$0x1E800] =	vst v63  }
0x2f: {  	s30 =	simm.s32 $0x1  }
0x30: {  	[spmem:s9] =	stream.linear.scatter [tilespmem:s20], [sflag:$0x1], $0x4000, $0x38;
	[tilespmem:$0x1E800] =	vst v63  }
0x31: {  	_ =	swait.ge [sflag:s30], $0x4000  }
0x32: {  	[sflag:s30] =	ssyncset.done $0x0  }
0x33: {  	[sflag:s30] =	ssyncadd.s32 $0xFFFFC000  }
0x34: {  	_ =	swait.ge [sflag:s30], $0x4000  }
0x35: {  	[sflag:s30] =	ssyncset.done $0x0  }
0x36: {  	[sflag:s30] =	ssyncadd.s32 $0xFFFFC000  }
0x37: {  	_ =	swait.ge [sflag:s30], $0x4000  }
0x38: {  	[sflag:s30] =	ssyncset.done $0x0  }
0x39: {  	[sflag:s30] =	ssyncadd.s32 $0xFFFFC000  }
0x3a: {  	_ =	swait.ge [sflag:s30], $0x4000  }
0x3b: {  	[sflag:s30] =	ssyncset.done $0x0  }
0x3c: {  	[sflag:s30] =	ssyncadd.s32 $0xFFFFC000  }
0x3d: {  	_ =	swait.ge [sflag:s30], $0x4000  }
0x3e: {  	[sflag:s30] =	ssyncset.done $0x0  }
0x3f: {  	[sflag:s30] =	ssyncadd.s32 $0xFFFFC000  }
0x40: {  	[bflag:$0x0] =	sbarrier.arrive $0xFFFF  }
0x41: {  	[tilespmem:s2], [sflag:$0x2] =	stream.linear.gather [hbm4b:s10+s2], $0x1400, $0x38;
	[tilespmem:$0x1E800] =	vst v63  }
0x42: {  	_ =	swait.ge [sflag:s21], $0x1400  }
0x43: {  	[sflag:s21] =	ssyncset.done $0x0  }
0x44: {  	s28 =	simm.s32 $0x1400;
	[sflag:s21] =	ssyncadd.s32 $0xFFFFEC00  }
0x45: {  	[tilespmem:s28], [sflag:$0x2] =	stream.linear.gather [hbm4b:s11+s2], $0x1400, $0x38;
	[tilespmem:$0x1E800] =	vst v63  }
0x46: {  	s26 =	simm.s32 $0x0;
	_ =	swait.ge [sflag:s21], $0x1400  }
0x47: {  	s26 =	sand.u32 $0x1, s26;
	[sflag:s21] =	ssyncset.done $0x0  }
0x48: {  	s25 =	smin.u32 s30, $0x27;
	s29 =	sshll.u32 s26, $0xE;
	[sflag:s21] =	ssyncadd.s32 $0xFFFFEC00  }
0x49: {  	[tilespmem:s20], [sflag:$0x1] =	stream.indirect.gather [hbm4b:s4+s22], $0x80, s2, s22, $0xb8;
	[tilespmem:$0x1E800] =	vst v63  }
0x4a: {  	s25 =	sshll.u32 s25, $0x7;
	s26 =	sxor.u32 $0x6800, s29  }
0x4b: {  	[tilespmem:s26], [sflag:$0x1] =	stream.indirect.gather [hbm4b:s4+s22], $0x80, s25, s22, $0xb8;
	[tilespmem:$0x1E800] =	vst v63  }
0x4c: {  	_ =	swait.ge [sflag:s23], $0x4000  }
0x4d: {  	s31 =	simm.s32 $0x1;
	s29 =	sor.u32 $0x2800, s29;
	[sflag:s23] =	ssyncset.done $0x0  }
0x4e: {  	s30 =	simm.s32 $0x2;
	s26 =	simm.s32 $0x3;
	[sflag:s23] =	ssyncadd.s32 $0xFFFFC000  }
0x4f: {  	[spmem:s1] =	stream.indirect.scatter.add.f32 [tilespmem:s29], [sflag:$0x2], $0x80, s28, s22, $0xb8;
	[tilespmem:$0x1E800] =	vst v63  }
0x50: {  	s25 =	simm.s32 $0x1480;
	s28 =	sand.u32 $0x1, s31;
	_ =	swait.ge [sflag:s21], $0x4000  }
0x51: {  	s29 =	smin.u32 s30, $0x27;
	s28 =	sshll.u32 s28, $0xE;
	[sflag:s21] =	ssyncset.done $0x0  }
.LBB2_4:
0x52: {  	s30 =	sxor.u32 $0x6800, s28  }
0x53: {  	s29 =	sshll.u32 s29, $0x7;
	[sflag:s21] =	ssyncadd.s32 $0xFFFFC000;
	s31 =	smov.u32 s26  }
0x54: {  	[tilespmem:s30], [sflag:$0x1] =	stream.indirect.gather [hbm4b:s4+s22], $0x80, s29, s22, $0xb8;
	[tilespmem:$0x1E800] =	vst v63  }
0x55: {  	p0 =	sne.s32 s26, $0x28;
	s26 =	sadd.s32 $0x1, s26;
	_ =	swait.ge [sflag:s23], $0x4000  }
.Ltmp1:
0x56: {  	[sflag:s23] =	ssyncset.done $0x0;
	(pc) =	sbr.rel @p0 .LBB2_4-.Ltmp1, $4  }
0x57: {  	s28 =	sor.u32 $0x2800, s28;
	s29 =	sadd.s32 $0xFFFFFFFF, s31;
	[sflag:s23] =	ssyncadd.s32 $0xFFFFC000  }
0x58: {  	[spmem:s1] =	stream.indirect.scatter.add.f32 [tilespmem:s28], [sflag:$0x2], $0x80, s25, s22, $0xb8;
	[tilespmem:$0x1E800] =	vst v63  }
0x59: {  	s28 =	sand.u32 $0x1, s29;
	s25 =	sadd.s32 $0x80, s25;
	_ =	swait.ge [sflag:s21], $0x4000  }
0x5a: {  	s29 =	smin.u32 s31, $0x27;
	s28 =	sshll.u32 s28, $0xE;
	[sflag:s21] =	ssyncset.done $0x0  }
0x5b: {  	s26 =	sxor.u32 $0x6800, s28;
	s29 =	sshll.u32 s29, $0x7;
	[sflag:s21] =	ssyncadd.s32 $0xFFFFC000  }
0x5c: {  	[tilespmem:s26], [sflag:$0x1] =	stream.indirect.gather [hbm4b:s4+s22], $0x80, s29, s22, $0xb8;
	[tilespmem:$0x1E800] =	vst v63  }
0x5d: {  	_ =	swait.ge [sflag:s23], $0x4000  }
0x5e: {  	[sflag:s23] =	ssyncset.done $0x0  }
0x5f: {  	s30 =	sor.u32 $0x2800, s28;
	[sflag:s23] =	ssyncadd.s32 $0xFFFFC000  }
0x60: {  	[spmem:s1] =	stream.indirect.scatter.add.f32 [tilespmem:s30], [sflag:$0x2], $0x80, s25, s22, $0xb8;
	[tilespmem:$0x1E800] =	vst v63  }
0x61: {  	_ =	swait.ge [sflag:s21], $0x4000  }
0x62: {  	[sflag:s21] =	ssyncset.done $0x0  }
0x63: {  	s31 =	simm.s32 $0x1;
	[sflag:s21] =	ssyncadd.s32 $0xFFFFC000  }
0x64: {  	_ =	swait.ge [sflag:s31], $0x4000  }
0x65: {  	[sflag:s31] =	ssyncset.done $0x0  }
0x66: {  	[sflag:s31] =	ssyncadd.s32 $0xFFFFC000  }
0x67: {  	[tilespmem:s2], [sflag:$0x2] =	stream.linear.gather [hbm4b:s12+s2], $0x1400, $0x38;
	[tilespmem:$0x1E800] =	vst v63  }
0x68: {  	_ =	swait.ge [sflag:s21], $0x1400  }
0x69: {  	[sflag:s21] =	ssyncset.done $0x0  }
0x6a: {  	s28 =	simm.s32 $0x1400;
	[sflag:s21] =	ssyncadd.s32 $0xFFFFEC00  }
0x6b: {  	[tilespmem:s28], [sflag:$0x2] =	stream.linear.gather [hbm4b:s13+s2], $0x1400, $0x38;
	[tilespmem:$0x1E800] =	vst v63  }
0x6c: {  	s30 =	simm.s32 $0x0;
	_ =	swait.ge [sflag:s21], $0x1400  }
0x6d: {  	s26 =	sand.u32 $0x1, s30;
	[sflag:s21] =	ssyncset.done $0x0  }
0x6e: {  	s25 =	smin.u32 s31, $0x27;
	s29 =	sshll.u32 s26, $0xE;
	[sflag:s21] =	ssyncadd.s32 $0xFFFFEC00  }
0x6f: {  	[tilespmem:s20], [sflag:$0x1] =	stream.indirect.gather [hbm4b:s4+s22], $0x80, s2, s22, $0xb8;
	[tilespmem:$0x1E800] =	vst v63  }
0x70: {  	s25 =	sshll.u32 s25, $0x7;
	s26 =	sxor.u32 $0x6800, s29  }
0x71: {  	[tilespmem:s26], [sflag:$0x1] =	stream.indirect.gather [hbm4b:s4+s22], $0x80, s25, s22, $0xb8;
	[tilespmem:$0x1E800] =	vst v63  }
0x72: {  	_ =	swait.ge [sflag:s23], $0x4000  }
0x73: {  	s30 =	simm.s32 $0x2;
	s29 =	sor.u32 $0x2800, s29;
	[sflag:s23] =	ssyncset.done $0x0  }
0x74: {  	s31 =	simm.s32 $0x1;
	s26 =	simm.s32 $0x3;
	[sflag:s23] =	ssyncadd.s32 $0xFFFFC000  }
0x75: {  	[spmem:s1] =	stream.indirect.scatter.add.f32 [tilespmem:s29], [sflag:$0x2], $0x80, s28, s22, $0xb8;
	[tilespmem:$0x1E800] =	vst v63  }
0x76: {  	s25 =	simm.s32 $0x1480;
	s28 =	sand.u32 $0x1, s31;
	_ =	swait.ge [sflag:s21], $0x4000  }
0x77: {  	s29 =	smin.u32 s30, $0x27;
	s28 =	sshll.u32 s28, $0xE;
	[sflag:s21] =	ssyncset.done $0x0  }
.LBB2_6:
0x78: {  	s30 =	sxor.u32 $0x6800, s28  }
0x79: {  	s29 =	sshll.u32 s29, $0x7;
	[sflag:s21] =	ssyncadd.s32 $0xFFFFC000;
	s31 =	smov.u32 s26  }
0x7a: {  	[tilespmem:s30], [sflag:$0x1] =	stream.indirect.gather [hbm4b:s4+s22], $0x80, s29, s22, $0xb8;
	[tilespmem:$0x1E800] =	vst v63  }
0x7b: {  	p0 =	sne.s32 s26, $0x28;
	s26 =	sadd.s32 $0x1, s26;
	_ =	swait.ge [sflag:s23], $0x4000  }
.Ltmp2:
0x7c: {  	[sflag:s23] =	ssyncset.done $0x0;
	(pc) =	sbr.rel @p0 .LBB2_6-.Ltmp2, $4  }
0x7d: {  	s28 =	sor.u32 $0x2800, s28;
	s29 =	sadd.s32 $0xFFFFFFFF, s31;
	[sflag:s23] =	ssyncadd.s32 $0xFFFFC000  }
0x7e: {  	[spmem:s1] =	stream.indirect.scatter.add.f32 [tilespmem:s28], [sflag:$0x2], $0x80, s25, s22, $0xb8;
	[tilespmem:$0x1E800] =	vst v63  }
0x7f: {  	s28 =	sand.u32 $0x1, s29;
	s25 =	sadd.s32 $0x80, s25;
	_ =	swait.ge [sflag:s21], $0x4000  }
0x80: {  	s29 =	smin.u32 s31, $0x27;
	s28 =	sshll.u32 s28, $0xE;
	[sflag:s21] =	ssyncset.done $0x0  }
0x81: {  	s26 =	sxor.u32 $0x6800, s28;
	s29 =	sshll.u32 s29, $0x7;
	[sflag:s21] =	ssyncadd.s32 $0xFFFFC000  }
0x82: {  	[tilespmem:s26], [sflag:$0x1] =	stream.indirect.gather [hbm4b:s4+s22], $0x80, s29, s22, $0xb8;
	[tilespmem:$0x1E800] =	vst v63  }
0x83: {  	_ =	swait.ge [sflag:s23], $0x4000  }
0x84: {  	[sflag:s23] =	ssyncset.done $0x0  }
0x85: {  	s29 =	sor.u32 $0x2800, s28;
	[sflag:s23] =	ssyncadd.s32 $0xFFFFC000  }
0x86: {  	[spmem:s1] =	stream.indirect.scatter.add.f32 [tilespmem:s29], [sflag:$0x2], $0x80, s25, s22, $0xb8;
	[tilespmem:$0x1E800] =	vst v63  }
0x87: {  	_ =	swait.ge [sflag:s21], $0x4000  }
0x88: {  	[sflag:s21] =	ssyncset.done $0x0  }
0x89: {  	[sflag:s21] =	ssyncadd.s32 $0xFFFFC000  }
0x8a: {  	_ =	swait.ge [sflag:s23], $0x4000  }
0x8b: {  	[sflag:s23] =	ssyncset.done $0x0  }
0x8c: {  	s30 =	sshll.u32 s3, $0x6;
	s31 =	sshrl.u32 s5, $0x3;
	[sflag:s23] =	ssyncadd.s32 $0xFFFFC000  }
0x8d: {  	s28 =	sshrl.u32 s6, $0x3;
	s25 =	sor.u32 $0x1C01, s30;
	[bflag:$0x0] =	sbarrier.arrive $0xFFFF  }
0x8e: {  	[hbm:s14], [sflag:s25] =	dma.local [spmem:s31], $0x800  }
0x8f: {  	s29 =	sshrl.u32 s7, $0x3;
	s30 =	sshrl.u32 s8, $0x3;
	s31 =	sshrl.u32 s9, $0x3  }
0x90: {  	[hbm:s15], [sflag:s25] =	dma.local [spmem:s28], $0x800  }
0x91: {  	[hbm:s16], [sflag:s25] =	dma.local [spmem:s29], $0x800  }
0x92: {  	[hbm:s17], [sflag:s25] =	dma.local [spmem:s30], $0x800  }
0x93: {  	[hbm:s18], [sflag:s25] =	dma.local [spmem:s31], $0x800  }
0x94: {  	_ =	swait.ge [sflag:s23], $0x800  }
0x95: {  	[sflag:s23] =	ssyncset.done $0x0  }
0x96: {  	[sflag:s23] =	ssyncadd.s32 $0xFFFFF800  }
0x97: {  	_ =	swait.ge [sflag:s23], $0x800  }
0x98: {  	[sflag:s23] =	ssyncset.done $0x0  }
0x99: {  	[sflag:s23] =	ssyncadd.s32 $0xFFFFF800  }
0x9a: {  	_ =	swait.ge [sflag:s23], $0x800  }
0x9b: {  	[sflag:s23] =	ssyncset.done $0x0  }
0x9c: {  	s24 =	sadd.s32 $0x1, s24;
	[sflag:s23] =	ssyncadd.s32 $0xFFFFF800  }
0x9d: {  	p0 =	sne.s32 s24, s19;
	_ =	swait.ge [sflag:s23], $0x800  }
.Ltmp3:
0x9e: {  	[sflag:s23] =	ssyncset.done $0x0;
	(pc) =	sbr.rel @p0 .LBB2_1-.Ltmp3, $4  }
0x9f: {  	[sflag:s23] =	ssyncadd.s32 $0xFFFFF800  }
0xa0: {  	_ =	swait.ge [sflag:s23], $0x800  }
0xa1: {  	[sflag:s23] =	ssyncset.done $0x0  }
0xa2: {  	[sflag:s23] =	ssyncadd.s32 $0xFFFFF800  }
0xa3: {  	_ =	sfence.sel $0x180000  }
0xa4: {  	[bflag:$0x0] =	sbarrier.arrive $0xFFFF  }
0xa5: {  	p0 =	sne.s32 s3, $0x0;
	_ =	strace $0x9000004D  }
0xa6: {  	s0 =	sadd.s32 @!p0 $0x100000, s0;
	[bflag:$0x2] =	sbarrier.arrive $0xFFFF  }
0xa7: {  	[sflag:s0] =	ssyncadd.tile.s32 @!p0 $0x1;
	_ =	shalt  }
.Lfunc_end2:
_tile_overlayer_lowered:
.L_overlay_start_2:
0xa8: {  	(tag) =	ssettag $0x2  }
0xa9: {  	s0 =	rddreg [dreg:$0x0];
	s2 =	stileid.u32  }
0xaa: {  	s1 =	rddreg [dreg:$0x1];
	p0 =	sne.s32 s2, $0x0  }
0xab: {  	s3 =	rddreg [dreg:$0x2];
	[bflag:$0x3] =	sbarrier.arrive $0xFFFF;
	s2 =	simm.s32 @!p0 $0x1C02  }
0xac: {  	[timem:s3], [sflag:s2] =	dma.local @!p0 [hbm:s0], s1  }
0xad: {  	s0 =	simm.s32 @!p0 $0x2  }
0xae: {  	_ =	swait.ge @!p0 [sflag:s0], s1  }
0xaf: {  	s1 =	ssub.s32 @!p0 $0x0, s1;
	[sflag:s0] =	ssyncset.done @!p0 $0x0  }
0xb0: {  	[sflag:s0] =	ssyncadd.s32 @!p0 s1  }
0xb1: {  	[bflag:$0x3] =	sbarrier.arrive $0xFFFF  }
0xb2: {  	_ =	shalt  }

// kernel: kernel.20.cloned.1.call-start
scs
__scs_entry_jumppad:
0x0: {  	(pc) =	sbr.rel $0x88, $3  }
0x1: {  	(tag) =	ssettag $0x0;
	lr =	simm.s32 $0x1  }
0x2: {  	[smem:$0x3F98] =	sst lr;
	_ =	strace $0xD0000000  }
0x3: {  	_ = 	snop  }
0x4: {  	_ = 	snop  }
0x5: {  	_ = 	snop  }
0x6: {  	_ = 	snop  }
0x7: {  	_ = 	snop  }
__scs_overlays_trampoline_lowered:
0x8: {  	[smem:$0x3FA7] =	sst s0  }
0x9: {  	[smem:$0x3FA8] =	sst s1  }
0xa: {  	[smem:$0x3FA9] =	sst s2  }
0xb: {  	[smem:$0x3FAA] =	sst s3  }
0xc: {  	[smem:$0x3FAB] =	sst s4  }
0xd: {  	[smem:$0x3FAC] =	sst s5  }
0xe: {  	[smem:$0x3FAD] =	sst s6  }
0xf: {  	[smem:$0x3FAE] =	sst s7  }
0x10: {  	[smem:$0x3FAF] =	sst s8  }
0x11: {  	[smem:$0x3FB0] =	sst s9;
	s0 =	simm.s32 @!p0 $0x0  }
0x12: {  	s1 =	sld [smem:$0x3F96];
	s0 =	simm.s32 @p0 $0x1  }
0x13: {  	[smem:$0x3FB1] =	sst s0;
	s0 =	simm.s32 @!p1 $0x0  }
0x14: {  	s2 =	sld [smem:$0x3F95];
	s0 =	simm.s32 @p1 $0x1  }
0x15: {  	[smem:$0x3FB2] =	sst s0;
	s0 =	simm.s32 @!p2 $0x0  }
0x16: {  	s3 =	sld [smem:$0x3FDB];
	s0 =	simm.s32 @p2 $0x1  }
0x17: {  	s4 =	simm.s32 $0x1BF5;
	[smem:$0x3FB4] =	sst s0  }
0x18: {  	s0 =	sld [smem:$0x3F97];
	_ =	swait.ge [sflag:s4], $0x0  }
0x19: {  	s7 =	sld [smem:$0x3F98]  }
0x1a: {  	s8 =	sadd.s32 $0xFFFFE003, lr  }
0x1b: {  	s9 =	sadd.s32 $0xFFFFFEF7, lr;
	s5 =	simm.s32 $0xFFFFFFFF;
	p2 =	slt.u32 s8, $0xFFFFF086  }
0x1c: {  	p1 =	slt.u32 s9, $0xF7A;
	s5 =	simm.s32 @!p2 $0x0  }
0x1d: {  	s5 =	simm.s32 @p1 $0x1;
	p0 =	seq.s32 s7, s2  }
0x1e: {  	s7 =	smul.u32 @!p0 $0xF7A, s2;
	p2 =	seq.s32 @!p0 s5, $0x0  }
0x1f: {  	s9 =	smul.u32 $0xF7A, s1;
	s8 =	simm.s32 @!p0 $0x1BF5;
	p2 =	por !p2, p0  }
0x20: {  	[sflag:s8] =	ssyncset.s32 @!p0 $0xFFFFF086;
	s6 =	sadd.s32 @!p0 s3, s7;
	s7 =	simm.s32 @!p0 $0x108  }
0x21: {  	s3 =	sadd.s32 s3, s9;
	s6 =	sadd.s32 @!p0 $0x88, s6;
	s7 =	simm.s32 @p2 $0x1082  }
0x22: {  	[simem:s7], [sflag:s8] =	dma.local @!p0 [hbm:s6], $0xF7A  }
0x23: {  	s9 =	sor.u32 $0xD0000000, s2;
	s6 =	simm.s32 $0x108;
	_ =	swait.ge @!p0 [sflag:s8], $0x0  }
0x24: {  	s3 =	sadd.s32 $0x88, s3;
	s6 =	simm.s32 @!p1 $0x1082;
	[sflag:s4] =	ssyncset.s32 $0xFFFFF086  }
0x25: {  	[simem:s6], [sflag:s4] =	dma.local [hbm:s3], $0xF7A  }
0x26: {  	[smem:$0x3F98] =	sst s1;
	(tag) =	ssettag s2;
	_ =	strace s9  }
0x27: {  	s1 =	sld [smem:$0x3FA8]  }
0x28: {  	s2 =	sld [smem:$0x3FA9]  }
0x29: {  	s4 =	sld [smem:$0x3FAB]  }
0x2a: {  	p0 =	seq.s32 s5, $0x0;
	s5 =	sld [smem:$0x3FAC]  }
0x2b: {  	s6 =	sld [smem:$0x3FAD]  }
0x2c: {  	s7 =	sld [smem:$0x3FAE]  }
0x2d: {  	s3 =	simm.s32 $0x108;
	s8 =	sld [smem:$0x3FAF]  }
0x2e: {  	s3 =	simm.s32 @!p0 $0x1082;
	s9 =	sld [smem:$0x3FB0]  }
0x2f: {  	lr =	sadd.s32 s0, s3;
	s0 =	sld [smem:$0x3FA7]  }
0x30: {  	s3 =	sld [smem:$0x3FAA]  }
0x31: {  	[smem:$0x3FB3] =	sst s10  }
0x32: {  	s10 =	sld [smem:$0x3FB1];
	_ =	sdelay $0x3  }
0x33: {  	p0 =	seq.s32 s10, $0x1;
	s10 =	sld [smem:$0x3FB3];
	_ =	sdelay $0x3  }
0x34: {  	[smem:$0x3FB3] =	sst s10  }
0x35: {  	s10 =	sld [smem:$0x3FB2];
	_ =	sdelay $0x3  }
0x36: {  	p1 =	seq.s32 s10, $0x1;
	s10 =	sld [smem:$0x3FB3];
	_ =	sdelay $0x3  }
0x37: {  	[smem:$0x3FB3] =	sst s10  }
0x38: {  	s10 =	sld [smem:$0x3FB4]  }
0x39: {  	_ = 	snop;
	(pc) =	sbr.ind lr, $3  }
0x3a: {  	_ = 	snop  }
0x3b: {  	_ = 	snop  }
0x3c: {  	p2 =	seq.s32 s10, $0x1;
	s10 =	sld [smem:$0x3FB3]  }
0x3d: {  	_ =	shalt  }
0x3e: {  	_ =	shalt  }
0x3f: {  	_ =	shalt  }
0x40: {  	_ =	shalt  }
0x41: {  	_ =	shalt  }
0x42: {  	_ =	shalt  }
0x43: {  	_ =	shalt  }
0x44: {  	_ =	shalt  }
0x45: {  	_ =	shalt  }
0x46: {  	_ =	shalt  }
0x47: {  	_ =	shalt  }
0x48: {  	_ =	shalt  }
0x49: {  	_ =	shalt  }
0x4a: {  	_ =	shalt  }
0x4b: {  	_ =	shalt  }
0x4c: {  	_ =	shalt  }
0x4d: {  	_ =	shalt  }
0x4e: {  	_ =	shalt  }
0x4f: {  	_ =	shalt  }
0x50: {  	_ =	shalt  }
0x51: {  	_ =	shalt  }
0x52: {  	_ =	shalt  }
0x53: {  	_ =	shalt  }
0x54: {  	_ =	shalt  }
0x55: {  	_ =	shalt  }
0x56: {  	_ =	shalt  }
0x57: {  	_ =	shalt  }
0x58: {  	_ =	shalt  }
0x59: {  	_ =	shalt  }
0x5a: {  	_ =	shalt  }
0x5b: {  	_ =	shalt  }
0x5c: {  	_ =	shalt  }
0x5d: {  	_ =	shalt  }
0x5e: {  	_ =	shalt  }
0x5f: {  	_ =	shalt  }
0x60: {  	_ =	shalt  }
0x61: {  	_ =	shalt  }
0x62: {  	_ =	shalt  }
0x63: {  	_ =	shalt  }
0x64: {  	_ =	shalt  }
0x65: {  	_ =	shalt  }
0x66: {  	_ =	shalt  }
0x67: {  	_ =	shalt  }
0x68: {  	_ =	shalt  }
0x69: {  	_ =	shalt  }
0x6a: {  	_ =	shalt  }
0x6b: {  	_ =	shalt  }
0x6c: {  	_ =	shalt  }
0x6d: {  	_ =	shalt  }
0x6e: {  	_ =	shalt  }
0x6f: {  	_ =	shalt  }
0x70: {  	_ =	shalt  }
0x71: {  	_ =	shalt  }
0x72: {  	_ =	shalt  }
0x73: {  	_ =	shalt  }
0x74: {  	_ =	shalt  }
0x75: {  	_ =	shalt  }
0x76: {  	_ =	shalt  }
0x77: {  	_ =	shalt  }
0x78: {  	_ =	shalt  }
0x79: {  	_ =	shalt  }
0x7a: {  	_ =	shalt  }
0x7b: {  	_ =	shalt  }
0x7c: {  	_ =	shalt  }
0x7d: {  	_ =	shalt  }
0x7e: {  	_ =	shalt  }
0x7f: {  	_ =	shalt  }
0x80: {  	_ =	shalt  }
0x81: {  	_ =	shalt  }
0x82: {  	_ =	shalt  }
0x83: {  	_ =	shalt  }
0x84: {  	_ =	shalt  }
0x85: {  	_ =	shalt  }
0x86: {  	_ =	shalt  }
0x87: {  	_ =	shalt  }
.Lfunc_end0:
.L_simem_size_0:
called_computation.3_lowered:
.L_overlay_start_0:
0x88: {  	s2 =	sld [smem:$0x3FD9]  }
0x89: {  	s3 =	sld [smem:$0x3FFE];
	_ =	sdelay $0x1  }
0x8a: {  	s1 =	srdreg.scid  }
0x8b: {  	s0 =	sand.u32 $0x1, s1  }
0x8c: {  	s17 =	sshll.u32 s0, $0xA;
	s2 =	sadd.s32 s3, s2  }
0x8d: {  	s2 =	sadd.s32 s2, s17  }
0x8e: {  	[smem:$0x3FBF] =	sst s2  }
0x8f: {  	_ = 	snop  }
0x90: {  	s2 =	sld [smem:$0x3FD0];
	(tm) =	ssettm $0x1  }
0x91: {  	s18 =	sld [smem:$0x3FFB];
	_ =	sdelay $0x3  }
0x92: {  	_ =	strace s18  }
0x93: {  	s3 =	sld [smem:$0x3FFC];
	_ =	sdelay $0x3  }
0x94: {  	_ =	strace s3  }
0x95: {  	s3 =	sld [smem:$0x3FFD];
	_ =	sdelay $0x3  }
0x96: {  	_ =	strace s3  }
0x97: {  	_ =	strace $0x8FFFFFFF  }
0x98: {  	s19 =	sld [smem:$0x3FDB];
	_ =	sdelay $0x1  }
0x99: {  	s4 =	simm.s32 $_scs_section_size  }
0x9a: {  	s5 =	simm.s32 $_size__tile_overlayer_lowered;
	s6 =	simm.s32 $_tile_overlayer_lowered  }
0x9b: {  	s22 =	simm.s32 $0x1BFF;
	s21 =	sshll.u32 s6, $0x1;
	s3 =	sadd.s32 s4, s19  }
0x9c: {  	s7 =	simm.s32 $0x0;
	s20 =	sshll.u32 s5, $0x1;
	s5 =	sadd.s32 s21, s3  }
0x9d: {  	[timem:s7], [sflag:s22] =	dma.local [hbm:s5], s20  }
0x9e: {  	_ =	swait.ge [sflag:s22], s20  }
0x9f: {  	s4 =	ssub.s32 $0x0, s20;
	[sflag:s22] =	ssyncset.done $0x0  }
0xa0: {  	[sflag:s22] =	ssyncadd.s32 s4;
	_ =	sdelay $0x1  }
0xa1: {  	s23 =	simm.s32 $0x1B8B  }
0xa2: {  	_ =	swait.ge [sflag:s23], $0x1  }
0xa3: {  	[sflag:s23] =	ssyncset.done $0x0  }
0xa4: {  	s25 =	simm.s32 $0x1B8E;
	s24 =	sld [smem:$0x3FFE];
	[sflag:s23] =	ssyncadd.s32 $0xFFFFFFFF  }
0xa5: {  	s26 =	simm.s32 $execute0_lowered;
	[smem:$0x3FD2] =	sst s25  }
0xa6: {  	s5 =	sshll.u32 s26, $0x1;
	_ =	strace $0x8000004F;
	[dreg:$0x1] =	wrdreg $0xFFFFFFFF  }
0xa7: {  	s28 =	simm.s32 $_size_execute0_lowered;
	s3 =	sadd.s32 s3, s5;
	[dreg:$0x0] =	wrdreg $0x0  }
0xa8: {  	s5 =	sshll.u32 s28, $0x1;
	[dreg:$0x2] =	wrdreg s3  }
0xa9: {  	[dreg:$0x3] =	wrdreg s5  }
0xaa: {  	[dreg:$0x4] =	wrdreg $0xC0  }
0xab: {  	_ =	task [dreg:s7], $0x5FFFF  }
0xac: {  	[dreg:$0x1] =	wrdreg $0xFFFFFFFF  }
0xad: {  	[dreg:$0x0] =	wrdreg $0x60  }
0xae: {  	[dreg:$0x2] =	wrdreg s24  }
0xaf: {  	[dreg:$0x3] =	wrdreg s2  }
0xb0: {  	[dreg:$0x4] =	wrdreg $0xA8000  }
0xb1: {  	[dreg:$0x5] =	wrdreg $0x9  }
0xb2: {  	_ =	task.clear_ibuf [dreg:s7], $0x6FFFF;
	_ =	strace $0x9000004F  }
0xb3: {  	s29 =	simm.s32 $0x9;
	_ =	strace $0x80000051  }
0xb4: {  	_ =	swait.ge [sflag:s29], $0x1  }
0xb5: {  	[sflag:s29] =	ssyncadd.s32 $0xFFFFFFFF  }
0xb6: {  	_ =	strace $0x90000051  }
0xb7: {  	_ =	sfence  }
0xb8: {  	s30 =	sld [smem:$0x0];
	_ =	sdelay $0x2  }
0xb9: {  	s31 =	sshll.u32 s1, $0xD;
	s1 =	sshrl.u32 s1, $0x2  }
0xba: {  	s3 =	sand.u32 $0x4000, s31;
	s1 =	sadd.s32 s1, s30  }
0xbb: {  	s0 =	sor.u32 s3, s0;
	s1 =	sshll.u32 s1, $0x11  }
0xbc: {  	s0 =	sor.u32 s1, s0  }
0xbd: {  	s0 =	sadd.s32 $0x8F2B, s0  }
0xbe: {  	[sflag:s0] =	ssyncadd.remote.s32 $0x1  }
0xbf: {  	_ =	sfence.sel $0xFFFF  }
0xc0: {  	[dreg:$0x0] =	wrdreg $0xFFFFFFFF;
	(pc) =	sbr.abs _section_cstart, $3  }
0xc1: {  	[dreg:$0x1] =	wrdreg $0xFFFFFFFF  }
0xc2: {  	_ =	task.clear_ibuf [dreg:s7], $0x2FFFF;
	_ =	strace $0x9FFFFFFF  }
0xc3: {  	(tm) =	ssettm $0x7FFFFFFF  }
tec
execute0_lowered:
.L_overlay_start_1:
0x0: {  	(tag) =	ssettag $0x1  }
0x1: {  	s5 =	rddreg [dreg:$0x0]  }
0x2: {  	s13 =	rddreg [dreg:$0x1]  }
0x3: {  	s1 =	rddreg [dreg:$0x2]  }
0x4: {  	s0 =	rddreg [dreg:$0x3];
	s2 =	simm.s32 $0x0;
	s6 =	srdreg.scid  }
0x5: {  	s3 =	stileid.u32;
	s23 =	simm.s32 $0x1;
	s24 =	simm.s32 $0x0  }
0x6: {  	[smem:$0x7FF] =	sst s2;
	s4 =	sadd.s32 $0xEE00, s5;
	s12 =	sadd.s32 $0x4800, s5  }
0x7: {  	s10 =	sand.u32 $0x1, s6;
	s18 =	sadd.s32 $0x36E00, s5;
	s30 =	smul.u32 $0x50000, s3  }
0x8: {  	s8 =	sshll.u32 s3, $0x1;
	s14 =	smul.u32 $0x14000, s3;
	_ =	strace $0x80000050  }
0x9: {  	s29 =	ssub.s32 $0x2, s10;
	s8 =	sor.u32 s10, s8;
	s22 =	smul.u32 $0x140000, s10  }
0xa: {  	s7 =	sshrl.u32 s29, $0x1;
	s31 =	sshrl.u32 s30, $0x2;
	s15 =	sadd.s32 $0x4000, s14  }
0xb: {  	s16 =	sadd.s32 $0x8000, s14;
	s11 =	smul.u32 $0x500, s8;
	s17 =	sadd.s32 $0xC000, s14  }
0xc: {  	s20 =	sadd.s32 $0x10000, s14;
	s21 =	smul.u32 $0x2800, s8;
	s19 =	ssub.s32 s29, s7  }
0xd: {  	s5 =	sadd.s32 s31, s1;
	s6 =	sadd.s32 s15, s1;
	s7 =	sadd.s32 s16, s1  }
0xe: {  	s8 =	sadd.s32 s17, s1;
	s9 =	sadd.s32 s20, s1;
	s14 =	sadd.s32 s14, s22  }
0xf: {  	s15 =	sadd.s32 s22, s15;
	s16 =	sadd.s32 s22, s16;
	s17 =	sadd.s32 s22, s17  }
0x10: {  	s20 =	sadd.s32 s22, s20;
	s22 =	simm.s32 $0x80;
	s10 =	sadd.s32 s12, s11  }
0x11: {  	s11 =	sadd.s32 s13, s11;
	s21 =	sshrl.u32 s21, $0x3;
	s14 =	sshrl.u32 s14, $0x3  }
0x12: {  	s15 =	sshrl.u32 s15, $0x3;
	s16 =	sshrl.u32 s16, $0x3;
	s17 =	sshrl.u32 s17, $0x3  }
0x13: {  	s20 =	sshrl.u32 s20, $0x3;
	s19 =	smax.u32 s19, $0x1;
	s21 =	sadd.s32 $0x280, s21  }
0x14: {  	s14 =	sadd.s32 s18, s14;
	s15 =	sadd.s32 s18, s15;
	s16 =	sadd.s32 s18, s16  }
0x15: {  	s17 =	sadd.s32 s18, s17;
	s18 =	sadd.s32 s18, s20;
	s20 =	simm.s32 $0x2800  }
0x16: {  	v0 =	vimm.f32 $0.0e+00;
	s12 =	sadd.s32 s12, s21;
	s13 =	sadd.s32 s13, s21;
	s21 =	simm.s32 $0x2  }
.LBB2_1:
0x17: {  	s25 =	simm.s32 $0x0;
	s26 =	simm.s32 $0x200  }
.LBB2_2:
0x18: {  	p0 =	sne.s32 s26, $0xFE00;
	[tilespmem:s25+$0x2870] =	vst v0  }
0x19: {  	[tilespmem:s25+$0x2800] =	vst v0  }
0x1a: {  	[tilespmem:s25+$0x2810] =	vst v0  }
.Ltmp0:
0x1b: {  	[tilespmem:s25+$0x2820] =	vst v0;
	(pc) =	sbr.rel @p0 .LBB2_2-.Ltmp0, $4  }
0x1c: {  	[tilespmem:s25+$0x2830] =	vst v0  }
0x1d: {  	[tilespmem:s25+$0x2840] =	vst v0  }
0x1e: {  	[tilespmem:s25+$0x2850] =	vst v0  }
0x1f: {  	[tilespmem:s25+$0x2860] =	vst v0;
	s25 =	sshra.s32 s26, $0x2;
	s26 =	sadd.s32 $0x200, s26  }
0x20: {  	[tilespmem:s25+$0x2870] =	vst v0  }
0x21: {  	[tilespmem:s25+$0x2800] =	vst v0  }
0x22: {  	[tilespmem:s25+$0x2810] =	vst v0  }
0x23: {  	[tilespmem:s25+$0x2820] =	vst v0  }
0x24: {  	[tilespmem:s25+$0x2830] =	vst v0  }
0x25: {  	[tilespmem:s25+$0x2840] =	vst v0  }
0x26: {  	[tilespmem:s25+$0x2850] =	vst v0  }
0x27: {  	[tilespmem:s25+$0x2860] =	vst v0  }
0x28: {  	[spmem:s5] =	stream.linear.scatter [tilespmem:s20], [sflag:$0x1], $0x4000, $0x38;
	[tilespmem:$0x1E800] =	vst v63  }
0x29: {  	_ = 	snop  }
0x2a: {  	[spmem:s6] =	stream.linear.scatter [tilespmem:s20], [sflag:$0x1], $0x4000, $0x38;
	[tilespmem:$0x1E800] =	vst v63  }
0x2b: {  	_ = 	snop  }
0x2c: {  	[spmem:s7] =	stream.linear.scatter [tilespmem:s20], [sflag:$0x1], $0x4000, $0x38;
	[tilespmem:$0x1E800] =	vst v63  }
0x2d: {  	_ = 	snop  }
0x2e: {  	[spmem:s8] =	stream.linear.scatter [tilespmem:s20], [sflag:$0x1], $0x4000, $0x38;
	[tilespmem:$0x1E800] =	vst v63  }
0x2f: {  	s30 =	simm.s32 $0x1  }
0x30: {  	[spmem:s9] =	stream.linear.scatter [tilespmem:s20], [sflag:$0x1], $0x4000, $0x38;
	[tilespmem:$0x1E800] =	vst v63  }
0x31: {  	_ =	swait.ge [sflag:s30], $0x4000  }
0x32: {  	[sflag:s30] =	ssyncset.done $0x0  }
0x33: {  	[sflag:s30] =	ssyncadd.s32 $0xFFFFC000  }
0x34: {  	_ =	swait.ge [sflag:s30], $0x4000  }
0x35: {  	[sflag:s30] =	ssyncset.done $0x0  }
0x36: {  	[sflag:s30] =	ssyncadd.s32 $0xFFFFC000  }
0x37: {  	_ =	swait.ge [sflag:s30], $0x4000  }
0x38: {  	[sflag:s30] =	ssyncset.done $0x0  }
0x39: {  	[sflag:s30] =	ssyncadd.s32 $0xFFFFC000  }
0x3a: {  	_ =	swait.ge [sflag:s30], $0x4000  }
0x3b: {  	[sflag:s30] =	ssyncset.done $0x0  }
0x3c: {  	[sflag:s30] =	ssyncadd.s32 $0xFFFFC000  }
0x3d: {  	_ =	swait.ge [sflag:s30], $0x4000  }
0x3e: {  	[sflag:s30] =	ssyncset.done $0x0  }
0x3f: {  	[sflag:s30] =	ssyncadd.s32 $0xFFFFC000  }
0x40: {  	[bflag:$0x0] =	sbarrier.arrive $0xFFFF  }
0x41: {  	[tilespmem:s2], [sflag:$0x2] =	stream.linear.gather [hbm4b:s10+s2], $0x1400, $0x38;
	[tilespmem:$0x1E800] =	vst v63  }
0x42: {  	_ =	swait.ge [sflag:s21], $0x1400  }
0x43: {  	[sflag:s21] =	ssyncset.done $0x0  }
0x44: {  	s28 =	simm.s32 $0x1400;
	[sflag:s21] =	ssyncadd.s32 $0xFFFFEC00  }
0x45: {  	[tilespmem:s28], [sflag:$0x2] =	stream.linear.gather [hbm4b:s11+s2], $0x1400, $0x38;
	[tilespmem:$0x1E800] =	vst v63  }
0x46: {  	s26 =	simm.s32 $0x0;
	_ =	swait.ge [sflag:s21], $0x1400  }
0x47: {  	s26 =	sand.u32 $0x1, s26;
	[sflag:s21] =	ssyncset.done $0x0  }
0x48: {  	s25 =	smin.u32 s30, $0x27;
	s29 =	sshll.u32 s26, $0xE;
	[sflag:s21] =	ssyncadd.s32 $0xFFFFEC00  }
0x49: {  	[tilespmem:s20], [sflag:$0x1] =	stream.indirect.gather [hbm4b:s4+s22], $0x80, s2, s22, $0xb8;
	[tilespmem:$0x1E800] =	vst v63  }
0x4a: {  	s25 =	sshll.u32 s25, $0x7;
	s26 =	sxor.u32 $0x6800, s29  }
0x4b: {  	[tilespmem:s26], [sflag:$0x1] =	stream.indirect.gather [hbm4b:s4+s22], $0x80, s25, s22, $0xb8;
	[tilespmem:$0x1E800] =	vst v63  }
0x4c: {  	_ =	swait.ge [sflag:s23], $0x4000  }
0x4d: {  	s31 =	simm.s32 $0x1;
	s29 =	sor.u32 $0x2800, s29;
	[sflag:s23] =	ssyncset.done $0x0  }
0x4e: {  	s30 =	simm.s32 $0x2;
	s26 =	simm.s32 $0x3;
	[sflag:s23] =	ssyncadd.s32 $0xFFFFC000  }
0x4f: {  	[spmem:s1] =	stream.indirect.scatter.add.f32 [tilespmem:s29], [sflag:$0x2], $0x80, s28, s22, $0xb8;
	[tilespmem:$0x1E800] =	vst v63  }
0x50: {  	s25 =	simm.s32 $0x1480;
	s28 =	sand.u32 $0x1, s31;
	_ =	swait.ge [sflag:s21], $0x4000  }
0x51: {  	s29 =	smin.u32 s30, $0x27;
	s28 =	sshll.u32 s28, $0xE;
	[sflag:s21] =	ssyncset.done $0x0  }
.LBB2_4:
0x52: {  	s30 =	sxor.u32 $0x6800, s28  }
0x53: {  	s29 =	sshll.u32 s29, $0x7;
	[sflag:s21] =	ssyncadd.s32 $0xFFFFC000;
	s31 =	smov.u32 s26  }
0x54: {  	[tilespmem:s30], [sflag:$0x1] =	stream.indirect.gather [hbm4b:s4+s22], $0x80, s29, s22, $0xb8;
	[tilespmem:$0x1E800] =	vst v63  }
0x55: {  	p0 =	sne.s32 s26, $0x28;
	s26 =	sadd.s32 $0x1, s26;
	_ =	swait.ge [sflag:s23], $0x4000  }
.Ltmp1:
0x56: {  	[sflag:s23] =	ssyncset.done $0x0;
	(pc) =	sbr.rel @p0 .LBB2_4-.Ltmp1, $4  }
0x57: {  	s28 =	sor.u32 $0x2800, s28;
	s29 =	sadd.s32 $0xFFFFFFFF, s31;
	[sflag:s23] =	ssyncadd.s32 $0xFFFFC000  }
0x58: {  	[spmem:s1] =	stream.indirect.scatter.add.f32 [tilespmem:s28], [sflag:$0x2], $0x80, s25, s22, $0xb8;
	[tilespmem:$0x1E800] =	vst v63  }
0x59: {  	s28 =	sand.u32 $0x1, s29;
	s25 =	sadd.s32 $0x80, s25;
	_ =	swait.ge [sflag:s21], $0x4000  }
0x5a: {  	s29 =	smin.u32 s31, $0x27;
	s28 =	sshll.u32 s28, $0xE;
	[sflag:s21] =	ssyncset.done $0x0  }
0x5b: {  	s26 =	sxor.u32 $0x6800, s28;
	s29 =	sshll.u32 s29, $0x7;
	[sflag:s21] =	ssyncadd.s32 $0xFFFFC000  }
0x5c: {  	[tilespmem:s26], [sflag:$0x1] =	stream.indirect.gather [hbm4b:s4+s22], $0x80, s29, s22, $0xb8;
	[tilespmem:$0x1E800] =	vst v63  }
0x5d: {  	_ =	swait.ge [sflag:s23], $0x4000  }
0x5e: {  	[sflag:s23] =	ssyncset.done $0x0  }
0x5f: {  	s30 =	sor.u32 $0x2800, s28;
	[sflag:s23] =	ssyncadd.s32 $0xFFFFC000  }
0x60: {  	[spmem:s1] =	stream.indirect.scatter.add.f32 [tilespmem:s30], [sflag:$0x2], $0x80, s25, s22, $0xb8;
	[tilespmem:$0x1E800] =	vst v63  }
0x61: {  	_ =	swait.ge [sflag:s21], $0x4000  }
0x62: {  	[sflag:s21] =	ssyncset.done $0x0  }
0x63: {  	s31 =	simm.s32 $0x1;
	[sflag:s21] =	ssyncadd.s32 $0xFFFFC000  }
0x64: {  	_ =	swait.ge [sflag:s31], $0x4000  }
0x65: {  	[sflag:s31] =	ssyncset.done $0x0  }
0x66: {  	[sflag:s31] =	ssyncadd.s32 $0xFFFFC000  }
0x67: {  	[tilespmem:s2], [sflag:$0x2] =	stream.linear.gather [hbm4b:s12+s2], $0x1400, $0x38;
	[tilespmem:$0x1E800] =	vst v63  }
0x68: {  	_ =	swait.ge [sflag:s21], $0x1400  }
0x69: {  	[sflag:s21] =	ssyncset.done $0x0  }
0x6a: {  	s28 =	simm.s32 $0x1400;
	[sflag:s21] =	ssyncadd.s32 $0xFFFFEC00  }
0x6b: {  	[tilespmem:s28], [sflag:$0x2] =	stream.linear.gather [hbm4b:s13+s2], $0x1400, $0x38;
	[tilespmem:$0x1E800] =	vst v63  }
0x6c: {  	s30 =	simm.s32 $0x0;
	_ =	swait.ge [sflag:s21], $0x1400  }
0x6d: {  	s26 =	sand.u32 $0x1, s30;
	[sflag:s21] =	ssyncset.done $0x0  }
0x6e: {  	s25 =	smin.u32 s31, $0x27;
	s29 =	sshll.u32 s26, $0xE;
	[sflag:s21] =	ssyncadd.s32 $0xFFFFEC00  }
0x6f: {  	[tilespmem:s20], [sflag:$0x1] =	stream.indirect.gather [hbm4b:s4+s22], $0x80, s2, s22, $0xb8;
	[tilespmem:$0x1E800] =	vst v63  }
0x70: {  	s25 =	sshll.u32 s25, $0x7;
	s26 =	sxor.u32 $0x6800, s29  }
0x71: {  	[tilespmem:s26], [sflag:$0x1] =	stream.indirect.gather [hbm4b:s4+s22], $0x80, s25, s22, $0xb8;
	[tilespmem:$0x1E800] =	vst v63  }
0x72: {  	_ =	swait.ge [sflag:s23], $0x4000  }
0x73: {  	s30 =	simm.s32 $0x2;
	s29 =	sor.u32 $0x2800, s29;
	[sflag:s23] =	ssyncset.done $0x0  }
0x74: {  	s31 =	simm.s32 $0x1;
	s26 =	simm.s32 $0x3;
	[sflag:s23] =	ssyncadd.s32 $0xFFFFC000  }
0x75: {  	[spmem:s1] =	stream.indirect.scatter.add.f32 [tilespmem:s29], [sflag:$0x2], $0x80, s28, s22, $0xb8;
	[tilespmem:$0x1E800] =	vst v63  }
0x76: {  	s25 =	simm.s32 $0x1480;
	s28 =	sand.u32 $0x1, s31;
	_ =	swait.ge [sflag:s21], $0x4000  }
0x77: {  	s29 =	smin.u32 s30, $0x27;
	s28 =	sshll.u32 s28, $0xE;
	[sflag:s21] =	ssyncset.done $0x0  }
.LBB2_6:
0x78: {  	s30 =	sxor.u32 $0x6800, s28  }
0x79: {  	s29 =	sshll.u32 s29, $0x7;
	[sflag:s21] =	ssyncadd.s32 $0xFFFFC000;
	s31 =	smov.u32 s26  }
0x7a: {  	[tilespmem:s30], [sflag:$0x1] =	stream.indirect.gather [hbm4b:s4+s22], $0x80, s29, s22, $0xb8;
	[tilespmem:$0x1E800] =	vst v63  }
0x7b: {  	p0 =	sne.s32 s26, $0x28;
	s26 =	sadd.s32 $0x1, s26;
	_ =	swait.ge [sflag:s23], $0x4000  }
.Ltmp2:
0x7c: {  	[sflag:s23] =	ssyncset.done $0x0;
	(pc) =	sbr.rel @p0 .LBB2_6-.Ltmp2, $4  }
0x7d: {  	s28 =	sor.u32 $0x2800, s28;
	s29 =	sadd.s32 $0xFFFFFFFF, s31;
	[sflag:s23] =	ssyncadd.s32 $0xFFFFC000  }
0x7e: {  	[spmem:s1] =	stream.indirect.scatter.add.f32 [tilespmem:s28], [sflag:$0x2], $0x80, s25, s22, $0xb8;
	[tilespmem:$0x1E800] =	vst v63  }
0x7f: {  	s28 =	sand.u32 $0x1, s29;
	s25 =	sadd.s32 $0x80, s25;
	_ =	swait.ge [sflag:s21], $0x4000  }
0x80: {  	s29 =	smin.u32 s31, $0x27;
	s28 =	sshll.u32 s28, $0xE;
	[sflag:s21] =	ssyncset.done $0x0  }
0x81: {  	s26 =	sxor.u32 $0x6800, s28;
	s29 =	sshll.u32 s29, $0x7;
	[sflag:s21] =	ssyncadd.s32 $0xFFFFC000  }
0x82: {  	[tilespmem:s26], [sflag:$0x1] =	stream.indirect.gather [hbm4b:s4+s22], $0x80, s29, s22, $0xb8;
	[tilespmem:$0x1E800] =	vst v63  }
0x83: {  	_ =	swait.ge [sflag:s23], $0x4000  }
0x84: {  	[sflag:s23] =	ssyncset.done $0x0  }
0x85: {  	s29 =	sor.u32 $0x2800, s28;
	[sflag:s23] =	ssyncadd.s32 $0xFFFFC000  }
0x86: {  	[spmem:s1] =	stream.indirect.scatter.add.f32 [tilespmem:s29], [sflag:$0x2], $0x80, s25, s22, $0xb8;
	[tilespmem:$0x1E800] =	vst v63  }
0x87: {  	_ =	swait.ge [sflag:s21], $0x4000  }
0x88: {  	[sflag:s21] =	ssyncset.done $0x0  }
0x89: {  	[sflag:s21] =	ssyncadd.s32 $0xFFFFC000  }
0x8a: {  	_ =	swait.ge [sflag:s23], $0x4000  }
0x8b: {  	[sflag:s23] =	ssyncset.done $0x0  }
0x8c: {  	s30 =	sshll.u32 s3, $0x6;
	s31 =	sshrl.u32 s5, $0x3;
	[sflag:s23] =	ssyncadd.s32 $0xFFFFC000  }
0x8d: {  	s28 =	sshrl.u32 s6, $0x3;
	s25 =	sor.u32 $0x1C01, s30;
	[bflag:$0x0] =	sbarrier.arrive $0xFFFF  }
0x8e: {  	[hbm:s14], [sflag:s25] =	dma.local [spmem:s31], $0x800  }
0x8f: {  	s29 =	sshrl.u32 s7, $0x3;
	s30 =	sshrl.u32 s8, $0x3;
	s31 =	sshrl.u32 s9, $0x3  }
0x90: {  	[hbm:s15], [sflag:s25] =	dma.local [spmem:s28], $0x800  }
0x91: {  	[hbm:s16], [sflag:s25] =	dma.local [spmem:s29], $0x800  }
0x92: {  	[hbm:s17], [sflag:s25] =	dma.local [spmem:s30], $0x800  }
0x93: {  	[hbm:s18], [sflag:s25] =	dma.local [spmem:s31], $0x800  }
0x94: {  	_ =	swait.ge [sflag:s23], $0x800  }
0x95: {  	[sflag:s23] =	ssyncset.done $0x0  }
0x96: {  	[sflag:s23] =	ssyncadd.s32 $0xFFFFF800  }
0x97: {  	_ =	swait.ge [sflag:s23], $0x800  }
0x98: {  	[sflag:s23] =	ssyncset.done $0x0  }
0x99: {  	[sflag:s23] =	ssyncadd.s32 $0xFFFFF800  }
0x9a: {  	_ =	swait.ge [sflag:s23], $0x800  }
0x9b: {  	[sflag:s23] =	ssyncset.done $0x0  }
0x9c: {  	s24 =	sadd.s32 $0x1, s24;
	[sflag:s23] =	ssyncadd.s32 $0xFFFFF800  }
0x9d: {  	p0 =	sne.s32 s24, s19;
	_ =	swait.ge [sflag:s23], $0x800  }
.Ltmp3:
0x9e: {  	[sflag:s23] =	ssyncset.done $0x0;
	(pc) =	sbr.rel @p0 .LBB2_1-.Ltmp3, $4  }
0x9f: {  	[sflag:s23] =	ssyncadd.s32 $0xFFFFF800  }
0xa0: {  	_ =	swait.ge [sflag:s23], $0x800  }
0xa1: {  	[sflag:s23] =	ssyncset.done $0x0  }
0xa2: {  	[sflag:s23] =	ssyncadd.s32 $0xFFFFF800  }
0xa3: {  	_ =	sfence.sel $0x180000  }
0xa4: {  	[bflag:$0x0] =	sbarrier.arrive $0xFFFF  }
0xa5: {  	p0 =	sne.s32 s3, $0x0;
	_ =	strace $0x90000050  }
0xa6: {  	s0 =	sadd.s32 @!p0 $0x100000, s0;
	[bflag:$0x2] =	sbarrier.arrive $0xFFFF  }
0xa7: {  	[sflag:s0] =	ssyncadd.tile.s32 @!p0 $0x1;
	_ =	shalt  }
.Lfunc_end2:
_tile_overlayer_lowered:
.L_overlay_start_2:
0xa8: {  	(tag) =	ssettag $0x2  }
0xa9: {  	s0 =	rddreg [dreg:$0x0];
	s2 =	stileid.u32  }
0xaa: {  	s1 =	rddreg [dreg:$0x1];
	p0 =	sne.s32 s2, $0x0  }
0xab: {  	s3 =	rddreg [dreg:$0x2];
	[bflag:$0x3] =	sbarrier.arrive $0xFFFF;
	s2 =	simm.s32 @!p0 $0x1C02  }
0xac: {  	[timem:s3], [sflag:s2] =	dma.local @!p0 [hbm:s0], s1  }
0xad: {  	s0 =	simm.s32 @!p0 $0x2  }
0xae: {  	_ =	swait.ge @!p0 [sflag:s0], s1  }
0xaf: {  	s1 =	ssub.s32 @!p0 $0x0, s1;
	[sflag:s0] =	ssyncset.done @!p0 $0x0  }
0xb0: {  	[sflag:s0] =	ssyncadd.s32 @!p0 s1  }
0xb1: {  	[bflag:$0x3] =	sbarrier.arrive $0xFFFF  }
0xb2: {  	_ =	shalt  }

// kernel: kernel.23.cloned.1.call-start
scs
__scs_entry_jumppad:
0x0: {  	(pc) =	sbr.rel $0x88, $3  }
0x1: {  	(tag) =	ssettag $0x0;
	lr =	simm.s32 $0x1  }
0x2: {  	[smem:$0x3F98] =	sst lr;
	_ =	strace $0xD0000000  }
0x3: {  	_ = 	snop  }
0x4: {  	_ = 	snop  }
0x5: {  	_ = 	snop  }
0x6: {  	_ = 	snop  }
0x7: {  	_ = 	snop  }
__scs_overlays_trampoline_lowered:
0x8: {  	[smem:$0x3FA7] =	sst s0  }
0x9: {  	[smem:$0x3FA8] =	sst s1  }
0xa: {  	[smem:$0x3FA9] =	sst s2  }
0xb: {  	[smem:$0x3FAA] =	sst s3  }
0xc: {  	[smem:$0x3FAB] =	sst s4  }
0xd: {  	[smem:$0x3FAC] =	sst s5  }
0xe: {  	[smem:$0x3FAD] =	sst s6  }
0xf: {  	[smem:$0x3FAE] =	sst s7  }
0x10: {  	[smem:$0x3FAF] =	sst s8  }
0x11: {  	[smem:$0x3FB0] =	sst s9;
	s0 =	simm.s32 @!p0 $0x0  }
0x12: {  	s1 =	sld [smem:$0x3F96];
	s0 =	simm.s32 @p0 $0x1  }
0x13: {  	[smem:$0x3FB1] =	sst s0;
	s0 =	simm.s32 @!p1 $0x0  }
0x14: {  	s2 =	sld [smem:$0x3F95];
	s0 =	simm.s32 @p1 $0x1  }
0x15: {  	[smem:$0x3FB2] =	sst s0;
	s0 =	simm.s32 @!p2 $0x0  }
0x16: {  	s3 =	sld [smem:$0x3FDB];
	s0 =	simm.s32 @p2 $0x1  }
0x17: {  	s4 =	simm.s32 $0x1BF5;
	[smem:$0x3FB4] =	sst s0  }
0x18: {  	s0 =	sld [smem:$0x3F97];
	_ =	swait.ge [sflag:s4], $0x0  }
0x19: {  	s7 =	sld [smem:$0x3F98]  }
0x1a: {  	s8 =	sadd.s32 $0xFFFFE003, lr  }
0x1b: {  	s9 =	sadd.s32 $0xFFFFFEF7, lr;
	s5 =	simm.s32 $0xFFFFFFFF;
	p2 =	slt.u32 s8, $0xFFFFF086  }
0x1c: {  	p1 =	slt.u32 s9, $0xF7A;
	s5 =	simm.s32 @!p2 $0x0  }
0x1d: {  	s5 =	simm.s32 @p1 $0x1;
	p0 =	seq.s32 s7, s2  }
0x1e: {  	s7 =	smul.u32 @!p0 $0xF7A, s2;
	p2 =	seq.s32 @!p0 s5, $0x0  }
0x1f: {  	s9 =	smul.u32 $0xF7A, s1;
	s8 =	simm.s32 @!p0 $0x1BF5;
	p2 =	por !p2, p0  }
0x20: {  	[sflag:s8] =	ssyncset.s32 @!p0 $0xFFFFF086;
	s6 =	sadd.s32 @!p0 s3, s7;
	s7 =	simm.s32 @!p0 $0x108  }
0x21: {  	s3 =	sadd.s32 s3, s9;
	s6 =	sadd.s32 @!p0 $0x88, s6;
	s7 =	simm.s32 @p2 $0x1082  }
0x22: {  	[simem:s7], [sflag:s8] =	dma.local @!p0 [hbm:s6], $0xF7A  }
0x23: {  	s9 =	sor.u32 $0xD0000000, s2;
	s6 =	simm.s32 $0x108;
	_ =	swait.ge @!p0 [sflag:s8], $0x0  }
0x24: {  	s3 =	sadd.s32 $0x88, s3;
	s6 =	simm.s32 @!p1 $0x1082;
	[sflag:s4] =	ssyncset.s32 $0xFFFFF086  }
0x25: {  	[simem:s6], [sflag:s4] =	dma.local [hbm:s3], $0xF7A  }
0x26: {  	[smem:$0x3F98] =	sst s1;
	(tag) =	ssettag s2;
	_ =	strace s9  }
0x27: {  	s1 =	sld [smem:$0x3FA8]  }
0x28: {  	s2 =	sld [smem:$0x3FA9]  }
0x29: {  	s4 =	sld [smem:$0x3FAB]  }
0x2a: {  	p0 =	seq.s32 s5, $0x0;
	s5 =	sld [smem:$0x3FAC]  }
0x2b: {  	s6 =	sld [smem:$0x3FAD]  }
0x2c: {  	s7 =	sld [smem:$0x3FAE]  }
0x2d: {  	s3 =	simm.s32 $0x108;
	s8 =	sld [smem:$0x3FAF]  }
0x2e: {  	s3 =	simm.s32 @!p0 $0x1082;
	s9 =	sld [smem:$0x3FB0]  }
0x2f: {  	lr =	sadd.s32 s0, s3;
	s0 =	sld [smem:$0x3FA7]  }
0x30: {  	s3 =	sld [smem:$0x3FAA]  }
0x31: {  	[smem:$0x3FB3] =	sst s10  }
0x32: {  	s10 =	sld [smem:$0x3FB1];
	_ =	sdelay $0x3  }
0x33: {  	p0 =	seq.s32 s10, $0x1;
	s10 =	sld [smem:$0x3FB3];
	_ =	sdelay $0x3  }
0x34: {  	[smem:$0x3FB3] =	sst s10  }
0x35: {  	s10 =	sld [smem:$0x3FB2];
	_ =	sdelay $0x3  }
0x36: {  	p1 =	seq.s32 s10, $0x1;
	s10 =	sld [smem:$0x3FB3];
	_ =	sdelay $0x3  }
0x37: {  	[smem:$0x3FB3] =	sst s10  }
0x38: {  	s10 =	sld [smem:$0x3FB4]  }
0x39: {  	_ = 	snop;
	(pc) =	sbr.ind lr, $3  }
0x3a: {  	_ = 	snop  }
0x3b: {  	_ = 	snop  }
0x3c: {  	p2 =	seq.s32 s10, $0x1;
	s10 =	sld [smem:$0x3FB3]  }
0x3d: {  	_ =	shalt  }
0x3e: {  	_ =	shalt  }
0x3f: {  	_ =	shalt  }
0x40: {  	_ =	shalt  }
0x41: {  	_ =	shalt  }
0x42: {  	_ =	shalt  }
0x43: {  	_ =	shalt  }
0x44: {  	_ =	shalt  }
0x45: {  	_ =	shalt  }
0x46: {  	_ =	shalt  }
0x47: {  	_ =	shalt  }
0x48: {  	_ =	shalt  }
0x49: {  	_ =	shalt  }
0x4a: {  	_ =	shalt  }
0x4b: {  	_ =	shalt  }
0x4c: {  	_ =	shalt  }
0x4d: {  	_ =	shalt  }
0x4e: {  	_ =	shalt  }
0x4f: {  	_ =	shalt  }
0x50: {  	_ =	shalt  }
0x51: {  	_ =	shalt  }
0x52: {  	_ =	shalt  }
0x53: {  	_ =	shalt  }
0x54: {  	_ =	shalt  }
0x55: {  	_ =	shalt  }
0x56: {  	_ =	shalt  }
0x57: {  	_ =	shalt  }
0x58: {  	_ =	shalt  }
0x59: {  	_ =	shalt  }
0x5a: {  	_ =	shalt  }
0x5b: {  	_ =	shalt  }
0x5c: {  	_ =	shalt  }
0x5d: {  	_ =	shalt  }
0x5e: {  	_ =	shalt  }
0x5f: {  	_ =	shalt  }
0x60: {  	_ =	shalt  }
0x61: {  	_ =	shalt  }
0x62: {  	_ =	shalt  }
0x63: {  	_ =	shalt  }
0x64: {  	_ =	shalt  }
0x65: {  	_ =	shalt  }
0x66: {  	_ =	shalt  }
0x67: {  	_ =	shalt  }
0x68: {  	_ =	shalt  }
0x69: {  	_ =	shalt  }
0x6a: {  	_ =	shalt  }
0x6b: {  	_ =	shalt  }
0x6c: {  	_ =	shalt  }
0x6d: {  	_ =	shalt  }
0x6e: {  	_ =	shalt  }
0x6f: {  	_ =	shalt  }
0x70: {  	_ =	shalt  }
0x71: {  	_ =	shalt  }
0x72: {  	_ =	shalt  }
0x73: {  	_ =	shalt  }
0x74: {  	_ =	shalt  }
0x75: {  	_ =	shalt  }
0x76: {  	_ =	shalt  }
0x77: {  	_ =	shalt  }
0x78: {  	_ =	shalt  }
0x79: {  	_ =	shalt  }
0x7a: {  	_ =	shalt  }
0x7b: {  	_ =	shalt  }
0x7c: {  	_ =	shalt  }
0x7d: {  	_ =	shalt  }
0x7e: {  	_ =	shalt  }
0x7f: {  	_ =	shalt  }
0x80: {  	_ =	shalt  }
0x81: {  	_ =	shalt  }
0x82: {  	_ =	shalt  }
0x83: {  	_ =	shalt  }
0x84: {  	_ =	shalt  }
0x85: {  	_ =	shalt  }
0x86: {  	_ =	shalt  }
0x87: {  	_ =	shalt  }
.Lfunc_end0:
.L_simem_size_0:
called_computation.4_lowered:
.L_overlay_start_0:
0x88: {  	s2 =	sld [smem:$0x3FD9]  }
0x89: {  	s3 =	sld [smem:$0x3FFE];
	_ =	sdelay $0x1  }
0x8a: {  	s1 =	srdreg.scid  }
0x8b: {  	s0 =	sand.u32 $0x1, s1  }
0x8c: {  	s17 =	sshll.u32 s0, $0xA;
	s2 =	sadd.s32 s3, s2  }
0x8d: {  	s2 =	sadd.s32 s2, s17  }
0x8e: {  	[smem:$0x3FBF] =	sst s2  }
0x8f: {  	_ = 	snop  }
0x90: {  	s2 =	sld [smem:$0x3FD0];
	(tm) =	ssettm $0x1  }
0x91: {  	s18 =	sld [smem:$0x3FFB];
	_ =	sdelay $0x3  }
0x92: {  	_ =	strace s18  }
0x93: {  	s3 =	sld [smem:$0x3FFC];
	_ =	sdelay $0x3  }
0x94: {  	_ =	strace s3  }
0x95: {  	s3 =	sld [smem:$0x3FFD];
	_ =	sdelay $0x3  }
0x96: {  	_ =	strace s3  }
0x97: {  	_ =	strace $0x8FFFFFFF  }
0x98: {  	s19 =	sld [smem:$0x3FDB];
	_ =	sdelay $0x1  }
0x99: {  	s4 =	simm.s32 $_scs_section_size  }
0x9a: {  	s5 =	simm.s32 $_size__tile_overlayer_lowered;
	s6 =	simm.s32 $_tile_overlayer_lowered  }
0x9b: {  	s22 =	simm.s32 $0x1BFF;
	s21 =	sshll.u32 s6, $0x1;
	s3 =	sadd.s32 s4, s19  }
0x9c: {  	s7 =	simm.s32 $0x0;
	s20 =	sshll.u32 s5, $0x1;
	s5 =	sadd.s32 s21, s3  }
0x9d: {  	[timem:s7], [sflag:s22] =	dma.local [hbm:s5], s20  }
0x9e: {  	_ =	swait.ge [sflag:s22], s20  }
0x9f: {  	s4 =	ssub.s32 $0x0, s20;
	[sflag:s22] =	ssyncset.done $0x0  }
0xa0: {  	[sflag:s22] =	ssyncadd.s32 s4;
	_ =	sdelay $0x1  }
0xa1: {  	s23 =	simm.s32 $0x1B8B  }
0xa2: {  	_ =	swait.ge [sflag:s23], $0x1  }
0xa3: {  	[sflag:s23] =	ssyncset.done $0x0  }
0xa4: {  	s25 =	simm.s32 $0x1B8E;
	s24 =	sld [smem:$0x3FFE];
	[sflag:s23] =	ssyncadd.s32 $0xFFFFFFFF  }
0xa5: {  	s26 =	simm.s32 $execute0_lowered;
	[smem:$0x3FD2] =	sst s25  }
0xa6: {  	s5 =	sshll.u32 s26, $0x1;
	_ =	strace $0x80000052;
	[dreg:$0x1] =	wrdreg $0xFFFFFFFF  }
0xa7: {  	s28 =	simm.s32 $_size_execute0_lowered;
	s3 =	sadd.s32 s3, s5;
	[dreg:$0x0] =	wrdreg $0x0  }
0xa8: {  	s5 =	sshll.u32 s28, $0x1;
	[dreg:$0x2] =	wrdreg s3  }
0xa9: {  	[dreg:$0x3] =	wrdreg s5  }
0xaa: {  	[dreg:$0x4] =	wrdreg $0xC0  }
0xab: {  	_ =	task [dreg:s7], $0x5FFFF  }
0xac: {  	[dreg:$0x1] =	wrdreg $0xFFFFFFFF  }
0xad: {  	[dreg:$0x0] =	wrdreg $0x60  }
0xae: {  	[dreg:$0x2] =	wrdreg s24  }
0xaf: {  	[dreg:$0x3] =	wrdreg s2  }
0xb0: {  	[dreg:$0x4] =	wrdreg $0xA8000  }
0xb1: {  	[dreg:$0x5] =	wrdreg $0x9  }
0xb2: {  	_ =	task.clear_ibuf [dreg:s7], $0x6FFFF;
	_ =	strace $0x90000052  }
0xb3: {  	s29 =	simm.s32 $0x9;
	_ =	strace $0x80000054  }
0xb4: {  	_ =	swait.ge [sflag:s29], $0x1  }
0xb5: {  	[sflag:s29] =	ssyncadd.s32 $0xFFFFFFFF  }
0xb6: {  	_ =	strace $0x90000054  }
0xb7: {  	_ =	sfence  }
0xb8: {  	s30 =	sld [smem:$0x0];
	_ =	sdelay $0x2  }
0xb9: {  	s31 =	sshll.u32 s1, $0xD;
	s1 =	sshrl.u32 s1, $0x2  }
0xba: {  	s3 =	sand.u32 $0x4000, s31;
	s1 =	sadd.s32 s1, s30  }
0xbb: {  	s0 =	sor.u32 s3, s0;
	s1 =	sshll.u32 s1, $0x11  }
0xbc: {  	s0 =	sor.u32 s1, s0  }
0xbd: {  	s0 =	sadd.s32 $0x8F2B, s0  }
0xbe: {  	[sflag:s0] =	ssyncadd.remote.s32 $0x1  }
0xbf: {  	_ =	sfence.sel $0xFFFF  }
0xc0: {  	[dreg:$0x0] =	wrdreg $0xFFFFFFFF;
	(pc) =	sbr.abs _section_cstart, $3  }
0xc1: {  	[dreg:$0x1] =	wrdreg $0xFFFFFFFF  }
0xc2: {  	_ =	task.clear_ibuf [dreg:s7], $0x2FFFF;
	_ =	strace $0x9FFFFFFF  }
0xc3: {  	(tm) =	ssettm $0x7FFFFFFF  }
tec
execute0_lowered:
.L_overlay_start_1:
0x0: {  	(tag) =	ssettag $0x1  }
0x1: {  	s5 =	rddreg [dreg:$0x0]  }
0x2: {  	s12 =	rddreg [dreg:$0x1]  }
0x3: {  	s1 =	rddreg [dreg:$0x2]  }
0x4: {  	s0 =	rddreg [dreg:$0x3];
	s2 =	simm.s32 $0x0;
	s6 =	srdreg.scid  }
0x5: {  	s3 =	stileid.u32;
	s23 =	simm.s32 $0x1;
	s24 =	simm.s32 $0x0  }
0x6: {  	[smem:$0x7FF] =	sst s2;
	s4 =	sadd.s32 $0xEE00, s5;
	s13 =	sadd.s32 $0x4800, s5  }
0x7: {  	s10 =	sand.u32 $0x1, s6;
	s18 =	sadd.s32 $0x36E00, s5;
	s30 =	smul.u32 $0x50000, s3  }
0x8: {  	s8 =	sshll.u32 s3, $0x1;
	s14 =	smul.u32 $0x14000, s3;
	_ =	strace $0x80000053  }
0x9: {  	s29 =	ssub.s32 $0x2, s10;
	s8 =	sor.u32 s10, s8;
	s22 =	smul.u32 $0x140000, s10  }
0xa: {  	s7 =	sshrl.u32 s29, $0x1;
	s31 =	sshrl.u32 s30, $0x2;
	s15 =	sadd.s32 $0x4000, s14  }
0xb: {  	s16 =	sadd.s32 $0x8000, s14;
	s11 =	smul.u32 $0x500, s8;
	s17 =	sadd.s32 $0xC000, s14  }
0xc: {  	s20 =	sadd.s32 $0x10000, s14;
	s21 =	smul.u32 $0x2800, s8;
	s19 =	ssub.s32 s29, s7  }
0xd: {  	s5 =	sadd.s32 s31, s1;
	s6 =	sadd.s32 s15, s1;
	s7 =	sadd.s32 s16, s1  }
0xe: {  	s8 =	sadd.s32 s17, s1;
	s9 =	sadd.s32 s20, s1;
	s14 =	sadd.s32 s14, s22  }
0xf: {  	s15 =	sadd.s32 s22, s15;
	s16 =	sadd.s32 s22, s16;
	s17 =	sadd.s32 s22, s17  }
0x10: {  	s20 =	sadd.s32 s22, s20;
	s22 =	simm.s32 $0x80;
	s10 =	sadd.s32 s12, s11  }
0x11: {  	s11 =	sadd.s32 s13, s11;
	s21 =	sshrl.u32 s21, $0x3;
	s14 =	sshrl.u32 s14, $0x3  }
0x12: {  	s15 =	sshrl.u32 s15, $0x3;
	s16 =	sshrl.u32 s16, $0x3;
	s17 =	sshrl.u32 s17, $0x3  }
0x13: {  	s20 =	sshrl.u32 s20, $0x3;
	s19 =	smax.u32 s19, $0x1;
	s21 =	sadd.s32 $0x280, s21  }
0x14: {  	s14 =	sadd.s32 s18, s14;
	s15 =	sadd.s32 s18, s15;
	s16 =	sadd.s32 s18, s16  }
0x15: {  	s17 =	sadd.s32 s18, s17;
	s18 =	sadd.s32 s18, s20;
	s20 =	simm.s32 $0x2800  }
0x16: {  	v0 =	vimm.f32 $0.0e+00;
	s12 =	sadd.s32 s12, s21;
	s13 =	sadd.s32 s13, s21;
	s21 =	simm.s32 $0x2  }
.LBB2_1:
0x17: {  	s25 =	simm.s32 $0x0;
	s26 =	simm.s32 $0x200  }
.LBB2_2:
0x18: {  	p0 =	sne.s32 s26, $0xFE00;
	[tilespmem:s25+$0x2870] =	vst v0  }
0x19: {  	[tilespmem:s25+$0x2800] =	vst v0  }
0x1a: {  	[tilespmem:s25+$0x2810] =	vst v0  }
.Ltmp0:
0x1b: {  	[tilespmem:s25+$0x2820] =	vst v0;
	(pc) =	sbr.rel @p0 .LBB2_2-.Ltmp0, $4  }
0x1c: {  	[tilespmem:s25+$0x2830] =	vst v0  }
0x1d: {  	[tilespmem:s25+$0x2840] =	vst v0  }
0x1e: {  	[tilespmem:s25+$0x2850] =	vst v0  }
0x1f: {  	[tilespmem:s25+$0x2860] =	vst v0;
	s25 =	sshra.s32 s26, $0x2;
	s26 =	sadd.s32 $0x200, s26  }
0x20: {  	[tilespmem:s25+$0x2870] =	vst v0  }
0x21: {  	[tilespmem:s25+$0x2800] =	vst v0  }
0x22: {  	[tilespmem:s25+$0x2810] =	vst v0  }
0x23: {  	[tilespmem:s25+$0x2820] =	vst v0  }
0x24: {  	[tilespmem:s25+$0x2830] =	vst v0  }
0x25: {  	[tilespmem:s25+$0x2840] =	vst v0  }
0x26: {  	[tilespmem:s25+$0x2850] =	vst v0  }
0x27: {  	[tilespmem:s25+$0x2860] =	vst v0  }
0x28: {  	[spmem:s5] =	stream.linear.scatter [tilespmem:s20], [sflag:$0x1], $0x4000, $0x38;
	[tilespmem:$0x1E800] =	vst v63  }
0x29: {  	_ = 	snop  }
0x2a: {  	[spmem:s6] =	stream.linear.scatter [tilespmem:s20], [sflag:$0x1], $0x4000, $0x38;
	[tilespmem:$0x1E800] =	vst v63  }
0x2b: {  	_ = 	snop  }
0x2c: {  	[spmem:s7] =	stream.linear.scatter [tilespmem:s20], [sflag:$0x1], $0x4000, $0x38;
	[tilespmem:$0x1E800] =	vst v63  }
0x2d: {  	_ = 	snop  }
0x2e: {  	[spmem:s8] =	stream.linear.scatter [tilespmem:s20], [sflag:$0x1], $0x4000, $0x38;
	[tilespmem:$0x1E800] =	vst v63  }
0x2f: {  	s30 =	simm.s32 $0x1  }
0x30: {  	[spmem:s9] =	stream.linear.scatter [tilespmem:s20], [sflag:$0x1], $0x4000, $0x38;
	[tilespmem:$0x1E800] =	vst v63  }
0x31: {  	_ =	swait.ge [sflag:s30], $0x4000  }
0x32: {  	[sflag:s30] =	ssyncset.done $0x0  }
0x33: {  	[sflag:s30] =	ssyncadd.s32 $0xFFFFC000  }
0x34: {  	_ =	swait.ge [sflag:s30], $0x4000  }
0x35: {  	[sflag:s30] =	ssyncset.done $0x0  }
0x36: {  	[sflag:s30] =	ssyncadd.s32 $0xFFFFC000  }
0x37: {  	_ =	swait.ge [sflag:s30], $0x4000  }
0x38: {  	[sflag:s30] =	ssyncset.done $0x0  }
0x39: {  	[sflag:s30] =	ssyncadd.s32 $0xFFFFC000  }
0x3a: {  	_ =	swait.ge [sflag:s30], $0x4000  }
0x3b: {  	[sflag:s30] =	ssyncset.done $0x0  }
0x3c: {  	[sflag:s30] =	ssyncadd.s32 $0xFFFFC000  }
0x3d: {  	_ =	swait.ge [sflag:s30], $0x4000  }
0x3e: {  	[sflag:s30] =	ssyncset.done $0x0  }
0x3f: {  	[sflag:s30] =	ssyncadd.s32 $0xFFFFC000  }
0x40: {  	[bflag:$0x0] =	sbarrier.arrive $0xFFFF  }
0x41: {  	[tilespmem:s2], [sflag:$0x2] =	stream.linear.gather [hbm4b:s10+s2], $0x1400, $0x38;
	[tilespmem:$0x1E800] =	vst v63  }
0x42: {  	_ =	swait.ge [sflag:s21], $0x1400  }
0x43: {  	[sflag:s21] =	ssyncset.done $0x0  }
0x44: {  	s28 =	simm.s32 $0x1400;
	[sflag:s21] =	ssyncadd.s32 $0xFFFFEC00  }
0x45: {  	[tilespmem:s28], [sflag:$0x2] =	stream.linear.gather [hbm4b:s11+s2], $0x1400, $0x38;
	[tilespmem:$0x1E800] =	vst v63  }
0x46: {  	s26 =	simm.s32 $0x0;
	_ =	swait.ge [sflag:s21], $0x1400  }
0x47: {  	s26 =	sand.u32 $0x1, s26;
	[sflag:s21] =	ssyncset.done $0x0  }
0x48: {  	s25 =	smin.u32 s30, $0x27;
	s29 =	sshll.u32 s26, $0xE;
	[sflag:s21] =	ssyncadd.s32 $0xFFFFEC00  }
0x49: {  	[tilespmem:s20], [sflag:$0x1] =	stream.indirect.gather [hbm4b:s4+s22], $0x80, s2, s22, $0xb8;
	[tilespmem:$0x1E800] =	vst v63  }
0x4a: {  	s25 =	sshll.u32 s25, $0x7;
	s26 =	sxor.u32 $0x6800, s29  }
0x4b: {  	[tilespmem:s26], [sflag:$0x1] =	stream.indirect.gather [hbm4b:s4+s22], $0x80, s25, s22, $0xb8;
	[tilespmem:$0x1E800] =	vst v63  }
0x4c: {  	_ =	swait.ge [sflag:s23], $0x4000  }
0x4d: {  	s31 =	simm.s32 $0x1;
	s29 =	sor.u32 $0x2800, s29;
	[sflag:s23] =	ssyncset.done $0x0  }
0x4e: {  	s30 =	simm.s32 $0x2;
	s26 =	simm.s32 $0x3;
	[sflag:s23] =	ssyncadd.s32 $0xFFFFC000  }
0x4f: {  	[spmem:s1] =	stream.indirect.scatter.add.f32 [tilespmem:s29], [sflag:$0x2], $0x80, s28, s22, $0xb8;
	[tilespmem:$0x1E800] =	vst v63  }
0x50: {  	s25 =	simm.s32 $0x1480;
	s28 =	sand.u32 $0x1, s31;
	_ =	swait.ge [sflag:s21], $0x4000  }
0x51: {  	s29 =	smin.u32 s30, $0x27;
	s28 =	sshll.u32 s28, $0xE;
	[sflag:s21] =	ssyncset.done $0x0  }
.LBB2_4:
0x52: {  	s30 =	sxor.u32 $0x6800, s28  }
0x53: {  	s29 =	sshll.u32 s29, $0x7;
	[sflag:s21] =	ssyncadd.s32 $0xFFFFC000;
	s31 =	smov.u32 s26  }
0x54: {  	[tilespmem:s30], [sflag:$0x1] =	stream.indirect.gather [hbm4b:s4+s22], $0x80, s29, s22, $0xb8;
	[tilespmem:$0x1E800] =	vst v63  }
0x55: {  	p0 =	sne.s32 s26, $0x28;
	s26 =	sadd.s32 $0x1, s26;
	_ =	swait.ge [sflag:s23], $0x4000  }
.Ltmp1:
0x56: {  	[sflag:s23] =	ssyncset.done $0x0;
	(pc) =	sbr.rel @p0 .LBB2_4-.Ltmp1, $4  }
0x57: {  	s28 =	sor.u32 $0x2800, s28;
	s29 =	sadd.s32 $0xFFFFFFFF, s31;
	[sflag:s23] =	ssyncadd.s32 $0xFFFFC000  }
0x58: {  	[spmem:s1] =	stream.indirect.scatter.add.f32 [tilespmem:s28], [sflag:$0x2], $0x80, s25, s22, $0xb8;
	[tilespmem:$0x1E800] =	vst v63  }
0x59: {  	s28 =	sand.u32 $0x1, s29;
	s25 =	sadd.s32 $0x80, s25;
	_ =	swait.ge [sflag:s21], $0x4000  }
0x5a: {  	s29 =	smin.u32 s31, $0x27;
	s28 =	sshll.u32 s28, $0xE;
	[sflag:s21] =	ssyncset.done $0x0  }
0x5b: {  	s26 =	sxor.u32 $0x6800, s28;
	s29 =	sshll.u32 s29, $0x7;
	[sflag:s21] =	ssyncadd.s32 $0xFFFFC000  }
0x5c: {  	[tilespmem:s26], [sflag:$0x1] =	stream.indirect.gather [hbm4b:s4+s22], $0x80, s29, s22, $0xb8;
	[tilespmem:$0x1E800] =	vst v63  }
0x5d: {  	_ =	swait.ge [sflag:s23], $0x4000  }
0x5e: {  	[sflag:s23] =	ssyncset.done $0x0  }
0x5f: {  	s30 =	sor.u32 $0x2800, s28;
	[sflag:s23] =	ssyncadd.s32 $0xFFFFC000  }
0x60: {  	[spmem:s1] =	stream.indirect.scatter.add.f32 [tilespmem:s30], [sflag:$0x2], $0x80, s25, s22, $0xb8;
	[tilespmem:$0x1E800] =	vst v63  }
0x61: {  	_ =	swait.ge [sflag:s21], $0x4000  }
0x62: {  	[sflag:s21] =	ssyncset.done $0x0  }
0x63: {  	s31 =	simm.s32 $0x1;
	[sflag:s21] =	ssyncadd.s32 $0xFFFFC000  }
0x64: {  	_ =	swait.ge [sflag:s31], $0x4000  }
0x65: {  	[sflag:s31] =	ssyncset.done $0x0  }
0x66: {  	[sflag:s31] =	ssyncadd.s32 $0xFFFFC000  }
0x67: {  	[tilespmem:s2], [sflag:$0x2] =	stream.linear.gather [hbm4b:s12+s2], $0x1400, $0x38;
	[tilespmem:$0x1E800] =	vst v63  }
0x68: {  	_ =	swait.ge [sflag:s21], $0x1400  }
0x69: {  	[sflag:s21] =	ssyncset.done $0x0  }
0x6a: {  	s28 =	simm.s32 $0x1400;
	[sflag:s21] =	ssyncadd.s32 $0xFFFFEC00  }
0x6b: {  	[tilespmem:s28], [sflag:$0x2] =	stream.linear.gather [hbm4b:s13+s2], $0x1400, $0x38;
	[tilespmem:$0x1E800] =	vst v63  }
0x6c: {  	s30 =	simm.s32 $0x0;
	_ =	swait.ge [sflag:s21], $0x1400  }
0x6d: {  	s26 =	sand.u32 $0x1, s30;
	[sflag:s21] =	ssyncset.done $0x0  }
0x6e: {  	s25 =	smin.u32 s31, $0x27;
	s29 =	sshll.u32 s26, $0xE;
	[sflag:s21] =	ssyncadd.s32 $0xFFFFEC00  }
0x6f: {  	[tilespmem:s20], [sflag:$0x1] =	stream.indirect.gather [hbm4b:s4+s22], $0x80, s2, s22, $0xb8;
	[tilespmem:$0x1E800] =	vst v63  }
0x70: {  	s25 =	sshll.u32 s25, $0x7;
	s26 =	sxor.u32 $0x6800, s29  }
0x71: {  	[tilespmem:s26], [sflag:$0x1] =	stream.indirect.gather [hbm4b:s4+s22], $0x80, s25, s22, $0xb8;
	[tilespmem:$0x1E800] =	vst v63  }
0x72: {  	_ =	swait.ge [sflag:s23], $0x4000  }
0x73: {  	s30 =	simm.s32 $0x2;
	s29 =	sor.u32 $0x2800, s29;
	[sflag:s23] =	ssyncset.done $0x0  }
0x74: {  	s31 =	simm.s32 $0x1;
	s26 =	simm.s32 $0x3;
	[sflag:s23] =	ssyncadd.s32 $0xFFFFC000  }
0x75: {  	[spmem:s1] =	stream.indirect.scatter.add.f32 [tilespmem:s29], [sflag:$0x2], $0x80, s28, s22, $0xb8;
	[tilespmem:$0x1E800] =	vst v63  }
0x76: {  	s25 =	simm.s32 $0x1480;
	s28 =	sand.u32 $0x1, s31;
	_ =	swait.ge [sflag:s21], $0x4000  }
0x77: {  	s29 =	smin.u32 s30, $0x27;
	s28 =	sshll.u32 s28, $0xE;
	[sflag:s21] =	ssyncset.done $0x0  }
.LBB2_6:
0x78: {  	s30 =	sxor.u32 $0x6800, s28  }
0x79: {  	s29 =	sshll.u32 s29, $0x7;
	[sflag:s21] =	ssyncadd.s32 $0xFFFFC000;
	s31 =	smov.u32 s26  }
0x7a: {  	[tilespmem:s30], [sflag:$0x1] =	stream.indirect.gather [hbm4b:s4+s22], $0x80, s29, s22, $0xb8;
	[tilespmem:$0x1E800] =	vst v63  }
0x7b: {  	p0 =	sne.s32 s26, $0x28;
	s26 =	sadd.s32 $0x1, s26;
	_ =	swait.ge [sflag:s23], $0x4000  }
.Ltmp2:
0x7c: {  	[sflag:s23] =	ssyncset.done $0x0;
	(pc) =	sbr.rel @p0 .LBB2_6-.Ltmp2, $4  }
0x7d: {  	s28 =	sor.u32 $0x2800, s28;
	s29 =	sadd.s32 $0xFFFFFFFF, s31;
	[sflag:s23] =	ssyncadd.s32 $0xFFFFC000  }
0x7e: {  	[spmem:s1] =	stream.indirect.scatter.add.f32 [tilespmem:s28], [sflag:$0x2], $0x80, s25, s22, $0xb8;
	[tilespmem:$0x1E800] =	vst v63  }
0x7f: {  	s28 =	sand.u32 $0x1, s29;
	s25 =	sadd.s32 $0x80, s25;
	_ =	swait.ge [sflag:s21], $0x4000  }
0x80: {  	s29 =	smin.u32 s31, $0x27;
	s28 =	sshll.u32 s28, $0xE;
	[sflag:s21] =	ssyncset.done $0x0  }
0x81: {  	s26 =	sxor.u32 $0x6800, s28;
	s29 =	sshll.u32 s29, $0x7;
	[sflag:s21] =	ssyncadd.s32 $0xFFFFC000  }
0x82: {  	[tilespmem:s26], [sflag:$0x1] =	stream.indirect.gather [hbm4b:s4+s22], $0x80, s29, s22, $0xb8;
	[tilespmem:$0x1E800] =	vst v63  }
0x83: {  	_ =	swait.ge [sflag:s23], $0x4000  }
0x84: {  	[sflag:s23] =	ssyncset.done $0x0  }
0x85: {  	s29 =	sor.u32 $0x2800, s28;
	[sflag:s23] =	ssyncadd.s32 $0xFFFFC000  }
0x86: {  	[spmem:s1] =	stream.indirect.scatter.add.f32 [tilespmem:s29], [sflag:$0x2], $0x80, s25, s22, $0xb8;
	[tilespmem:$0x1E800] =	vst v63  }
0x87: {  	_ =	swait.ge [sflag:s21], $0x4000  }
0x88: {  	[sflag:s21] =	ssyncset.done $0x0  }
0x89: {  	[sflag:s21] =	ssyncadd.s32 $0xFFFFC000  }
0x8a: {  	_ =	swait.ge [sflag:s23], $0x4000  }
0x8b: {  	[sflag:s23] =	ssyncset.done $0x0  }
0x8c: {  	s30 =	sshll.u32 s3, $0x6;
	s31 =	sshrl.u32 s5, $0x3;
	[sflag:s23] =	ssyncadd.s32 $0xFFFFC000  }
0x8d: {  	s28 =	sshrl.u32 s6, $0x3;
	s25 =	sor.u32 $0x1C01, s30;
	[bflag:$0x0] =	sbarrier.arrive $0xFFFF  }
0x8e: {  	[hbm:s14], [sflag:s25] =	dma.local [spmem:s31], $0x800  }
0x8f: {  	s29 =	sshrl.u32 s7, $0x3;
	s30 =	sshrl.u32 s8, $0x3;
	s31 =	sshrl.u32 s9, $0x3  }
0x90: {  	[hbm:s15], [sflag:s25] =	dma.local [spmem:s28], $0x800  }
0x91: {  	[hbm:s16], [sflag:s25] =	dma.local [spmem:s29], $0x800  }
0x92: {  	[hbm:s17], [sflag:s25] =	dma.local [spmem:s30], $0x800  }
0x93: {  	[hbm:s18], [sflag:s25] =	dma.local [spmem:s31], $0x800  }
0x94: {  	_ =	swait.ge [sflag:s23], $0x800  }
0x95: {  	[sflag:s23] =	ssyncset.done $0x0  }
0x96: {  	[sflag:s23] =	ssyncadd.s32 $0xFFFFF800  }
0x97: {  	_ =	swait.ge [sflag:s23], $0x800  }
0x98: {  	[sflag:s23] =	ssyncset.done $0x0  }
0x99: {  	[sflag:s23] =	ssyncadd.s32 $0xFFFFF800  }
0x9a: {  	_ =	swait.ge [sflag:s23], $0x800  }
0x9b: {  	[sflag:s23] =	ssyncset.done $0x0  }
0x9c: {  	s24 =	sadd.s32 $0x1, s24;
	[sflag:s23] =	ssyncadd.s32 $0xFFFFF800  }
0x9d: {  	p0 =	sne.s32 s24, s19;
	_ =	swait.ge [sflag:s23], $0x800  }
.Ltmp3:
0x9e: {  	[sflag:s23] =	ssyncset.done $0x0;
	(pc) =	sbr.rel @p0 .LBB2_1-.Ltmp3, $4  }
0x9f: {  	[sflag:s23] =	ssyncadd.s32 $0xFFFFF800  }
0xa0: {  	_ =	swait.ge [sflag:s23], $0x800  }
0xa1: {  	[sflag:s23] =	ssyncset.done $0x0  }
0xa2: {  	[sflag:s23] =	ssyncadd.s32 $0xFFFFF800  }
0xa3: {  	_ =	sfence.sel $0x180000  }
0xa4: {  	[bflag:$0x0] =	sbarrier.arrive $0xFFFF  }
0xa5: {  	p0 =	sne.s32 s3, $0x0;
	_ =	strace $0x90000053  }
0xa6: {  	s0 =	sadd.s32 @!p0 $0x100000, s0;
	[bflag:$0x2] =	sbarrier.arrive $0xFFFF  }
0xa7: {  	[sflag:s0] =	ssyncadd.tile.s32 @!p0 $0x1;
	_ =	shalt  }
.Lfunc_end2:
_tile_overlayer_lowered:
.L_overlay_start_2:
0xa8: {  	(tag) =	ssettag $0x2  }
0xa9: {  	s0 =	rddreg [dreg:$0x0];
	s2 =	stileid.u32  }
0xaa: {  	s1 =	rddreg [dreg:$0x1];
	p0 =	sne.s32 s2, $0x0  }
0xab: {  	s3 =	rddreg [dreg:$0x2];
	[bflag:$0x3] =	sbarrier.arrive $0xFFFF;
	s2 =	simm.s32 @!p0 $0x1C02  }
0xac: {  	[timem:s3], [sflag:s2] =	dma.local @!p0 [hbm:s0], s1  }
0xad: {  	s0 =	simm.s32 @!p0 $0x2  }
0xae: {  	_ =	swait.ge @!p0 [sflag:s0], s1  }
0xaf: {  	s1 =	ssub.s32 @!p0 $0x0, s1;
	[sflag:s0] =	ssyncset.done @!p0 $0x0  }
0xb0: {  	[sflag:s0] =	ssyncadd.s32 @!p0 s1  }
0xb1: {  	[bflag:$0x3] =	sbarrier.arrive $0xFFFF  }
0xb2: {  	_ =	shalt  }

</sc_bundles>
